<compile_context>
chip_gen: v7x
topology: tpu7x:2x2x1
jax: 0.10.2.dev20260603
libtpu: 0.0.44.dev20260713+nightly
codegen_flags: <defaults>
</compile_context>

<pallas_src>
import functools

import jax
import jax.numpy as jnp
from jax import lax
from jax.experimental import pallas as pl
from jax.experimental.pallas import tpu as pltpu
from jax.experimental.pallas import tpu_sc as plsc

D = 64
N = 4096 * 200
NW = 32
PER_W = N // NW
W = 320
NWIN = PER_W // W
NBUF = 4
NG = W // 16

_mesh = plsc.VectorSubcoreMesh(core_axis_name="c", subcore_axis_name="s")


@functools.partial(
    pl.kernel,
    mesh=_mesh,
    out_type=jax.ShapeDtypeStruct((N, D), jnp.float32),
    scratch_types=[
        pltpu.VMEM((PER_W,), jnp.int32),
        pltpu.VMEM((NBUF, W, D), jnp.float32),
        [pltpu.SemaphoreType.DMA] * NBUF,
        [pltpu.SemaphoreType.DMA] * NBUF,
    ],
    compiler_params=pltpu.CompilerParams(use_tc_tiling_on_sc=False),
)
def _emb_lookup(table_hbm, idx_hbm, out_hbm, idx_all, rows, gsem, wsem):
    wid = lax.axis_index("s") * 2 + lax.axis_index("c")
    base = wid * PER_W
    pltpu.sync_copy(idx_hbm.at[pl.ds(base, PER_W)], idx_all)

    def fire(g, b):
        for i in range(NG):
            iv = idx_all[pl.ds(g * W + i * 16, 16)]
            pltpu.async_copy(table_hbm.at[iv], rows.at[b, pl.ds(i * 16, 16)],
                             gsem[b])

    def drain(b):
        for i in range(NG):
            pltpu.make_async_copy(
                table_hbm.at[idx_all[pl.ds(i * 16, 16)]],
                rows.at[b, pl.ds(i * 16, 16)], gsem[b]).wait()

    def start_write(g, b):
        return pltpu.async_copy(
            rows.at[b], out_hbm.at[pl.ds(base + g * W, W)], wsem[b])

    def wait_write(b):
        pltpu.make_async_copy(rows.at[b], out_hbm.at[pl.ds(base, W)],
                              wsem[b]).wait()

    fire(0, 0)
    fire(1, 1)
    fire(2, 2)

    def block(m, carry):
        for b in range(NBUF):
            g = m * NBUF + b
            drain(b)
            start_write(g, b)

            @pl.when(g >= 1)
            def _():
                wait_write((b + 3) % NBUF)

            @pl.when(g + 3 < NWIN)
            def _():
                fire(g + 3, (b + 3) % NBUF)
        return carry

    lax.fori_loop(0, NWIN // NBUF, block, 0)
    wait_write((NWIN - 1) % NBUF)


def kernel(x, table):
    idx = x.reshape(-1).astype(jnp.int32)
    out = _emb_lookup(table, idx)
    return out.reshape(x.shape + (table.shape[-1],))

# --- scband reference (transcript-rebuilt; emitter-appended) ---
"""Pipeline reference for scband-token-embedding-3152505995286 (READ-ONLY COPY).

The authoritative reference and input builder live on the scoring server;
editing this copy changes nothing except your own understanding.
"""

import jax, jax.numpy as jnp
import numpy as np

VOCAB = 1000000
D_MODEL = 64
BATCH = 4096
SEQ = 200

def setup_inputs(seed: int = 0) -> dict:
    key = jax.random.key(seed)
    k_idx, k_tab = jax.random.split(key)
    x = jax.random.randint(k_idx, (BATCH, SEQ), 0, VOCAB, dtype=jnp.int64 if jax.config.jax_enable_x64 else jnp.int32)
    table = jax.random.normal(k_tab, (VOCAB, D_MODEL), dtype=jnp.float32)
    return {"x": x, "table": table}

def reference(x, table):
    # nn.Embedding forward: plain row gather from the embedding table
    return jnp.take(table, x, axis=0)

if __name__ == "__main__":
    import jax
    _d = setup_inputs()
    print(jax.jit(kernel)(*tuple(_d.values())))

</pallas_src>

<mosaic_0001>
#map = affine_map<(d0, d1) -> (0, 0)>
#map1 = affine_map<(d0, d1) -> (0)>
module attributes {stable_mosaic.version = 14 : i64} {
  func.func @_emb_lookup(%arg0: i32, %arg1: i32, %arg2: memref<1000000x64xf32, #tpu.memory_space<hbm>>, %arg3: memref<819200xi32, #tpu.memory_space<hbm>>, %arg4: memref<819200x64xf32, #tpu.memory_space<hbm>>, %arg5: memref<25600xi32, #tpu.memory_space<vmem>>, %arg6: memref<4x320x64xf32, #tpu.memory_space<vmem>>, %arg7: memref<!tpu.dma_semaphore, #tpu.memory_space<semaphore_mem>>, %arg8: memref<!tpu.dma_semaphore, #tpu.memory_space<semaphore_mem>>, %arg9: memref<!tpu.dma_semaphore, #tpu.memory_space<semaphore_mem>>, %arg10: memref<!tpu.dma_semaphore, #tpu.memory_space<semaphore_mem>>, %arg11: memref<!tpu.dma_semaphore, #tpu.memory_space<semaphore_mem>>, %arg12: memref<!tpu.dma_semaphore, #tpu.memory_space<semaphore_mem>>, %arg13: memref<!tpu.dma_semaphore, #tpu.memory_space<semaphore_mem>>, %arg14: memref<!tpu.dma_semaphore, #tpu.memory_space<semaphore_mem>>) attributes {dimension_semantics = [#tpu.dimension_semantics<core_parallel>, #tpu.dimension_semantics<subcore_parallel>], iteration_bounds = array<i64: 2, 16>, scalar_prefetch = 0 : i64, scratch_operands = 10 : i64, tpu.core_type = #tpu.core_type<sc_vector_subcore>, window_params = [{transform_indices = #map}, {transform_indices = #map1}, {transform_indices = #map}]} {
    %mul3A = arith.constant 2 : i32
    %mul3A_0 = arith.muli %arg1, %mul3A : i32
    %add3A = arith.addi %mul3A_0, %arg0 : i32
    %mul3A_1 = arith.constant 25600 : i32
    %mul3A_2 = arith.muli %add3A, %mul3A_1 : i32
    "tpu.region"() ({
      %run_scoped3A = tpu.sem_alloc : memref<!tpu.dma_semaphore, #tpu.memory_space<semaphore_mem>>
      %dma_start3A_678 = tpu.memref_slice %arg3[%mul3A_2] : memref<819200xi32, #tpu.memory_space<hbm>> -> memref<25600xi32, #tpu.memory_space<hbm>>
      %dma_start3A_679 = tpu.memref_slice %arg3[%mul3A_2] : memref<819200xi32, #tpu.memory_space<hbm>> -> memref<25600xi32, #tpu.memory_space<hbm>>
      tpu.enqueue_dma source(%dma_start3A_679 : memref<25600xi32, #tpu.memory_space<hbm>>) target(%arg5 : memref<25600xi32, #tpu.memory_space<vmem>>) target_semaphore(%run_scoped3A : memref<!tpu.dma_semaphore, #tpu.memory_space<semaphore_mem>>)
      %dma_wait3A_680 = tpu.memref_slice %arg3[%mul3A_2] : memref<819200xi32, #tpu.memory_space<hbm>> -> memref<25600xi32, #tpu.memory_space<hbm>>
      %dma_wait3A_681 = tpu.memref_slice %arg3[%mul3A_2] : memref<819200xi32, #tpu.memory_space<hbm>> -> memref<25600xi32, #tpu.memory_space<hbm>>
      tpu.wait_dma2 semaphore(%run_scoped3A : memref<!tpu.dma_semaphore, #tpu.memory_space<semaphore_mem>>) src(%dma_wait3A_681 : memref<25600xi32, #tpu.memory_space<hbm>>) dst(%arg5 : memref<25600xi32, #tpu.memory_space<vmem>>)
      tpu.yield
    }) : () -> ()
    %get3A = arith.constant 0 : index
    %get3A_3 = tpu.vector_load %arg5[%get3A] {strides = array<i32>} : memref<25600xi32, #tpu.memory_space<vmem>>, vector<16xi32>,
    %get3A_4 = vector.shape_cast %get3A_3 : vector<16xi32> to vector<16xi32>
    %dma_start3A = arith.constant 0 : i32
    %dma_start3A_5 = arith.constant 0 : i32
    %dma_start3A_6 = arith.constant 0 : i32
    %dma_start3A_7 = tpu.memref_slice %arg6[%dma_start3A, %dma_start3A_5, %dma_start3A_6] : memref<4x320x64xf32, #tpu.memory_space<vmem>> -> memref<1x16x64xf32, #tpu.memory_space<vmem>>
    %dma_start3A_8 = tpu.memref_squeeze %dma_start3A_7 : memref<1x16x64xf32, #tpu.memory_space<vmem>> -> memref<16x64xf32, #tpu.memory_space<vmem>>
    %dma_start3A_9 = arith.constant 0 : i32
    %dma_start3A_10 = arith.constant 0 : i32
    %dma_start3A_11 = tpu.memref_slice %arg2[%dma_start3A_9, %dma_start3A_10] : memref<1000000x64xf32, #tpu.memory_space<hbm>> -> memref<1000000x64xf32, #tpu.memory_space<hbm>>
    tpu.enqueue_indirect_dma source(%dma_start3A_11 : memref<1000000x64xf32, #tpu.memory_space<hbm>>) target(%dma_start3A_8 : memref<16x64xf32, #tpu.memory_space<vmem>>) offsets(%get3A_4 : vector<16xi32>) semaphore(%arg7 : memref<!tpu.dma_semaphore, #tpu.memory_space<semaphore_mem>>)
    %get3A_12 = arith.constant 16 : index
    %get3A_13 = tpu.vector_load %arg5[%get3A_12] {strides = array<i32>} : memref<25600xi32, #tpu.memory_space<vmem>>, vector<16xi32>,
    %get3A_14 = vector.shape_cast %get3A_13 : vector<16xi32> to vector<16xi32>
    %dma_start3A_15 = arith.constant 0 : i32
    %dma_start3A_16 = arith.constant 16 : i32
    %dma_start3A_17 = arith.constant 0 : i32
    %dma_start3A_18 = tpu.memref_slice %arg6[%dma_start3A_15, %dma_start3A_16, %dma_start3A_17] : memref<4x320x64xf32, #tpu.memory_space<vmem>> -> memref<1x16x64xf32, #tpu.memory_space<vmem>>
    %dma_start3A_19 = tpu.memref_squeeze %dma_start3A_18 : memref<1x16x64xf32, #tpu.memory_space<vmem>> -> memref<16x64xf32, #tpu.memory_space<vmem>>
    %dma_start3A_20 = arith.constant 0 : i32
    %dma_start3A_21 = arith.constant 0 : i32
    %dma_start3A_22 = tpu.memref_slice %arg2[%dma_start3A_20, %dma_start3A_21] : memref<1000000x64xf32, #tpu.memory_space<hbm>> -> memref<1000000x64xf32, #tpu.memory_space<hbm>>
    tpu.enqueue_indirect_dma source(%dma_start3A_22 : memref<1000000x64xf32, #tpu.memory_space<hbm>>) target(%dma_start3A_19 : memref<16x64xf32, #tpu.memory_space<vmem>>) offsets(%get3A_14 : vector<16xi32>) semaphore(%arg7 : memref<!tpu.dma_semaphore, #tpu.memory_space<semaphore_mem>>)
    %get3A_23 = arith.constant 32 : index
    %get3A_24 = tpu.vector_load %arg5[%get3A_23] {strides = array<i32>} : memref<25600xi32, #tpu.memory_space<vmem>>, vector<16xi32>,
    %get3A_25 = vector.shape_cast %get3A_24 : vector<16xi32> to vector<16xi32>
    %dma_start3A_26 = arith.constant 0 : i32
    %dma_start3A_27 = arith.constant 32 : i32
    %dma_start3A_28 = arith.constant 0 : i32
    %dma_start3A_29 = tpu.memref_slice %arg6[%dma_start3A_26, %dma_start3A_27, %dma_start3A_28] : memref<4x320x64xf32, #tpu.memory_space<vmem>> -> memref<1x16x64xf32, #tpu.memory_space<vmem>>
    %dma_start3A_30 = tpu.memref_squeeze %dma_start3A_29 : memref<1x16x64xf32, #tpu.memory_space<vmem>> -> memref<16x64xf32, #tpu.memory_space<vmem>>
    %dma_start3A_31 = arith.constant 0 : i32
    %dma_start3A_32 = arith.constant 0 : i32
    %dma_start3A_33 = tpu.memref_slice %arg2[%dma_start3A_31, %dma_start3A_32] : memref<1000000x64xf32, #tpu.memory_space<hbm>> -> memref<1000000x64xf32, #tpu.memory_space<hbm>>
    tpu.enqueue_indirect_dma source(%dma_start3A_33 : memref<1000000x64xf32, #tpu.memory_space<hbm>>) target(%dma_start3A_30 : memref<16x64xf32, #tpu.memory_space<vmem>>) offsets(%get3A_25 : vector<16xi32>) semaphore(%arg7 : memref<!tpu.dma_semaphore, #tpu.memory_space<semaphore_mem>>)
    %get3A_34 = arith.constant 48 : index
    %get3A_35 = tpu.vector_load %arg5[%get3A_34] {strides = array<i32>} : memref<25600xi32, #tpu.memory_space<vmem>>, vector<16xi32>,
    %get3A_36 = vector.shape_cast %get3A_35 : vector<16xi32> to vector<16xi32>
    %dma_start3A_37 = arith.constant 0 : i32
    %dma_start3A_38 = arith.constant 48 : i32
    %dma_start3A_39 = arith.constant 0 : i32
    %dma_start3A_40 = tpu.memref_slice %arg6[%dma_start3A_37, %dma_start3A_38, %dma_start3A_39] : memref<4x320x64xf32, #tpu.memory_space<vmem>> -> memref<1x16x64xf32, #tpu.memory_space<vmem>>
    %dma_start3A_41 = tpu.memref_squeeze %dma_start3A_40 : memref<1x16x64xf32, #tpu.memory_space<vmem>> -> memref<16x64xf32, #tpu.memory_space<vmem>>
    %dma_start3A_42 = arith.constant 0 : i32
    %dma_start3A_43 = arith.constant 0 : i32
    %dma_start3A_44 = tpu.memref_slice %arg2[%dma_start3A_42, %dma_start3A_43] : memref<1000000x64xf32, #tpu.memory_space<hbm>> -> memref<1000000x64xf32, #tpu.memory_space<hbm>>
    tpu.enqueue_indirect_dma source(%dma_start3A_44 : memref<1000000x64xf32, #tpu.memory_space<hbm>>) target(%dma_start3A_41 : memref<16x64xf32, #tpu.memory_space<vmem>>) offsets(%get3A_36 : vector<16xi32>) semaphore(%arg7 : memref<!tpu.dma_semaphore, #tpu.memory_space<semaphore_mem>>)
    %get3A_45 = arith.constant 64 : index
    %get3A_46 = tpu.vector_load %arg5[%get3A_45] {strides = array<i32>} : memref<25600xi32, #tpu.memory_space<vmem>>, vector<16xi32>,
    %get3A_47 = vector.shape_cast %get3A_46 : vector<16xi32> to vector<16xi32>
    %dma_start3A_48 = arith.constant 0 : i32
    %dma_start3A_49 = arith.constant 64 : i32
    %dma_start3A_50 = arith.constant 0 : i32
    %dma_start3A_51 = tpu.memref_slice %arg6[%dma_start3A_48, %dma_start3A_49, %dma_start3A_50] : memref<4x320x64xf32, #tpu.memory_space<vmem>> -> memref<1x16x64xf32, #tpu.memory_space<vmem>>
    %dma_start3A_52 = tpu.memref_squeeze %dma_start3A_51 : memref<1x16x64xf32, #tpu.memory_space<vmem>> -> memref<16x64xf32, #tpu.memory_space<vmem>>
    %dma_start3A_53 = arith.constant 0 : i32
    %dma_start3A_54 = arith.constant 0 : i32
    %dma_start3A_55 = tpu.memref_slice %arg2[%dma_start3A_53, %dma_start3A_54] : memref<1000000x64xf32, #tpu.memory_space<hbm>> -> memref<1000000x64xf32, #tpu.memory_space<hbm>>
    tpu.enqueue_indirect_dma source(%dma_start3A_55 : memref<1000000x64xf32, #tpu.memory_space<hbm>>) target(%dma_start3A_52 : memref<16x64xf32, #tpu.memory_space<vmem>>) offsets(%get3A_47 : vector<16xi32>) semaphore(%arg7 : memref<!tpu.dma_semaphore, #tpu.memory_space<semaphore_mem>>)
    %get3A_56 = arith.constant 80 : index
    %get3A_57 = tpu.vector_load %arg5[%get3A_56] {strides = array<i32>} : memref<25600xi32, #tpu.memory_space<vmem>>, vector<16xi32>,
    %get3A_58 = vector.shape_cast %get3A_57 : vector<16xi32> to vector<16xi32>
    %dma_start3A_59 = arith.constant 0 : i32
    %dma_start3A_60 = arith.constant 80 : i32
    %dma_start3A_61 = arith.constant 0 : i32
    %dma_start3A_62 = tpu.memref_slice %arg6[%dma_start3A_59, %dma_start3A_60, %dma_start3A_61] : memref<4x320x64xf32, #tpu.memory_space<vmem>> -> memref<1x16x64xf32, #tpu.memory_space<vmem>>
    %dma_start3A_63 = tpu.memref_squeeze %dma_start3A_62 : memref<1x16x64xf32, #tpu.memory_space<vmem>> -> memref<16x64xf32, #tpu.memory_space<vmem>>
    %dma_start3A_64 = arith.constant 0 : i32
    %dma_start3A_65 = arith.constant 0 : i32
    %dma_start3A_66 = tpu.memref_slice %arg2[%dma_start3A_64, %dma_start3A_65] : memref<1000000x64xf32, #tpu.memory_space<hbm>> -> memref<1000000x64xf32, #tpu.memory_space<hbm>>
    tpu.enqueue_indirect_dma source(%dma_start3A_66 : memref<1000000x64xf32, #tpu.memory_space<hbm>>) target(%dma_start3A_63 : memref<16x64xf32, #tpu.memory_space<vmem>>) offsets(%get3A_58 : vector<16xi32>) semaphore(%arg7 : memref<!tpu.dma_semaphore, #tpu.memory_space<semaphore_mem>>)
    %get3A_67 = arith.constant 96 : index
    %get3A_68 = tpu.vector_load %arg5[%get3A_67] {strides = array<i32>} : memref<25600xi32, #tpu.memory_space<vmem>>, vector<16xi32>,
    %get3A_69 = vector.shape_cast %get3A_68 : vector<16xi32> to vector<16xi32>
    %dma_start3A_70 = arith.constant 0 : i32
    %dma_start3A_71 = arith.constant 96 : i32
    %dma_start3A_72 = arith.constant 0 : i32
    %dma_start3A_73 = tpu.memref_slice %arg6[%dma_start3A_70, %dma_start3A_71, %dma_start3A_72] : memref<4x320x64xf32, #tpu.memory_space<vmem>> -> memref<1x16x64xf32, #tpu.memory_space<vmem>>
    %dma_start3A_74 = tpu.memref_squeeze %dma_start3A_73 : memref<1x16x64xf32, #tpu.memory_space<vmem>> -> memref<16x64xf32, #tpu.memory_space<vmem>>
    %dma_start3A_75 = arith.constant 0 : i32
    %dma_start3A_76 = arith.constant 0 : i32
    %dma_start3A_77 = tpu.memref_slice %arg2[%dma_start3A_75, %dma_start3A_76] : memref<1000000x64xf32, #tpu.memory_space<hbm>> -> memref<1000000x64xf32, #tpu.memory_space<hbm>>
    tpu.enqueue_indirect_dma source(%dma_start3A_77 : memref<1000000x64xf32, #tpu.memory_space<hbm>>) target(%dma_start3A_74 : memref<16x64xf32, #tpu.memory_space<vmem>>) offsets(%get3A_69 : vector<16xi32>) semaphore(%arg7 : memref<!tpu.dma_semaphore, #tpu.memory_space<semaphore_mem>>)
    %get3A_78 = arith.constant 112 : index
    %get3A_79 = tpu.vector_load %arg5[%get3A_78] {strides = array<i32>} : memref<25600xi32, #tpu.memory_space<vmem>>, vector<16xi32>,
    %get3A_80 = vector.shape_cast %get3A_79 : vector<16xi32> to vector<16xi32>
    %dma_start3A_81 = arith.constant 0 : i32
    %dma_start3A_82 = arith.constant 112 : i32
    %dma_start3A_83 = arith.constant 0 : i32
    %dma_start3A_84 = tpu.memref_slice %arg6[%dma_start3A_81, %dma_start3A_82, %dma_start3A_83] : memref<4x320x64xf32, #tpu.memory_space<vmem>> -> memref<1x16x64xf32, #tpu.memory_space<vmem>>
    %dma_start3A_85 = tpu.memref_squeeze %dma_start3A_84 : memref<1x16x64xf32, #tpu.memory_space<vmem>> -> memref<16x64xf32, #tpu.memory_space<vmem>>
    %dma_start3A_86 = arith.constant 0 : i32
    %dma_start3A_87 = arith.constant 0 : i32
    %dma_start3A_88 = tpu.memref_slice %arg2[%dma_start3A_86, %dma_start3A_87] : memref<1000000x64xf32, #tpu.memory_space<hbm>> -> memref<1000000x64xf32, #tpu.memory_space<hbm>>
    tpu.enqueue_indirect_dma source(%dma_start3A_88 : memref<1000000x64xf32, #tpu.memory_space<hbm>>) target(%dma_start3A_85 : memref<16x64xf32, #tpu.memory_space<vmem>>) offsets(%get3A_80 : vector<16xi32>) semaphore(%arg7 : memref<!tpu.dma_semaphore, #tpu.memory_space<semaphore_mem>>)
    %get3A_89 = arith.constant 128 : index
    %get3A_90 = tpu.vector_load %arg5[%get3A_89] {strides = array<i32>} : memref<25600xi32, #tpu.memory_space<vmem>>, vector<16xi32>,
    %get3A_91 = vector.shape_cast %get3A_90 : vector<16xi32> to vector<16xi32>
    %dma_start3A_92 = arith.constant 0 : i32
    %dma_start3A_93 = arith.constant 128 : i32
    %dma_start3A_94 = arith.constant 0 : i32
    %dma_start3A_95 = tpu.memref_slice %arg6[%dma_start3A_92, %dma_start3A_93, %dma_start3A_94] : memref<4x320x64xf32, #tpu.memory_space<vmem>> -> memref<1x16x64xf32, #tpu.memory_space<vmem>>
    %dma_start3A_96 = tpu.memref_squeeze %dma_start3A_95 : memref<1x16x64xf32, #tpu.memory_space<vmem>> -> memref<16x64xf32, #tpu.memory_space<vmem>>
    %dma_start3A_97 = arith.constant 0 : i32
    %dma_start3A_98 = arith.constant 0 : i32
    %dma_start3A_99 = tpu.memref_slice %arg2[%dma_start3A_97, %dma_start3A_98] : memref<1000000x64xf32, #tpu.memory_space<hbm>> -> memref<1000000x64xf32, #tpu.memory_space<hbm>>
    tpu.enqueue_indirect_dma source(%dma_start3A_99 : memref<1000000x64xf32, #tpu.memory_space<hbm>>) target(%dma_start3A_96 : memref<16x64xf32, #tpu.memory_space<vmem>>) offsets(%get3A_91 : vector<16xi32>) semaphore(%arg7 : memref<!tpu.dma_semaphore, #tpu.memory_space<semaphore_mem>>)
    %get3A_100 = arith.constant 144 : index
    %get3A_101 = tpu.vector_load %arg5[%get3A_100] {strides = array<i32>} : memref<25600xi32, #tpu.memory_space<vmem>>, vector<16xi32>,
    %get3A_102 = vector.shape_cast %get3A_101 : vector<16xi32> to vector<16xi32>
    %dma_start3A_103 = arith.constant 0 : i32
    %dma_start3A_104 = arith.constant 144 : i32
    %dma_start3A_105 = arith.constant 0 : i32
    %dma_start3A_106 = tpu.memref_slice %arg6[%dma_start3A_103, %dma_start3A_104, %dma_start3A_105] : memref<4x320x64xf32, #tpu.memory_space<vmem>> -> memref<1x16x64xf32, #tpu.memory_space<vmem>>
    %dma_start3A_107 = tpu.memref_squeeze %dma_start3A_106 : memref<1x16x64xf32, #tpu.memory_space<vmem>> -> memref<16x64xf32, #tpu.memory_space<vmem>>
    %dma_start3A_108 = arith.constant 0 : i32
    %dma_start3A_109 = arith.constant 0 : i32
    %dma_start3A_110 = tpu.memref_slice %arg2[%dma_start3A_108, %dma_start3A_109] : memref<1000000x64xf32, #tpu.memory_space<hbm>> -> memref<1000000x64xf32, #tpu.memory_space<hbm>>
    tpu.enqueue_indirect_dma source(%dma_start3A_110 : memref<1000000x64xf32, #tpu.memory_space<hbm>>) target(%dma_start3A_107 : memref<16x64xf32, #tpu.memory_space<vmem>>) offsets(%get3A_102 : vector<16xi32>) semaphore(%arg7 : memref<!tpu.dma_semaphore, #tpu.memory_space<semaphore_mem>>)
    %get3A_111 = arith.constant 160 : index
    %get3A_112 = tpu.vector_load %arg5[%get3A_111] {strides = array<i32>} : memref<25600xi32, #tpu.memory_space<vmem>>, vector<16xi32>,
    %get3A_113 = vector.shape_cast %get3A_112 : vector<16xi32> to vector<16xi32>
    %dma_start3A_114 = arith.constant 0 : i32
    %dma_start3A_115 = arith.constant 160 : i32
    %dma_start3A_116 = arith.constant 0 : i32
    %dma_start3A_117 = tpu.memref_slice %arg6[%dma_start3A_114, %dma_start3A_115, %dma_start3A_116] : memref<4x320x64xf32, #tpu.memory_space<vmem>> -> memref<1x16x64xf32, #tpu.memory_space<vmem>>
    %dma_start3A_118 = tpu.memref_squeeze %dma_start3A_117 : memref<1x16x64xf32, #tpu.memory_space<vmem>> -> memref<16x64xf32, #tpu.memory_space<vmem>>
    %dma_start3A_119 = arith.constant 0 : i32
    %dma_start3A_120 = arith.constant 0 : i32
    %dma_start3A_121 = tpu.memref_slice %arg2[%dma_start3A_119, %dma_start3A_120] : memref<1000000x64xf32, #tpu.memory_space<hbm>> -> memref<1000000x64xf32, #tpu.memory_space<hbm>>
    tpu.enqueue_indirect_dma source(%dma_start3A_121 : memref<1000000x64xf32, #tpu.memory_space<hbm>>) target(%dma_start3A_118 : memref<16x64xf32, #tpu.memory_space<vmem>>) offsets(%get3A_113 : vector<16xi32>) semaphore(%arg7 : memref<!tpu.dma_semaphore, #tpu.memory_space<semaphore_mem>>)
    %get3A_122 = arith.constant 176 : index
    %get3A_123 = tpu.vector_load %arg5[%get3A_122] {strides = array<i32>} : memref<25600xi32, #tpu.memory_space<vmem>>, vector<16xi32>,
    %get3A_124 = vector.shape_cast %get3A_123 : vector<16xi32> to vector<16xi32>
    %dma_start3A_125 = arith.constant 0 : i32
    %dma_start3A_126 = arith.constant 176 : i32
    %dma_start3A_127 = arith.constant 0 : i32
    %dma_start3A_128 = tpu.memref_slice %arg6[%dma_start3A_125, %dma_start3A_126, %dma_start3A_127] : memref<4x320x64xf32, #tpu.memory_space<vmem>> -> memref<1x16x64xf32, #tpu.memory_space<vmem>>
    %dma_start3A_129 = tpu.memref_squeeze %dma_start3A_128 : memref<1x16x64xf32, #tpu.memory_space<vmem>> -> memref<16x64xf32, #tpu.memory_space<vmem>>
    %dma_start3A_130 = arith.constant 0 : i32
    %dma_start3A_131 = arith.constant 0 : i32
    %dma_start3A_132 = tpu.memref_slice %arg2[%dma_start3A_130, %dma_start3A_131] : memref<1000000x64xf32, #tpu.memory_space<hbm>> -> memref<1000000x64xf32, #tpu.memory_space<hbm>>
    tpu.enqueue_indirect_dma source(%dma_start3A_132 : memref<1000000x64xf32, #tpu.memory_space<hbm>>) target(%dma_start3A_129 : memref<16x64xf32, #tpu.memory_space<vmem>>) offsets(%get3A_124 : vector<16xi32>) semaphore(%arg7 : memref<!tpu.dma_semaphore, #tpu.memory_space<semaphore_mem>>)
    %get3A_133 = arith.constant 192 : index
    %get3A_134 = tpu.vector_load %arg5[%get3A_133] {strides = array<i32>} : memref<25600xi32, #tpu.memory_space<vmem>>, vector<16xi32>,
    %get3A_135 = vector.shape_cast %get3A_134 : vector<16xi32> to vector<16xi32>
    %dma_start3A_136 = arith.constant 0 : i32
    %dma_start3A_137 = arith.constant 192 : i32
    %dma_start3A_138 = arith.constant 0 : i32
    %dma_start3A_139 = tpu.memref_slice %arg6[%dma_start3A_136, %dma_start3A_137, %dma_start3A_138] : memref<4x320x64xf32, #tpu.memory_space<vmem>> -> memref<1x16x64xf32, #tpu.memory_space<vmem>>
    %dma_start3A_140 = tpu.memref_squeeze %dma_start3A_139 : memref<1x16x64xf32, #tpu.memory_space<vmem>> -> memref<16x64xf32, #tpu.memory_space<vmem>>
    %dma_start3A_141 = arith.constant 0 : i32
    %dma_start3A_142 = arith.constant 0 : i32
    %dma_start3A_143 = tpu.memref_slice %arg2[%dma_start3A_141, %dma_start3A_142] : memref<1000000x64xf32, #tpu.memory_space<hbm>> -> memref<1000000x64xf32, #tpu.memory_space<hbm>>
    tpu.enqueue_indirect_dma source(%dma_start3A_143 : memref<1000000x64xf32, #tpu.memory_space<hbm>>) target(%dma_start3A_140 : memref<16x64xf32, #tpu.memory_space<vmem>>) offsets(%get3A_135 : vector<16xi32>) semaphore(%arg7 : memref<!tpu.dma_semaphore, #tpu.memory_space<semaphore_mem>>)
    %get3A_144 = arith.constant 208 : index
    %get3A_145 = tpu.vector_load %arg5[%get3A_144] {strides = array<i32>} : memref<25600xi32, #tpu.memory_space<vmem>>, vector<16xi32>,
    %get3A_146 = vector.shape_cast %get3A_145 : vector<16xi32> to vector<16xi32>
    %dma_start3A_147 = arith.constant 0 : i32
    %dma_start3A_148 = arith.constant 208 : i32
    %dma_start3A_149 = arith.constant 0 : i32
    %dma_start3A_150 = tpu.memref_slice %arg6[%dma_start3A_147, %dma_start3A_148, %dma_start3A_149] : memref<4x320x64xf32, #tpu.memory_space<vmem>> -> memref<1x16x64xf32, #tpu.memory_space<vmem>>
    %dma_start3A_151 = tpu.memref_squeeze %dma_start3A_150 : memref<1x16x64xf32, #tpu.memory_space<vmem>> -> memref<16x64xf32, #tpu.memory_space<vmem>>
    %dma_start3A_152 = arith.constant 0 : i32
    %dma_start3A_153 = arith.constant 0 : i32
    %dma_start3A_154 = tpu.memref_slice %arg2[%dma_start3A_152, %dma_start3A_153] : memref<1000000x64xf32, #tpu.memory_space<hbm>> -> memref<1000000x64xf32, #tpu.memory_space<hbm>>
    tpu.enqueue_indirect_dma source(%dma_start3A_154 : memref<1000000x64xf32, #tpu.memory_space<hbm>>) target(%dma_start3A_151 : memref<16x64xf32, #tpu.memory_space<vmem>>) offsets(%get3A_146 : vector<16xi32>) semaphore(%arg7 : memref<!tpu.dma_semaphore, #tpu.memory_space<semaphore_mem>>)
    %get3A_155 = arith.constant 224 : index
    %get3A_156 = tpu.vector_load %arg5[%get3A_155] {strides = array<i32>} : memref<25600xi32, #tpu.memory_space<vmem>>, vector<16xi32>,
    %get3A_157 = vector.shape_cast %get3A_156 : vector<16xi32> to vector<16xi32>
    %dma_start3A_158 = arith.constant 0 : i32
    %dma_start3A_159 = arith.constant 224 : i32
    %dma_start3A_160 = arith.constant 0 : i32
    %dma_start3A_161 = tpu.memref_slice %arg6[%dma_start3A_158, %dma_start3A_159, %dma_start3A_160] : memref<4x320x64xf32, #tpu.memory_space<vmem>> -> memref<1x16x64xf32, #tpu.memory_space<vmem>>
    %dma_start3A_162 = tpu.memref_squeeze %dma_start3A_161 : memref<1x16x64xf32, #tpu.memory_space<vmem>> -> memref<16x64xf32, #tpu.memory_space<vmem>>
    %dma_start3A_163 = arith.constant 0 : i32
    %dma_start3A_164 = arith.constant 0 : i32
    %dma_start3A_165 = tpu.memref_slice %arg2[%dma_start3A_163, %dma_start3A_164] : memref<1000000x64xf32, #tpu.memory_space<hbm>> -> memref<1000000x64xf32, #tpu.memory_space<hbm>>
    tpu.enqueue_indirect_dma source(%dma_start3A_165 : memref<1000000x64xf32, #tpu.memory_space<hbm>>) target(%dma_start3A_162 : memref<16x64xf32, #tpu.memory_space<vmem>>) offsets(%get3A_157 : vector<16xi32>) semaphore(%arg7 : memref<!tpu.dma_semaphore, #tpu.memory_space<semaphore_mem>>)
    %get3A_166 = arith.constant 240 : index
    %get3A_167 = tpu.vector_load %arg5[%get3A_166] {strides = array<i32>} : memref<25600xi32, #tpu.memory_space<vmem>>, vector<16xi32>,
    %get3A_168 = vector.shape_cast %get3A_167 : vector<16xi32> to vector<16xi32>
    %dma_start3A_169 = arith.constant 0 : i32
    %dma_start3A_170 = arith.constant 240 : i32
    %dma_start3A_171 = arith.constant 0 : i32
    %dma_start3A_172 = tpu.memref_slice %arg6[%dma_start3A_169, %dma_start3A_170, %dma_start3A_171] : memref<4x320x64xf32, #tpu.memory_space<vmem>> -> memref<1x16x64xf32, #tpu.memory_space<vmem>>
    %dma_start3A_173 = tpu.memref_squeeze %dma_start3A_172 : memref<1x16x64xf32, #tpu.memory_space<vmem>> -> memref<16x64xf32, #tpu.memory_space<vmem>>
    %dma_start3A_174 = arith.constant 0 : i32
    %dma_start3A_175 = arith.constant 0 : i32
    %dma_start3A_176 = tpu.memref_slice %arg2[%dma_start3A_174, %dma_start3A_175] : memref<1000000x64xf32, #tpu.memory_space<hbm>> -> memref<1000000x64xf32, #tpu.memory_space<hbm>>
    tpu.enqueue_indirect_dma source(%dma_start3A_176 : memref<1000000x64xf32, #tpu.memory_space<hbm>>) target(%dma_start3A_173 : memref<16x64xf32, #tpu.memory_space<vmem>>) offsets(%get3A_168 : vector<16xi32>) semaphore(%arg7 : memref<!tpu.dma_semaphore, #tpu.memory_space<semaphore_mem>>)
    %get3A_177 = arith.constant 256 : index
    %get3A_178 = tpu.vector_load %arg5[%get3A_177] {strides = array<i32>} : memref<25600xi32, #tpu.memory_space<vmem>>, vector<16xi32>,
    %get3A_179 = vector.shape_cast %get3A_178 : vector<16xi32> to vector<16xi32>
    %dma_start3A_180 = arith.constant 0 : i32
    %dma_start3A_181 = arith.constant 256 : i32
    %dma_start3A_182 = arith.constant 0 : i32
    %dma_start3A_183 = tpu.memref_slice %arg6[%dma_start3A_180, %dma_start3A_181, %dma_start3A_182] : memref<4x320x64xf32, #tpu.memory_space<vmem>> -> memref<1x16x64xf32, #tpu.memory_space<vmem>>
    %dma_start3A_184 = tpu.memref_squeeze %dma_start3A_183 : memref<1x16x64xf32, #tpu.memory_space<vmem>> -> memref<16x64xf32, #tpu.memory_space<vmem>>
    %dma_start3A_185 = arith.constant 0 : i32
    %dma_start3A_186 = arith.constant 0 : i32
    %dma_start3A_187 = tpu.memref_slice %arg2[%dma_start3A_185, %dma_start3A_186] : memref<1000000x64xf32, #tpu.memory_space<hbm>> -> memref<1000000x64xf32, #tpu.memory_space<hbm>>
    tpu.enqueue_indirect_dma source(%dma_start3A_187 : memref<1000000x64xf32, #tpu.memory_space<hbm>>) target(%dma_start3A_184 : memref<16x64xf32, #tpu.memory_space<vmem>>) offsets(%get3A_179 : vector<16xi32>) semaphore(%arg7 : memref<!tpu.dma_semaphore, #tpu.memory_space<semaphore_mem>>)
    %get3A_188 = arith.constant 272 : index
    %get3A_189 = tpu.vector_load %arg5[%get3A_188] {strides = array<i32>} : memref<25600xi32, #tpu.memory_space<vmem>>, vector<16xi32>,
    %get3A_190 = vector.shape_cast %get3A_189 : vector<16xi32> to vector<16xi32>
    %dma_start3A_191 = arith.constant 0 : i32
    %dma_start3A_192 = arith.constant 272 : i32
    %dma_start3A_193 = arith.constant 0 : i32
    %dma_start3A_194 = tpu.memref_slice %arg6[%dma_start3A_191, %dma_start3A_192, %dma_start3A_193] : memref<4x320x64xf32, #tpu.memory_space<vmem>> -> memref<1x16x64xf32, #tpu.memory_space<vmem>>
    %dma_start3A_195 = tpu.memref_squeeze %dma_start3A_194 : memref<1x16x64xf32, #tpu.memory_space<vmem>> -> memref<16x64xf32, #tpu.memory_space<vmem>>
    %dma_start3A_196 = arith.constant 0 : i32
    %dma_start3A_197 = arith.constant 0 : i32
    %dma_start3A_198 = tpu.memref_slice %arg2[%dma_start3A_196, %dma_start3A_197] : memref<1000000x64xf32, #tpu.memory_space<hbm>> -> memref<1000000x64xf32, #tpu.memory_space<hbm>>
    tpu.enqueue_indirect_dma source(%dma_start3A_198 : memref<1000000x64xf32, #tpu.memory_space<hbm>>) target(%dma_start3A_195 : memref<16x64xf32, #tpu.memory_space<vmem>>) offsets(%get3A_190 : vector<16xi32>) semaphore(%arg7 : memref<!tpu.dma_semaphore, #tpu.memory_space<semaphore_mem>>)
    %get3A_199 = arith.constant 288 : index
    %get3A_200 = tpu.vector_load %arg5[%get3A_199] {strides = array<i32>} : memref<25600xi32, #tpu.memory_space<vmem>>, vector<16xi32>,
    %get3A_201 = vector.shape_cast %get3A_200 : vector<16xi32> to vector<16xi32>
    %dma_start3A_202 = arith.constant 0 : i32
    %dma_start3A_203 = arith.constant 288 : i32
    %dma_start3A_204 = arith.constant 0 : i32
    %dma_start3A_205 = tpu.memref_slice %arg6[%dma_start3A_202, %dma_start3A_203, %dma_start3A_204] : memref<4x320x64xf32, #tpu.memory_space<vmem>> -> memref<1x16x64xf32, #tpu.memory_space<vmem>>
    %dma_start3A_206 = tpu.memref_squeeze %dma_start3A_205 : memref<1x16x64xf32, #tpu.memory_space<vmem>> -> memref<16x64xf32, #tpu.memory_space<vmem>>
    %dma_start3A_207 = arith.constant 0 : i32
    %dma_start3A_208 = arith.constant 0 : i32
    %dma_start3A_209 = tpu.memref_slice %arg2[%dma_start3A_207, %dma_start3A_208] : memref<1000000x64xf32, #tpu.memory_space<hbm>> -> memref<1000000x64xf32, #tpu.memory_space<hbm>>
    tpu.enqueue_indirect_dma source(%dma_start3A_209 : memref<1000000x64xf32, #tpu.memory_space<hbm>>) target(%dma_start3A_206 : memref<16x64xf32, #tpu.memory_space<vmem>>) offsets(%get3A_201 : vector<16xi32>) semaphore(%arg7 : memref<!tpu.dma_semaphore, #tpu.memory_space<semaphore_mem>>)
    %get3A_210 = arith.constant 304 : index
    %get3A_211 = tpu.vector_load %arg5[%get3A_210] {strides = array<i32>} : memref<25600xi32, #tpu.memory_space<vmem>>, vector<16xi32>,
    %get3A_212 = vector.shape_cast %get3A_211 : vector<16xi32> to vector<16xi32>
    %dma_start3A_213 = arith.constant 0 : i32
    %dma_start3A_214 = arith.constant 304 : i32
    %dma_start3A_215 = arith.constant 0 : i32
    %dma_start3A_216 = tpu.memref_slice %arg6[%dma_start3A_213, %dma_start3A_214, %dma_start3A_215] : memref<4x320x64xf32, #tpu.memory_space<vmem>> -> memref<1x16x64xf32, #tpu.memory_space<vmem>>
    %dma_start3A_217 = tpu.memref_squeeze %dma_start3A_216 : memref<1x16x64xf32, #tpu.memory_space<vmem>> -> memref<16x64xf32, #tpu.memory_space<vmem>>
    %dma_start3A_218 = arith.constant 0 : i32
    %dma_start3A_219 = arith.constant 0 : i32
    %dma_start3A_220 = tpu.memref_slice %arg2[%dma_start3A_218, %dma_start3A_219] : memref<1000000x64xf32, #tpu.memory_space<hbm>> -> memref<1000000x64xf32, #tpu.memory_space<hbm>>
    tpu.enqueue_indirect_dma source(%dma_start3A_220 : memref<1000000x64xf32, #tpu.memory_space<hbm>>) target(%dma_start3A_217 : memref<16x64xf32, #tpu.memory_space<vmem>>) offsets(%get3A_212 : vector<16xi32>) semaphore(%arg7 : memref<!tpu.dma_semaphore, #tpu.memory_space<semaphore_mem>>)
    %get3A_221 = arith.constant 320 : index
    %get3A_222 = tpu.vector_load %arg5[%get3A_221] {strides = array<i32>} : memref<25600xi32, #tpu.memory_space<vmem>>, vector<16xi32>,
    %get3A_223 = vector.shape_cast %get3A_222 : vector<16xi32> to vector<16xi32>
    %dma_start3A_224 = arith.constant 1 : i32
    %dma_start3A_225 = arith.constant 0 : i32
    %dma_start3A_226 = arith.constant 0 : i32
    %dma_start3A_227 = tpu.memref_slice %arg6[%dma_start3A_224, %dma_start3A_225, %dma_start3A_226] : memref<4x320x64xf32, #tpu.memory_space<vmem>> -> memref<1x16x64xf32, #tpu.memory_space<vmem>>
    %dma_start3A_228 = tpu.memref_squeeze %dma_start3A_227 : memref<1x16x64xf32, #tpu.memory_space<vmem>> -> memref<16x64xf32, #tpu.memory_space<vmem>>
    %dma_start3A_229 = arith.constant 0 : i32
    %dma_start3A_230 = arith.constant 0 : i32
    %dma_start3A_231 = tpu.memref_slice %arg2[%dma_start3A_229, %dma_start3A_230] : memref<1000000x64xf32, #tpu.memory_space<hbm>> -> memref<1000000x64xf32, #tpu.memory_space<hbm>>
    tpu.enqueue_indirect_dma source(%dma_start3A_231 : memref<1000000x64xf32, #tpu.memory_space<hbm>>) target(%dma_start3A_228 : memref<16x64xf32, #tpu.memory_space<vmem>>) offsets(%get3A_223 : vector<16xi32>) semaphore(%arg8 : memref<!tpu.dma_semaphore, #tpu.memory_space<semaphore_mem>>)
    %get3A_232 = arith.constant 336 : index
    %get3A_233 = tpu.vector_load %arg5[%get3A_232] {strides = array<i32>} : memref<25600xi32, #tpu.memory_space<vmem>>, vector<16xi32>,
    %get3A_234 = vector.shape_cast %get3A_233 : vector<16xi32> to vector<16xi32>
    %dma_start3A_235 = arith.constant 1 : i32
    %dma_start3A_236 = arith.constant 16 : i32
    %dma_start3A_237 = arith.constant 0 : i32
    %dma_start3A_238 = tpu.memref_slice %arg6[%dma_start3A_235, %dma_start3A_236, %dma_start3A_237] : memref<4x320x64xf32, #tpu.memory_space<vmem>> -> memref<1x16x64xf32, #tpu.memory_space<vmem>>
    %dma_start3A_239 = tpu.memref_squeeze %dma_start3A_238 : memref<1x16x64xf32, #tpu.memory_space<vmem>> -> memref<16x64xf32, #tpu.memory_space<vmem>>
    %dma_start3A_240 = arith.constant 0 : i32
    %dma_start3A_241 = arith.constant 0 : i32
    %dma_start3A_242 = tpu.memref_slice %arg2[%dma_start3A_240, %dma_start3A_241] : memref<1000000x64xf32, #tpu.memory_space<hbm>> -> memref<1000000x64xf32, #tpu.memory_space<hbm>>
    tpu.enqueue_indirect_dma source(%dma_start3A_242 : memref<1000000x64xf32, #tpu.memory_space<hbm>>) target(%dma_start3A_239 : memref<16x64xf32, #tpu.memory_space<vmem>>) offsets(%get3A_234 : vector<16xi32>) semaphore(%arg8 : memref<!tpu.dma_semaphore, #tpu.memory_space<semaphore_mem>>)
    %get3A_243 = arith.constant 352 : index
    %get3A_244 = tpu.vector_load %arg5[%get3A_243] {strides = array<i32>} : memref<25600xi32, #tpu.memory_space<vmem>>, vector<16xi32>,
    %get3A_245 = vector.shape_cast %get3A_244 : vector<16xi32> to vector<16xi32>
    %dma_start3A_246 = arith.constant 1 : i32
    %dma_start3A_247 = arith.constant 32 : i32
    %dma_start3A_248 = arith.constant 0 : i32
    %dma_start3A_249 = tpu.memref_slice %arg6[%dma_start3A_246, %dma_start3A_247, %dma_start3A_248] : memref<4x320x64xf32, #tpu.memory_space<vmem>> -> memref<1x16x64xf32, #tpu.memory_space<vmem>>
    %dma_start3A_250 = tpu.memref_squeeze %dma_start3A_249 : memref<1x16x64xf32, #tpu.memory_space<vmem>> -> memref<16x64xf32, #tpu.memory_space<vmem>>
    %dma_start3A_251 = arith.constant 0 : i32
    %dma_start3A_252 = arith.constant 0 : i32
    %dma_start3A_253 = tpu.memref_slice %arg2[%dma_start3A_251, %dma_start3A_252] : memref<1000000x64xf32, #tpu.memory_space<hbm>> -> memref<1000000x64xf32, #tpu.memory_space<hbm>>
    tpu.enqueue_indirect_dma source(%dma_start3A_253 : memref<1000000x64xf32, #tpu.memory_space<hbm>>) target(%dma_start3A_250 : memref<16x64xf32, #tpu.memory_space<vmem>>) offsets(%get3A_245 : vector<16xi32>) semaphore(%arg8 : memref<!tpu.dma_semaphore, #tpu.memory_space<semaphore_mem>>)
    %get3A_254 = arith.constant 368 : index
    %get3A_255 = tpu.vector_load %arg5[%get3A_254] {strides = array<i32>} : memref<25600xi32, #tpu.memory_space<vmem>>, vector<16xi32>,
    %get3A_256 = vector.shape_cast %get3A_255 : vector<16xi32> to vector<16xi32>
    %dma_start3A_257 = arith.constant 1 : i32
    %dma_start3A_258 = arith.constant 48 : i32
    %dma_start3A_259 = arith.constant 0 : i32
    %dma_start3A_260 = tpu.memref_slice %arg6[%dma_start3A_257, %dma_start3A_258, %dma_start3A_259] : memref<4x320x64xf32, #tpu.memory_space<vmem>> -> memref<1x16x64xf32, #tpu.memory_space<vmem>>
    %dma_start3A_261 = tpu.memref_squeeze %dma_start3A_260 : memref<1x16x64xf32, #tpu.memory_space<vmem>> -> memref<16x64xf32, #tpu.memory_space<vmem>>
    %dma_start3A_262 = arith.constant 0 : i32
    %dma_start3A_263 = arith.constant 0 : i32
    %dma_start3A_264 = tpu.memref_slice %arg2[%dma_start3A_262, %dma_start3A_263] : memref<1000000x64xf32, #tpu.memory_space<hbm>> -> memref<1000000x64xf32, #tpu.memory_space<hbm>>
    tpu.enqueue_indirect_dma source(%dma_start3A_264 : memref<1000000x64xf32, #tpu.memory_space<hbm>>) target(%dma_start3A_261 : memref<16x64xf32, #tpu.memory_space<vmem>>) offsets(%get3A_256 : vector<16xi32>) semaphore(%arg8 : memref<!tpu.dma_semaphore, #tpu.memory_space<semaphore_mem>>)
    %get3A_265 = arith.constant 384 : index
    %get3A_266 = tpu.vector_load %arg5[%get3A_265] {strides = array<i32>} : memref<25600xi32, #tpu.memory_space<vmem>>, vector<16xi32>,
    %get3A_267 = vector.shape_cast %get3A_266 : vector<16xi32> to vector<16xi32>
    %dma_start3A_268 = arith.constant 1 : i32
    %dma_start3A_269 = arith.constant 64 : i32
    %dma_start3A_270 = arith.constant 0 : i32
    %dma_start3A_271 = tpu.memref_slice %arg6[%dma_start3A_268, %dma_start3A_269, %dma_start3A_270] : memref<4x320x64xf32, #tpu.memory_space<vmem>> -> memref<1x16x64xf32, #tpu.memory_space<vmem>>
    %dma_start3A_272 = tpu.memref_squeeze %dma_start3A_271 : memref<1x16x64xf32, #tpu.memory_space<vmem>> -> memref<16x64xf32, #tpu.memory_space<vmem>>
    %dma_start3A_273 = arith.constant 0 : i32
    %dma_start3A_274 = arith.constant 0 : i32
    %dma_start3A_275 = tpu.memref_slice %arg2[%dma_start3A_273, %dma_start3A_274] : memref<1000000x64xf32, #tpu.memory_space<hbm>> -> memref<1000000x64xf32, #tpu.memory_space<hbm>>
    tpu.enqueue_indirect_dma source(%dma_start3A_275 : memref<1000000x64xf32, #tpu.memory_space<hbm>>) target(%dma_start3A_272 : memref<16x64xf32, #tpu.memory_space<vmem>>) offsets(%get3A_267 : vector<16xi32>) semaphore(%arg8 : memref<!tpu.dma_semaphore, #tpu.memory_space<semaphore_mem>>)
    %get3A_276 = arith.constant 400 : index
    %get3A_277 = tpu.vector_load %arg5[%get3A_276] {strides = array<i32>} : memref<25600xi32, #tpu.memory_space<vmem>>, vector<16xi32>,
    %get3A_278 = vector.shape_cast %get3A_277 : vector<16xi32> to vector<16xi32>
    %dma_start3A_279 = arith.constant 1 : i32
    %dma_start3A_280 = arith.constant 80 : i32
    %dma_start3A_281 = arith.constant 0 : i32
    %dma_start3A_282 = tpu.memref_slice %arg6[%dma_start3A_279, %dma_start3A_280, %dma_start3A_281] : memref<4x320x64xf32, #tpu.memory_space<vmem>> -> memref<1x16x64xf32, #tpu.memory_space<vmem>>
    %dma_start3A_283 = tpu.memref_squeeze %dma_start3A_282 : memref<1x16x64xf32, #tpu.memory_space<vmem>> -> memref<16x64xf32, #tpu.memory_space<vmem>>
    %dma_start3A_284 = arith.constant 0 : i32
    %dma_start3A_285 = arith.constant 0 : i32
    %dma_start3A_286 = tpu.memref_slice %arg2[%dma_start3A_284, %dma_start3A_285] : memref<1000000x64xf32, #tpu.memory_space<hbm>> -> memref<1000000x64xf32, #tpu.memory_space<hbm>>
    tpu.enqueue_indirect_dma source(%dma_start3A_286 : memref<1000000x64xf32, #tpu.memory_space<hbm>>) target(%dma_start3A_283 : memref<16x64xf32, #tpu.memory_space<vmem>>) offsets(%get3A_278 : vector<16xi32>) semaphore(%arg8 : memref<!tpu.dma_semaphore, #tpu.memory_space<semaphore_mem>>)
    %get3A_287 = arith.constant 416 : index
    %get3A_288 = tpu.vector_load %arg5[%get3A_287] {strides = array<i32>} : memref<25600xi32, #tpu.memory_space<vmem>>, vector<16xi32>,
    %get3A_289 = vector.shape_cast %get3A_288 : vector<16xi32> to vector<16xi32>
    %dma_start3A_290 = arith.constant 1 : i32
    %dma_start3A_291 = arith.constant 96 : i32
    %dma_start3A_292 = arith.constant 0 : i32
    %dma_start3A_293 = tpu.memref_slice %arg6[%dma_start3A_290, %dma_start3A_291, %dma_start3A_292] : memref<4x320x64xf32, #tpu.memory_space<vmem>> -> memref<1x16x64xf32, #tpu.memory_space<vmem>>
    %dma_start3A_294 = tpu.memref_squeeze %dma_start3A_293 : memref<1x16x64xf32, #tpu.memory_space<vmem>> -> memref<16x64xf32, #tpu.memory_space<vmem>>
    %dma_start3A_295 = arith.constant 0 : i32
    %dma_start3A_296 = arith.constant 0 : i32
    %dma_start3A_297 = tpu.memref_slice %arg2[%dma_start3A_295, %dma_start3A_296] : memref<1000000x64xf32, #tpu.memory_space<hbm>> -> memref<1000000x64xf32, #tpu.memory_space<hbm>>
    tpu.enqueue_indirect_dma source(%dma_start3A_297 : memref<1000000x64xf32, #tpu.memory_space<hbm>>) target(%dma_start3A_294 : memref<16x64xf32, #tpu.memory_space<vmem>>) offsets(%get3A_289 : vector<16xi32>) semaphore(%arg8 : memref<!tpu.dma_semaphore, #tpu.memory_space<semaphore_mem>>)
    %get3A_298 = arith.constant 432 : index
    %get3A_299 = tpu.vector_load %arg5[%get3A_298] {strides = array<i32>} : memref<25600xi32, #tpu.memory_space<vmem>>, vector<16xi32>,
    %get3A_300 = vector.shape_cast %get3A_299 : vector<16xi32> to vector<16xi32>
    %dma_start3A_301 = arith.constant 1 : i32
    %dma_start3A_302 = arith.constant 112 : i32
    %dma_start3A_303 = arith.constant 0 : i32
    %dma_start3A_304 = tpu.memref_slice %arg6[%dma_start3A_301, %dma_start3A_302, %dma_start3A_303] : memref<4x320x64xf32, #tpu.memory_space<vmem>> -> memref<1x16x64xf32, #tpu.memory_space<vmem>>
    %dma_start3A_305 = tpu.memref_squeeze %dma_start3A_304 : memref<1x16x64xf32, #tpu.memory_space<vmem>> -> memref<16x64xf32, #tpu.memory_space<vmem>>
    %dma_start3A_306 = arith.constant 0 : i32
    %dma_start3A_307 = arith.constant 0 : i32
    %dma_start3A_308 = tpu.memref_slice %arg2[%dma_start3A_306, %dma_start3A_307] : memref<1000000x64xf32, #tpu.memory_space<hbm>> -> memref<1000000x64xf32, #tpu.memory_space<hbm>>
    tpu.enqueue_indirect_dma source(%dma_start3A_308 : memref<1000000x64xf32, #tpu.memory_space<hbm>>) target(%dma_start3A_305 : memref<16x64xf32, #tpu.memory_space<vmem>>) offsets(%get3A_300 : vector<16xi32>) semaphore(%arg8 : memref<!tpu.dma_semaphore, #tpu.memory_space<semaphore_mem>>)
    %get3A_309 = arith.constant 448 : index
    %get3A_310 = tpu.vector_load %arg5[%get3A_309] {strides = array<i32>} : memref<25600xi32, #tpu.memory_space<vmem>>, vector<16xi32>,
    %get3A_311 = vector.shape_cast %get3A_310 : vector<16xi32> to vector<16xi32>
    %dma_start3A_312 = arith.constant 1 : i32
    %dma_start3A_313 = arith.constant 128 : i32
    %dma_start3A_314 = arith.constant 0 : i32
    %dma_start3A_315 = tpu.memref_slice %arg6[%dma_start3A_312, %dma_start3A_313, %dma_start3A_314] : memref<4x320x64xf32, #tpu.memory_space<vmem>> -> memref<1x16x64xf32, #tpu.memory_space<vmem>>
    %dma_start3A_316 = tpu.memref_squeeze %dma_start3A_315 : memref<1x16x64xf32, #tpu.memory_space<vmem>> -> memref<16x64xf32, #tpu.memory_space<vmem>>
    %dma_start3A_317 = arith.constant 0 : i32
    %dma_start3A_318 = arith.constant 0 : i32
    %dma_start3A_319 = tpu.memref_slice %arg2[%dma_start3A_317, %dma_start3A_318] : memref<1000000x64xf32, #tpu.memory_space<hbm>> -> memref<1000000x64xf32, #tpu.memory_space<hbm>>
    tpu.enqueue_indirect_dma source(%dma_start3A_319 : memref<1000000x64xf32, #tpu.memory_space<hbm>>) target(%dma_start3A_316 : memref<16x64xf32, #tpu.memory_space<vmem>>) offsets(%get3A_311 : vector<16xi32>) semaphore(%arg8 : memref<!tpu.dma_semaphore, #tpu.memory_space<semaphore_mem>>)
    %get3A_320 = arith.constant 464 : index
    %get3A_321 = tpu.vector_load %arg5[%get3A_320] {strides = array<i32>} : memref<25600xi32, #tpu.memory_space<vmem>>, vector<16xi32>,
    %get3A_322 = vector.shape_cast %get3A_321 : vector<16xi32> to vector<16xi32>
    %dma_start3A_323 = arith.constant 1 : i32
    %dma_start3A_324 = arith.constant 144 : i32
    %dma_start3A_325 = arith.constant 0 : i32
    %dma_start3A_326 = tpu.memref_slice %arg6[%dma_start3A_323, %dma_start3A_324, %dma_start3A_325] : memref<4x320x64xf32, #tpu.memory_space<vmem>> -> memref<1x16x64xf32, #tpu.memory_space<vmem>>
    %dma_start3A_327 = tpu.memref_squeeze %dma_start3A_326 : memref<1x16x64xf32, #tpu.memory_space<vmem>> -> memref<16x64xf32, #tpu.memory_space<vmem>>
    %dma_start3A_328 = arith.constant 0 : i32
    %dma_start3A_329 = arith.constant 0 : i32
    %dma_start3A_330 = tpu.memref_slice %arg2[%dma_start3A_328, %dma_start3A_329] : memref<1000000x64xf32, #tpu.memory_space<hbm>> -> memref<1000000x64xf32, #tpu.memory_space<hbm>>
    tpu.enqueue_indirect_dma source(%dma_start3A_330 : memref<1000000x64xf32, #tpu.memory_space<hbm>>) target(%dma_start3A_327 : memref<16x64xf32, #tpu.memory_space<vmem>>) offsets(%get3A_322 : vector<16xi32>) semaphore(%arg8 : memref<!tpu.dma_semaphore, #tpu.memory_space<semaphore_mem>>)
    %get3A_331 = arith.constant 480 : index
    %get3A_332 = tpu.vector_load %arg5[%get3A_331] {strides = array<i32>} : memref<25600xi32, #tpu.memory_space<vmem>>, vector<16xi32>,
    %get3A_333 = vector.shape_cast %get3A_332 : vector<16xi32> to vector<16xi32>
    %dma_start3A_334 = arith.constant 1 : i32
    %dma_start3A_335 = arith.constant 160 : i32
    %dma_start3A_336 = arith.constant 0 : i32
    %dma_start3A_337 = tpu.memref_slice %arg6[%dma_start3A_334, %dma_start3A_335, %dma_start3A_336] : memref<4x320x64xf32, #tpu.memory_space<vmem>> -> memref<1x16x64xf32, #tpu.memory_space<vmem>>
    %dma_start3A_338 = tpu.memref_squeeze %dma_start3A_337 : memref<1x16x64xf32, #tpu.memory_space<vmem>> -> memref<16x64xf32, #tpu.memory_space<vmem>>
    %dma_start3A_339 = arith.constant 0 : i32
    %dma_start3A_340 = arith.constant 0 : i32
    %dma_start3A_341 = tpu.memref_slice %arg2[%dma_start3A_339, %dma_start3A_340] : memref<1000000x64xf32, #tpu.memory_space<hbm>> -> memref<1000000x64xf32, #tpu.memory_space<hbm>>
    tpu.enqueue_indirect_dma source(%dma_start3A_341 : memref<1000000x64xf32, #tpu.memory_space<hbm>>) target(%dma_start3A_338 : memref<16x64xf32, #tpu.memory_space<vmem>>) offsets(%get3A_333 : vector<16xi32>) semaphore(%arg8 : memref<!tpu.dma_semaphore, #tpu.memory_space<semaphore_mem>>)
    %get3A_342 = arith.constant 496 : index
    %get3A_343 = tpu.vector_load %arg5[%get3A_342] {strides = array<i32>} : memref<25600xi32, #tpu.memory_space<vmem>>, vector<16xi32>,
    %get3A_344 = vector.shape_cast %get3A_343 : vector<16xi32> to vector<16xi32>
    %dma_start3A_345 = arith.constant 1 : i32
    %dma_start3A_346 = arith.constant 176 : i32
    %dma_start3A_347 = arith.constant 0 : i32
    %dma_start3A_348 = tpu.memref_slice %arg6[%dma_start3A_345, %dma_start3A_346, %dma_start3A_347] : memref<4x320x64xf32, #tpu.memory_space<vmem>> -> memref<1x16x64xf32, #tpu.memory_space<vmem>>
    %dma_start3A_349 = tpu.memref_squeeze %dma_start3A_348 : memref<1x16x64xf32, #tpu.memory_space<vmem>> -> memref<16x64xf32, #tpu.memory_space<vmem>>
    %dma_start3A_350 = arith.constant 0 : i32
    %dma_start3A_351 = arith.constant 0 : i32
    %dma_start3A_352 = tpu.memref_slice %arg2[%dma_start3A_350, %dma_start3A_351] : memref<1000000x64xf32, #tpu.memory_space<hbm>> -> memref<1000000x64xf32, #tpu.memory_space<hbm>>
    tpu.enqueue_indirect_dma source(%dma_start3A_352 : memref<1000000x64xf32, #tpu.memory_space<hbm>>) target(%dma_start3A_349 : memref<16x64xf32, #tpu.memory_space<vmem>>) offsets(%get3A_344 : vector<16xi32>) semaphore(%arg8 : memref<!tpu.dma_semaphore, #tpu.memory_space<semaphore_mem>>)
    %get3A_353 = arith.constant 512 : index
    %get3A_354 = tpu.vector_load %arg5[%get3A_353] {strides = array<i32>} : memref<25600xi32, #tpu.memory_space<vmem>>, vector<16xi32>,
    %get3A_355 = vector.shape_cast %get3A_354 : vector<16xi32> to vector<16xi32>
    %dma_start3A_356 = arith.constant 1 : i32
    %dma_start3A_357 = arith.constant 192 : i32
    %dma_start3A_358 = arith.constant 0 : i32
    %dma_start3A_359 = tpu.memref_slice %arg6[%dma_start3A_356, %dma_start3A_357, %dma_start3A_358] : memref<4x320x64xf32, #tpu.memory_space<vmem>> -> memref<1x16x64xf32, #tpu.memory_space<vmem>>
    %dma_start3A_360 = tpu.memref_squeeze %dma_start3A_359 : memref<1x16x64xf32, #tpu.memory_space<vmem>> -> memref<16x64xf32, #tpu.memory_space<vmem>>
    %dma_start3A_361 = arith.constant 0 : i32
    %dma_start3A_362 = arith.constant 0 : i32
    %dma_start3A_363 = tpu.memref_slice %arg2[%dma_start3A_361, %dma_start3A_362] : memref<1000000x64xf32, #tpu.memory_space<hbm>> -> memref<1000000x64xf32, #tpu.memory_space<hbm>>
    tpu.enqueue_indirect_dma source(%dma_start3A_363 : memref<1000000x64xf32, #tpu.memory_space<hbm>>) target(%dma_start3A_360 : memref<16x64xf32, #tpu.memory_space<vmem>>) offsets(%get3A_355 : vector<16xi32>) semaphore(%arg8 : memref<!tpu.dma_semaphore, #tpu.memory_space<semaphore_mem>>)
    %get3A_364 = arith.constant 528 : index
    %get3A_365 = tpu.vector_load %arg5[%get3A_364] {strides = array<i32>} : memref<25600xi32, #tpu.memory_space<vmem>>, vector<16xi32>,
    %get3A_366 = vector.shape_cast %get3A_365 : vector<16xi32> to vector<16xi32>
    %dma_start3A_367 = arith.constant 1 : i32
    %dma_start3A_368 = arith.constant 208 : i32
    %dma_start3A_369 = arith.constant 0 : i32
    %dma_start3A_370 = tpu.memref_slice %arg6[%dma_start3A_367, %dma_start3A_368, %dma_start3A_369] : memref<4x320x64xf32, #tpu.memory_space<vmem>> -> memref<1x16x64xf32, #tpu.memory_space<vmem>>
    %dma_start3A_371 = tpu.memref_squeeze %dma_start3A_370 : memref<1x16x64xf32, #tpu.memory_space<vmem>> -> memref<16x64xf32, #tpu.memory_space<vmem>>
    %dma_start3A_372 = arith.constant 0 : i32
    %dma_start3A_373 = arith.constant 0 : i32
    %dma_start3A_374 = tpu.memref_slice %arg2[%dma_start3A_372, %dma_start3A_373] : memref<1000000x64xf32, #tpu.memory_space<hbm>> -> memref<1000000x64xf32, #tpu.memory_space<hbm>>
    tpu.enqueue_indirect_dma source(%dma_start3A_374 : memref<1000000x64xf32, #tpu.memory_space<hbm>>) target(%dma_start3A_371 : memref<16x64xf32, #tpu.memory_space<vmem>>) offsets(%get3A_366 : vector<16xi32>) semaphore(%arg8 : memref<!tpu.dma_semaphore, #tpu.memory_space<semaphore_mem>>)
    %get3A_375 = arith.constant 544 : index
    %get3A_376 = tpu.vector_load %arg5[%get3A_375] {strides = array<i32>} : memref<25600xi32, #tpu.memory_space<vmem>>, vector<16xi32>,
    %get3A_377 = vector.shape_cast %get3A_376 : vector<16xi32> to vector<16xi32>
    %dma_start3A_378 = arith.constant 1 : i32
    %dma_start3A_379 = arith.constant 224 : i32
    %dma_start3A_380 = arith.constant 0 : i32
    %dma_start3A_381 = tpu.memref_slice %arg6[%dma_start3A_378, %dma_start3A_379, %dma_start3A_380] : memref<4x320x64xf32, #tpu.memory_space<vmem>> -> memref<1x16x64xf32, #tpu.memory_space<vmem>>
    %dma_start3A_382 = tpu.memref_squeeze %dma_start3A_381 : memref<1x16x64xf32, #tpu.memory_space<vmem>> -> memref<16x64xf32, #tpu.memory_space<vmem>>
    %dma_start3A_383 = arith.constant 0 : i32
    %dma_start3A_384 = arith.constant 0 : i32
    %dma_start3A_385 = tpu.memref_slice %arg2[%dma_start3A_383, %dma_start3A_384] : memref<1000000x64xf32, #tpu.memory_space<hbm>> -> memref<1000000x64xf32, #tpu.memory_space<hbm>>
    tpu.enqueue_indirect_dma source(%dma_start3A_385 : memref<1000000x64xf32, #tpu.memory_space<hbm>>) target(%dma_start3A_382 : memref<16x64xf32, #tpu.memory_space<vmem>>) offsets(%get3A_377 : vector<16xi32>) semaphore(%arg8 : memref<!tpu.dma_semaphore, #tpu.memory_space<semaphore_mem>>)
    %get3A_386 = arith.constant 560 : index
    %get3A_387 = tpu.vector_load %arg5[%get3A_386] {strides = array<i32>} : memref<25600xi32, #tpu.memory_space<vmem>>, vector<16xi32>,
    %get3A_388 = vector.shape_cast %get3A_387 : vector<16xi32> to vector<16xi32>
    %dma_start3A_389 = arith.constant 1 : i32
    %dma_start3A_390 = arith.constant 240 : i32
    %dma_start3A_391 = arith.constant 0 : i32
    %dma_start3A_392 = tpu.memref_slice %arg6[%dma_start3A_389, %dma_start3A_390, %dma_start3A_391] : memref<4x320x64xf32, #tpu.memory_space<vmem>> -> memref<1x16x64xf32, #tpu.memory_space<vmem>>
    %dma_start3A_393 = tpu.memref_squeeze %dma_start3A_392 : memref<1x16x64xf32, #tpu.memory_space<vmem>> -> memref<16x64xf32, #tpu.memory_space<vmem>>
    %dma_start3A_394 = arith.constant 0 : i32
    %dma_start3A_395 = arith.constant 0 : i32
    %dma_start3A_396 = tpu.memref_slice %arg2[%dma_start3A_394, %dma_start3A_395] : memref<1000000x64xf32, #tpu.memory_space<hbm>> -> memref<1000000x64xf32, #tpu.memory_space<hbm>>
    tpu.enqueue_indirect_dma source(%dma_start3A_396 : memref<1000000x64xf32, #tpu.memory_space<hbm>>) target(%dma_start3A_393 : memref<16x64xf32, #tpu.memory_space<vmem>>) offsets(%get3A_388 : vector<16xi32>) semaphore(%arg8 : memref<!tpu.dma_semaphore, #tpu.memory_space<semaphore_mem>>)
    %get3A_397 = arith.constant 576 : index
    %get3A_398 = tpu.vector_load %arg5[%get3A_397] {strides = array<i32>} : memref<25600xi32, #tpu.memory_space<vmem>>, vector<16xi32>,
    %get3A_399 = vector.shape_cast %get3A_398 : vector<16xi32> to vector<16xi32>
    %dma_start3A_400 = arith.constant 1 : i32
    %dma_start3A_401 = arith.constant 256 : i32
    %dma_start3A_402 = arith.constant 0 : i32
    %dma_start3A_403 = tpu.memref_slice %arg6[%dma_start3A_400, %dma_start3A_401, %dma_start3A_402] : memref<4x320x64xf32, #tpu.memory_space<vmem>> -> memref<1x16x64xf32, #tpu.memory_space<vmem>>
    %dma_start3A_404 = tpu.memref_squeeze %dma_start3A_403 : memref<1x16x64xf32, #tpu.memory_space<vmem>> -> memref<16x64xf32, #tpu.memory_space<vmem>>
    %dma_start3A_405 = arith.constant 0 : i32
    %dma_start3A_406 = arith.constant 0 : i32
    %dma_start3A_407 = tpu.memref_slice %arg2[%dma_start3A_405, %dma_start3A_406] : memref<1000000x64xf32, #tpu.memory_space<hbm>> -> memref<1000000x64xf32, #tpu.memory_space<hbm>>
    tpu.enqueue_indirect_dma source(%dma_start3A_407 : memref<1000000x64xf32, #tpu.memory_space<hbm>>) target(%dma_start3A_404 : memref<16x64xf32, #tpu.memory_space<vmem>>) offsets(%get3A_399 : vector<16xi32>) semaphore(%arg8 : memref<!tpu.dma_semaphore, #tpu.memory_space<semaphore_mem>>)
    %get3A_408 = arith.constant 592 : index
    %get3A_409 = tpu.vector_load %arg5[%get3A_408] {strides = array<i32>} : memref<25600xi32, #tpu.memory_space<vmem>>, vector<16xi32>,
    %get3A_410 = vector.shape_cast %get3A_409 : vector<16xi32> to vector<16xi32>
    %dma_start3A_411 = arith.constant 1 : i32
    %dma_start3A_412 = arith.constant 272 : i32
    %dma_start3A_413 = arith.constant 0 : i32
    %dma_start3A_414 = tpu.memref_slice %arg6[%dma_start3A_411, %dma_start3A_412, %dma_start3A_413] : memref<4x320x64xf32, #tpu.memory_space<vmem>> -> memref<1x16x64xf32, #tpu.memory_space<vmem>>
    %dma_start3A_415 = tpu.memref_squeeze %dma_start3A_414 : memref<1x16x64xf32, #tpu.memory_space<vmem>> -> memref<16x64xf32, #tpu.memory_space<vmem>>
    %dma_start3A_416 = arith.constant 0 : i32
    %dma_start3A_417 = arith.constant 0 : i32
    %dma_start3A_418 = tpu.memref_slice %arg2[%dma_start3A_416, %dma_start3A_417] : memref<1000000x64xf32, #tpu.memory_space<hbm>> -> memref<1000000x64xf32, #tpu.memory_space<hbm>>
    tpu.enqueue_indirect_dma source(%dma_start3A_418 : memref<1000000x64xf32, #tpu.memory_space<hbm>>) target(%dma_start3A_415 : memref<16x64xf32, #tpu.memory_space<vmem>>) offsets(%get3A_410 : vector<16xi32>) semaphore(%arg8 : memref<!tpu.dma_semaphore, #tpu.memory_space<semaphore_mem>>)
    %get3A_419 = arith.constant 608 : index
    %get3A_420 = tpu.vector_load %arg5[%get3A_419] {strides = array<i32>} : memref<25600xi32, #tpu.memory_space<vmem>>, vector<16xi32>,
    %get3A_421 = vector.shape_cast %get3A_420 : vector<16xi32> to vector<16xi32>
    %dma_start3A_422 = arith.constant 1 : i32
    %dma_start3A_423 = arith.constant 288 : i32
    %dma_start3A_424 = arith.constant 0 : i32
    %dma_start3A_425 = tpu.memref_slice %arg6[%dma_start3A_422, %dma_start3A_423, %dma_start3A_424] : memref<4x320x64xf32, #tpu.memory_space<vmem>> -> memref<1x16x64xf32, #tpu.memory_space<vmem>>
    %dma_start3A_426 = tpu.memref_squeeze %dma_start3A_425 : memref<1x16x64xf32, #tpu.memory_space<vmem>> -> memref<16x64xf32, #tpu.memory_space<vmem>>
    %dma_start3A_427 = arith.constant 0 : i32
    %dma_start3A_428 = arith.constant 0 : i32
    %dma_start3A_429 = tpu.memref_slice %arg2[%dma_start3A_427, %dma_start3A_428] : memref<1000000x64xf32, #tpu.memory_space<hbm>> -> memref<1000000x64xf32, #tpu.memory_space<hbm>>
    tpu.enqueue_indirect_dma source(%dma_start3A_429 : memref<1000000x64xf32, #tpu.memory_space<hbm>>) target(%dma_start3A_426 : memref<16x64xf32, #tpu.memory_space<vmem>>) offsets(%get3A_421 : vector<16xi32>) semaphore(%arg8 : memref<!tpu.dma_semaphore, #tpu.memory_space<semaphore_mem>>)
    %get3A_430 = arith.constant 624 : index
    %get3A_431 = tpu.vector_load %arg5[%get3A_430] {strides = array<i32>} : memref<25600xi32, #tpu.memory_space<vmem>>, vector<16xi32>,
    %get3A_432 = vector.shape_cast %get3A_431 : vector<16xi32> to vector<16xi32>
    %dma_start3A_433 = arith.constant 1 : i32
    %dma_start3A_434 = arith.constant 304 : i32
    %dma_start3A_435 = arith.constant 0 : i32
    %dma_start3A_436 = tpu.memref_slice %arg6[%dma_start3A_433, %dma_start3A_434, %dma_start3A_435] : memref<4x320x64xf32, #tpu.memory_space<vmem>> -> memref<1x16x64xf32, #tpu.memory_space<vmem>>
    %dma_start3A_437 = tpu.memref_squeeze %dma_start3A_436 : memref<1x16x64xf32, #tpu.memory_space<vmem>> -> memref<16x64xf32, #tpu.memory_space<vmem>>
    %dma_start3A_438 = arith.constant 0 : i32
    %dma_start3A_439 = arith.constant 0 : i32
    %dma_start3A_440 = tpu.memref_slice %arg2[%dma_start3A_438, %dma_start3A_439] : memref<1000000x64xf32, #tpu.memory_space<hbm>> -> memref<1000000x64xf32, #tpu.memory_space<hbm>>
    tpu.enqueue_indirect_dma source(%dma_start3A_440 : memref<1000000x64xf32, #tpu.memory_space<hbm>>) target(%dma_start3A_437 : memref<16x64xf32, #tpu.memory_space<vmem>>) offsets(%get3A_432 : vector<16xi32>) semaphore(%arg8 : memref<!tpu.dma_semaphore, #tpu.memory_space<semaphore_mem>>)
    %get3A_441 = arith.constant 640 : index
    %get3A_442 = tpu.vector_load %arg5[%get3A_441] {strides = array<i32>} : memref<25600xi32, #tpu.memory_space<vmem>>, vector<16xi32>,
    %get3A_443 = vector.shape_cast %get3A_442 : vector<16xi32> to vector<16xi32>
    %dma_start3A_444 = arith.constant 2 : i32
    %dma_start3A_445 = arith.constant 0 : i32
    %dma_start3A_446 = arith.constant 0 : i32
    %dma_start3A_447 = tpu.memref_slice %arg6[%dma_start3A_444, %dma_start3A_445, %dma_start3A_446] : memref<4x320x64xf32, #tpu.memory_space<vmem>> -> memref<1x16x64xf32, #tpu.memory_space<vmem>>
    %dma_start3A_448 = tpu.memref_squeeze %dma_start3A_447 : memref<1x16x64xf32, #tpu.memory_space<vmem>> -> memref<16x64xf32, #tpu.memory_space<vmem>>
    %dma_start3A_449 = arith.constant 0 : i32
    %dma_start3A_450 = arith.constant 0 : i32
    %dma_start3A_451 = tpu.memref_slice %arg2[%dma_start3A_449, %dma_start3A_450] : memref<1000000x64xf32, #tpu.memory_space<hbm>> -> memref<1000000x64xf32, #tpu.memory_space<hbm>>
    tpu.enqueue_indirect_dma source(%dma_start3A_451 : memref<1000000x64xf32, #tpu.memory_space<hbm>>) target(%dma_start3A_448 : memref<16x64xf32, #tpu.memory_space<vmem>>) offsets(%get3A_443 : vector<16xi32>) semaphore(%arg9 : memref<!tpu.dma_semaphore, #tpu.memory_space<semaphore_mem>>)
    %get3A_452 = arith.constant 656 : index
    %get3A_453 = tpu.vector_load %arg5[%get3A_452] {strides = array<i32>} : memref<25600xi32, #tpu.memory_space<vmem>>, vector<16xi32>,
    %get3A_454 = vector.shape_cast %get3A_453 : vector<16xi32> to vector<16xi32>
    %dma_start3A_455 = arith.constant 2 : i32
    %dma_start3A_456 = arith.constant 16 : i32
    %dma_start3A_457 = arith.constant 0 : i32
    %dma_start3A_458 = tpu.memref_slice %arg6[%dma_start3A_455, %dma_start3A_456, %dma_start3A_457] : memref<4x320x64xf32, #tpu.memory_space<vmem>> -> memref<1x16x64xf32, #tpu.memory_space<vmem>>
    %dma_start3A_459 = tpu.memref_squeeze %dma_start3A_458 : memref<1x16x64xf32, #tpu.memory_space<vmem>> -> memref<16x64xf32, #tpu.memory_space<vmem>>
    %dma_start3A_460 = arith.constant 0 : i32
    %dma_start3A_461 = arith.constant 0 : i32
    %dma_start3A_462 = tpu.memref_slice %arg2[%dma_start3A_460, %dma_start3A_461] : memref<1000000x64xf32, #tpu.memory_space<hbm>> -> memref<1000000x64xf32, #tpu.memory_space<hbm>>
    tpu.enqueue_indirect_dma source(%dma_start3A_462 : memref<1000000x64xf32, #tpu.memory_space<hbm>>) target(%dma_start3A_459 : memref<16x64xf32, #tpu.memory_space<vmem>>) offsets(%get3A_454 : vector<16xi32>) semaphore(%arg9 : memref<!tpu.dma_semaphore, #tpu.memory_space<semaphore_mem>>)
    %get3A_463 = arith.constant 672 : index
    %get3A_464 = tpu.vector_load %arg5[%get3A_463] {strides = array<i32>} : memref<25600xi32, #tpu.memory_space<vmem>>, vector<16xi32>,
    %get3A_465 = vector.shape_cast %get3A_464 : vector<16xi32> to vector<16xi32>
    %dma_start3A_466 = arith.constant 2 : i32
    %dma_start3A_467 = arith.constant 32 : i32
    %dma_start3A_468 = arith.constant 0 : i32
    %dma_start3A_469 = tpu.memref_slice %arg6[%dma_start3A_466, %dma_start3A_467, %dma_start3A_468] : memref<4x320x64xf32, #tpu.memory_space<vmem>> -> memref<1x16x64xf32, #tpu.memory_space<vmem>>
    %dma_start3A_470 = tpu.memref_squeeze %dma_start3A_469 : memref<1x16x64xf32, #tpu.memory_space<vmem>> -> memref<16x64xf32, #tpu.memory_space<vmem>>
    %dma_start3A_471 = arith.constant 0 : i32
    %dma_start3A_472 = arith.constant 0 : i32
    %dma_start3A_473 = tpu.memref_slice %arg2[%dma_start3A_471, %dma_start3A_472] : memref<1000000x64xf32, #tpu.memory_space<hbm>> -> memref<1000000x64xf32, #tpu.memory_space<hbm>>
    tpu.enqueue_indirect_dma source(%dma_start3A_473 : memref<1000000x64xf32, #tpu.memory_space<hbm>>) target(%dma_start3A_470 : memref<16x64xf32, #tpu.memory_space<vmem>>) offsets(%get3A_465 : vector<16xi32>) semaphore(%arg9 : memref<!tpu.dma_semaphore, #tpu.memory_space<semaphore_mem>>)
    %get3A_474 = arith.constant 688 : index
    %get3A_475 = tpu.vector_load %arg5[%get3A_474] {strides = array<i32>} : memref<25600xi32, #tpu.memory_space<vmem>>, vector<16xi32>,
    %get3A_476 = vector.shape_cast %get3A_475 : vector<16xi32> to vector<16xi32>
    %dma_start3A_477 = arith.constant 2 : i32
    %dma_start3A_478 = arith.constant 48 : i32
    %dma_start3A_479 = arith.constant 0 : i32
    %dma_start3A_480 = tpu.memref_slice %arg6[%dma_start3A_477, %dma_start3A_478, %dma_start3A_479] : memref<4x320x64xf32, #tpu.memory_space<vmem>> -> memref<1x16x64xf32, #tpu.memory_space<vmem>>
    %dma_start3A_481 = tpu.memref_squeeze %dma_start3A_480 : memref<1x16x64xf32, #tpu.memory_space<vmem>> -> memref<16x64xf32, #tpu.memory_space<vmem>>
    %dma_start3A_482 = arith.constant 0 : i32
    %dma_start3A_483 = arith.constant 0 : i32
    %dma_start3A_484 = tpu.memref_slice %arg2[%dma_start3A_482, %dma_start3A_483] : memref<1000000x64xf32, #tpu.memory_space<hbm>> -> memref<1000000x64xf32, #tpu.memory_space<hbm>>
    tpu.enqueue_indirect_dma source(%dma_start3A_484 : memref<1000000x64xf32, #tpu.memory_space<hbm>>) target(%dma_start3A_481 : memref<16x64xf32, #tpu.memory_space<vmem>>) offsets(%get3A_476 : vector<16xi32>) semaphore(%arg9 : memref<!tpu.dma_semaphore, #tpu.memory_space<semaphore_mem>>)
    %get3A_485 = arith.constant 704 : index
    %get3A_486 = tpu.vector_load %arg5[%get3A_485] {strides = array<i32>} : memref<25600xi32, #tpu.memory_space<vmem>>, vector<16xi32>,
    %get3A_487 = vector.shape_cast %get3A_486 : vector<16xi32> to vector<16xi32>
    %dma_start3A_488 = arith.constant 2 : i32
    %dma_start3A_489 = arith.constant 64 : i32
    %dma_start3A_490 = arith.constant 0 : i32
    %dma_start3A_491 = tpu.memref_slice %arg6[%dma_start3A_488, %dma_start3A_489, %dma_start3A_490] : memref<4x320x64xf32, #tpu.memory_space<vmem>> -> memref<1x16x64xf32, #tpu.memory_space<vmem>>
    %dma_start3A_492 = tpu.memref_squeeze %dma_start3A_491 : memref<1x16x64xf32, #tpu.memory_space<vmem>> -> memref<16x64xf32, #tpu.memory_space<vmem>>
    %dma_start3A_493 = arith.constant 0 : i32
    %dma_start3A_494 = arith.constant 0 : i32
    %dma_start3A_495 = tpu.memref_slice %arg2[%dma_start3A_493, %dma_start3A_494] : memref<1000000x64xf32, #tpu.memory_space<hbm>> -> memref<1000000x64xf32, #tpu.memory_space<hbm>>
    tpu.enqueue_indirect_dma source(%dma_start3A_495 : memref<1000000x64xf32, #tpu.memory_space<hbm>>) target(%dma_start3A_492 : memref<16x64xf32, #tpu.memory_space<vmem>>) offsets(%get3A_487 : vector<16xi32>) semaphore(%arg9 : memref<!tpu.dma_semaphore, #tpu.memory_space<semaphore_mem>>)
    %get3A_496 = arith.constant 720 : index
    %get3A_497 = tpu.vector_load %arg5[%get3A_496] {strides = array<i32>} : memref<25600xi32, #tpu.memory_space<vmem>>, vector<16xi32>,
    %get3A_498 = vector.shape_cast %get3A_497 : vector<16xi32> to vector<16xi32>
    %dma_start3A_499 = arith.constant 2 : i32
    %dma_start3A_500 = arith.constant 80 : i32
    %dma_start3A_501 = arith.constant 0 : i32
    %dma_start3A_502 = tpu.memref_slice %arg6[%dma_start3A_499, %dma_start3A_500, %dma_start3A_501] : memref<4x320x64xf32, #tpu.memory_space<vmem>> -> memref<1x16x64xf32, #tpu.memory_space<vmem>>
    %dma_start3A_503 = tpu.memref_squeeze %dma_start3A_502 : memref<1x16x64xf32, #tpu.memory_space<vmem>> -> memref<16x64xf32, #tpu.memory_space<vmem>>
    %dma_start3A_504 = arith.constant 0 : i32
    %dma_start3A_505 = arith.constant 0 : i32
    %dma_start3A_506 = tpu.memref_slice %arg2[%dma_start3A_504, %dma_start3A_505] : memref<1000000x64xf32, #tpu.memory_space<hbm>> -> memref<1000000x64xf32, #tpu.memory_space<hbm>>
    tpu.enqueue_indirect_dma source(%dma_start3A_506 : memref<1000000x64xf32, #tpu.memory_space<hbm>>) target(%dma_start3A_503 : memref<16x64xf32, #tpu.memory_space<vmem>>) offsets(%get3A_498 : vector<16xi32>) semaphore(%arg9 : memref<!tpu.dma_semaphore, #tpu.memory_space<semaphore_mem>>)
    %get3A_507 = arith.constant 736 : index
    %get3A_508 = tpu.vector_load %arg5[%get3A_507] {strides = array<i32>} : memref<25600xi32, #tpu.memory_space<vmem>>, vector<16xi32>,
    %get3A_509 = vector.shape_cast %get3A_508 : vector<16xi32> to vector<16xi32>
    %dma_start3A_510 = arith.constant 2 : i32
    %dma_start3A_511 = arith.constant 96 : i32
    %dma_start3A_512 = arith.constant 0 : i32
    %dma_start3A_513 = tpu.memref_slice %arg6[%dma_start3A_510, %dma_start3A_511, %dma_start3A_512] : memref<4x320x64xf32, #tpu.memory_space<vmem>> -> memref<1x16x64xf32, #tpu.memory_space<vmem>>
    %dma_start3A_514 = tpu.memref_squeeze %dma_start3A_513 : memref<1x16x64xf32, #tpu.memory_space<vmem>> -> memref<16x64xf32, #tpu.memory_space<vmem>>
    %dma_start3A_515 = arith.constant 0 : i32
    %dma_start3A_516 = arith.constant 0 : i32
    %dma_start3A_517 = tpu.memref_slice %arg2[%dma_start3A_515, %dma_start3A_516] : memref<1000000x64xf32, #tpu.memory_space<hbm>> -> memref<1000000x64xf32, #tpu.memory_space<hbm>>
    tpu.enqueue_indirect_dma source(%dma_start3A_517 : memref<1000000x64xf32, #tpu.memory_space<hbm>>) target(%dma_start3A_514 : memref<16x64xf32, #tpu.memory_space<vmem>>) offsets(%get3A_509 : vector<16xi32>) semaphore(%arg9 : memref<!tpu.dma_semaphore, #tpu.memory_space<semaphore_mem>>)
    %get3A_518 = arith.constant 752 : index
    %get3A_519 = tpu.vector_load %arg5[%get3A_518] {strides = array<i32>} : memref<25600xi32, #tpu.memory_space<vmem>>, vector<16xi32>,
    %get3A_520 = vector.shape_cast %get3A_519 : vector<16xi32> to vector<16xi32>
    %dma_start3A_521 = arith.constant 2 : i32
    %dma_start3A_522 = arith.constant 112 : i32
    %dma_start3A_523 = arith.constant 0 : i32
    %dma_start3A_524 = tpu.memref_slice %arg6[%dma_start3A_521, %dma_start3A_522, %dma_start3A_523] : memref<4x320x64xf32, #tpu.memory_space<vmem>> -> memref<1x16x64xf32, #tpu.memory_space<vmem>>
    %dma_start3A_525 = tpu.memref_squeeze %dma_start3A_524 : memref<1x16x64xf32, #tpu.memory_space<vmem>> -> memref<16x64xf32, #tpu.memory_space<vmem>>
    %dma_start3A_526 = arith.constant 0 : i32
    %dma_start3A_527 = arith.constant 0 : i32
    %dma_start3A_528 = tpu.memref_slice %arg2[%dma_start3A_526, %dma_start3A_527] : memref<1000000x64xf32, #tpu.memory_space<hbm>> -> memref<1000000x64xf32, #tpu.memory_space<hbm>>
    tpu.enqueue_indirect_dma source(%dma_start3A_528 : memref<1000000x64xf32, #tpu.memory_space<hbm>>) target(%dma_start3A_525 : memref<16x64xf32, #tpu.memory_space<vmem>>) offsets(%get3A_520 : vector<16xi32>) semaphore(%arg9 : memref<!tpu.dma_semaphore, #tpu.memory_space<semaphore_mem>>)
    %get3A_529 = arith.constant 768 : index
    %get3A_530 = tpu.vector_load %arg5[%get3A_529] {strides = array<i32>} : memref<25600xi32, #tpu.memory_space<vmem>>, vector<16xi32>,
    %get3A_531 = vector.shape_cast %get3A_530 : vector<16xi32> to vector<16xi32>
    %dma_start3A_532 = arith.constant 2 : i32
    %dma_start3A_533 = arith.constant 128 : i32
    %dma_start3A_534 = arith.constant 0 : i32
    %dma_start3A_535 = tpu.memref_slice %arg6[%dma_start3A_532, %dma_start3A_533, %dma_start3A_534] : memref<4x320x64xf32, #tpu.memory_space<vmem>> -> memref<1x16x64xf32, #tpu.memory_space<vmem>>
    %dma_start3A_536 = tpu.memref_squeeze %dma_start3A_535 : memref<1x16x64xf32, #tpu.memory_space<vmem>> -> memref<16x64xf32, #tpu.memory_space<vmem>>
    %dma_start3A_537 = arith.constant 0 : i32
    %dma_start3A_538 = arith.constant 0 : i32
    %dma_start3A_539 = tpu.memref_slice %arg2[%dma_start3A_537, %dma_start3A_538] : memref<1000000x64xf32, #tpu.memory_space<hbm>> -> memref<1000000x64xf32, #tpu.memory_space<hbm>>
    tpu.enqueue_indirect_dma source(%dma_start3A_539 : memref<1000000x64xf32, #tpu.memory_space<hbm>>) target(%dma_start3A_536 : memref<16x64xf32, #tpu.memory_space<vmem>>) offsets(%get3A_531 : vector<16xi32>) semaphore(%arg9 : memref<!tpu.dma_semaphore, #tpu.memory_space<semaphore_mem>>)
    %get3A_540 = arith.constant 784 : index
    %get3A_541 = tpu.vector_load %arg5[%get3A_540] {strides = array<i32>} : memref<25600xi32, #tpu.memory_space<vmem>>, vector<16xi32>,
    %get3A_542 = vector.shape_cast %get3A_541 : vector<16xi32> to vector<16xi32>
    %dma_start3A_543 = arith.constant 2 : i32
    %dma_start3A_544 = arith.constant 144 : i32
    %dma_start3A_545 = arith.constant 0 : i32
    %dma_start3A_546 = tpu.memref_slice %arg6[%dma_start3A_543, %dma_start3A_544, %dma_start3A_545] : memref<4x320x64xf32, #tpu.memory_space<vmem>> -> memref<1x16x64xf32, #tpu.memory_space<vmem>>
    %dma_start3A_547 = tpu.memref_squeeze %dma_start3A_546 : memref<1x16x64xf32, #tpu.memory_space<vmem>> -> memref<16x64xf32, #tpu.memory_space<vmem>>
    %dma_start3A_548 = arith.constant 0 : i32
    %dma_start3A_549 = arith.constant 0 : i32
    %dma_start3A_550 = tpu.memref_slice %arg2[%dma_start3A_548, %dma_start3A_549] : memref<1000000x64xf32, #tpu.memory_space<hbm>> -> memref<1000000x64xf32, #tpu.memory_space<hbm>>
    tpu.enqueue_indirect_dma source(%dma_start3A_550 : memref<1000000x64xf32, #tpu.memory_space<hbm>>) target(%dma_start3A_547 : memref<16x64xf32, #tpu.memory_space<vmem>>) offsets(%get3A_542 : vector<16xi32>) semaphore(%arg9 : memref<!tpu.dma_semaphore, #tpu.memory_space<semaphore_mem>>)
    %get3A_551 = arith.constant 800 : index
    %get3A_552 = tpu.vector_load %arg5[%get3A_551] {strides = array<i32>} : memref<25600xi32, #tpu.memory_space<vmem>>, vector<16xi32>,
    %get3A_553 = vector.shape_cast %get3A_552 : vector<16xi32> to vector<16xi32>
    %dma_start3A_554 = arith.constant 2 : i32
    %dma_start3A_555 = arith.constant 160 : i32
    %dma_start3A_556 = arith.constant 0 : i32
    %dma_start3A_557 = tpu.memref_slice %arg6[%dma_start3A_554, %dma_start3A_555, %dma_start3A_556] : memref<4x320x64xf32, #tpu.memory_space<vmem>> -> memref<1x16x64xf32, #tpu.memory_space<vmem>>
    %dma_start3A_558 = tpu.memref_squeeze %dma_start3A_557 : memref<1x16x64xf32, #tpu.memory_space<vmem>> -> memref<16x64xf32, #tpu.memory_space<vmem>>
    %dma_start3A_559 = arith.constant 0 : i32
    %dma_start3A_560 = arith.constant 0 : i32
    %dma_start3A_561 = tpu.memref_slice %arg2[%dma_start3A_559, %dma_start3A_560] : memref<1000000x64xf32, #tpu.memory_space<hbm>> -> memref<1000000x64xf32, #tpu.memory_space<hbm>>
    tpu.enqueue_indirect_dma source(%dma_start3A_561 : memref<1000000x64xf32, #tpu.memory_space<hbm>>) target(%dma_start3A_558 : memref<16x64xf32, #tpu.memory_space<vmem>>) offsets(%get3A_553 : vector<16xi32>) semaphore(%arg9 : memref<!tpu.dma_semaphore, #tpu.memory_space<semaphore_mem>>)
    %get3A_562 = arith.constant 816 : index
    %get3A_563 = tpu.vector_load %arg5[%get3A_562] {strides = array<i32>} : memref<25600xi32, #tpu.memory_space<vmem>>, vector<16xi32>,
    %get3A_564 = vector.shape_cast %get3A_563 : vector<16xi32> to vector<16xi32>
    %dma_start3A_565 = arith.constant 2 : i32
    %dma_start3A_566 = arith.constant 176 : i32
    %dma_start3A_567 = arith.constant 0 : i32
    %dma_start3A_568 = tpu.memref_slice %arg6[%dma_start3A_565, %dma_start3A_566, %dma_start3A_567] : memref<4x320x64xf32, #tpu.memory_space<vmem>> -> memref<1x16x64xf32, #tpu.memory_space<vmem>>
    %dma_start3A_569 = tpu.memref_squeeze %dma_start3A_568 : memref<1x16x64xf32, #tpu.memory_space<vmem>> -> memref<16x64xf32, #tpu.memory_space<vmem>>
    %dma_start3A_570 = arith.constant 0 : i32
    %dma_start3A_571 = arith.constant 0 : i32
    %dma_start3A_572 = tpu.memref_slice %arg2[%dma_start3A_570, %dma_start3A_571] : memref<1000000x64xf32, #tpu.memory_space<hbm>> -> memref<1000000x64xf32, #tpu.memory_space<hbm>>
    tpu.enqueue_indirect_dma source(%dma_start3A_572 : memref<1000000x64xf32, #tpu.memory_space<hbm>>) target(%dma_start3A_569 : memref<16x64xf32, #tpu.memory_space<vmem>>) offsets(%get3A_564 : vector<16xi32>) semaphore(%arg9 : memref<!tpu.dma_semaphore, #tpu.memory_space<semaphore_mem>>)
    %get3A_573 = arith.constant 832 : index
    %get3A_574 = tpu.vector_load %arg5[%get3A_573] {strides = array<i32>} : memref<25600xi32, #tpu.memory_space<vmem>>, vector<16xi32>,
    %get3A_575 = vector.shape_cast %get3A_574 : vector<16xi32> to vector<16xi32>
    %dma_start3A_576 = arith.constant 2 : i32
    %dma_start3A_577 = arith.constant 192 : i32
    %dma_start3A_578 = arith.constant 0 : i32
    %dma_start3A_579 = tpu.memref_slice %arg6[%dma_start3A_576, %dma_start3A_577, %dma_start3A_578] : memref<4x320x64xf32, #tpu.memory_space<vmem>> -> memref<1x16x64xf32, #tpu.memory_space<vmem>>
    %dma_start3A_580 = tpu.memref_squeeze %dma_start3A_579 : memref<1x16x64xf32, #tpu.memory_space<vmem>> -> memref<16x64xf32, #tpu.memory_space<vmem>>
    %dma_start3A_581 = arith.constant 0 : i32
    %dma_start3A_582 = arith.constant 0 : i32
    %dma_start3A_583 = tpu.memref_slice %arg2[%dma_start3A_581, %dma_start3A_582] : memref<1000000x64xf32, #tpu.memory_space<hbm>> -> memref<1000000x64xf32, #tpu.memory_space<hbm>>
    tpu.enqueue_indirect_dma source(%dma_start3A_583 : memref<1000000x64xf32, #tpu.memory_space<hbm>>) target(%dma_start3A_580 : memref<16x64xf32, #tpu.memory_space<vmem>>) offsets(%get3A_575 : vector<16xi32>) semaphore(%arg9 : memref<!tpu.dma_semaphore, #tpu.memory_space<semaphore_mem>>)
    %get3A_584 = arith.constant 848 : index
    %get3A_585 = tpu.vector_load %arg5[%get3A_584] {strides = array<i32>} : memref<25600xi32, #tpu.memory_space<vmem>>, vector<16xi32>,
    %get3A_586 = vector.shape_cast %get3A_585 : vector<16xi32> to vector<16xi32>
    %dma_start3A_587 = arith.constant 2 : i32
    %dma_start3A_588 = arith.constant 208 : i32
    %dma_start3A_589 = arith.constant 0 : i32
    %dma_start3A_590 = tpu.memref_slice %arg6[%dma_start3A_587, %dma_start3A_588, %dma_start3A_589] : memref<4x320x64xf32, #tpu.memory_space<vmem>> -> memref<1x16x64xf32, #tpu.memory_space<vmem>>
    %dma_start3A_591 = tpu.memref_squeeze %dma_start3A_590 : memref<1x16x64xf32, #tpu.memory_space<vmem>> -> memref<16x64xf32, #tpu.memory_space<vmem>>
    %dma_start3A_592 = arith.constant 0 : i32
    %dma_start3A_593 = arith.constant 0 : i32
    %dma_start3A_594 = tpu.memref_slice %arg2[%dma_start3A_592, %dma_start3A_593] : memref<1000000x64xf32, #tpu.memory_space<hbm>> -> memref<1000000x64xf32, #tpu.memory_space<hbm>>
    tpu.enqueue_indirect_dma source(%dma_start3A_594 : memref<1000000x64xf32, #tpu.memory_space<hbm>>) target(%dma_start3A_591 : memref<16x64xf32, #tpu.memory_space<vmem>>) offsets(%get3A_586 : vector<16xi32>) semaphore(%arg9 : memref<!tpu.dma_semaphore, #tpu.memory_space<semaphore_mem>>)
    %get3A_595 = arith.constant 864 : index
    %get3A_596 = tpu.vector_load %arg5[%get3A_595] {strides = array<i32>} : memref<25600xi32, #tpu.memory_space<vmem>>, vector<16xi32>,
    %get3A_597 = vector.shape_cast %get3A_596 : vector<16xi32> to vector<16xi32>
    %dma_start3A_598 = arith.constant 2 : i32
    %dma_start3A_599 = arith.constant 224 : i32
    %dma_start3A_600 = arith.constant 0 : i32
    %dma_start3A_601 = tpu.memref_slice %arg6[%dma_start3A_598, %dma_start3A_599, %dma_start3A_600] : memref<4x320x64xf32, #tpu.memory_space<vmem>> -> memref<1x16x64xf32, #tpu.memory_space<vmem>>
    %dma_start3A_602 = tpu.memref_squeeze %dma_start3A_601 : memref<1x16x64xf32, #tpu.memory_space<vmem>> -> memref<16x64xf32, #tpu.memory_space<vmem>>
    %dma_start3A_603 = arith.constant 0 : i32
    %dma_start3A_604 = arith.constant 0 : i32
    %dma_start3A_605 = tpu.memref_slice %arg2[%dma_start3A_603, %dma_start3A_604] : memref<1000000x64xf32, #tpu.memory_space<hbm>> -> memref<1000000x64xf32, #tpu.memory_space<hbm>>
    tpu.enqueue_indirect_dma source(%dma_start3A_605 : memref<1000000x64xf32, #tpu.memory_space<hbm>>) target(%dma_start3A_602 : memref<16x64xf32, #tpu.memory_space<vmem>>) offsets(%get3A_597 : vector<16xi32>) semaphore(%arg9 : memref<!tpu.dma_semaphore, #tpu.memory_space<semaphore_mem>>)
    %get3A_606 = arith.constant 880 : index
    %get3A_607 = tpu.vector_load %arg5[%get3A_606] {strides = array<i32>} : memref<25600xi32, #tpu.memory_space<vmem>>, vector<16xi32>,
    %get3A_608 = vector.shape_cast %get3A_607 : vector<16xi32> to vector<16xi32>
    %dma_start3A_609 = arith.constant 2 : i32
    %dma_start3A_610 = arith.constant 240 : i32
    %dma_start3A_611 = arith.constant 0 : i32
    %dma_start3A_612 = tpu.memref_slice %arg6[%dma_start3A_609, %dma_start3A_610, %dma_start3A_611] : memref<4x320x64xf32, #tpu.memory_space<vmem>> -> memref<1x16x64xf32, #tpu.memory_space<vmem>>
    %dma_start3A_613 = tpu.memref_squeeze %dma_start3A_612 : memref<1x16x64xf32, #tpu.memory_space<vmem>> -> memref<16x64xf32, #tpu.memory_space<vmem>>
    %dma_start3A_614 = arith.constant 0 : i32
    %dma_start3A_615 = arith.constant 0 : i32
    %dma_start3A_616 = tpu.memref_slice %arg2[%dma_start3A_614, %dma_start3A_615] : memref<1000000x64xf32, #tpu.memory_space<hbm>> -> memref<1000000x64xf32, #tpu.memory_space<hbm>>
    tpu.enqueue_indirect_dma source(%dma_start3A_616 : memref<1000000x64xf32, #tpu.memory_space<hbm>>) target(%dma_start3A_613 : memref<16x64xf32, #tpu.memory_space<vmem>>) offsets(%get3A_608 : vector<16xi32>) semaphore(%arg9 : memref<!tpu.dma_semaphore, #tpu.memory_space<semaphore_mem>>)
    %get3A_617 = arith.constant 896 : index
    %get3A_618 = tpu.vector_load %arg5[%get3A_617] {strides = array<i32>} : memref<25600xi32, #tpu.memory_space<vmem>>, vector<16xi32>,
    %get3A_619 = vector.shape_cast %get3A_618 : vector<16xi32> to vector<16xi32>
    %dma_start3A_620 = arith.constant 2 : i32
    %dma_start3A_621 = arith.constant 256 : i32
    %dma_start3A_622 = arith.constant 0 : i32
    %dma_start3A_623 = tpu.memref_slice %arg6[%dma_start3A_620, %dma_start3A_621, %dma_start3A_622] : memref<4x320x64xf32, #tpu.memory_space<vmem>> -> memref<1x16x64xf32, #tpu.memory_space<vmem>>
    %dma_start3A_624 = tpu.memref_squeeze %dma_start3A_623 : memref<1x16x64xf32, #tpu.memory_space<vmem>> -> memref<16x64xf32, #tpu.memory_space<vmem>>
    %dma_start3A_625 = arith.constant 0 : i32
    %dma_start3A_626 = arith.constant 0 : i32
    %dma_start3A_627 = tpu.memref_slice %arg2[%dma_start3A_625, %dma_start3A_626] : memref<1000000x64xf32, #tpu.memory_space<hbm>> -> memref<1000000x64xf32, #tpu.memory_space<hbm>>
    tpu.enqueue_indirect_dma source(%dma_start3A_627 : memref<1000000x64xf32, #tpu.memory_space<hbm>>) target(%dma_start3A_624 : memref<16x64xf32, #tpu.memory_space<vmem>>) offsets(%get3A_619 : vector<16xi32>) semaphore(%arg9 : memref<!tpu.dma_semaphore, #tpu.memory_space<semaphore_mem>>)
    %get3A_628 = arith.constant 912 : index
    %get3A_629 = tpu.vector_load %arg5[%get3A_628] {strides = array<i32>} : memref<25600xi32, #tpu.memory_space<vmem>>, vector<16xi32>,
    %get3A_630 = vector.shape_cast %get3A_629 : vector<16xi32> to vector<16xi32>
    %dma_start3A_631 = arith.constant 2 : i32
    %dma_start3A_632 = arith.constant 272 : i32
    %dma_start3A_633 = arith.constant 0 : i32
    %dma_start3A_634 = tpu.memref_slice %arg6[%dma_start3A_631, %dma_start3A_632, %dma_start3A_633] : memref<4x320x64xf32, #tpu.memory_space<vmem>> -> memref<1x16x64xf32, #tpu.memory_space<vmem>>
    %dma_start3A_635 = tpu.memref_squeeze %dma_start3A_634 : memref<1x16x64xf32, #tpu.memory_space<vmem>> -> memref<16x64xf32, #tpu.memory_space<vmem>>
    %dma_start3A_636 = arith.constant 0 : i32
    %dma_start3A_637 = arith.constant 0 : i32
    %dma_start3A_638 = tpu.memref_slice %arg2[%dma_start3A_636, %dma_start3A_637] : memref<1000000x64xf32, #tpu.memory_space<hbm>> -> memref<1000000x64xf32, #tpu.memory_space<hbm>>
    tpu.enqueue_indirect_dma source(%dma_start3A_638 : memref<1000000x64xf32, #tpu.memory_space<hbm>>) target(%dma_start3A_635 : memref<16x64xf32, #tpu.memory_space<vmem>>) offsets(%get3A_630 : vector<16xi32>) semaphore(%arg9 : memref<!tpu.dma_semaphore, #tpu.memory_space<semaphore_mem>>)
    %get3A_639 = arith.constant 928 : index
    %get3A_640 = tpu.vector_load %arg5[%get3A_639] {strides = array<i32>} : memref<25600xi32, #tpu.memory_space<vmem>>, vector<16xi32>,
    %get3A_641 = vector.shape_cast %get3A_640 : vector<16xi32> to vector<16xi32>
    %dma_start3A_642 = arith.constant 2 : i32
    %dma_start3A_643 = arith.constant 288 : i32
    %dma_start3A_644 = arith.constant 0 : i32
    %dma_start3A_645 = tpu.memref_slice %arg6[%dma_start3A_642, %dma_start3A_643, %dma_start3A_644] : memref<4x320x64xf32, #tpu.memory_space<vmem>> -> memref<1x16x64xf32, #tpu.memory_space<vmem>>
    %dma_start3A_646 = tpu.memref_squeeze %dma_start3A_645 : memref<1x16x64xf32, #tpu.memory_space<vmem>> -> memref<16x64xf32, #tpu.memory_space<vmem>>
    %dma_start3A_647 = arith.constant 0 : i32
    %dma_start3A_648 = arith.constant 0 : i32
    %dma_start3A_649 = tpu.memref_slice %arg2[%dma_start3A_647, %dma_start3A_648] : memref<1000000x64xf32, #tpu.memory_space<hbm>> -> memref<1000000x64xf32, #tpu.memory_space<hbm>>
    tpu.enqueue_indirect_dma source(%dma_start3A_649 : memref<1000000x64xf32, #tpu.memory_space<hbm>>) target(%dma_start3A_646 : memref<16x64xf32, #tpu.memory_space<vmem>>) offsets(%get3A_641 : vector<16xi32>) semaphore(%arg9 : memref<!tpu.dma_semaphore, #tpu.memory_space<semaphore_mem>>)
    %get3A_650 = arith.constant 944 : index
    %get3A_651 = tpu.vector_load %arg5[%get3A_650] {strides = array<i32>} : memref<25600xi32, #tpu.memory_space<vmem>>, vector<16xi32>,
    %get3A_652 = vector.shape_cast %get3A_651 : vector<16xi32> to vector<16xi32>
    %dma_start3A_653 = arith.constant 2 : i32
    %dma_start3A_654 = arith.constant 304 : i32
    %dma_start3A_655 = arith.constant 0 : i32
    %dma_start3A_656 = tpu.memref_slice %arg6[%dma_start3A_653, %dma_start3A_654, %dma_start3A_655] : memref<4x320x64xf32, #tpu.memory_space<vmem>> -> memref<1x16x64xf32, #tpu.memory_space<vmem>>
    %dma_start3A_657 = tpu.memref_squeeze %dma_start3A_656 : memref<1x16x64xf32, #tpu.memory_space<vmem>> -> memref<16x64xf32, #tpu.memory_space<vmem>>
    %dma_start3A_658 = arith.constant 0 : i32
    %dma_start3A_659 = arith.constant 0 : i32
    %dma_start3A_660 = tpu.memref_slice %arg2[%dma_start3A_658, %dma_start3A_659] : memref<1000000x64xf32, #tpu.memory_space<hbm>> -> memref<1000000x64xf32, #tpu.memory_space<hbm>>
    tpu.enqueue_indirect_dma source(%dma_start3A_660 : memref<1000000x64xf32, #tpu.memory_space<hbm>>) target(%dma_start3A_657 : memref<16x64xf32, #tpu.memory_space<vmem>>) offsets(%get3A_652 : vector<16xi32>) semaphore(%arg9 : memref<!tpu.dma_semaphore, #tpu.memory_space<semaphore_mem>>)
    %scan3A = arith.constant 0 : i32
    %scan3A_661 = arith.constant 0 : i32
    %scan3A_662 = arith.constant 20 : i32
    %scan3A_663 = arith.addi %scan3A_661, %scan3A_662 : i32
    %scan3A_664 = arith.constant 1 : i32
    scf.for %scan3A_678 = %scan3A_661 to %scan3A_663 step %scan3A_664  : i32 {
      %mul3A_679 = arith.constant 4 : i32
      %mul3A_680 = arith.muli %scan3A_678, %mul3A_679 : i32
      %add3A_681 = arith.constant 0 : i32
      %add3A_682 = arith.addi %mul3A_680, %add3A_681 : i32
      %get3A_683 = arith.constant 0 : index
      %get3A_684 = tpu.vector_load %arg5[%get3A_683] {strides = array<i32>} : memref<25600xi32, #tpu.memory_space<vmem>>, vector<16xi32>,
      %get3A_685 = vector.shape_cast %get3A_684 : vector<16xi32> to vector<16xi32>
      %dma_wait3A_686 = arith.constant 0 : i32
      %dma_wait3A_687 = arith.constant 0 : i32
      %dma_wait3A_688 = arith.constant 0 : i32
      %dma_wait3A_689 = tpu.memref_slice %arg6[%dma_wait3A_686, %dma_wait3A_687, %dma_wait3A_688] : memref<4x320x64xf32, #tpu.memory_space<vmem>> -> memref<1x16x64xf32, #tpu.memory_space<vmem>>
      %dma_wait3A_690 = tpu.memref_squeeze %dma_wait3A_689 : memref<1x16x64xf32, #tpu.memory_space<vmem>> -> memref<16x64xf32, #tpu.memory_space<vmem>>
      %dma_wait3A_691 = arith.constant 0 : i32
      %dma_wait3A_692 = arith.constant 0 : i32
      %dma_wait3A_693 = tpu.memref_slice %arg2[%dma_wait3A_691, %dma_wait3A_692] : memref<1000000x64xf32, #tpu.memory_space<hbm>> -> memref<1000000x64xf32, #tpu.memory_space<hbm>>
      tpu.wait_indirect_dma semaphore(%arg7 : memref<!tpu.dma_semaphore, #tpu.memory_space<semaphore_mem>>) src(%dma_wait3A_693 : memref<1000000x64xf32, #tpu.memory_space<hbm>>) dst(%dma_wait3A_690 : memref<16x64xf32, #tpu.memory_space<vmem>>)
      %get3A_694 = arith.constant 16 : index
      %get3A_695 = tpu.vector_load %arg5[%get3A_694] {strides = array<i32>} : memref<25600xi32, #tpu.memory_space<vmem>>, vector<16xi32>,
      %get3A_696 = vector.shape_cast %get3A_695 : vector<16xi32> to vector<16xi32>
      %dma_wait3A_697 = arith.constant 0 : i32
      %dma_wait3A_698 = arith.constant 16 : i32
      %dma_wait3A_699 = arith.constant 0 : i32
      %dma_wait3A_700 = tpu.memref_slice %arg6[%dma_wait3A_697, %dma_wait3A_698, %dma_wait3A_699] : memref<4x320x64xf32, #tpu.memory_space<vmem>> -> memref<1x16x64xf32, #tpu.memory_space<vmem>>
      %dma_wait3A_701 = tpu.memref_squeeze %dma_wait3A_700 : memref<1x16x64xf32, #tpu.memory_space<vmem>> -> memref<16x64xf32, #tpu.memory_space<vmem>>
      %dma_wait3A_702 = arith.constant 0 : i32
      %dma_wait3A_703 = arith.constant 0 : i32
      %dma_wait3A_704 = tpu.memref_slice %arg2[%dma_wait3A_702, %dma_wait3A_703] : memref<1000000x64xf32, #tpu.memory_space<hbm>> -> memref<1000000x64xf32, #tpu.memory_space<hbm>>
      tpu.wait_indirect_dma semaphore(%arg7 : memref<!tpu.dma_semaphore, #tpu.memory_space<semaphore_mem>>) src(%dma_wait3A_704 : memref<1000000x64xf32, #tpu.memory_space<hbm>>) dst(%dma_wait3A_701 : memref<16x64xf32, #tpu.memory_space<vmem>>)
      %get3A_705 = arith.constant 32 : index
      %get3A_706 = tpu.vector_load %arg5[%get3A_705] {strides = array<i32>} : memref<25600xi32, #tpu.memory_space<vmem>>, vector<16xi32>,
      %get3A_707 = vector.shape_cast %get3A_706 : vector<16xi32> to vector<16xi32>
      %dma_wait3A_708 = arith.constant 0 : i32
      %dma_wait3A_709 = arith.constant 32 : i32
      %dma_wait3A_710 = arith.constant 0 : i32
      %dma_wait3A_711 = tpu.memref_slice %arg6[%dma_wait3A_708, %dma_wait3A_709, %dma_wait3A_710] : memref<4x320x64xf32, #tpu.memory_space<vmem>> -> memref<1x16x64xf32, #tpu.memory_space<vmem>>
      %dma_wait3A_712 = tpu.memref_squeeze %dma_wait3A_711 : memref<1x16x64xf32, #tpu.memory_space<vmem>> -> memref<16x64xf32, #tpu.memory_space<vmem>>
      %dma_wait3A_713 = arith.constant 0 : i32
      %dma_wait3A_714 = arith.constant 0 : i32
      %dma_wait3A_715 = tpu.memref_slice %arg2[%dma_wait3A_713, %dma_wait3A_714] : memref<1000000x64xf32, #tpu.memory_space<hbm>> -> memref<1000000x64xf32, #tpu.memory_space<hbm>>
      tpu.wait_indirect_dma semaphore(%arg7 : memref<!tpu.dma_semaphore, #tpu.memory_space<semaphore_mem>>) src(%dma_wait3A_715 : memref<1000000x64xf32, #tpu.memory_space<hbm>>) dst(%dma_wait3A_712 : memref<16x64xf32, #tpu.memory_space<vmem>>)
      %get3A_716 = arith.constant 48 : index
      %get3A_717 = tpu.vector_load %arg5[%get3A_716] {strides = array<i32>} : memref<25600xi32, #tpu.memory_space<vmem>>, vector<16xi32>,
      %get3A_718 = vector.shape_cast %get3A_717 : vector<16xi32> to vector<16xi32>
      %dma_wait3A_719 = arith.constant 0 : i32
      %dma_wait3A_720 = arith.constant 48 : i32
      %dma_wait3A_721 = arith.constant 0 : i32
      %dma_wait3A_722 = tpu.memref_slice %arg6[%dma_wait3A_719, %dma_wait3A_720, %dma_wait3A_721] : memref<4x320x64xf32, #tpu.memory_space<vmem>> -> memref<1x16x64xf32, #tpu.memory_space<vmem>>
      %dma_wait3A_723 = tpu.memref_squeeze %dma_wait3A_722 : memref<1x16x64xf32, #tpu.memory_space<vmem>> -> memref<16x64xf32, #tpu.memory_space<vmem>>
      %dma_wait3A_724 = arith.constant 0 : i32
      %dma_wait3A_725 = arith.constant 0 : i32
      %dma_wait3A_726 = tpu.memref_slice %arg2[%dma_wait3A_724, %dma_wait3A_725] : memref<1000000x64xf32, #tpu.memory_space<hbm>> -> memref<1000000x64xf32, #tpu.memory_space<hbm>>
      tpu.wait_indirect_dma semaphore(%arg7 : memref<!tpu.dma_semaphore, #tpu.memory_space<semaphore_mem>>) src(%dma_wait3A_726 : memref<1000000x64xf32, #tpu.memory_space<hbm>>) dst(%dma_wait3A_723 : memref<16x64xf32, #tpu.memory_space<vmem>>)
      %get3A_727 = arith.constant 64 : index
      %get3A_728 = tpu.vector_load %arg5[%get3A_727] {strides = array<i32>} : memref<25600xi32, #tpu.memory_space<vmem>>, vector<16xi32>,
      %get3A_729 = vector.shape_cast %get3A_728 : vector<16xi32> to vector<16xi32>
      %dma_wait3A_730 = arith.constant 0 : i32
      %dma_wait3A_731 = arith.constant 64 : i32
      %dma_wait3A_732 = arith.constant 0 : i32
      %dma_wait3A_733 = tpu.memref_slice %arg6[%dma_wait3A_730, %dma_wait3A_731, %dma_wait3A_732] : memref<4x320x64xf32, #tpu.memory_space<vmem>> -> memref<1x16x64xf32, #tpu.memory_space<vmem>>
      %dma_wait3A_734 = tpu.memref_squeeze %dma_wait3A_733 : memref<1x16x64xf32, #tpu.memory_space<vmem>> -> memref<16x64xf32, #tpu.memory_space<vmem>>
      %dma_wait3A_735 = arith.constant 0 : i32
      %dma_wait3A_736 = arith.constant 0 : i32
      %dma_wait3A_737 = tpu.memref_slice %arg2[%dma_wait3A_735, %dma_wait3A_736] : memref<1000000x64xf32, #tpu.memory_space<hbm>> -> memref<1000000x64xf32, #tpu.memory_space<hbm>>
      tpu.wait_indirect_dma semaphore(%arg7 : memref<!tpu.dma_semaphore, #tpu.memory_space<semaphore_mem>>) src(%dma_wait3A_737 : memref<1000000x64xf32, #tpu.memory_space<hbm>>) dst(%dma_wait3A_734 : memref<16x64xf32, #tpu.memory_space<vmem>>)
      %get3A_738 = arith.constant 80 : index
      %get3A_739 = tpu.vector_load %arg5[%get3A_738] {strides = array<i32>} : memref<25600xi32, #tpu.memory_space<vmem>>, vector<16xi32>,
      %get3A_740 = vector.shape_cast %get3A_739 : vector<16xi32> to vector<16xi32>
      %dma_wait3A_741 = arith.constant 0 : i32
      %dma_wait3A_742 = arith.constant 80 : i32
      %dma_wait3A_743 = arith.constant 0 : i32
      %dma_wait3A_744 = tpu.memref_slice %arg6[%dma_wait3A_741, %dma_wait3A_742, %dma_wait3A_743] : memref<4x320x64xf32, #tpu.memory_space<vmem>> -> memref<1x16x64xf32, #tpu.memory_space<vmem>>
      %dma_wait3A_745 = tpu.memref_squeeze %dma_wait3A_744 : memref<1x16x64xf32, #tpu.memory_space<vmem>> -> memref<16x64xf32, #tpu.memory_space<vmem>>
      %dma_wait3A_746 = arith.constant 0 : i32
      %dma_wait3A_747 = arith.constant 0 : i32
      %dma_wait3A_748 = tpu.memref_slice %arg2[%dma_wait3A_746, %dma_wait3A_747] : memref<1000000x64xf32, #tpu.memory_space<hbm>> -> memref<1000000x64xf32, #tpu.memory_space<hbm>>
      tpu.wait_indirect_dma semaphore(%arg7 : memref<!tpu.dma_semaphore, #tpu.memory_space<semaphore_mem>>) src(%dma_wait3A_748 : memref<1000000x64xf32, #tpu.memory_space<hbm>>) dst(%dma_wait3A_745 : memref<16x64xf32, #tpu.memory_space<vmem>>)
      %get3A_749 = arith.constant 96 : index
      %get3A_750 = tpu.vector_load %arg5[%get3A_749] {strides = array<i32>} : memref<25600xi32, #tpu.memory_space<vmem>>, vector<16xi32>,
      %get3A_751 = vector.shape_cast %get3A_750 : vector<16xi32> to vector<16xi32>
      %dma_wait3A_752 = arith.constant 0 : i32
      %dma_wait3A_753 = arith.constant 96 : i32
      %dma_wait3A_754 = arith.constant 0 : i32
      %dma_wait3A_755 = tpu.memref_slice %arg6[%dma_wait3A_752, %dma_wait3A_753, %dma_wait3A_754] : memref<4x320x64xf32, #tpu.memory_space<vmem>> -> memref<1x16x64xf32, #tpu.memory_space<vmem>>
      %dma_wait3A_756 = tpu.memref_squeeze %dma_wait3A_755 : memref<1x16x64xf32, #tpu.memory_space<vmem>> -> memref<16x64xf32, #tpu.memory_space<vmem>>
      %dma_wait3A_757 = arith.constant 0 : i32
      %dma_wait3A_758 = arith.constant 0 : i32
      %dma_wait3A_759 = tpu.memref_slice %arg2[%dma_wait3A_757, %dma_wait3A_758] : memref<1000000x64xf32, #tpu.memory_space<hbm>> -> memref<1000000x64xf32, #tpu.memory_space<hbm>>
      tpu.wait_indirect_dma semaphore(%arg7 : memref<!tpu.dma_semaphore, #tpu.memory_space<semaphore_mem>>) src(%dma_wait3A_759 : memref<1000000x64xf32, #tpu.memory_space<hbm>>) dst(%dma_wait3A_756 : memref<16x64xf32, #tpu.memory_space<vmem>>)
      %get3A_760 = arith.constant 112 : index
      %get3A_761 = tpu.vector_load %arg5[%get3A_760] {strides = array<i32>} : memref<25600xi32, #tpu.memory_space<vmem>>, vector<16xi32>,
      %get3A_762 = vector.shape_cast %get3A_761 : vector<16xi32> to vector<16xi32>
      %dma_wait3A_763 = arith.constant 0 : i32
      %dma_wait3A_764 = arith.constant 112 : i32
      %dma_wait3A_765 = arith.constant 0 : i32
      %dma_wait3A_766 = tpu.memref_slice %arg6[%dma_wait3A_763, %dma_wait3A_764, %dma_wait3A_765] : memref<4x320x64xf32, #tpu.memory_space<vmem>> -> memref<1x16x64xf32, #tpu.memory_space<vmem>>
      %dma_wait3A_767 = tpu.memref_squeeze %dma_wait3A_766 : memref<1x16x64xf32, #tpu.memory_space<vmem>> -> memref<16x64xf32, #tpu.memory_space<vmem>>
      %dma_wait3A_768 = arith.constant 0 : i32
      %dma_wait3A_769 = arith.constant 0 : i32
      %dma_wait3A_770 = tpu.memref_slice %arg2[%dma_wait3A_768, %dma_wait3A_769] : memref<1000000x64xf32, #tpu.memory_space<hbm>> -> memref<1000000x64xf32, #tpu.memory_space<hbm>>
      tpu.wait_indirect_dma semaphore(%arg7 : memref<!tpu.dma_semaphore, #tpu.memory_space<semaphore_mem>>) src(%dma_wait3A_770 : memref<1000000x64xf32, #tpu.memory_space<hbm>>) dst(%dma_wait3A_767 : memref<16x64xf32, #tpu.memory_space<vmem>>)
      %get3A_771 = arith.constant 128 : index
      %get3A_772 = tpu.vector_load %arg5[%get3A_771] {strides = array<i32>} : memref<25600xi32, #tpu.memory_space<vmem>>, vector<16xi32>,
      %get3A_773 = vector.shape_cast %get3A_772 : vector<16xi32> to vector<16xi32>
      %dma_wait3A_774 = arith.constant 0 : i32
      %dma_wait3A_775 = arith.constant 128 : i32
      %dma_wait3A_776 = arith.constant 0 : i32
      %dma_wait3A_777 = tpu.memref_slice %arg6[%dma_wait3A_774, %dma_wait3A_775, %dma_wait3A_776] : memref<4x320x64xf32, #tpu.memory_space<vmem>> -> memref<1x16x64xf32, #tpu.memory_space<vmem>>
      %dma_wait3A_778 = tpu.memref_squeeze %dma_wait3A_777 : memref<1x16x64xf32, #tpu.memory_space<vmem>> -> memref<16x64xf32, #tpu.memory_space<vmem>>
      %dma_wait3A_779 = arith.constant 0 : i32
      %dma_wait3A_780 = arith.constant 0 : i32
      %dma_wait3A_781 = tpu.memref_slice %arg2[%dma_wait3A_779, %dma_wait3A_780] : memref<1000000x64xf32, #tpu.memory_space<hbm>> -> memref<1000000x64xf32, #tpu.memory_space<hbm>>
      tpu.wait_indirect_dma semaphore(%arg7 : memref<!tpu.dma_semaphore, #tpu.memory_space<semaphore_mem>>) src(%dma_wait3A_781 : memref<1000000x64xf32, #tpu.memory_space<hbm>>) dst(%dma_wait3A_778 : memref<16x64xf32, #tpu.memory_space<vmem>>)
      %get3A_782 = arith.constant 144 : index
      %get3A_783 = tpu.vector_load %arg5[%get3A_782] {strides = array<i32>} : memref<25600xi32, #tpu.memory_space<vmem>>, vector<16xi32>,
      %get3A_784 = vector.shape_cast %get3A_783 : vector<16xi32> to vector<16xi32>
      %dma_wait3A_785 = arith.constant 0 : i32
      %dma_wait3A_786 = arith.constant 144 : i32
      %dma_wait3A_787 = arith.constant 0 : i32
      %dma_wait3A_788 = tpu.memref_slice %arg6[%dma_wait3A_785, %dma_wait3A_786, %dma_wait3A_787] : memref<4x320x64xf32, #tpu.memory_space<vmem>> -> memref<1x16x64xf32, #tpu.memory_space<vmem>>
      %dma_wait3A_789 = tpu.memref_squeeze %dma_wait3A_788 : memref<1x16x64xf32, #tpu.memory_space<vmem>> -> memref<16x64xf32, #tpu.memory_space<vmem>>
      %dma_wait3A_790 = arith.constant 0 : i32
      %dma_wait3A_791 = arith.constant 0 : i32
      %dma_wait3A_792 = tpu.memref_slice %arg2[%dma_wait3A_790, %dma_wait3A_791] : memref<1000000x64xf32, #tpu.memory_space<hbm>> -> memref<1000000x64xf32, #tpu.memory_space<hbm>>
      tpu.wait_indirect_dma semaphore(%arg7 : memref<!tpu.dma_semaphore, #tpu.memory_space<semaphore_mem>>) src(%dma_wait3A_792 : memref<1000000x64xf32, #tpu.memory_space<hbm>>) dst(%dma_wait3A_789 : memref<16x64xf32, #tpu.memory_space<vmem>>)
      %get3A_793 = arith.constant 160 : index
      %get3A_794 = tpu.vector_load %arg5[%get3A_793] {strides = array<i32>} : memref<25600xi32, #tpu.memory_space<vmem>>, vector<16xi32>,
      %get3A_795 = vector.shape_cast %get3A_794 : vector<16xi32> to vector<16xi32>
      %dma_wait3A_796 = arith.constant 0 : i32
      %dma_wait3A_797 = arith.constant 160 : i32
      %dma_wait3A_798 = arith.constant 0 : i32
      %dma_wait3A_799 = tpu.memref_slice %arg6[%dma_wait3A_796, %dma_wait3A_797, %dma_wait3A_798] : memref<4x320x64xf32, #tpu.memory_space<vmem>> -> memref<1x16x64xf32, #tpu.memory_space<vmem>>
      %dma_wait3A_800 = tpu.memref_squeeze %dma_wait3A_799 : memref<1x16x64xf32, #tpu.memory_space<vmem>> -> memref<16x64xf32, #tpu.memory_space<vmem>>
      %dma_wait3A_801 = arith.constant 0 : i32
      %dma_wait3A_802 = arith.constant 0 : i32
      %dma_wait3A_803 = tpu.memref_slice %arg2[%dma_wait3A_801, %dma_wait3A_802] : memref<1000000x64xf32, #tpu.memory_space<hbm>> -> memref<1000000x64xf32, #tpu.memory_space<hbm>>
      tpu.wait_indirect_dma semaphore(%arg7 : memref<!tpu.dma_semaphore, #tpu.memory_space<semaphore_mem>>) src(%dma_wait3A_803 : memref<1000000x64xf32, #tpu.memory_space<hbm>>) dst(%dma_wait3A_800 : memref<16x64xf32, #tpu.memory_space<vmem>>)
      %get3A_804 = arith.constant 176 : index
      %get3A_805 = tpu.vector_load %arg5[%get3A_804] {strides = array<i32>} : memref<25600xi32, #tpu.memory_space<vmem>>, vector<16xi32>,
      %get3A_806 = vector.shape_cast %get3A_805 : vector<16xi32> to vector<16xi32>
      %dma_wait3A_807 = arith.constant 0 : i32
      %dma_wait3A_808 = arith.constant 176 : i32
      %dma_wait3A_809 = arith.constant 0 : i32
      %dma_wait3A_810 = tpu.memref_slice %arg6[%dma_wait3A_807, %dma_wait3A_808, %dma_wait3A_809] : memref<4x320x64xf32, #tpu.memory_space<vmem>> -> memref<1x16x64xf32, #tpu.memory_space<vmem>>
      %dma_wait3A_811 = tpu.memref_squeeze %dma_wait3A_810 : memref<1x16x64xf32, #tpu.memory_space<vmem>> -> memref<16x64xf32, #tpu.memory_space<vmem>>
      %dma_wait3A_812 = arith.constant 0 : i32
      %dma_wait3A_813 = arith.constant 0 : i32
      %dma_wait3A_814 = tpu.memref_slice %arg2[%dma_wait3A_812, %dma_wait3A_813] : memref<1000000x64xf32, #tpu.memory_space<hbm>> -> memref<1000000x64xf32, #tpu.memory_space<hbm>>
      tpu.wait_indirect_dma semaphore(%arg7 : memref<!tpu.dma_semaphore, #tpu.memory_space<semaphore_mem>>) src(%dma_wait3A_814 : memref<1000000x64xf32, #tpu.memory_space<hbm>>) dst(%dma_wait3A_811 : memref<16x64xf32, #tpu.memory_space<vmem>>)
      %get3A_815 = arith.constant 192 : index
      %get3A_816 = tpu.vector_load %arg5[%get3A_815] {strides = array<i32>} : memref<25600xi32, #tpu.memory_space<vmem>>, vector<16xi32>,
      %get3A_817 = vector.shape_cast %get3A_816 : vector<16xi32> to vector<16xi32>
      %dma_wait3A_818 = arith.constant 0 : i32
      %dma_wait3A_819 = arith.constant 192 : i32
      %dma_wait3A_820 = arith.constant 0 : i32
      %dma_wait3A_821 = tpu.memref_slice %arg6[%dma_wait3A_818, %dma_wait3A_819, %dma_wait3A_820] : memref<4x320x64xf32, #tpu.memory_space<vmem>> -> memref<1x16x64xf32, #tpu.memory_space<vmem>>
      %dma_wait3A_822 = tpu.memref_squeeze %dma_wait3A_821 : memref<1x16x64xf32, #tpu.memory_space<vmem>> -> memref<16x64xf32, #tpu.memory_space<vmem>>
      %dma_wait3A_823 = arith.constant 0 : i32
      %dma_wait3A_824 = arith.constant 0 : i32
      %dma_wait3A_825 = tpu.memref_slice %arg2[%dma_wait3A_823, %dma_wait3A_824] : memref<1000000x64xf32, #tpu.memory_space<hbm>> -> memref<1000000x64xf32, #tpu.memory_space<hbm>>
      tpu.wait_indirect_dma semaphore(%arg7 : memref<!tpu.dma_semaphore, #tpu.memory_space<semaphore_mem>>) src(%dma_wait3A_825 : memref<1000000x64xf32, #tpu.memory_space<hbm>>) dst(%dma_wait3A_822 : memref<16x64xf32, #tpu.memory_space<vmem>>)
      %get3A_826 = arith.constant 208 : index
      %get3A_827 = tpu.vector_load %arg5[%get3A_826] {strides = array<i32>} : memref<25600xi32, #tpu.memory_space<vmem>>, vector<16xi32>,
      %get3A_828 = vector.shape_cast %get3A_827 : vector<16xi32> to vector<16xi32>
      %dma_wait3A_829 = arith.constant 0 : i32
      %dma_wait3A_830 = arith.constant 208 : i32
      %dma_wait3A_831 = arith.constant 0 : i32
      %dma_wait3A_832 = tpu.memref_slice %arg6[%dma_wait3A_829, %dma_wait3A_830, %dma_wait3A_831] : memref<4x320x64xf32, #tpu.memory_space<vmem>> -> memref<1x16x64xf32, #tpu.memory_space<vmem>>
      %dma_wait3A_833 = tpu.memref_squeeze %dma_wait3A_832 : memref<1x16x64xf32, #tpu.memory_space<vmem>> -> memref<16x64xf32, #tpu.memory_space<vmem>>
      %dma_wait3A_834 = arith.constant 0 : i32
      %dma_wait3A_835 = arith.constant 0 : i32
      %dma_wait3A_836 = tpu.memref_slice %arg2[%dma_wait3A_834, %dma_wait3A_835] : memref<1000000x64xf32, #tpu.memory_space<hbm>> -> memref<1000000x64xf32, #tpu.memory_space<hbm>>
      tpu.wait_indirect_dma semaphore(%arg7 : memref<!tpu.dma_semaphore, #tpu.memory_space<semaphore_mem>>) src(%dma_wait3A_836 : memref<1000000x64xf32, #tpu.memory_space<hbm>>) dst(%dma_wait3A_833 : memref<16x64xf32, #tpu.memory_space<vmem>>)
      %get3A_837 = arith.constant 224 : index
      %get3A_838 = tpu.vector_load %arg5[%get3A_837] {strides = array<i32>} : memref<25600xi32, #tpu.memory_space<vmem>>, vector<16xi32>,
      %get3A_839 = vector.shape_cast %get3A_838 : vector<16xi32> to vector<16xi32>
      %dma_wait3A_840 = arith.constant 0 : i32
      %dma_wait3A_841 = arith.constant 224 : i32
      %dma_wait3A_842 = arith.constant 0 : i32
      %dma_wait3A_843 = tpu.memref_slice %arg6[%dma_wait3A_840, %dma_wait3A_841, %dma_wait3A_842] : memref<4x320x64xf32, #tpu.memory_space<vmem>> -> memref<1x16x64xf32, #tpu.memory_space<vmem>>
      %dma_wait3A_844 = tpu.memref_squeeze %dma_wait3A_843 : memref<1x16x64xf32, #tpu.memory_space<vmem>> -> memref<16x64xf32, #tpu.memory_space<vmem>>
      %dma_wait3A_845 = arith.constant 0 : i32
      %dma_wait3A_846 = arith.constant 0 : i32
      %dma_wait3A_847 = tpu.memref_slice %arg2[%dma_wait3A_845, %dma_wait3A_846] : memref<1000000x64xf32, #tpu.memory_space<hbm>> -> memref<1000000x64xf32, #tpu.memory_space<hbm>>
      tpu.wait_indirect_dma semaphore(%arg7 : memref<!tpu.dma_semaphore, #tpu.memory_space<semaphore_mem>>) src(%dma_wait3A_847 : memref<1000000x64xf32, #tpu.memory_space<hbm>>) dst(%dma_wait3A_844 : memref<16x64xf32, #tpu.memory_space<vmem>>)
      %get3A_848 = arith.constant 240 : index
      %get3A_849 = tpu.vector_load %arg5[%get3A_848] {strides = array<i32>} : memref<25600xi32, #tpu.memory_space<vmem>>, vector<16xi32>,
      %get3A_850 = vector.shape_cast %get3A_849 : vector<16xi32> to vector<16xi32>
      %dma_wait3A_851 = arith.constant 0 : i32
      %dma_wait3A_852 = arith.constant 240 : i32
      %dma_wait3A_853 = arith.constant 0 : i32
      %dma_wait3A_854 = tpu.memref_slice %arg6[%dma_wait3A_851, %dma_wait3A_852, %dma_wait3A_853] : memref<4x320x64xf32, #tpu.memory_space<vmem>> -> memref<1x16x64xf32, #tpu.memory_space<vmem>>
      %dma_wait3A_855 = tpu.memref_squeeze %dma_wait3A_854 : memref<1x16x64xf32, #tpu.memory_space<vmem>> -> memref<16x64xf32, #tpu.memory_space<vmem>>
      %dma_wait3A_856 = arith.constant 0 : i32
      %dma_wait3A_857 = arith.constant 0 : i32
      %dma_wait3A_858 = tpu.memref_slice %arg2[%dma_wait3A_856, %dma_wait3A_857] : memref<1000000x64xf32, #tpu.memory_space<hbm>> -> memref<1000000x64xf32, #tpu.memory_space<hbm>>
      tpu.wait_indirect_dma semaphore(%arg7 : memref<!tpu.dma_semaphore, #tpu.memory_space<semaphore_mem>>) src(%dma_wait3A_858 : memref<1000000x64xf32, #tpu.memory_space<hbm>>) dst(%dma_wait3A_855 : memref<16x64xf32, #tpu.memory_space<vmem>>)
      %get3A_859 = arith.constant 256 : index
      %get3A_860 = tpu.vector_load %arg5[%get3A_859] {strides = array<i32>} : memref<25600xi32, #tpu.memory_space<vmem>>, vector<16xi32>,
      %get3A_861 = vector.shape_cast %get3A_860 : vector<16xi32> to vector<16xi32>
      %dma_wait3A_862 = arith.constant 0 : i32
      %dma_wait3A_863 = arith.constant 256 : i32
      %dma_wait3A_864 = arith.constant 0 : i32
      %dma_wait3A_865 = tpu.memref_slice %arg6[%dma_wait3A_862, %dma_wait3A_863, %dma_wait3A_864] : memref<4x320x64xf32, #tpu.memory_space<vmem>> -> memref<1x16x64xf32, #tpu.memory_space<vmem>>
      %dma_wait3A_866 = tpu.memref_squeeze %dma_wait3A_865 : memref<1x16x64xf32, #tpu.memory_space<vmem>> -> memref<16x64xf32, #tpu.memory_space<vmem>>
      %dma_wait3A_867 = arith.constant 0 : i32
      %dma_wait3A_868 = arith.constant 0 : i32
      %dma_wait3A_869 = tpu.memref_slice %arg2[%dma_wait3A_867, %dma_wait3A_868] : memref<1000000x64xf32, #tpu.memory_space<hbm>> -> memref<1000000x64xf32, #tpu.memory_space<hbm>>
      tpu.wait_indirect_dma semaphore(%arg7 : memref<!tpu.dma_semaphore, #tpu.memory_space<semaphore_mem>>) src(%dma_wait3A_869 : memref<1000000x64xf32, #tpu.memory_space<hbm>>) dst(%dma_wait3A_866 : memref<16x64xf32, #tpu.memory_space<vmem>>)
      %get3A_870 = arith.constant 272 : index
      %get3A_871 = tpu.vector_load %arg5[%get3A_870] {strides = array<i32>} : memref<25600xi32, #tpu.memory_space<vmem>>, vector<16xi32>,
      %get3A_872 = vector.shape_cast %get3A_871 : vector<16xi32> to vector<16xi32>
      %dma_wait3A_873 = arith.constant 0 : i32
      %dma_wait3A_874 = arith.constant 272 : i32
      %dma_wait3A_875 = arith.constant 0 : i32
      %dma_wait3A_876 = tpu.memref_slice %arg6[%dma_wait3A_873, %dma_wait3A_874, %dma_wait3A_875] : memref<4x320x64xf32, #tpu.memory_space<vmem>> -> memref<1x16x64xf32, #tpu.memory_space<vmem>>
      %dma_wait3A_877 = tpu.memref_squeeze %dma_wait3A_876 : memref<1x16x64xf32, #tpu.memory_space<vmem>> -> memref<16x64xf32, #tpu.memory_space<vmem>>
      %dma_wait3A_878 = arith.constant 0 : i32
      %dma_wait3A_879 = arith.constant 0 : i32
      %dma_wait3A_880 = tpu.memref_slice %arg2[%dma_wait3A_878, %dma_wait3A_879] : memref<1000000x64xf32, #tpu.memory_space<hbm>> -> memref<1000000x64xf32, #tpu.memory_space<hbm>>
      tpu.wait_indirect_dma semaphore(%arg7 : memref<!tpu.dma_semaphore, #tpu.memory_space<semaphore_mem>>) src(%dma_wait3A_880 : memref<1000000x64xf32, #tpu.memory_space<hbm>>) dst(%dma_wait3A_877 : memref<16x64xf32, #tpu.memory_space<vmem>>)
      %get3A_881 = arith.constant 288 : index
      %get3A_882 = tpu.vector_load %arg5[%get3A_881] {strides = array<i32>} : memref<25600xi32, #tpu.memory_space<vmem>>, vector<16xi32>,
      %get3A_883 = vector.shape_cast %get3A_882 : vector<16xi32> to vector<16xi32>
      %dma_wait3A_884 = arith.constant 0 : i32
      %dma_wait3A_885 = arith.constant 288 : i32
      %dma_wait3A_886 = arith.constant 0 : i32
      %dma_wait3A_887 = tpu.memref_slice %arg6[%dma_wait3A_884, %dma_wait3A_885, %dma_wait3A_886] : memref<4x320x64xf32, #tpu.memory_space<vmem>> -> memref<1x16x64xf32, #tpu.memory_space<vmem>>
      %dma_wait3A_888 = tpu.memref_squeeze %dma_wait3A_887 : memref<1x16x64xf32, #tpu.memory_space<vmem>> -> memref<16x64xf32, #tpu.memory_space<vmem>>
      %dma_wait3A_889 = arith.constant 0 : i32
      %dma_wait3A_890 = arith.constant 0 : i32
      %dma_wait3A_891 = tpu.memref_slice %arg2[%dma_wait3A_889, %dma_wait3A_890] : memref<1000000x64xf32, #tpu.memory_space<hbm>> -> memref<1000000x64xf32, #tpu.memory_space<hbm>>
      tpu.wait_indirect_dma semaphore(%arg7 : memref<!tpu.dma_semaphore, #tpu.memory_space<semaphore_mem>>) src(%dma_wait3A_891 : memref<1000000x64xf32, #tpu.memory_space<hbm>>) dst(%dma_wait3A_888 : memref<16x64xf32, #tpu.memory_space<vmem>>)
      %get3A_892 = arith.constant 304 : index
      %get3A_893 = tpu.vector_load %arg5[%get3A_892] {strides = array<i32>} : memref<25600xi32, #tpu.memory_space<vmem>>, vector<16xi32>,
      %get3A_894 = vector.shape_cast %get3A_893 : vector<16xi32> to vector<16xi32>
      %dma_wait3A_895 = arith.constant 0 : i32
      %dma_wait3A_896 = arith.constant 304 : i32
      %dma_wait3A_897 = arith.constant 0 : i32
      %dma_wait3A_898 = tpu.memref_slice %arg6[%dma_wait3A_895, %dma_wait3A_896, %dma_wait3A_897] : memref<4x320x64xf32, #tpu.memory_space<vmem>> -> memref<1x16x64xf32, #tpu.memory_space<vmem>>
      %dma_wait3A_899 = tpu.memref_squeeze %dma_wait3A_898 : memref<1x16x64xf32, #tpu.memory_space<vmem>> -> memref<16x64xf32, #tpu.memory_space<vmem>>
      %dma_wait3A_900 = arith.constant 0 : i32
      %dma_wait3A_901 = arith.constant 0 : i32
      %dma_wait3A_902 = tpu.memref_slice %arg2[%dma_wait3A_900, %dma_wait3A_901] : memref<1000000x64xf32, #tpu.memory_space<hbm>> -> memref<1000000x64xf32, #tpu.memory_space<hbm>>
      tpu.wait_indirect_dma semaphore(%arg7 : memref<!tpu.dma_semaphore, #tpu.memory_space<semaphore_mem>>) src(%dma_wait3A_902 : memref<1000000x64xf32, #tpu.memory_space<hbm>>) dst(%dma_wait3A_899 : memref<16x64xf32, #tpu.memory_space<vmem>>)
      %mul3A_903 = arith.constant 320 : i32
      %mul3A_904 = arith.muli %add3A_682, %mul3A_903 : i32
      %add3A_905 = arith.addi %mul3A_2, %mul3A_904 : i32
      %dma_start3A_906 = arith.constant 0 : i32
      %dma_start3A_907 = arith.constant 0 : i32
      %dma_start3A_908 = arith.constant 0 : i32
      %dma_start3A_909 = tpu.memref_slice %arg6[%dma_start3A_906, %dma_start3A_907, %dma_start3A_908] : memref<4x320x64xf32, #tpu.memory_space<vmem>> -> memref<1x320x64xf32, #tpu.memory_space<vmem>>
      %dma_start3A_910 = tpu.memref_squeeze %dma_start3A_909 : memref<1x320x64xf32, #tpu.memory_space<vmem>> -> memref<320x64xf32, #tpu.memory_space<vmem>>
      %dma_start3A_911 = arith.constant 0 : i32
      %dma_start3A_912 = tpu.memref_slice %arg4[%add3A_905, %dma_start3A_911] : memref<819200x64xf32, #tpu.memory_space<hbm>> -> memref<320x64xf32, #tpu.memory_space<hbm>>
      %dma_start3A_913 = arith.constant 0 : i32
      %dma_start3A_914 = tpu.memref_slice %arg4[%add3A_905, %dma_start3A_913] : memref<819200x64xf32, #tpu.memory_space<hbm>> -> memref<320x64xf32, #tpu.memory_space<hbm>>
      %dma_start3A_915 = arith.constant 0 : i32
      %dma_start3A_916 = arith.constant 0 : i32
      %dma_start3A_917 = tpu.memref_slice %arg6[%dma_start3A_906, %dma_start3A_915, %dma_start3A_916] : memref<4x320x64xf32, #tpu.memory_space<vmem>> -> memref<1x320x64xf32, #tpu.memory_space<vmem>>
      %dma_start3A_918 = tpu.memref_squeeze %dma_start3A_917 : memref<1x320x64xf32, #tpu.memory_space<vmem>> -> memref<320x64xf32, #tpu.memory_space<vmem>>
      tpu.enqueue_dma source(%dma_start3A_918 : memref<320x64xf32, #tpu.memory_space<vmem>>) target(%dma_start3A_914 : memref<320x64xf32, #tpu.memory_space<hbm>>) target_semaphore(%arg11 : memref<!tpu.dma_semaphore, #tpu.memory_space<semaphore_mem>>)
      %ge3A = arith.constant 1 : i32
      %ge3A_919 = arith.cmpi sge, %add3A_682, %ge3A : i32
      %convert_element_type3A = arith.extui %ge3A_919 : i1 to i32
      %cond3A = arith.constant 0 : i32
      %cond3A_920 = arith.cmpi ne, %convert_element_type3A, %cond3A : i32
      scf.if %cond3A_920 {
        %dma_wait3A_1683 = arith.constant 3 : i32
        %dma_wait3A_1684 = arith.constant 0 : i32
        %dma_wait3A_1685 = arith.constant 0 : i32
        %dma_wait3A_1686 = tpu.memref_slice %arg6[%dma_wait3A_1683, %dma_wait3A_1684, %dma_wait3A_1685] : memref<4x320x64xf32, #tpu.memory_space<vmem>> -> memref<1x320x64xf32, #tpu.memory_space<vmem>>
        %dma_wait3A_1687 = tpu.memref_squeeze %dma_wait3A_1686 : memref<1x320x64xf32, #tpu.memory_space<vmem>> -> memref<320x64xf32, #tpu.memory_space<vmem>>
        %dma_wait3A_1688 = arith.constant 0 : i32
        %dma_wait3A_1689 = tpu.memref_slice %arg4[%mul3A_2, %dma_wait3A_1688] : memref<819200x64xf32, #tpu.memory_space<hbm>> -> memref<320x64xf32, #tpu.memory_space<hbm>>
        %dma_wait3A_1690 = arith.constant 0 : i32
        %dma_wait3A_1691 = tpu.memref_slice %arg4[%mul3A_2, %dma_wait3A_1690] : memref<819200x64xf32, #tpu.memory_space<hbm>> -> memref<320x64xf32, #tpu.memory_space<hbm>>
        %dma_wait3A_1692 = arith.constant 0 : i32
        %dma_wait3A_1693 = arith.constant 0 : i32
        %dma_wait3A_1694 = tpu.memref_slice %arg6[%dma_wait3A_1683, %dma_wait3A_1692, %dma_wait3A_1693] : memref<4x320x64xf32, #tpu.memory_space<vmem>> -> memref<1x320x64xf32, #tpu.memory_space<vmem>>
        %dma_wait3A_1695 = tpu.memref_squeeze %dma_wait3A_1694 : memref<1x320x64xf32, #tpu.memory_space<vmem>> -> memref<320x64xf32, #tpu.memory_space<vmem>>
        tpu.wait_dma2 semaphore(%arg14 : memref<!tpu.dma_semaphore, #tpu.memory_space<semaphore_mem>>) src(%dma_wait3A_1695 : memref<320x64xf32, #tpu.memory_space<vmem>>) dst(%dma_wait3A_1691 : memref<320x64xf32, #tpu.memory_space<hbm>>)
      } else {
      }
      %add3A_921 = arith.constant 3 : i32
      %add3A_922 = arith.addi %add3A_682, %add3A_921 : i32
      %lt3A = arith.constant 80 : i32
      %lt3A_923 = arith.cmpi slt, %add3A_922, %lt3A : i32
      %convert_element_type3A_924 = arith.extui %lt3A_923 : i1 to i32
      %cond3A_925 = arith.constant 0 : i32
      %cond3A_926 = arith.cmpi ne, %convert_element_type3A_924, %cond3A_925 : i32
      scf.if %cond3A_926 {
        %add3A_1683 = arith.constant 3 : i32
        %add3A_1684 = arith.addi %add3A_682, %add3A_1683 : i32
        %mul3A_1685 = arith.constant 320 : i32
        %mul3A_1686 = arith.muli %add3A_1684, %mul3A_1685 : i32
        %add3A_1687 = arith.constant 0 : i32
        %add3A_1688 = arith.addi %mul3A_1686, %add3A_1687 : i32
        %get3A_1689 = arith.index_cast %add3A_1688 : i32 to index
        %get3A_1690 = tpu.vector_load %arg5[%get3A_1689] {strides = array<i32>} : memref<25600xi32, #tpu.memory_space<vmem>>, vector<16xi32>,
        %get3A_1691 = vector.shape_cast %get3A_1690 : vector<16xi32> to vector<16xi32>
        %dma_start3A_1692 = arith.constant 3 : i32
        %dma_start3A_1693 = arith.constant 0 : i32
        %dma_start3A_1694 = arith.constant 0 : i32
        %dma_start3A_1695 = tpu.memref_slice %arg6[%dma_start3A_1692, %dma_start3A_1693, %dma_start3A_1694] : memref<4x320x64xf32, #tpu.memory_space<vmem>> -> memref<1x16x64xf32, #tpu.memory_space<vmem>>
        %dma_start3A_1696 = tpu.memref_squeeze %dma_start3A_1695 : memref<1x16x64xf32, #tpu.memory_space<vmem>> -> memref<16x64xf32, #tpu.memory_space<vmem>>
        %dma_start3A_1697 = arith.constant 0 : i32
        %dma_start3A_1698 = arith.constant 0 : i32
        %dma_start3A_1699 = tpu.memref_slice %arg2[%dma_start3A_1697, %dma_start3A_1698] : memref<1000000x64xf32, #tpu.memory_space<hbm>> -> memref<1000000x64xf32, #tpu.memory_space<hbm>>
        tpu.enqueue_indirect_dma source(%dma_start3A_1699 : memref<1000000x64xf32, #tpu.memory_space<hbm>>) target(%dma_start3A_1696 : memref<16x64xf32, #tpu.memory_space<vmem>>) offsets(%get3A_1691 : vector<16xi32>) semaphore(%arg10 : memref<!tpu.dma_semaphore, #tpu.memory_space<semaphore_mem>>)
        %mul3A_1700 = arith.constant 320 : i32
        %mul3A_1701 = arith.muli %add3A_1684, %mul3A_1700 : i32
        %add3A_1702 = arith.constant 16 : i32
        %add3A_1703 = arith.addi %mul3A_1701, %add3A_1702 : i32
        %get3A_1704 = arith.index_cast %add3A_1703 : i32 to index
        %get3A_1705 = tpu.vector_load %arg5[%get3A_1704] {strides = array<i32>} : memref<25600xi32, #tpu.memory_space<vmem>>, vector<16xi32>,
        %get3A_1706 = vector.shape_cast %get3A_1705 : vector<16xi32> to vector<16xi32>
        %dma_start3A_1707 = arith.constant 3 : i32
        %dma_start3A_1708 = arith.constant 16 : i32
        %dma_start3A_1709 = arith.constant 0 : i32
        %dma_start3A_1710 = tpu.memref_slice %arg6[%dma_start3A_1707, %dma_start3A_1708, %dma_start3A_1709] : memref<4x320x64xf32, #tpu.memory_space<vmem>> -> memref<1x16x64xf32, #tpu.memory_space<vmem>>
        %dma_start3A_1711 = tpu.memref_squeeze %dma_start3A_1710 : memref<1x16x64xf32, #tpu.memory_space<vmem>> -> memref<16x64xf32, #tpu.memory_space<vmem>>
        %dma_start3A_1712 = arith.constant 0 : i32
        %dma_start3A_1713 = arith.constant 0 : i32
        %dma_start3A_1714 = tpu.memref_slice %arg2[%dma_start3A_1712, %dma_start3A_1713] : memref<1000000x64xf32, #tpu.memory_space<hbm>> -> memref<1000000x64xf32, #tpu.memory_space<hbm>>
        tpu.enqueue_indirect_dma source(%dma_start3A_1714 : memref<1000000x64xf32, #tpu.memory_space<hbm>>) target(%dma_start3A_1711 : memref<16x64xf32, #tpu.memory_space<vmem>>) offsets(%get3A_1706 : vector<16xi32>) semaphore(%arg10 : memref<!tpu.dma_semaphore, #tpu.memory_space<semaphore_mem>>)
        %mul3A_1715 = arith.constant 320 : i32
        %mul3A_1716 = arith.muli %add3A_1684, %mul3A_1715 : i32
        %add3A_1717 = arith.constant 32 : i32
        %add3A_1718 = arith.addi %mul3A_1716, %add3A_1717 : i32
        %get3A_1719 = arith.index_cast %add3A_1718 : i32 to index
        %get3A_1720 = tpu.vector_load %arg5[%get3A_1719] {strides = array<i32>} : memref<25600xi32, #tpu.memory_space<vmem>>, vector<16xi32>,
        %get3A_1721 = vector.shape_cast %get3A_1720 : vector<16xi32> to vector<16xi32>
        %dma_start3A_1722 = arith.constant 3 : i32
        %dma_start3A_1723 = arith.constant 32 : i32
        %dma_start3A_1724 = arith.constant 0 : i32
        %dma_start3A_1725 = tpu.memref_slice %arg6[%dma_start3A_1722, %dma_start3A_1723, %dma_start3A_1724] : memref<4x320x64xf32, #tpu.memory_space<vmem>> -> memref<1x16x64xf32, #tpu.memory_space<vmem>>
        %dma_start3A_1726 = tpu.memref_squeeze %dma_start3A_1725 : memref<1x16x64xf32, #tpu.memory_space<vmem>> -> memref<16x64xf32, #tpu.memory_space<vmem>>
        %dma_start3A_1727 = arith.constant 0 : i32
        %dma_start3A_1728 = arith.constant 0 : i32
        %dma_start3A_1729 = tpu.memref_slice %arg2[%dma_start3A_1727, %dma_start3A_1728] : memref<1000000x64xf32, #tpu.memory_space<hbm>> -> memref<1000000x64xf32, #tpu.memory_space<hbm>>
        tpu.enqueue_indirect_dma source(%dma_start3A_1729 : memref<1000000x64xf32, #tpu.memory_space<hbm>>) target(%dma_start3A_1726 : memref<16x64xf32, #tpu.memory_space<vmem>>) offsets(%get3A_1721 : vector<16xi32>) semaphore(%arg10 : memref<!tpu.dma_semaphore, #tpu.memory_space<semaphore_mem>>)
        %mul3A_1730 = arith.constant 320 : i32
        %mul3A_1731 = arith.muli %add3A_1684, %mul3A_1730 : i32
        %add3A_1732 = arith.constant 48 : i32
        %add3A_1733 = arith.addi %mul3A_1731, %add3A_1732 : i32
        %get3A_1734 = arith.index_cast %add3A_1733 : i32 to index
        %get3A_1735 = tpu.vector_load %arg5[%get3A_1734] {strides = array<i32>} : memref<25600xi32, #tpu.memory_space<vmem>>, vector<16xi32>,
        %get3A_1736 = vector.shape_cast %get3A_1735 : vector<16xi32> to vector<16xi32>
        %dma_start3A_1737 = arith.constant 3 : i32
        %dma_start3A_1738 = arith.constant 48 : i32
        %dma_start3A_1739 = arith.constant 0 : i32
        %dma_start3A_1740 = tpu.memref_slice %arg6[%dma_start3A_1737, %dma_start3A_1738, %dma_start3A_1739] : memref<4x320x64xf32, #tpu.memory_space<vmem>> -> memref<1x16x64xf32, #tpu.memory_space<vmem>>
        %dma_start3A_1741 = tpu.memref_squeeze %dma_start3A_1740 : memref<1x16x64xf32, #tpu.memory_space<vmem>> -> memref<16x64xf32, #tpu.memory_space<vmem>>
        %dma_start3A_1742 = arith.constant 0 : i32
        %dma_start3A_1743 = arith.constant 0 : i32
        %dma_start3A_1744 = tpu.memref_slice %arg2[%dma_start3A_1742, %dma_start3A_1743] : memref<1000000x64xf32, #tpu.memory_space<hbm>> -> memref<1000000x64xf32, #tpu.memory_space<hbm>>
        tpu.enqueue_indirect_dma source(%dma_start3A_1744 : memref<1000000x64xf32, #tpu.memory_space<hbm>>) target(%dma_start3A_1741 : memref<16x64xf32, #tpu.memory_space<vmem>>) offsets(%get3A_1736 : vector<16xi32>) semaphore(%arg10 : memref<!tpu.dma_semaphore, #tpu.memory_space<semaphore_mem>>)
        %mul3A_1745 = arith.constant 320 : i32
        %mul3A_1746 = arith.muli %add3A_1684, %mul3A_1745 : i32
        %add3A_1747 = arith.constant 64 : i32
        %add3A_1748 = arith.addi %mul3A_1746, %add3A_1747 : i32
        %get3A_1749 = arith.index_cast %add3A_1748 : i32 to index
        %get3A_1750 = tpu.vector_load %arg5[%get3A_1749] {strides = array<i32>} : memref<25600xi32, #tpu.memory_space<vmem>>, vector<16xi32>,
        %get3A_1751 = vector.shape_cast %get3A_1750 : vector<16xi32> to vector<16xi32>
        %dma_start3A_1752 = arith.constant 3 : i32
        %dma_start3A_1753 = arith.constant 64 : i32
        %dma_start3A_1754 = arith.constant 0 : i32
        %dma_start3A_1755 = tpu.memref_slice %arg6[%dma_start3A_1752, %dma_start3A_1753, %dma_start3A_1754] : memref<4x320x64xf32, #tpu.memory_space<vmem>> -> memref<1x16x64xf32, #tpu.memory_space<vmem>>
        %dma_start3A_1756 = tpu.memref_squeeze %dma_start3A_1755 : memref<1x16x64xf32, #tpu.memory_space<vmem>> -> memref<16x64xf32, #tpu.memory_space<vmem>>
        %dma_start3A_1757 = arith.constant 0 : i32
        %dma_start3A_1758 = arith.constant 0 : i32
        %dma_start3A_1759 = tpu.memref_slice %arg2[%dma_start3A_1757, %dma_start3A_1758] : memref<1000000x64xf32, #tpu.memory_space<hbm>> -> memref<1000000x64xf32, #tpu.memory_space<hbm>>
        tpu.enqueue_indirect_dma source(%dma_start3A_1759 : memref<1000000x64xf32, #tpu.memory_space<hbm>>) target(%dma_start3A_1756 : memref<16x64xf32, #tpu.memory_space<vmem>>) offsets(%get3A_1751 : vector<16xi32>) semaphore(%arg10 : memref<!tpu.dma_semaphore, #tpu.memory_space<semaphore_mem>>)
        %mul3A_1760 = arith.constant 320 : i32
        %mul3A_1761 = arith.muli %add3A_1684, %mul3A_1760 : i32
        %add3A_1762 = arith.constant 80 : i32
        %add3A_1763 = arith.addi %mul3A_1761, %add3A_1762 : i32
        %get3A_1764 = arith.index_cast %add3A_1763 : i32 to index
        %get3A_1765 = tpu.vector_load %arg5[%get3A_1764] {strides = array<i32>} : memref<25600xi32, #tpu.memory_space<vmem>>, vector<16xi32>,
        %get3A_1766 = vector.shape_cast %get3A_1765 : vector<16xi32> to vector<16xi32>
        %dma_start3A_1767 = arith.constant 3 : i32
        %dma_start3A_1768 = arith.constant 80 : i32
        %dma_start3A_1769 = arith.constant 0 : i32
        %dma_start3A_1770 = tpu.memref_slice %arg6[%dma_start3A_1767, %dma_start3A_1768, %dma_start3A_1769] : memref<4x320x64xf32, #tpu.memory_space<vmem>> -> memref<1x16x64xf32, #tpu.memory_space<vmem>>
        %dma_start3A_1771 = tpu.memref_squeeze %dma_start3A_1770 : memref<1x16x64xf32, #tpu.memory_space<vmem>> -> memref<16x64xf32, #tpu.memory_space<vmem>>
        %dma_start3A_1772 = arith.constant 0 : i32
        %dma_start3A_1773 = arith.constant 0 : i32
        %dma_start3A_1774 = tpu.memref_slice %arg2[%dma_start3A_1772, %dma_start3A_1773] : memref<1000000x64xf32, #tpu.memory_space<hbm>> -> memref<1000000x64xf32, #tpu.memory_space<hbm>>
        tpu.enqueue_indirect_dma source(%dma_start3A_1774 : memref<1000000x64xf32, #tpu.memory_space<hbm>>) target(%dma_start3A_1771 : memref<16x64xf32, #tpu.memory_space<vmem>>) offsets(%get3A_1766 : vector<16xi32>) semaphore(%arg10 : memref<!tpu.dma_semaphore, #tpu.memory_space<semaphore_mem>>)
        %mul3A_1775 = arith.constant 320 : i32
        %mul3A_1776 = arith.muli %add3A_1684, %mul3A_1775 : i32
        %add3A_1777 = arith.constant 96 : i32
        %add3A_1778 = arith.addi %mul3A_1776, %add3A_1777 : i32
        %get3A_1779 = arith.index_cast %add3A_1778 : i32 to index
        %get3A_1780 = tpu.vector_load %arg5[%get3A_1779] {strides = array<i32>} : memref<25600xi32, #tpu.memory_space<vmem>>, vector<16xi32>,
        %get3A_1781 = vector.shape_cast %get3A_1780 : vector<16xi32> to vector<16xi32>
        %dma_start3A_1782 = arith.constant 3 : i32
        %dma_start3A_1783 = arith.constant 96 : i32
        %dma_start3A_1784 = arith.constant 0 : i32
        %dma_start3A_1785 = tpu.memref_slice %arg6[%dma_start3A_1782, %dma_start3A_1783, %dma_start3A_1784] : memref<4x320x64xf32, #tpu.memory_space<vmem>> -> memref<1x16x64xf32, #tpu.memory_space<vmem>>
        %dma_start3A_1786 = tpu.memref_squeeze %dma_start3A_1785 : memref<1x16x64xf32, #tpu.memory_space<vmem>> -> memref<16x64xf32, #tpu.memory_space<vmem>>
        %dma_start3A_1787 = arith.constant 0 : i32
        %dma_start3A_1788 = arith.constant 0 : i32
        %dma_start3A_1789 = tpu.memref_slice %arg2[%dma_start3A_1787, %dma_start3A_1788] : memref<1000000x64xf32, #tpu.memory_space<hbm>> -> memref<1000000x64xf32, #tpu.memory_space<hbm>>
        tpu.enqueue_indirect_dma source(%dma_start3A_1789 : memref<1000000x64xf32, #tpu.memory_space<hbm>>) target(%dma_start3A_1786 : memref<16x64xf32, #tpu.memory_space<vmem>>) offsets(%get3A_1781 : vector<16xi32>) semaphore(%arg10 : memref<!tpu.dma_semaphore, #tpu.memory_space<semaphore_mem>>)
        %mul3A_1790 = arith.constant 320 : i32
        %mul3A_1791 = arith.muli %add3A_1684, %mul3A_1790 : i32
        %add3A_1792 = arith.constant 112 : i32
        %add3A_1793 = arith.addi %mul3A_1791, %add3A_1792 : i32
        %get3A_1794 = arith.index_cast %add3A_1793 : i32 to index
        %get3A_1795 = tpu.vector_load %arg5[%get3A_1794] {strides = array<i32>} : memref<25600xi32, #tpu.memory_space<vmem>>, vector<16xi32>,
        %get3A_1796 = vector.shape_cast %get3A_1795 : vector<16xi32> to vector<16xi32>
        %dma_start3A_1797 = arith.constant 3 : i32
        %dma_start3A_1798 = arith.constant 112 : i32
        %dma_start3A_1799 = arith.constant 0 : i32
        %dma_start3A_1800 = tpu.memref_slice %arg6[%dma_start3A_1797, %dma_start3A_1798, %dma_start3A_1799] : memref<4x320x64xf32, #tpu.memory_space<vmem>> -> memref<1x16x64xf32, #tpu.memory_space<vmem>>
        %dma_start3A_1801 = tpu.memref_squeeze %dma_start3A_1800 : memref<1x16x64xf32, #tpu.memory_space<vmem>> -> memref<16x64xf32, #tpu.memory_space<vmem>>
        %dma_start3A_1802 = arith.constant 0 : i32
        %dma_start3A_1803 = arith.constant 0 : i32
        %dma_start3A_1804 = tpu.memref_slice %arg2[%dma_start3A_1802, %dma_start3A_1803] : memref<1000000x64xf32, #tpu.memory_space<hbm>> -> memref<1000000x64xf32, #tpu.memory_space<hbm>>
        tpu.enqueue_indirect_dma source(%dma_start3A_1804 : memref<1000000x64xf32, #tpu.memory_space<hbm>>) target(%dma_start3A_1801 : memref<16x64xf32, #tpu.memory_space<vmem>>) offsets(%get3A_1796 : vector<16xi32>) semaphore(%arg10 : memref<!tpu.dma_semaphore, #tpu.memory_space<semaphore_mem>>)
        %mul3A_1805 = arith.constant 320 : i32
        %mul3A_1806 = arith.muli %add3A_1684, %mul3A_1805 : i32
        %add3A_1807 = arith.constant 128 : i32
        %add3A_1808 = arith.addi %mul3A_1806, %add3A_1807 : i32
        %get3A_1809 = arith.index_cast %add3A_1808 : i32 to index
        %get3A_1810 = tpu.vector_load %arg5[%get3A_1809] {strides = array<i32>} : memref<25600xi32, #tpu.memory_space<vmem>>, vector<16xi32>,
        %get3A_1811 = vector.shape_cast %get3A_1810 : vector<16xi32> to vector<16xi32>
        %dma_start3A_1812 = arith.constant 3 : i32
        %dma_start3A_1813 = arith.constant 128 : i32
        %dma_start3A_1814 = arith.constant 0 : i32
        %dma_start3A_1815 = tpu.memref_slice %arg6[%dma_start3A_1812, %dma_start3A_1813, %dma_start3A_1814] : memref<4x320x64xf32, #tpu.memory_space<vmem>> -> memref<1x16x64xf32, #tpu.memory_space<vmem>>
        %dma_start3A_1816 = tpu.memref_squeeze %dma_start3A_1815 : memref<1x16x64xf32, #tpu.memory_space<vmem>> -> memref<16x64xf32, #tpu.memory_space<vmem>>
        %dma_start3A_1817 = arith.constant 0 : i32
        %dma_start3A_1818 = arith.constant 0 : i32
        %dma_start3A_1819 = tpu.memref_slice %arg2[%dma_start3A_1817, %dma_start3A_1818] : memref<1000000x64xf32, #tpu.memory_space<hbm>> -> memref<1000000x64xf32, #tpu.memory_space<hbm>>
        tpu.enqueue_indirect_dma source(%dma_start3A_1819 : memref<1000000x64xf32, #tpu.memory_space<hbm>>) target(%dma_start3A_1816 : memref<16x64xf32, #tpu.memory_space<vmem>>) offsets(%get3A_1811 : vector<16xi32>) semaphore(%arg10 : memref<!tpu.dma_semaphore, #tpu.memory_space<semaphore_mem>>)
        %mul3A_1820 = arith.constant 320 : i32
        %mul3A_1821 = arith.muli %add3A_1684, %mul3A_1820 : i32
        %add3A_1822 = arith.constant 144 : i32
        %add3A_1823 = arith.addi %mul3A_1821, %add3A_1822 : i32
        %get3A_1824 = arith.index_cast %add3A_1823 : i32 to index
        %get3A_1825 = tpu.vector_load %arg5[%get3A_1824] {strides = array<i32>} : memref<25600xi32, #tpu.memory_space<vmem>>, vector<16xi32>,
        %get3A_1826 = vector.shape_cast %get3A_1825 : vector<16xi32> to vector<16xi32>
        %dma_start3A_1827 = arith.constant 3 : i32
        %dma_start3A_1828 = arith.constant 144 : i32
        %dma_start3A_1829 = arith.constant 0 : i32
        %dma_start3A_1830 = tpu.memref_slice %arg6[%dma_start3A_1827, %dma_start3A_1828, %dma_start3A_1829] : memref<4x320x64xf32, #tpu.memory_space<vmem>> -> memref<1x16x64xf32, #tpu.memory_space<vmem>>
        %dma_start3A_1831 = tpu.memref_squeeze %dma_start3A_1830 : memref<1x16x64xf32, #tpu.memory_space<vmem>> -> memref<16x64xf32, #tpu.memory_space<vmem>>
        %dma_start3A_1832 = arith.constant 0 : i32
        %dma_start3A_1833 = arith.constant 0 : i32
        %dma_start3A_1834 = tpu.memref_slice %arg2[%dma_start3A_1832, %dma_start3A_1833] : memref<1000000x64xf32, #tpu.memory_space<hbm>> -> memref<1000000x64xf32, #tpu.memory_space<hbm>>
        tpu.enqueue_indirect_dma source(%dma_start3A_1834 : memref<1000000x64xf32, #tpu.memory_space<hbm>>) target(%dma_start3A_1831 : memref<16x64xf32, #tpu.memory_space<vmem>>) offsets(%get3A_1826 : vector<16xi32>) semaphore(%arg10 : memref<!tpu.dma_semaphore, #tpu.memory_space<semaphore_mem>>)
        %mul3A_1835 = arith.constant 320 : i32
        %mul3A_1836 = arith.muli %add3A_1684, %mul3A_1835 : i32
        %add3A_1837 = arith.constant 160 : i32
        %add3A_1838 = arith.addi %mul3A_1836, %add3A_1837 : i32
        %get3A_1839 = arith.index_cast %add3A_1838 : i32 to index
        %get3A_1840 = tpu.vector_load %arg5[%get3A_1839] {strides = array<i32>} : memref<25600xi32, #tpu.memory_space<vmem>>, vector<16xi32>,
        %get3A_1841 = vector.shape_cast %get3A_1840 : vector<16xi32> to vector<16xi32>
        %dma_start3A_1842 = arith.constant 3 : i32
        %dma_start3A_1843 = arith.constant 160 : i32
        %dma_start3A_1844 = arith.constant 0 : i32
        %dma_start3A_1845 = tpu.memref_slice %arg6[%dma_start3A_1842, %dma_start3A_1843, %dma_start3A_1844] : memref<4x320x64xf32, #tpu.memory_space<vmem>> -> memref<1x16x64xf32, #tpu.memory_space<vmem>>
        %dma_start3A_1846 = tpu.memref_squeeze %dma_start3A_1845 : memref<1x16x64xf32, #tpu.memory_space<vmem>> -> memref<16x64xf32, #tpu.memory_space<vmem>>
        %dma_start3A_1847 = arith.constant 0 : i32
        %dma_start3A_1848 = arith.constant 0 : i32
        %dma_start3A_1849 = tpu.memref_slice %arg2[%dma_start3A_1847, %dma_start3A_1848] : memref<1000000x64xf32, #tpu.memory_space<hbm>> -> memref<1000000x64xf32, #tpu.memory_space<hbm>>
        tpu.enqueue_indirect_dma source(%dma_start3A_1849 : memref<1000000x64xf32, #tpu.memory_space<hbm>>) target(%dma_start3A_1846 : memref<16x64xf32, #tpu.memory_space<vmem>>) offsets(%get3A_1841 : vector<16xi32>) semaphore(%arg10 : memref<!tpu.dma_semaphore, #tpu.memory_space<semaphore_mem>>)
        %mul3A_1850 = arith.constant 320 : i32
        %mul3A_1851 = arith.muli %add3A_1684, %mul3A_1850 : i32
        %add3A_1852 = arith.constant 176 : i32
        %add3A_1853 = arith.addi %mul3A_1851, %add3A_1852 : i32
        %get3A_1854 = arith.index_cast %add3A_1853 : i32 to index
        %get3A_1855 = tpu.vector_load %arg5[%get3A_1854] {strides = array<i32>} : memref<25600xi32, #tpu.memory_space<vmem>>, vector<16xi32>,
        %get3A_1856 = vector.shape_cast %get3A_1855 : vector<16xi32> to vector<16xi32>
        %dma_start3A_1857 = arith.constant 3 : i32
        %dma_start3A_1858 = arith.constant 176 : i32
        %dma_start3A_1859 = arith.constant 0 : i32
        %dma_start3A_1860 = tpu.memref_slice %arg6[%dma_start3A_1857, %dma_start3A_1858, %dma_start3A_1859] : memref<4x320x64xf32, #tpu.memory_space<vmem>> -> memref<1x16x64xf32, #tpu.memory_space<vmem>>
        %dma_start3A_1861 = tpu.memref_squeeze %dma_start3A_1860 : memref<1x16x64xf32, #tpu.memory_space<vmem>> -> memref<16x64xf32, #tpu.memory_space<vmem>>
        %dma_start3A_1862 = arith.constant 0 : i32
        %dma_start3A_1863 = arith.constant 0 : i32
        %dma_start3A_1864 = tpu.memref_slice %arg2[%dma_start3A_1862, %dma_start3A_1863] : memref<1000000x64xf32, #tpu.memory_space<hbm>> -> memref<1000000x64xf32, #tpu.memory_space<hbm>>
        tpu.enqueue_indirect_dma source(%dma_start3A_1864 : memref<1000000x64xf32, #tpu.memory_space<hbm>>) target(%dma_start3A_1861 : memref<16x64xf32, #tpu.memory_space<vmem>>) offsets(%get3A_1856 : vector<16xi32>) semaphore(%arg10 : memref<!tpu.dma_semaphore, #tpu.memory_space<semaphore_mem>>)
        %mul3A_1865 = arith.constant 320 : i32
        %mul3A_1866 = arith.muli %add3A_1684, %mul3A_1865 : i32
        %add3A_1867 = arith.constant 192 : i32
        %add3A_1868 = arith.addi %mul3A_1866, %add3A_1867 : i32
        %get3A_1869 = arith.index_cast %add3A_1868 : i32 to index
        %get3A_1870 = tpu.vector_load %arg5[%get3A_1869] {strides = array<i32>} : memref<25600xi32, #tpu.memory_space<vmem>>, vector<16xi32>,
        %get3A_1871 = vector.shape_cast %get3A_1870 : vector<16xi32> to vector<16xi32>
        %dma_start3A_1872 = arith.constant 3 : i32
        %dma_start3A_1873 = arith.constant 192 : i32
        %dma_start3A_1874 = arith.constant 0 : i32
        %dma_start3A_1875 = tpu.memref_slice %arg6[%dma_start3A_1872, %dma_start3A_1873, %dma_start3A_1874] : memref<4x320x64xf32, #tpu.memory_space<vmem>> -> memref<1x16x64xf32, #tpu.memory_space<vmem>>
        %dma_start3A_1876 = tpu.memref_squeeze %dma_start3A_1875 : memref<1x16x64xf32, #tpu.memory_space<vmem>> -> memref<16x64xf32, #tpu.memory_space<vmem>>
        %dma_start3A_1877 = arith.constant 0 : i32
        %dma_start3A_1878 = arith.constant 0 : i32
        %dma_start3A_1879 = tpu.memref_slice %arg2[%dma_start3A_1877, %dma_start3A_1878] : memref<1000000x64xf32, #tpu.memory_space<hbm>> -> memref<1000000x64xf32, #tpu.memory_space<hbm>>
        tpu.enqueue_indirect_dma source(%dma_start3A_1879 : memref<1000000x64xf32, #tpu.memory_space<hbm>>) target(%dma_start3A_1876 : memref<16x64xf32, #tpu.memory_space<vmem>>) offsets(%get3A_1871 : vector<16xi32>) semaphore(%arg10 : memref<!tpu.dma_semaphore, #tpu.memory_space<semaphore_mem>>)
        %mul3A_1880 = arith.constant 320 : i32
        %mul3A_1881 = arith.muli %add3A_1684, %mul3A_1880 : i32
        %add3A_1882 = arith.constant 208 : i32
        %add3A_1883 = arith.addi %mul3A_1881, %add3A_1882 : i32
        %get3A_1884 = arith.index_cast %add3A_1883 : i32 to index
        %get3A_1885 = tpu.vector_load %arg5[%get3A_1884] {strides = array<i32>} : memref<25600xi32, #tpu.memory_space<vmem>>, vector<16xi32>,
        %get3A_1886 = vector.shape_cast %get3A_1885 : vector<16xi32> to vector<16xi32>
        %dma_start3A_1887 = arith.constant 3 : i32
        %dma_start3A_1888 = arith.constant 208 : i32
        %dma_start3A_1889 = arith.constant 0 : i32
        %dma_start3A_1890 = tpu.memref_slice %arg6[%dma_start3A_1887, %dma_start3A_1888, %dma_start3A_1889] : memref<4x320x64xf32, #tpu.memory_space<vmem>> -> memref<1x16x64xf32, #tpu.memory_space<vmem>>
        %dma_start3A_1891 = tpu.memref_squeeze %dma_start3A_1890 : memref<1x16x64xf32, #tpu.memory_space<vmem>> -> memref<16x64xf32, #tpu.memory_space<vmem>>
        %dma_start3A_1892 = arith.constant 0 : i32
        %dma_start3A_1893 = arith.constant 0 : i32
        %dma_start3A_1894 = tpu.memref_slice %arg2[%dma_start3A_1892, %dma_start3A_1893] : memref<1000000x64xf32, #tpu.memory_space<hbm>> -> memref<1000000x64xf32, #tpu.memory_space<hbm>>
        tpu.enqueue_indirect_dma source(%dma_start3A_1894 : memref<1000000x64xf32, #tpu.memory_space<hbm>>) target(%dma_start3A_1891 : memref<16x64xf32, #tpu.memory_space<vmem>>) offsets(%get3A_1886 : vector<16xi32>) semaphore(%arg10 : memref<!tpu.dma_semaphore, #tpu.memory_space<semaphore_mem>>)
        %mul3A_1895 = arith.constant 320 : i32
        %mul3A_1896 = arith.muli %add3A_1684, %mul3A_1895 : i32
        %add3A_1897 = arith.constant 224 : i32
        %add3A_1898 = arith.addi %mul3A_1896, %add3A_1897 : i32
        %get3A_1899 = arith.index_cast %add3A_1898 : i32 to index
        %get3A_1900 = tpu.vector_load %arg5[%get3A_1899] {strides = array<i32>} : memref<25600xi32, #tpu.memory_space<vmem>>, vector<16xi32>,
        %get3A_1901 = vector.shape_cast %get3A_1900 : vector<16xi32> to vector<16xi32>
        %dma_start3A_1902 = arith.constant 3 : i32
        %dma_start3A_1903 = arith.constant 224 : i32
        %dma_start3A_1904 = arith.constant 0 : i32
        %dma_start3A_1905 = tpu.memref_slice %arg6[%dma_start3A_1902, %dma_start3A_1903, %dma_start3A_1904] : memref<4x320x64xf32, #tpu.memory_space<vmem>> -> memref<1x16x64xf32, #tpu.memory_space<vmem>>
        %dma_start3A_1906 = tpu.memref_squeeze %dma_start3A_1905 : memref<1x16x64xf32, #tpu.memory_space<vmem>> -> memref<16x64xf32, #tpu.memory_space<vmem>>
        %dma_start3A_1907 = arith.constant 0 : i32
        %dma_start3A_1908 = arith.constant 0 : i32
        %dma_start3A_1909 = tpu.memref_slice %arg2[%dma_start3A_1907, %dma_start3A_1908] : memref<1000000x64xf32, #tpu.memory_space<hbm>> -> memref<1000000x64xf32, #tpu.memory_space<hbm>>
        tpu.enqueue_indirect_dma source(%dma_start3A_1909 : memref<1000000x64xf32, #tpu.memory_space<hbm>>) target(%dma_start3A_1906 : memref<16x64xf32, #tpu.memory_space<vmem>>) offsets(%get3A_1901 : vector<16xi32>) semaphore(%arg10 : memref<!tpu.dma_semaphore, #tpu.memory_space<semaphore_mem>>)
        %mul3A_1910 = arith.constant 320 : i32
        %mul3A_1911 = arith.muli %add3A_1684, %mul3A_1910 : i32
        %add3A_1912 = arith.constant 240 : i32
        %add3A_1913 = arith.addi %mul3A_1911, %add3A_1912 : i32
        %get3A_1914 = arith.index_cast %add3A_1913 : i32 to index
        %get3A_1915 = tpu.vector_load %arg5[%get3A_1914] {strides = array<i32>} : memref<25600xi32, #tpu.memory_space<vmem>>, vector<16xi32>,
        %get3A_1916 = vector.shape_cast %get3A_1915 : vector<16xi32> to vector<16xi32>
        %dma_start3A_1917 = arith.constant 3 : i32
        %dma_start3A_1918 = arith.constant 240 : i32
        %dma_start3A_1919 = arith.constant 0 : i32
        %dma_start3A_1920 = tpu.memref_slice %arg6[%dma_start3A_1917, %dma_start3A_1918, %dma_start3A_1919] : memref<4x320x64xf32, #tpu.memory_space<vmem>> -> memref<1x16x64xf32, #tpu.memory_space<vmem>>
        %dma_start3A_1921 = tpu.memref_squeeze %dma_start3A_1920 : memref<1x16x64xf32, #tpu.memory_space<vmem>> -> memref<16x64xf32, #tpu.memory_space<vmem>>
        %dma_start3A_1922 = arith.constant 0 : i32
        %dma_start3A_1923 = arith.constant 0 : i32
        %dma_start3A_1924 = tpu.memref_slice %arg2[%dma_start3A_1922, %dma_start3A_1923] : memref<1000000x64xf32, #tpu.memory_space<hbm>> -> memref<1000000x64xf32, #tpu.memory_space<hbm>>
        tpu.enqueue_indirect_dma source(%dma_start3A_1924 : memref<1000000x64xf32, #tpu.memory_space<hbm>>) target(%dma_start3A_1921 : memref<16x64xf32, #tpu.memory_space<vmem>>) offsets(%get3A_1916 : vector<16xi32>) semaphore(%arg10 : memref<!tpu.dma_semaphore, #tpu.memory_space<semaphore_mem>>)
        %mul3A_1925 = arith.constant 320 : i32
        %mul3A_1926 = arith.muli %add3A_1684, %mul3A_1925 : i32
        %add3A_1927 = arith.constant 256 : i32
        %add3A_1928 = arith.addi %mul3A_1926, %add3A_1927 : i32
        %get3A_1929 = arith.index_cast %add3A_1928 : i32 to index
        %get3A_1930 = tpu.vector_load %arg5[%get3A_1929] {strides = array<i32>} : memref<25600xi32, #tpu.memory_space<vmem>>, vector<16xi32>,
        %get3A_1931 = vector.shape_cast %get3A_1930 : vector<16xi32> to vector<16xi32>
        %dma_start3A_1932 = arith.constant 3 : i32
        %dma_start3A_1933 = arith.constant 256 : i32
        %dma_start3A_1934 = arith.constant 0 : i32
        %dma_start3A_1935 = tpu.memref_slice %arg6[%dma_start3A_1932, %dma_start3A_1933, %dma_start3A_1934] : memref<4x320x64xf32, #tpu.memory_space<vmem>> -> memref<1x16x64xf32, #tpu.memory_space<vmem>>
        %dma_start3A_1936 = tpu.memref_squeeze %dma_start3A_1935 : memref<1x16x64xf32, #tpu.memory_space<vmem>> -> memref<16x64xf32, #tpu.memory_space<vmem>>
        %dma_start3A_1937 = arith.constant 0 : i32
        %dma_start3A_1938 = arith.constant 0 : i32
        %dma_start3A_1939 = tpu.memref_slice %arg2[%dma_start3A_1937, %dma_start3A_1938] : memref<1000000x64xf32, #tpu.memory_space<hbm>> -> memref<1000000x64xf32, #tpu.memory_space<hbm>>
        tpu.enqueue_indirect_dma source(%dma_start3A_1939 : memref<1000000x64xf32, #tpu.memory_space<hbm>>) target(%dma_start3A_1936 : memref<16x64xf32, #tpu.memory_space<vmem>>) offsets(%get3A_1931 : vector<16xi32>) semaphore(%arg10 : memref<!tpu.dma_semaphore, #tpu.memory_space<semaphore_mem>>)
        %mul3A_1940 = arith.constant 320 : i32
        %mul3A_1941 = arith.muli %add3A_1684, %mul3A_1940 : i32
        %add3A_1942 = arith.constant 272 : i32
        %add3A_1943 = arith.addi %mul3A_1941, %add3A_1942 : i32
        %get3A_1944 = arith.index_cast %add3A_1943 : i32 to index
        %get3A_1945 = tpu.vector_load %arg5[%get3A_1944] {strides = array<i32>} : memref<25600xi32, #tpu.memory_space<vmem>>, vector<16xi32>,
        %get3A_1946 = vector.shape_cast %get3A_1945 : vector<16xi32> to vector<16xi32>
        %dma_start3A_1947 = arith.constant 3 : i32
        %dma_start3A_1948 = arith.constant 272 : i32
        %dma_start3A_1949 = arith.constant 0 : i32
        %dma_start3A_1950 = tpu.memref_slice %arg6[%dma_start3A_1947, %dma_start3A_1948, %dma_start3A_1949] : memref<4x320x64xf32, #tpu.memory_space<vmem>> -> memref<1x16x64xf32, #tpu.memory_space<vmem>>
        %dma_start3A_1951 = tpu.memref_squeeze %dma_start3A_1950 : memref<1x16x64xf32, #tpu.memory_space<vmem>> -> memref<16x64xf32, #tpu.memory_space<vmem>>
        %dma_start3A_1952 = arith.constant 0 : i32
        %dma_start3A_1953 = arith.constant 0 : i32
        %dma_start3A_1954 = tpu.memref_slice %arg2[%dma_start3A_1952, %dma_start3A_1953] : memref<1000000x64xf32, #tpu.memory_space<hbm>> -> memref<1000000x64xf32, #tpu.memory_space<hbm>>
        tpu.enqueue_indirect_dma source(%dma_start3A_1954 : memref<1000000x64xf32, #tpu.memory_space<hbm>>) target(%dma_start3A_1951 : memref<16x64xf32, #tpu.memory_space<vmem>>) offsets(%get3A_1946 : vector<16xi32>) semaphore(%arg10 : memref<!tpu.dma_semaphore, #tpu.memory_space<semaphore_mem>>)
        %mul3A_1955 = arith.constant 320 : i32
        %mul3A_1956 = arith.muli %add3A_1684, %mul3A_1955 : i32
        %add3A_1957 = arith.constant 288 : i32
        %add3A_1958 = arith.addi %mul3A_1956, %add3A_1957 : i32
        %get3A_1959 = arith.index_cast %add3A_1958 : i32 to index
        %get3A_1960 = tpu.vector_load %arg5[%get3A_1959] {strides = array<i32>} : memref<25600xi32, #tpu.memory_space<vmem>>, vector<16xi32>,
        %get3A_1961 = vector.shape_cast %get3A_1960 : vector<16xi32> to vector<16xi32>
        %dma_start3A_1962 = arith.constant 3 : i32
        %dma_start3A_1963 = arith.constant 288 : i32
        %dma_start3A_1964 = arith.constant 0 : i32
        %dma_start3A_1965 = tpu.memref_slice %arg6[%dma_start3A_1962, %dma_start3A_1963, %dma_start3A_1964] : memref<4x320x64xf32, #tpu.memory_space<vmem>> -> memref<1x16x64xf32, #tpu.memory_space<vmem>>
        %dma_start3A_1966 = tpu.memref_squeeze %dma_start3A_1965 : memref<1x16x64xf32, #tpu.memory_space<vmem>> -> memref<16x64xf32, #tpu.memory_space<vmem>>
        %dma_start3A_1967 = arith.constant 0 : i32
        %dma_start3A_1968 = arith.constant 0 : i32
        %dma_start3A_1969 = tpu.memref_slice %arg2[%dma_start3A_1967, %dma_start3A_1968] : memref<1000000x64xf32, #tpu.memory_space<hbm>> -> memref<1000000x64xf32, #tpu.memory_space<hbm>>
        tpu.enqueue_indirect_dma source(%dma_start3A_1969 : memref<1000000x64xf32, #tpu.memory_space<hbm>>) target(%dma_start3A_1966 : memref<16x64xf32, #tpu.memory_space<vmem>>) offsets(%get3A_1961 : vector<16xi32>) semaphore(%arg10 : memref<!tpu.dma_semaphore, #tpu.memory_space<semaphore_mem>>)
        %mul3A_1970 = arith.constant 320 : i32
        %mul3A_1971 = arith.muli %add3A_1684, %mul3A_1970 : i32
        %add3A_1972 = arith.constant 304 : i32
        %add3A_1973 = arith.addi %mul3A_1971, %add3A_1972 : i32
        %get3A_1974 = arith.index_cast %add3A_1973 : i32 to index
        %get3A_1975 = tpu.vector_load %arg5[%get3A_1974] {strides = array<i32>} : memref<25600xi32, #tpu.memory_space<vmem>>, vector<16xi32>,
        %get3A_1976 = vector.shape_cast %get3A_1975 : vector<16xi32> to vector<16xi32>
        %dma_start3A_1977 = arith.constant 3 : i32
        %dma_start3A_1978 = arith.constant 304 : i32
        %dma_start3A_1979 = arith.constant 0 : i32
        %dma_start3A_1980 = tpu.memref_slice %arg6[%dma_start3A_1977, %dma_start3A_1978, %dma_start3A_1979] : memref<4x320x64xf32, #tpu.memory_space<vmem>> -> memref<1x16x64xf32, #tpu.memory_space<vmem>>
        %dma_start3A_1981 = tpu.memref_squeeze %dma_start3A_1980 : memref<1x16x64xf32, #tpu.memory_space<vmem>> -> memref<16x64xf32, #tpu.memory_space<vmem>>
        %dma_start3A_1982 = arith.constant 0 : i32
        %dma_start3A_1983 = arith.constant 0 : i32
        %dma_start3A_1984 = tpu.memref_slice %arg2[%dma_start3A_1982, %dma_start3A_1983] : memref<1000000x64xf32, #tpu.memory_space<hbm>> -> memref<1000000x64xf32, #tpu.memory_space<hbm>>
        tpu.enqueue_indirect_dma source(%dma_start3A_1984 : memref<1000000x64xf32, #tpu.memory_space<hbm>>) target(%dma_start3A_1981 : memref<16x64xf32, #tpu.memory_space<vmem>>) offsets(%get3A_1976 : vector<16xi32>) semaphore(%arg10 : memref<!tpu.dma_semaphore, #tpu.memory_space<semaphore_mem>>)
      } else {
      }
      %mul3A_927 = arith.constant 4 : i32
      %mul3A_928 = arith.muli %scan3A_678, %mul3A_927 : i32
      %add3A_929 = arith.constant 1 : i32
      %add3A_930 = arith.addi %mul3A_928, %add3A_929 : i32
      %get3A_931 = arith.constant 0 : index
      %get3A_932 = tpu.vector_load %arg5[%get3A_931] {strides = array<i32>} : memref<25600xi32, #tpu.memory_space<vmem>>, vector<16xi32>,
      %get3A_933 = vector.shape_cast %get3A_932 : vector<16xi32> to vector<16xi32>
      %dma_wait3A_934 = arith.constant 1 : i32
      %dma_wait3A_935 = arith.constant 0 : i32
      %dma_wait3A_936 = arith.constant 0 : i32
      %dma_wait3A_937 = tpu.memref_slice %arg6[%dma_wait3A_934, %dma_wait3A_935, %dma_wait3A_936] : memref<4x320x64xf32, #tpu.memory_space<vmem>> -> memref<1x16x64xf32, #tpu.memory_space<vmem>>
      %dma_wait3A_938 = tpu.memref_squeeze %dma_wait3A_937 : memref<1x16x64xf32, #tpu.memory_space<vmem>> -> memref<16x64xf32, #tpu.memory_space<vmem>>
      %dma_wait3A_939 = arith.constant 0 : i32
      %dma_wait3A_940 = arith.constant 0 : i32
      %dma_wait3A_941 = tpu.memref_slice %arg2[%dma_wait3A_939, %dma_wait3A_940] : memref<1000000x64xf32, #tpu.memory_space<hbm>> -> memref<1000000x64xf32, #tpu.memory_space<hbm>>
      tpu.wait_indirect_dma semaphore(%arg8 : memref<!tpu.dma_semaphore, #tpu.memory_space<semaphore_mem>>) src(%dma_wait3A_941 : memref<1000000x64xf32, #tpu.memory_space<hbm>>) dst(%dma_wait3A_938 : memref<16x64xf32, #tpu.memory_space<vmem>>)
      %get3A_942 = arith.constant 16 : index
      %get3A_943 = tpu.vector_load %arg5[%get3A_942] {strides = array<i32>} : memref<25600xi32, #tpu.memory_space<vmem>>, vector<16xi32>,
      %get3A_944 = vector.shape_cast %get3A_943 : vector<16xi32> to vector<16xi32>
      %dma_wait3A_945 = arith.constant 1 : i32
      %dma_wait3A_946 = arith.constant 16 : i32
      %dma_wait3A_947 = arith.constant 0 : i32
      %dma_wait3A_948 = tpu.memref_slice %arg6[%dma_wait3A_945, %dma_wait3A_946, %dma_wait3A_947] : memref<4x320x64xf32, #tpu.memory_space<vmem>> -> memref<1x16x64xf32, #tpu.memory_space<vmem>>
      %dma_wait3A_949 = tpu.memref_squeeze %dma_wait3A_948 : memref<1x16x64xf32, #tpu.memory_space<vmem>> -> memref<16x64xf32, #tpu.memory_space<vmem>>
      %dma_wait3A_950 = arith.constant 0 : i32
      %dma_wait3A_951 = arith.constant 0 : i32
      %dma_wait3A_952 = tpu.memref_slice %arg2[%dma_wait3A_950, %dma_wait3A_951] : memref<1000000x64xf32, #tpu.memory_space<hbm>> -> memref<1000000x64xf32, #tpu.memory_space<hbm>>
      tpu.wait_indirect_dma semaphore(%arg8 : memref<!tpu.dma_semaphore, #tpu.memory_space<semaphore_mem>>) src(%dma_wait3A_952 : memref<1000000x64xf32, #tpu.memory_space<hbm>>) dst(%dma_wait3A_949 : memref<16x64xf32, #tpu.memory_space<vmem>>)
      %get3A_953 = arith.constant 32 : index
      %get3A_954 = tpu.vector_load %arg5[%get3A_953] {strides = array<i32>} : memref<25600xi32, #tpu.memory_space<vmem>>, vector<16xi32>,
      %get3A_955 = vector.shape_cast %get3A_954 : vector<16xi32> to vector<16xi32>
      %dma_wait3A_956 = arith.constant 1 : i32
      %dma_wait3A_957 = arith.constant 32 : i32
      %dma_wait3A_958 = arith.constant 0 : i32
      %dma_wait3A_959 = tpu.memref_slice %arg6[%dma_wait3A_956, %dma_wait3A_957, %dma_wait3A_958] : memref<4x320x64xf32, #tpu.memory_space<vmem>> -> memref<1x16x64xf32, #tpu.memory_space<vmem>>
      %dma_wait3A_960 = tpu.memref_squeeze %dma_wait3A_959 : memref<1x16x64xf32, #tpu.memory_space<vmem>> -> memref<16x64xf32, #tpu.memory_space<vmem>>
      %dma_wait3A_961 = arith.constant 0 : i32
      %dma_wait3A_962 = arith.constant 0 : i32
      %dma_wait3A_963 = tpu.memref_slice %arg2[%dma_wait3A_961, %dma_wait3A_962] : memref<1000000x64xf32, #tpu.memory_space<hbm>> -> memref<1000000x64xf32, #tpu.memory_space<hbm>>
      tpu.wait_indirect_dma semaphore(%arg8 : memref<!tpu.dma_semaphore, #tpu.memory_space<semaphore_mem>>) src(%dma_wait3A_963 : memref<1000000x64xf32, #tpu.memory_space<hbm>>) dst(%dma_wait3A_960 : memref<16x64xf32, #tpu.memory_space<vmem>>)
      %get3A_964 = arith.constant 48 : index
      %get3A_965 = tpu.vector_load %arg5[%get3A_964] {strides = array<i32>} : memref<25600xi32, #tpu.memory_space<vmem>>, vector<16xi32>,
      %get3A_966 = vector.shape_cast %get3A_965 : vector<16xi32> to vector<16xi32>
      %dma_wait3A_967 = arith.constant 1 : i32
      %dma_wait3A_968 = arith.constant 48 : i32
      %dma_wait3A_969 = arith.constant 0 : i32
      %dma_wait3A_970 = tpu.memref_slice %arg6[%dma_wait3A_967, %dma_wait3A_968, %dma_wait3A_969] : memref<4x320x64xf32, #tpu.memory_space<vmem>> -> memref<1x16x64xf32, #tpu.memory_space<vmem>>
      %dma_wait3A_971 = tpu.memref_squeeze %dma_wait3A_970 : memref<1x16x64xf32, #tpu.memory_space<vmem>> -> memref<16x64xf32, #tpu.memory_space<vmem>>
      %dma_wait3A_972 = arith.constant 0 : i32
      %dma_wait3A_973 = arith.constant 0 : i32
      %dma_wait3A_974 = tpu.memref_slice %arg2[%dma_wait3A_972, %dma_wait3A_973] : memref<1000000x64xf32, #tpu.memory_space<hbm>> -> memref<1000000x64xf32, #tpu.memory_space<hbm>>
      tpu.wait_indirect_dma semaphore(%arg8 : memref<!tpu.dma_semaphore, #tpu.memory_space<semaphore_mem>>) src(%dma_wait3A_974 : memref<1000000x64xf32, #tpu.memory_space<hbm>>) dst(%dma_wait3A_971 : memref<16x64xf32, #tpu.memory_space<vmem>>)
      %get3A_975 = arith.constant 64 : index
      %get3A_976 = tpu.vector_load %arg5[%get3A_975] {strides = array<i32>} : memref<25600xi32, #tpu.memory_space<vmem>>, vector<16xi32>,
      %get3A_977 = vector.shape_cast %get3A_976 : vector<16xi32> to vector<16xi32>
      %dma_wait3A_978 = arith.constant 1 : i32
      %dma_wait3A_979 = arith.constant 64 : i32
      %dma_wait3A_980 = arith.constant 0 : i32
      %dma_wait3A_981 = tpu.memref_slice %arg6[%dma_wait3A_978, %dma_wait3A_979, %dma_wait3A_980] : memref<4x320x64xf32, #tpu.memory_space<vmem>> -> memref<1x16x64xf32, #tpu.memory_space<vmem>>
      %dma_wait3A_982 = tpu.memref_squeeze %dma_wait3A_981 : memref<1x16x64xf32, #tpu.memory_space<vmem>> -> memref<16x64xf32, #tpu.memory_space<vmem>>
      %dma_wait3A_983 = arith.constant 0 : i32
      %dma_wait3A_984 = arith.constant 0 : i32
      %dma_wait3A_985 = tpu.memref_slice %arg2[%dma_wait3A_983, %dma_wait3A_984] : memref<1000000x64xf32, #tpu.memory_space<hbm>> -> memref<1000000x64xf32, #tpu.memory_space<hbm>>
      tpu.wait_indirect_dma semaphore(%arg8 : memref<!tpu.dma_semaphore, #tpu.memory_space<semaphore_mem>>) src(%dma_wait3A_985 : memref<1000000x64xf32, #tpu.memory_space<hbm>>) dst(%dma_wait3A_982 : memref<16x64xf32, #tpu.memory_space<vmem>>)
      %get3A_986 = arith.constant 80 : index
      %get3A_987 = tpu.vector_load %arg5[%get3A_986] {strides = array<i32>} : memref<25600xi32, #tpu.memory_space<vmem>>, vector<16xi32>,
      %get3A_988 = vector.shape_cast %get3A_987 : vector<16xi32> to vector<16xi32>
      %dma_wait3A_989 = arith.constant 1 : i32
      %dma_wait3A_990 = arith.constant 80 : i32
      %dma_wait3A_991 = arith.constant 0 : i32
      %dma_wait3A_992 = tpu.memref_slice %arg6[%dma_wait3A_989, %dma_wait3A_990, %dma_wait3A_991] : memref<4x320x64xf32, #tpu.memory_space<vmem>> -> memref<1x16x64xf32, #tpu.memory_space<vmem>>
      %dma_wait3A_993 = tpu.memref_squeeze %dma_wait3A_992 : memref<1x16x64xf32, #tpu.memory_space<vmem>> -> memref<16x64xf32, #tpu.memory_space<vmem>>
      %dma_wait3A_994 = arith.constant 0 : i32
      %dma_wait3A_995 = arith.constant 0 : i32
      %dma_wait3A_996 = tpu.memref_slice %arg2[%dma_wait3A_994, %dma_wait3A_995] : memref<1000000x64xf32, #tpu.memory_space<hbm>> -> memref<1000000x64xf32, #tpu.memory_space<hbm>>
      tpu.wait_indirect_dma semaphore(%arg8 : memref<!tpu.dma_semaphore, #tpu.memory_space<semaphore_mem>>) src(%dma_wait3A_996 : memref<1000000x64xf32, #tpu.memory_space<hbm>>) dst(%dma_wait3A_993 : memref<16x64xf32, #tpu.memory_space<vmem>>)
      %get3A_997 = arith.constant 96 : index
      %get3A_998 = tpu.vector_load %arg5[%get3A_997] {strides = array<i32>} : memref<25600xi32, #tpu.memory_space<vmem>>, vector<16xi32>,
      %get3A_999 = vector.shape_cast %get3A_998 : vector<16xi32> to vector<16xi32>
      %dma_wait3A_1000 = arith.constant 1 : i32
      %dma_wait3A_1001 = arith.constant 96 : i32
      %dma_wait3A_1002 = arith.constant 0 : i32
      %dma_wait3A_1003 = tpu.memref_slice %arg6[%dma_wait3A_1000, %dma_wait3A_1001, %dma_wait3A_1002] : memref<4x320x64xf32, #tpu.memory_space<vmem>> -> memref<1x16x64xf32, #tpu.memory_space<vmem>>
      %dma_wait3A_1004 = tpu.memref_squeeze %dma_wait3A_1003 : memref<1x16x64xf32, #tpu.memory_space<vmem>> -> memref<16x64xf32, #tpu.memory_space<vmem>>
      %dma_wait3A_1005 = arith.constant 0 : i32
      %dma_wait3A_1006 = arith.constant 0 : i32
      %dma_wait3A_1007 = tpu.memref_slice %arg2[%dma_wait3A_1005, %dma_wait3A_1006] : memref<1000000x64xf32, #tpu.memory_space<hbm>> -> memref<1000000x64xf32, #tpu.memory_space<hbm>>
      tpu.wait_indirect_dma semaphore(%arg8 : memref<!tpu.dma_semaphore, #tpu.memory_space<semaphore_mem>>) src(%dma_wait3A_1007 : memref<1000000x64xf32, #tpu.memory_space<hbm>>) dst(%dma_wait3A_1004 : memref<16x64xf32, #tpu.memory_space<vmem>>)
      %get3A_1008 = arith.constant 112 : index
      %get3A_1009 = tpu.vector_load %arg5[%get3A_1008] {strides = array<i32>} : memref<25600xi32, #tpu.memory_space<vmem>>, vector<16xi32>,
      %get3A_1010 = vector.shape_cast %get3A_1009 : vector<16xi32> to vector<16xi32>
      %dma_wait3A_1011 = arith.constant 1 : i32
      %dma_wait3A_1012 = arith.constant 112 : i32
      %dma_wait3A_1013 = arith.constant 0 : i32
      %dma_wait3A_1014 = tpu.memref_slice %arg6[%dma_wait3A_1011, %dma_wait3A_1012, %dma_wait3A_1013] : memref<4x320x64xf32, #tpu.memory_space<vmem>> -> memref<1x16x64xf32, #tpu.memory_space<vmem>>
      %dma_wait3A_1015 = tpu.memref_squeeze %dma_wait3A_1014 : memref<1x16x64xf32, #tpu.memory_space<vmem>> -> memref<16x64xf32, #tpu.memory_space<vmem>>
      %dma_wait3A_1016 = arith.constant 0 : i32
      %dma_wait3A_1017 = arith.constant 0 : i32
      %dma_wait3A_1018 = tpu.memref_slice %arg2[%dma_wait3A_1016, %dma_wait3A_1017] : memref<1000000x64xf32, #tpu.memory_space<hbm>> -> memref<1000000x64xf32, #tpu.memory_space<hbm>>
      tpu.wait_indirect_dma semaphore(%arg8 : memref<!tpu.dma_semaphore, #tpu.memory_space<semaphore_mem>>) src(%dma_wait3A_1018 : memref<1000000x64xf32, #tpu.memory_space<hbm>>) dst(%dma_wait3A_1015 : memref<16x64xf32, #tpu.memory_space<vmem>>)
      %get3A_1019 = arith.constant 128 : index
      %get3A_1020 = tpu.vector_load %arg5[%get3A_1019] {strides = array<i32>} : memref<25600xi32, #tpu.memory_space<vmem>>, vector<16xi32>,
      %get3A_1021 = vector.shape_cast %get3A_1020 : vector<16xi32> to vector<16xi32>
      %dma_wait3A_1022 = arith.constant 1 : i32
      %dma_wait3A_1023 = arith.constant 128 : i32
      %dma_wait3A_1024 = arith.constant 0 : i32
      %dma_wait3A_1025 = tpu.memref_slice %arg6[%dma_wait3A_1022, %dma_wait3A_1023, %dma_wait3A_1024] : memref<4x320x64xf32, #tpu.memory_space<vmem>> -> memref<1x16x64xf32, #tpu.memory_space<vmem>>
      %dma_wait3A_1026 = tpu.memref_squeeze %dma_wait3A_1025 : memref<1x16x64xf32, #tpu.memory_space<vmem>> -> memref<16x64xf32, #tpu.memory_space<vmem>>
      %dma_wait3A_1027 = arith.constant 0 : i32
      %dma_wait3A_1028 = arith.constant 0 : i32
      %dma_wait3A_1029 = tpu.memref_slice %arg2[%dma_wait3A_1027, %dma_wait3A_1028] : memref<1000000x64xf32, #tpu.memory_space<hbm>> -> memref<1000000x64xf32, #tpu.memory_space<hbm>>
      tpu.wait_indirect_dma semaphore(%arg8 : memref<!tpu.dma_semaphore, #tpu.memory_space<semaphore_mem>>) src(%dma_wait3A_1029 : memref<1000000x64xf32, #tpu.memory_space<hbm>>) dst(%dma_wait3A_1026 : memref<16x64xf32, #tpu.memory_space<vmem>>)
      %get3A_1030 = arith.constant 144 : index
      %get3A_1031 = tpu.vector_load %arg5[%get3A_1030] {strides = array<i32>} : memref<25600xi32, #tpu.memory_space<vmem>>, vector<16xi32>,
      %get3A_1032 = vector.shape_cast %get3A_1031 : vector<16xi32> to vector<16xi32>
      %dma_wait3A_1033 = arith.constant 1 : i32
      %dma_wait3A_1034 = arith.constant 144 : i32
      %dma_wait3A_1035 = arith.constant 0 : i32
      %dma_wait3A_1036 = tpu.memref_slice %arg6[%dma_wait3A_1033, %dma_wait3A_1034, %dma_wait3A_1035] : memref<4x320x64xf32, #tpu.memory_space<vmem>> -> memref<1x16x64xf32, #tpu.memory_space<vmem>>
      %dma_wait3A_1037 = tpu.memref_squeeze %dma_wait3A_1036 : memref<1x16x64xf32, #tpu.memory_space<vmem>> -> memref<16x64xf32, #tpu.memory_space<vmem>>
      %dma_wait3A_1038 = arith.constant 0 : i32
      %dma_wait3A_1039 = arith.constant 0 : i32
      %dma_wait3A_1040 = tpu.memref_slice %arg2[%dma_wait3A_1038, %dma_wait3A_1039] : memref<1000000x64xf32, #tpu.memory_space<hbm>> -> memref<1000000x64xf32, #tpu.memory_space<hbm>>
      tpu.wait_indirect_dma semaphore(%arg8 : memref<!tpu.dma_semaphore, #tpu.memory_space<semaphore_mem>>) src(%dma_wait3A_1040 : memref<1000000x64xf32, #tpu.memory_space<hbm>>) dst(%dma_wait3A_1037 : memref<16x64xf32, #tpu.memory_space<vmem>>)
      %get3A_1041 = arith.constant 160 : index
      %get3A_1042 = tpu.vector_load %arg5[%get3A_1041] {strides = array<i32>} : memref<25600xi32, #tpu.memory_space<vmem>>, vector<16xi32>,
      %get3A_1043 = vector.shape_cast %get3A_1042 : vector<16xi32> to vector<16xi32>
      %dma_wait3A_1044 = arith.constant 1 : i32
      %dma_wait3A_1045 = arith.constant 160 : i32
      %dma_wait3A_1046 = arith.constant 0 : i32
      %dma_wait3A_1047 = tpu.memref_slice %arg6[%dma_wait3A_1044, %dma_wait3A_1045, %dma_wait3A_1046] : memref<4x320x64xf32, #tpu.memory_space<vmem>> -> memref<1x16x64xf32, #tpu.memory_space<vmem>>
      %dma_wait3A_1048 = tpu.memref_squeeze %dma_wait3A_1047 : memref<1x16x64xf32, #tpu.memory_space<vmem>> -> memref<16x64xf32, #tpu.memory_space<vmem>>
      %dma_wait3A_1049 = arith.constant 0 : i32
      %dma_wait3A_1050 = arith.constant 0 : i32
      %dma_wait3A_1051 = tpu.memref_slice %arg2[%dma_wait3A_1049, %dma_wait3A_1050] : memref<1000000x64xf32, #tpu.memory_space<hbm>> -> memref<1000000x64xf32, #tpu.memory_space<hbm>>
      tpu.wait_indirect_dma semaphore(%arg8 : memref<!tpu.dma_semaphore, #tpu.memory_space<semaphore_mem>>) src(%dma_wait3A_1051 : memref<1000000x64xf32, #tpu.memory_space<hbm>>) dst(%dma_wait3A_1048 : memref<16x64xf32, #tpu.memory_space<vmem>>)
      %get3A_1052 = arith.constant 176 : index
      %get3A_1053 = tpu.vector_load %arg5[%get3A_1052] {strides = array<i32>} : memref<25600xi32, #tpu.memory_space<vmem>>, vector<16xi32>,
      %get3A_1054 = vector.shape_cast %get3A_1053 : vector<16xi32> to vector<16xi32>
      %dma_wait3A_1055 = arith.constant 1 : i32
      %dma_wait3A_1056 = arith.constant 176 : i32
      %dma_wait3A_1057 = arith.constant 0 : i32
      %dma_wait3A_1058 = tpu.memref_slice %arg6[%dma_wait3A_1055, %dma_wait3A_1056, %dma_wait3A_1057] : memref<4x320x64xf32, #tpu.memory_space<vmem>> -> memref<1x16x64xf32, #tpu.memory_space<vmem>>
      %dma_wait3A_1059 = tpu.memref_squeeze %dma_wait3A_1058 : memref<1x16x64xf32, #tpu.memory_space<vmem>> -> memref<16x64xf32, #tpu.memory_space<vmem>>
      %dma_wait3A_1060 = arith.constant 0 : i32
      %dma_wait3A_1061 = arith.constant 0 : i32
      %dma_wait3A_1062 = tpu.memref_slice %arg2[%dma_wait3A_1060, %dma_wait3A_1061] : memref<1000000x64xf32, #tpu.memory_space<hbm>> -> memref<1000000x64xf32, #tpu.memory_space<hbm>>
      tpu.wait_indirect_dma semaphore(%arg8 : memref<!tpu.dma_semaphore, #tpu.memory_space<semaphore_mem>>) src(%dma_wait3A_1062 : memref<1000000x64xf32, #tpu.memory_space<hbm>>) dst(%dma_wait3A_1059 : memref<16x64xf32, #tpu.memory_space<vmem>>)
      %get3A_1063 = arith.constant 192 : index
      %get3A_1064 = tpu.vector_load %arg5[%get3A_1063] {strides = array<i32>} : memref<25600xi32, #tpu.memory_space<vmem>>, vector<16xi32>,
      %get3A_1065 = vector.shape_cast %get3A_1064 : vector<16xi32> to vector<16xi32>
      %dma_wait3A_1066 = arith.constant 1 : i32
      %dma_wait3A_1067 = arith.constant 192 : i32
      %dma_wait3A_1068 = arith.constant 0 : i32
      %dma_wait3A_1069 = tpu.memref_slice %arg6[%dma_wait3A_1066, %dma_wait3A_1067, %dma_wait3A_1068] : memref<4x320x64xf32, #tpu.memory_space<vmem>> -> memref<1x16x64xf32, #tpu.memory_space<vmem>>
      %dma_wait3A_1070 = tpu.memref_squeeze %dma_wait3A_1069 : memref<1x16x64xf32, #tpu.memory_space<vmem>> -> memref<16x64xf32, #tpu.memory_space<vmem>>
      %dma_wait3A_1071 = arith.constant 0 : i32
      %dma_wait3A_1072 = arith.constant 0 : i32
      %dma_wait3A_1073 = tpu.memref_slice %arg2[%dma_wait3A_1071, %dma_wait3A_1072] : memref<1000000x64xf32, #tpu.memory_space<hbm>> -> memref<1000000x64xf32, #tpu.memory_space<hbm>>
      tpu.wait_indirect_dma semaphore(%arg8 : memref<!tpu.dma_semaphore, #tpu.memory_space<semaphore_mem>>) src(%dma_wait3A_1073 : memref<1000000x64xf32, #tpu.memory_space<hbm>>) dst(%dma_wait3A_1070 : memref<16x64xf32, #tpu.memory_space<vmem>>)
      %get3A_1074 = arith.constant 208 : index
      %get3A_1075 = tpu.vector_load %arg5[%get3A_1074] {strides = array<i32>} : memref<25600xi32, #tpu.memory_space<vmem>>, vector<16xi32>,
      %get3A_1076 = vector.shape_cast %get3A_1075 : vector<16xi32> to vector<16xi32>
      %dma_wait3A_1077 = arith.constant 1 : i32
      %dma_wait3A_1078 = arith.constant 208 : i32
      %dma_wait3A_1079 = arith.constant 0 : i32
      %dma_wait3A_1080 = tpu.memref_slice %arg6[%dma_wait3A_1077, %dma_wait3A_1078, %dma_wait3A_1079] : memref<4x320x64xf32, #tpu.memory_space<vmem>> -> memref<1x16x64xf32, #tpu.memory_space<vmem>>
      %dma_wait3A_1081 = tpu.memref_squeeze %dma_wait3A_1080 : memref<1x16x64xf32, #tpu.memory_space<vmem>> -> memref<16x64xf32, #tpu.memory_space<vmem>>
      %dma_wait3A_1082 = arith.constant 0 : i32
      %dma_wait3A_1083 = arith.constant 0 : i32
      %dma_wait3A_1084 = tpu.memref_slice %arg2[%dma_wait3A_1082, %dma_wait3A_1083] : memref<1000000x64xf32, #tpu.memory_space<hbm>> -> memref<1000000x64xf32, #tpu.memory_space<hbm>>
      tpu.wait_indirect_dma semaphore(%arg8 : memref<!tpu.dma_semaphore, #tpu.memory_space<semaphore_mem>>) src(%dma_wait3A_1084 : memref<1000000x64xf32, #tpu.memory_space<hbm>>) dst(%dma_wait3A_1081 : memref<16x64xf32, #tpu.memory_space<vmem>>)
      %get3A_1085 = arith.constant 224 : index
      %get3A_1086 = tpu.vector_load %arg5[%get3A_1085] {strides = array<i32>} : memref<25600xi32, #tpu.memory_space<vmem>>, vector<16xi32>,
      %get3A_1087 = vector.shape_cast %get3A_1086 : vector<16xi32> to vector<16xi32>
      %dma_wait3A_1088 = arith.constant 1 : i32
      %dma_wait3A_1089 = arith.constant 224 : i32
      %dma_wait3A_1090 = arith.constant 0 : i32
      %dma_wait3A_1091 = tpu.memref_slice %arg6[%dma_wait3A_1088, %dma_wait3A_1089, %dma_wait3A_1090] : memref<4x320x64xf32, #tpu.memory_space<vmem>> -> memref<1x16x64xf32, #tpu.memory_space<vmem>>
      %dma_wait3A_1092 = tpu.memref_squeeze %dma_wait3A_1091 : memref<1x16x64xf32, #tpu.memory_space<vmem>> -> memref<16x64xf32, #tpu.memory_space<vmem>>
      %dma_wait3A_1093 = arith.constant 0 : i32
      %dma_wait3A_1094 = arith.constant 0 : i32
      %dma_wait3A_1095 = tpu.memref_slice %arg2[%dma_wait3A_1093, %dma_wait3A_1094] : memref<1000000x64xf32, #tpu.memory_space<hbm>> -> memref<1000000x64xf32, #tpu.memory_space<hbm>>
      tpu.wait_indirect_dma semaphore(%arg8 : memref<!tpu.dma_semaphore, #tpu.memory_space<semaphore_mem>>) src(%dma_wait3A_1095 : memref<1000000x64xf32, #tpu.memory_space<hbm>>) dst(%dma_wait3A_1092 : memref<16x64xf32, #tpu.memory_space<vmem>>)
      %get3A_1096 = arith.constant 240 : index
      %get3A_1097 = tpu.vector_load %arg5[%get3A_1096] {strides = array<i32>} : memref<25600xi32, #tpu.memory_space<vmem>>, vector<16xi32>,
      %get3A_1098 = vector.shape_cast %get3A_1097 : vector<16xi32> to vector<16xi32>
      %dma_wait3A_1099 = arith.constant 1 : i32
      %dma_wait3A_1100 = arith.constant 240 : i32
      %dma_wait3A_1101 = arith.constant 0 : i32
      %dma_wait3A_1102 = tpu.memref_slice %arg6[%dma_wait3A_1099, %dma_wait3A_1100, %dma_wait3A_1101] : memref<4x320x64xf32, #tpu.memory_space<vmem>> -> memref<1x16x64xf32, #tpu.memory_space<vmem>>
      %dma_wait3A_1103 = tpu.memref_squeeze %dma_wait3A_1102 : memref<1x16x64xf32, #tpu.memory_space<vmem>> -> memref<16x64xf32, #tpu.memory_space<vmem>>
      %dma_wait3A_1104 = arith.constant 0 : i32
      %dma_wait3A_1105 = arith.constant 0 : i32
      %dma_wait3A_1106 = tpu.memref_slice %arg2[%dma_wait3A_1104, %dma_wait3A_1105] : memref<1000000x64xf32, #tpu.memory_space<hbm>> -> memref<1000000x64xf32, #tpu.memory_space<hbm>>
      tpu.wait_indirect_dma semaphore(%arg8 : memref<!tpu.dma_semaphore, #tpu.memory_space<semaphore_mem>>) src(%dma_wait3A_1106 : memref<1000000x64xf32, #tpu.memory_space<hbm>>) dst(%dma_wait3A_1103 : memref<16x64xf32, #tpu.memory_space<vmem>>)
      %get3A_1107 = arith.constant 256 : index
      %get3A_1108 = tpu.vector_load %arg5[%get3A_1107] {strides = array<i32>} : memref<25600xi32, #tpu.memory_space<vmem>>, vector<16xi32>,
      %get3A_1109 = vector.shape_cast %get3A_1108 : vector<16xi32> to vector<16xi32>
      %dma_wait3A_1110 = arith.constant 1 : i32
      %dma_wait3A_1111 = arith.constant 256 : i32
      %dma_wait3A_1112 = arith.constant 0 : i32
      %dma_wait3A_1113 = tpu.memref_slice %arg6[%dma_wait3A_1110, %dma_wait3A_1111, %dma_wait3A_1112] : memref<4x320x64xf32, #tpu.memory_space<vmem>> -> memref<1x16x64xf32, #tpu.memory_space<vmem>>
      %dma_wait3A_1114 = tpu.memref_squeeze %dma_wait3A_1113 : memref<1x16x64xf32, #tpu.memory_space<vmem>> -> memref<16x64xf32, #tpu.memory_space<vmem>>
      %dma_wait3A_1115 = arith.constant 0 : i32
      %dma_wait3A_1116 = arith.constant 0 : i32
      %dma_wait3A_1117 = tpu.memref_slice %arg2[%dma_wait3A_1115, %dma_wait3A_1116] : memref<1000000x64xf32, #tpu.memory_space<hbm>> -> memref<1000000x64xf32, #tpu.memory_space<hbm>>
      tpu.wait_indirect_dma semaphore(%arg8 : memref<!tpu.dma_semaphore, #tpu.memory_space<semaphore_mem>>) src(%dma_wait3A_1117 : memref<1000000x64xf32, #tpu.memory_space<hbm>>) dst(%dma_wait3A_1114 : memref<16x64xf32, #tpu.memory_space<vmem>>)
      %get3A_1118 = arith.constant 272 : index
      %get3A_1119 = tpu.vector_load %arg5[%get3A_1118] {strides = array<i32>} : memref<25600xi32, #tpu.memory_space<vmem>>, vector<16xi32>,
      %get3A_1120 = vector.shape_cast %get3A_1119 : vector<16xi32> to vector<16xi32>
      %dma_wait3A_1121 = arith.constant 1 : i32
      %dma_wait3A_1122 = arith.constant 272 : i32
      %dma_wait3A_1123 = arith.constant 0 : i32
      %dma_wait3A_1124 = tpu.memref_slice %arg6[%dma_wait3A_1121, %dma_wait3A_1122, %dma_wait3A_1123] : memref<4x320x64xf32, #tpu.memory_space<vmem>> -> memref<1x16x64xf32, #tpu.memory_space<vmem>>
      %dma_wait3A_1125 = tpu.memref_squeeze %dma_wait3A_1124 : memref<1x16x64xf32, #tpu.memory_space<vmem>> -> memref<16x64xf32, #tpu.memory_space<vmem>>
      %dma_wait3A_1126 = arith.constant 0 : i32
      %dma_wait3A_1127 = arith.constant 0 : i32
      %dma_wait3A_1128 = tpu.memref_slice %arg2[%dma_wait3A_1126, %dma_wait3A_1127] : memref<1000000x64xf32, #tpu.memory_space<hbm>> -> memref<1000000x64xf32, #tpu.memory_space<hbm>>
      tpu.wait_indirect_dma semaphore(%arg8 : memref<!tpu.dma_semaphore, #tpu.memory_space<semaphore_mem>>) src(%dma_wait3A_1128 : memref<1000000x64xf32, #tpu.memory_space<hbm>>) dst(%dma_wait3A_1125 : memref<16x64xf32, #tpu.memory_space<vmem>>)
      %get3A_1129 = arith.constant 288 : index
      %get3A_1130 = tpu.vector_load %arg5[%get3A_1129] {strides = array<i32>} : memref<25600xi32, #tpu.memory_space<vmem>>, vector<16xi32>,
      %get3A_1131 = vector.shape_cast %get3A_1130 : vector<16xi32> to vector<16xi32>
      %dma_wait3A_1132 = arith.constant 1 : i32
      %dma_wait3A_1133 = arith.constant 288 : i32
      %dma_wait3A_1134 = arith.constant 0 : i32
      %dma_wait3A_1135 = tpu.memref_slice %arg6[%dma_wait3A_1132, %dma_wait3A_1133, %dma_wait3A_1134] : memref<4x320x64xf32, #tpu.memory_space<vmem>> -> memref<1x16x64xf32, #tpu.memory_space<vmem>>
      %dma_wait3A_1136 = tpu.memref_squeeze %dma_wait3A_1135 : memref<1x16x64xf32, #tpu.memory_space<vmem>> -> memref<16x64xf32, #tpu.memory_space<vmem>>
      %dma_wait3A_1137 = arith.constant 0 : i32
      %dma_wait3A_1138 = arith.constant 0 : i32
      %dma_wait3A_1139 = tpu.memref_slice %arg2[%dma_wait3A_1137, %dma_wait3A_1138] : memref<1000000x64xf32, #tpu.memory_space<hbm>> -> memref<1000000x64xf32, #tpu.memory_space<hbm>>
      tpu.wait_indirect_dma semaphore(%arg8 : memref<!tpu.dma_semaphore, #tpu.memory_space<semaphore_mem>>) src(%dma_wait3A_1139 : memref<1000000x64xf32, #tpu.memory_space<hbm>>) dst(%dma_wait3A_1136 : memref<16x64xf32, #tpu.memory_space<vmem>>)
      %get3A_1140 = arith.constant 304 : index
      %get3A_1141 = tpu.vector_load %arg5[%get3A_1140] {strides = array<i32>} : memref<25600xi32, #tpu.memory_space<vmem>>, vector<16xi32>,
      %get3A_1142 = vector.shape_cast %get3A_1141 : vector<16xi32> to vector<16xi32>
      %dma_wait3A_1143 = arith.constant 1 : i32
      %dma_wait3A_1144 = arith.constant 304 : i32
      %dma_wait3A_1145 = arith.constant 0 : i32
      %dma_wait3A_1146 = tpu.memref_slice %arg6[%dma_wait3A_1143, %dma_wait3A_1144, %dma_wait3A_1145] : memref<4x320x64xf32, #tpu.memory_space<vmem>> -> memref<1x16x64xf32, #tpu.memory_space<vmem>>
      %dma_wait3A_1147 = tpu.memref_squeeze %dma_wait3A_1146 : memref<1x16x64xf32, #tpu.memory_space<vmem>> -> memref<16x64xf32, #tpu.memory_space<vmem>>
      %dma_wait3A_1148 = arith.constant 0 : i32
      %dma_wait3A_1149 = arith.constant 0 : i32
      %dma_wait3A_1150 = tpu.memref_slice %arg2[%dma_wait3A_1148, %dma_wait3A_1149] : memref<1000000x64xf32, #tpu.memory_space<hbm>> -> memref<1000000x64xf32, #tpu.memory_space<hbm>>
      tpu.wait_indirect_dma semaphore(%arg8 : memref<!tpu.dma_semaphore, #tpu.memory_space<semaphore_mem>>) src(%dma_wait3A_1150 : memref<1000000x64xf32, #tpu.memory_space<hbm>>) dst(%dma_wait3A_1147 : memref<16x64xf32, #tpu.memory_space<vmem>>)
      %mul3A_1151 = arith.constant 320 : i32
      %mul3A_1152 = arith.muli %add3A_930, %mul3A_1151 : i32
      %add3A_1153 = arith.addi %mul3A_2, %mul3A_1152 : i32
      %dma_start3A_1154 = arith.constant 1 : i32
      %dma_start3A_1155 = arith.constant 0 : i32
      %dma_start3A_1156 = arith.constant 0 : i32
      %dma_start3A_1157 = tpu.memref_slice %arg6[%dma_start3A_1154, %dma_start3A_1155, %dma_start3A_1156] : memref<4x320x64xf32, #tpu.memory_space<vmem>> -> memref<1x320x64xf32, #tpu.memory_space<vmem>>
      %dma_start3A_1158 = tpu.memref_squeeze %dma_start3A_1157 : memref<1x320x64xf32, #tpu.memory_space<vmem>> -> memref<320x64xf32, #tpu.memory_space<vmem>>
      %dma_start3A_1159 = arith.constant 0 : i32
      %dma_start3A_1160 = tpu.memref_slice %arg4[%add3A_1153, %dma_start3A_1159] : memref<819200x64xf32, #tpu.memory_space<hbm>> -> memref<320x64xf32, #tpu.memory_space<hbm>>
      %dma_start3A_1161 = arith.constant 0 : i32
      %dma_start3A_1162 = tpu.memref_slice %arg4[%add3A_1153, %dma_start3A_1161] : memref<819200x64xf32, #tpu.memory_space<hbm>> -> memref<320x64xf32, #tpu.memory_space<hbm>>
      %dma_start3A_1163 = arith.constant 0 : i32
      %dma_start3A_1164 = arith.constant 0 : i32
      %dma_start3A_1165 = tpu.memref_slice %arg6[%dma_start3A_1154, %dma_start3A_1163, %dma_start3A_1164] : memref<4x320x64xf32, #tpu.memory_space<vmem>> -> memref<1x320x64xf32, #tpu.memory_space<vmem>>
      %dma_start3A_1166 = tpu.memref_squeeze %dma_start3A_1165 : memref<1x320x64xf32, #tpu.memory_space<vmem>> -> memref<320x64xf32, #tpu.memory_space<vmem>>
      tpu.enqueue_dma source(%dma_start3A_1166 : memref<320x64xf32, #tpu.memory_space<vmem>>) target(%dma_start3A_1162 : memref<320x64xf32, #tpu.memory_space<hbm>>) target_semaphore(%arg12 : memref<!tpu.dma_semaphore, #tpu.memory_space<semaphore_mem>>)
      %ge3A_1167 = arith.constant 1 : i32
      %ge3A_1168 = arith.cmpi sge, %add3A_930, %ge3A_1167 : i32
      %convert_element_type3A_1169 = arith.extui %ge3A_1168 : i1 to i32
      %cond3A_1170 = arith.constant 0 : i32
      %cond3A_1171 = arith.cmpi ne, %convert_element_type3A_1169, %cond3A_1170 : i32
      scf.if %cond3A_1171 {
        %dma_wait3A_1683 = arith.constant 0 : i32
        %dma_wait3A_1684 = arith.constant 0 : i32
        %dma_wait3A_1685 = arith.constant 0 : i32
        %dma_wait3A_1686 = tpu.memref_slice %arg6[%dma_wait3A_1683, %dma_wait3A_1684, %dma_wait3A_1685] : memref<4x320x64xf32, #tpu.memory_space<vmem>> -> memref<1x320x64xf32, #tpu.memory_space<vmem>>
        %dma_wait3A_1687 = tpu.memref_squeeze %dma_wait3A_1686 : memref<1x320x64xf32, #tpu.memory_space<vmem>> -> memref<320x64xf32, #tpu.memory_space<vmem>>
        %dma_wait3A_1688 = arith.constant 0 : i32
        %dma_wait3A_1689 = tpu.memref_slice %arg4[%mul3A_2, %dma_wait3A_1688] : memref<819200x64xf32, #tpu.memory_space<hbm>> -> memref<320x64xf32, #tpu.memory_space<hbm>>
        %dma_wait3A_1690 = arith.constant 0 : i32
        %dma_wait3A_1691 = tpu.memref_slice %arg4[%mul3A_2, %dma_wait3A_1690] : memref<819200x64xf32, #tpu.memory_space<hbm>> -> memref<320x64xf32, #tpu.memory_space<hbm>>
        %dma_wait3A_1692 = arith.constant 0 : i32
        %dma_wait3A_1693 = arith.constant 0 : i32
        %dma_wait3A_1694 = tpu.memref_slice %arg6[%dma_wait3A_1683, %dma_wait3A_1692, %dma_wait3A_1693] : memref<4x320x64xf32, #tpu.memory_space<vmem>> -> memref<1x320x64xf32, #tpu.memory_space<vmem>>
        %dma_wait3A_1695 = tpu.memref_squeeze %dma_wait3A_1694 : memref<1x320x64xf32, #tpu.memory_space<vmem>> -> memref<320x64xf32, #tpu.memory_space<vmem>>
        tpu.wait_dma2 semaphore(%arg11 : memref<!tpu.dma_semaphore, #tpu.memory_space<semaphore_mem>>) src(%dma_wait3A_1695 : memref<320x64xf32, #tpu.memory_space<vmem>>) dst(%dma_wait3A_1691 : memref<320x64xf32, #tpu.memory_space<hbm>>)
      } else {
      }
      %add3A_1172 = arith.constant 3 : i32
      %add3A_1173 = arith.addi %add3A_930, %add3A_1172 : i32
      %lt3A_1174 = arith.constant 80 : i32
      %lt3A_1175 = arith.cmpi slt, %add3A_1173, %lt3A_1174 : i32
      %convert_element_type3A_1176 = arith.extui %lt3A_1175 : i1 to i32
      %cond3A_1177 = arith.constant 0 : i32
      %cond3A_1178 = arith.cmpi ne, %convert_element_type3A_1176, %cond3A_1177 : i32
      scf.if %cond3A_1178 {
        %add3A_1683 = arith.constant 3 : i32
        %add3A_1684 = arith.addi %add3A_930, %add3A_1683 : i32
        %mul3A_1685 = arith.constant 320 : i32
        %mul3A_1686 = arith.muli %add3A_1684, %mul3A_1685 : i32
        %add3A_1687 = arith.constant 0 : i32
        %add3A_1688 = arith.addi %mul3A_1686, %add3A_1687 : i32
        %get3A_1689 = arith.index_cast %add3A_1688 : i32 to index
        %get3A_1690 = tpu.vector_load %arg5[%get3A_1689] {strides = array<i32>} : memref<25600xi32, #tpu.memory_space<vmem>>, vector<16xi32>,
        %get3A_1691 = vector.shape_cast %get3A_1690 : vector<16xi32> to vector<16xi32>
        %dma_start3A_1692 = arith.constant 0 : i32
        %dma_start3A_1693 = arith.constant 0 : i32
        %dma_start3A_1694 = arith.constant 0 : i32
        %dma_start3A_1695 = tpu.memref_slice %arg6[%dma_start3A_1692, %dma_start3A_1693, %dma_start3A_1694] : memref<4x320x64xf32, #tpu.memory_space<vmem>> -> memref<1x16x64xf32, #tpu.memory_space<vmem>>
        %dma_start3A_1696 = tpu.memref_squeeze %dma_start3A_1695 : memref<1x16x64xf32, #tpu.memory_space<vmem>> -> memref<16x64xf32, #tpu.memory_space<vmem>>
        %dma_start3A_1697 = arith.constant 0 : i32
        %dma_start3A_1698 = arith.constant 0 : i32
        %dma_start3A_1699 = tpu.memref_slice %arg2[%dma_start3A_1697, %dma_start3A_1698] : memref<1000000x64xf32, #tpu.memory_space<hbm>> -> memref<1000000x64xf32, #tpu.memory_space<hbm>>
        tpu.enqueue_indirect_dma source(%dma_start3A_1699 : memref<1000000x64xf32, #tpu.memory_space<hbm>>) target(%dma_start3A_1696 : memref<16x64xf32, #tpu.memory_space<vmem>>) offsets(%get3A_1691 : vector<16xi32>) semaphore(%arg7 : memref<!tpu.dma_semaphore, #tpu.memory_space<semaphore_mem>>)
        %mul3A_1700 = arith.constant 320 : i32
        %mul3A_1701 = arith.muli %add3A_1684, %mul3A_1700 : i32
        %add3A_1702 = arith.constant 16 : i32
        %add3A_1703 = arith.addi %mul3A_1701, %add3A_1702 : i32
        %get3A_1704 = arith.index_cast %add3A_1703 : i32 to index
        %get3A_1705 = tpu.vector_load %arg5[%get3A_1704] {strides = array<i32>} : memref<25600xi32, #tpu.memory_space<vmem>>, vector<16xi32>,
        %get3A_1706 = vector.shape_cast %get3A_1705 : vector<16xi32> to vector<16xi32>
        %dma_start3A_1707 = arith.constant 0 : i32
        %dma_start3A_1708 = arith.constant 16 : i32
        %dma_start3A_1709 = arith.constant 0 : i32
        %dma_start3A_1710 = tpu.memref_slice %arg6[%dma_start3A_1707, %dma_start3A_1708, %dma_start3A_1709] : memref<4x320x64xf32, #tpu.memory_space<vmem>> -> memref<1x16x64xf32, #tpu.memory_space<vmem>>
        %dma_start3A_1711 = tpu.memref_squeeze %dma_start3A_1710 : memref<1x16x64xf32, #tpu.memory_space<vmem>> -> memref<16x64xf32, #tpu.memory_space<vmem>>
        %dma_start3A_1712 = arith.constant 0 : i32
        %dma_start3A_1713 = arith.constant 0 : i32
        %dma_start3A_1714 = tpu.memref_slice %arg2[%dma_start3A_1712, %dma_start3A_1713] : memref<1000000x64xf32, #tpu.memory_space<hbm>> -> memref<1000000x64xf32, #tpu.memory_space<hbm>>
        tpu.enqueue_indirect_dma source(%dma_start3A_1714 : memref<1000000x64xf32, #tpu.memory_space<hbm>>) target(%dma_start3A_1711 : memref<16x64xf32, #tpu.memory_space<vmem>>) offsets(%get3A_1706 : vector<16xi32>) semaphore(%arg7 : memref<!tpu.dma_semaphore, #tpu.memory_space<semaphore_mem>>)
        %mul3A_1715 = arith.constant 320 : i32
        %mul3A_1716 = arith.muli %add3A_1684, %mul3A_1715 : i32
        %add3A_1717 = arith.constant 32 : i32
        %add3A_1718 = arith.addi %mul3A_1716, %add3A_1717 : i32
        %get3A_1719 = arith.index_cast %add3A_1718 : i32 to index
        %get3A_1720 = tpu.vector_load %arg5[%get3A_1719] {strides = array<i32>} : memref<25600xi32, #tpu.memory_space<vmem>>, vector<16xi32>,
        %get3A_1721 = vector.shape_cast %get3A_1720 : vector<16xi32> to vector<16xi32>
        %dma_start3A_1722 = arith.constant 0 : i32
        %dma_start3A_1723 = arith.constant 32 : i32
        %dma_start3A_1724 = arith.constant 0 : i32
        %dma_start3A_1725 = tpu.memref_slice %arg6[%dma_start3A_1722, %dma_start3A_1723, %dma_start3A_1724] : memref<4x320x64xf32, #tpu.memory_space<vmem>> -> memref<1x16x64xf32, #tpu.memory_space<vmem>>
        %dma_start3A_1726 = tpu.memref_squeeze %dma_start3A_1725 : memref<1x16x64xf32, #tpu.memory_space<vmem>> -> memref<16x64xf32, #tpu.memory_space<vmem>>
        %dma_start3A_1727 = arith.constant 0 : i32
        %dma_start3A_1728 = arith.constant 0 : i32
        %dma_start3A_1729 = tpu.memref_slice %arg2[%dma_start3A_1727, %dma_start3A_1728] : memref<1000000x64xf32, #tpu.memory_space<hbm>> -> memref<1000000x64xf32, #tpu.memory_space<hbm>>
        tpu.enqueue_indirect_dma source(%dma_start3A_1729 : memref<1000000x64xf32, #tpu.memory_space<hbm>>) target(%dma_start3A_1726 : memref<16x64xf32, #tpu.memory_space<vmem>>) offsets(%get3A_1721 : vector<16xi32>) semaphore(%arg7 : memref<!tpu.dma_semaphore, #tpu.memory_space<semaphore_mem>>)
        %mul3A_1730 = arith.constant 320 : i32
        %mul3A_1731 = arith.muli %add3A_1684, %mul3A_1730 : i32
        %add3A_1732 = arith.constant 48 : i32
        %add3A_1733 = arith.addi %mul3A_1731, %add3A_1732 : i32
        %get3A_1734 = arith.index_cast %add3A_1733 : i32 to index
        %get3A_1735 = tpu.vector_load %arg5[%get3A_1734] {strides = array<i32>} : memref<25600xi32, #tpu.memory_space<vmem>>, vector<16xi32>,
        %get3A_1736 = vector.shape_cast %get3A_1735 : vector<16xi32> to vector<16xi32>
        %dma_start3A_1737 = arith.constant 0 : i32
        %dma_start3A_1738 = arith.constant 48 : i32
        %dma_start3A_1739 = arith.constant 0 : i32
        %dma_start3A_1740 = tpu.memref_slice %arg6[%dma_start3A_1737, %dma_start3A_1738, %dma_start3A_1739] : memref<4x320x64xf32, #tpu.memory_space<vmem>> -> memref<1x16x64xf32, #tpu.memory_space<vmem>>
        %dma_start3A_1741 = tpu.memref_squeeze %dma_start3A_1740 : memref<1x16x64xf32, #tpu.memory_space<vmem>> -> memref<16x64xf32, #tpu.memory_space<vmem>>
        %dma_start3A_1742 = arith.constant 0 : i32
        %dma_start3A_1743 = arith.constant 0 : i32
        %dma_start3A_1744 = tpu.memref_slice %arg2[%dma_start3A_1742, %dma_start3A_1743] : memref<1000000x64xf32, #tpu.memory_space<hbm>> -> memref<1000000x64xf32, #tpu.memory_space<hbm>>
        tpu.enqueue_indirect_dma source(%dma_start3A_1744 : memref<1000000x64xf32, #tpu.memory_space<hbm>>) target(%dma_start3A_1741 : memref<16x64xf32, #tpu.memory_space<vmem>>) offsets(%get3A_1736 : vector<16xi32>) semaphore(%arg7 : memref<!tpu.dma_semaphore, #tpu.memory_space<semaphore_mem>>)
        %mul3A_1745 = arith.constant 320 : i32
        %mul3A_1746 = arith.muli %add3A_1684, %mul3A_1745 : i32
        %add3A_1747 = arith.constant 64 : i32
        %add3A_1748 = arith.addi %mul3A_1746, %add3A_1747 : i32
        %get3A_1749 = arith.index_cast %add3A_1748 : i32 to index
        %get3A_1750 = tpu.vector_load %arg5[%get3A_1749] {strides = array<i32>} : memref<25600xi32, #tpu.memory_space<vmem>>, vector<16xi32>,
        %get3A_1751 = vector.shape_cast %get3A_1750 : vector<16xi32> to vector<16xi32>
        %dma_start3A_1752 = arith.constant 0 : i32
        %dma_start3A_1753 = arith.constant 64 : i32
        %dma_start3A_1754 = arith.constant 0 : i32
        %dma_start3A_1755 = tpu.memref_slice %arg6[%dma_start3A_1752, %dma_start3A_1753, %dma_start3A_1754] : memref<4x320x64xf32, #tpu.memory_space<vmem>> -> memref<1x16x64xf32, #tpu.memory_space<vmem>>
        %dma_start3A_1756 = tpu.memref_squeeze %dma_start3A_1755 : memref<1x16x64xf32, #tpu.memory_space<vmem>> -> memref<16x64xf32, #tpu.memory_space<vmem>>
        %dma_start3A_1757 = arith.constant 0 : i32
        %dma_start3A_1758 = arith.constant 0 : i32
        %dma_start3A_1759 = tpu.memref_slice %arg2[%dma_start3A_1757, %dma_start3A_1758] : memref<1000000x64xf32, #tpu.memory_space<hbm>> -> memref<1000000x64xf32, #tpu.memory_space<hbm>>
        tpu.enqueue_indirect_dma source(%dma_start3A_1759 : memref<1000000x64xf32, #tpu.memory_space<hbm>>) target(%dma_start3A_1756 : memref<16x64xf32, #tpu.memory_space<vmem>>) offsets(%get3A_1751 : vector<16xi32>) semaphore(%arg7 : memref<!tpu.dma_semaphore, #tpu.memory_space<semaphore_mem>>)
        %mul3A_1760 = arith.constant 320 : i32
        %mul3A_1761 = arith.muli %add3A_1684, %mul3A_1760 : i32
        %add3A_1762 = arith.constant 80 : i32
        %add3A_1763 = arith.addi %mul3A_1761, %add3A_1762 : i32
        %get3A_1764 = arith.index_cast %add3A_1763 : i32 to index
        %get3A_1765 = tpu.vector_load %arg5[%get3A_1764] {strides = array<i32>} : memref<25600xi32, #tpu.memory_space<vmem>>, vector<16xi32>,
        %get3A_1766 = vector.shape_cast %get3A_1765 : vector<16xi32> to vector<16xi32>
        %dma_start3A_1767 = arith.constant 0 : i32
        %dma_start3A_1768 = arith.constant 80 : i32
        %dma_start3A_1769 = arith.constant 0 : i32
        %dma_start3A_1770 = tpu.memref_slice %arg6[%dma_start3A_1767, %dma_start3A_1768, %dma_start3A_1769] : memref<4x320x64xf32, #tpu.memory_space<vmem>> -> memref<1x16x64xf32, #tpu.memory_space<vmem>>
        %dma_start3A_1771 = tpu.memref_squeeze %dma_start3A_1770 : memref<1x16x64xf32, #tpu.memory_space<vmem>> -> memref<16x64xf32, #tpu.memory_space<vmem>>
        %dma_start3A_1772 = arith.constant 0 : i32
        %dma_start3A_1773 = arith.constant 0 : i32
        %dma_start3A_1774 = tpu.memref_slice %arg2[%dma_start3A_1772, %dma_start3A_1773] : memref<1000000x64xf32, #tpu.memory_space<hbm>> -> memref<1000000x64xf32, #tpu.memory_space<hbm>>
        tpu.enqueue_indirect_dma source(%dma_start3A_1774 : memref<1000000x64xf32, #tpu.memory_space<hbm>>) target(%dma_start3A_1771 : memref<16x64xf32, #tpu.memory_space<vmem>>) offsets(%get3A_1766 : vector<16xi32>) semaphore(%arg7 : memref<!tpu.dma_semaphore, #tpu.memory_space<semaphore_mem>>)
        %mul3A_1775 = arith.constant 320 : i32
        %mul3A_1776 = arith.muli %add3A_1684, %mul3A_1775 : i32
        %add3A_1777 = arith.constant 96 : i32
        %add3A_1778 = arith.addi %mul3A_1776, %add3A_1777 : i32
        %get3A_1779 = arith.index_cast %add3A_1778 : i32 to index
        %get3A_1780 = tpu.vector_load %arg5[%get3A_1779] {strides = array<i32>} : memref<25600xi32, #tpu.memory_space<vmem>>, vector<16xi32>,
        %get3A_1781 = vector.shape_cast %get3A_1780 : vector<16xi32> to vector<16xi32>
        %dma_start3A_1782 = arith.constant 0 : i32
        %dma_start3A_1783 = arith.constant 96 : i32
        %dma_start3A_1784 = arith.constant 0 : i32
        %dma_start3A_1785 = tpu.memref_slice %arg6[%dma_start3A_1782, %dma_start3A_1783, %dma_start3A_1784] : memref<4x320x64xf32, #tpu.memory_space<vmem>> -> memref<1x16x64xf32, #tpu.memory_space<vmem>>
        %dma_start3A_1786 = tpu.memref_squeeze %dma_start3A_1785 : memref<1x16x64xf32, #tpu.memory_space<vmem>> -> memref<16x64xf32, #tpu.memory_space<vmem>>
        %dma_start3A_1787 = arith.constant 0 : i32
        %dma_start3A_1788 = arith.constant 0 : i32
        %dma_start3A_1789 = tpu.memref_slice %arg2[%dma_start3A_1787, %dma_start3A_1788] : memref<1000000x64xf32, #tpu.memory_space<hbm>> -> memref<1000000x64xf32, #tpu.memory_space<hbm>>
        tpu.enqueue_indirect_dma source(%dma_start3A_1789 : memref<1000000x64xf32, #tpu.memory_space<hbm>>) target(%dma_start3A_1786 : memref<16x64xf32, #tpu.memory_space<vmem>>) offsets(%get3A_1781 : vector<16xi32>) semaphore(%arg7 : memref<!tpu.dma_semaphore, #tpu.memory_space<semaphore_mem>>)
        %mul3A_1790 = arith.constant 320 : i32
        %mul3A_1791 = arith.muli %add3A_1684, %mul3A_1790 : i32
        %add3A_1792 = arith.constant 112 : i32
        %add3A_1793 = arith.addi %mul3A_1791, %add3A_1792 : i32
        %get3A_1794 = arith.index_cast %add3A_1793 : i32 to index
        %get3A_1795 = tpu.vector_load %arg5[%get3A_1794] {strides = array<i32>} : memref<25600xi32, #tpu.memory_space<vmem>>, vector<16xi32>,
        %get3A_1796 = vector.shape_cast %get3A_1795 : vector<16xi32> to vector<16xi32>
        %dma_start3A_1797 = arith.constant 0 : i32
        %dma_start3A_1798 = arith.constant 112 : i32
        %dma_start3A_1799 = arith.constant 0 : i32
        %dma_start3A_1800 = tpu.memref_slice %arg6[%dma_start3A_1797, %dma_start3A_1798, %dma_start3A_1799] : memref<4x320x64xf32, #tpu.memory_space<vmem>> -> memref<1x16x64xf32, #tpu.memory_space<vmem>>
        %dma_start3A_1801 = tpu.memref_squeeze %dma_start3A_1800 : memref<1x16x64xf32, #tpu.memory_space<vmem>> -> memref<16x64xf32, #tpu.memory_space<vmem>>
        %dma_start3A_1802 = arith.constant 0 : i32
        %dma_start3A_1803 = arith.constant 0 : i32
        %dma_start3A_1804 = tpu.memref_slice %arg2[%dma_start3A_1802, %dma_start3A_1803] : memref<1000000x64xf32, #tpu.memory_space<hbm>> -> memref<1000000x64xf32, #tpu.memory_space<hbm>>
        tpu.enqueue_indirect_dma source(%dma_start3A_1804 : memref<1000000x64xf32, #tpu.memory_space<hbm>>) target(%dma_start3A_1801 : memref<16x64xf32, #tpu.memory_space<vmem>>) offsets(%get3A_1796 : vector<16xi32>) semaphore(%arg7 : memref<!tpu.dma_semaphore, #tpu.memory_space<semaphore_mem>>)
        %mul3A_1805 = arith.constant 320 : i32
        %mul3A_1806 = arith.muli %add3A_1684, %mul3A_1805 : i32
        %add3A_1807 = arith.constant 128 : i32
        %add3A_1808 = arith.addi %mul3A_1806, %add3A_1807 : i32
        %get3A_1809 = arith.index_cast %add3A_1808 : i32 to index
        %get3A_1810 = tpu.vector_load %arg5[%get3A_1809] {strides = array<i32>} : memref<25600xi32, #tpu.memory_space<vmem>>, vector<16xi32>,
        %get3A_1811 = vector.shape_cast %get3A_1810 : vector<16xi32> to vector<16xi32>
        %dma_start3A_1812 = arith.constant 0 : i32
        %dma_start3A_1813 = arith.constant 128 : i32
        %dma_start3A_1814 = arith.constant 0 : i32
        %dma_start3A_1815 = tpu.memref_slice %arg6[%dma_start3A_1812, %dma_start3A_1813, %dma_start3A_1814] : memref<4x320x64xf32, #tpu.memory_space<vmem>> -> memref<1x16x64xf32, #tpu.memory_space<vmem>>
        %dma_start3A_1816 = tpu.memref_squeeze %dma_start3A_1815 : memref<1x16x64xf32, #tpu.memory_space<vmem>> -> memref<16x64xf32, #tpu.memory_space<vmem>>
        %dma_start3A_1817 = arith.constant 0 : i32
        %dma_start3A_1818 = arith.constant 0 : i32
        %dma_start3A_1819 = tpu.memref_slice %arg2[%dma_start3A_1817, %dma_start3A_1818] : memref<1000000x64xf32, #tpu.memory_space<hbm>> -> memref<1000000x64xf32, #tpu.memory_space<hbm>>
        tpu.enqueue_indirect_dma source(%dma_start3A_1819 : memref<1000000x64xf32, #tpu.memory_space<hbm>>) target(%dma_start3A_1816 : memref<16x64xf32, #tpu.memory_space<vmem>>) offsets(%get3A_1811 : vector<16xi32>) semaphore(%arg7 : memref<!tpu.dma_semaphore, #tpu.memory_space<semaphore_mem>>)
        %mul3A_1820 = arith.constant 320 : i32
        %mul3A_1821 = arith.muli %add3A_1684, %mul3A_1820 : i32
        %add3A_1822 = arith.constant 144 : i32
        %add3A_1823 = arith.addi %mul3A_1821, %add3A_1822 : i32
        %get3A_1824 = arith.index_cast %add3A_1823 : i32 to index
        %get3A_1825 = tpu.vector_load %arg5[%get3A_1824] {strides = array<i32>} : memref<25600xi32, #tpu.memory_space<vmem>>, vector<16xi32>,
        %get3A_1826 = vector.shape_cast %get3A_1825 : vector<16xi32> to vector<16xi32>
        %dma_start3A_1827 = arith.constant 0 : i32
        %dma_start3A_1828 = arith.constant 144 : i32
        %dma_start3A_1829 = arith.constant 0 : i32
        %dma_start3A_1830 = tpu.memref_slice %arg6[%dma_start3A_1827, %dma_start3A_1828, %dma_start3A_1829] : memref<4x320x64xf32, #tpu.memory_space<vmem>> -> memref<1x16x64xf32, #tpu.memory_space<vmem>>
        %dma_start3A_1831 = tpu.memref_squeeze %dma_start3A_1830 : memref<1x16x64xf32, #tpu.memory_space<vmem>> -> memref<16x64xf32, #tpu.memory_space<vmem>>
        %dma_start3A_1832 = arith.constant 0 : i32
        %dma_start3A_1833 = arith.constant 0 : i32
        %dma_start3A_1834 = tpu.memref_slice %arg2[%dma_start3A_1832, %dma_start3A_1833] : memref<1000000x64xf32, #tpu.memory_space<hbm>> -> memref<1000000x64xf32, #tpu.memory_space<hbm>>
        tpu.enqueue_indirect_dma source(%dma_start3A_1834 : memref<1000000x64xf32, #tpu.memory_space<hbm>>) target(%dma_start3A_1831 : memref<16x64xf32, #tpu.memory_space<vmem>>) offsets(%get3A_1826 : vector<16xi32>) semaphore(%arg7 : memref<!tpu.dma_semaphore, #tpu.memory_space<semaphore_mem>>)
        %mul3A_1835 = arith.constant 320 : i32
        %mul3A_1836 = arith.muli %add3A_1684, %mul3A_1835 : i32
        %add3A_1837 = arith.constant 160 : i32
        %add3A_1838 = arith.addi %mul3A_1836, %add3A_1837 : i32
        %get3A_1839 = arith.index_cast %add3A_1838 : i32 to index
        %get3A_1840 = tpu.vector_load %arg5[%get3A_1839] {strides = array<i32>} : memref<25600xi32, #tpu.memory_space<vmem>>, vector<16xi32>,
        %get3A_1841 = vector.shape_cast %get3A_1840 : vector<16xi32> to vector<16xi32>
        %dma_start3A_1842 = arith.constant 0 : i32
        %dma_start3A_1843 = arith.constant 160 : i32
        %dma_start3A_1844 = arith.constant 0 : i32
        %dma_start3A_1845 = tpu.memref_slice %arg6[%dma_start3A_1842, %dma_start3A_1843, %dma_start3A_1844] : memref<4x320x64xf32, #tpu.memory_space<vmem>> -> memref<1x16x64xf32, #tpu.memory_space<vmem>>
        %dma_start3A_1846 = tpu.memref_squeeze %dma_start3A_1845 : memref<1x16x64xf32, #tpu.memory_space<vmem>> -> memref<16x64xf32, #tpu.memory_space<vmem>>
        %dma_start3A_1847 = arith.constant 0 : i32
        %dma_start3A_1848 = arith.constant 0 : i32
        %dma_start3A_1849 = tpu.memref_slice %arg2[%dma_start3A_1847, %dma_start3A_1848] : memref<1000000x64xf32, #tpu.memory_space<hbm>> -> memref<1000000x64xf32, #tpu.memory_space<hbm>>
        tpu.enqueue_indirect_dma source(%dma_start3A_1849 : memref<1000000x64xf32, #tpu.memory_space<hbm>>) target(%dma_start3A_1846 : memref<16x64xf32, #tpu.memory_space<vmem>>) offsets(%get3A_1841 : vector<16xi32>) semaphore(%arg7 : memref<!tpu.dma_semaphore, #tpu.memory_space<semaphore_mem>>)
        %mul3A_1850 = arith.constant 320 : i32
        %mul3A_1851 = arith.muli %add3A_1684, %mul3A_1850 : i32
        %add3A_1852 = arith.constant 176 : i32
        %add3A_1853 = arith.addi %mul3A_1851, %add3A_1852 : i32
        %get3A_1854 = arith.index_cast %add3A_1853 : i32 to index
        %get3A_1855 = tpu.vector_load %arg5[%get3A_1854] {strides = array<i32>} : memref<25600xi32, #tpu.memory_space<vmem>>, vector<16xi32>,
        %get3A_1856 = vector.shape_cast %get3A_1855 : vector<16xi32> to vector<16xi32>
        %dma_start3A_1857 = arith.constant 0 : i32
        %dma_start3A_1858 = arith.constant 176 : i32
        %dma_start3A_1859 = arith.constant 0 : i32
        %dma_start3A_1860 = tpu.memref_slice %arg6[%dma_start3A_1857, %dma_start3A_1858, %dma_start3A_1859] : memref<4x320x64xf32, #tpu.memory_space<vmem>> -> memref<1x16x64xf32, #tpu.memory_space<vmem>>
        %dma_start3A_1861 = tpu.memref_squeeze %dma_start3A_1860 : memref<1x16x64xf32, #tpu.memory_space<vmem>> -> memref<16x64xf32, #tpu.memory_space<vmem>>
        %dma_start3A_1862 = arith.constant 0 : i32
        %dma_start3A_1863 = arith.constant 0 : i32
        %dma_start3A_1864 = tpu.memref_slice %arg2[%dma_start3A_1862, %dma_start3A_1863] : memref<1000000x64xf32, #tpu.memory_space<hbm>> -> memref<1000000x64xf32, #tpu.memory_space<hbm>>
        tpu.enqueue_indirect_dma source(%dma_start3A_1864 : memref<1000000x64xf32, #tpu.memory_space<hbm>>) target(%dma_start3A_1861 : memref<16x64xf32, #tpu.memory_space<vmem>>) offsets(%get3A_1856 : vector<16xi32>) semaphore(%arg7 : memref<!tpu.dma_semaphore, #tpu.memory_space<semaphore_mem>>)
        %mul3A_1865 = arith.constant 320 : i32
        %mul3A_1866 = arith.muli %add3A_1684, %mul3A_1865 : i32
        %add3A_1867 = arith.constant 192 : i32
        %add3A_1868 = arith.addi %mul3A_1866, %add3A_1867 : i32
        %get3A_1869 = arith.index_cast %add3A_1868 : i32 to index
        %get3A_1870 = tpu.vector_load %arg5[%get3A_1869] {strides = array<i32>} : memref<25600xi32, #tpu.memory_space<vmem>>, vector<16xi32>,
        %get3A_1871 = vector.shape_cast %get3A_1870 : vector<16xi32> to vector<16xi32>
        %dma_start3A_1872 = arith.constant 0 : i32
        %dma_start3A_1873 = arith.constant 192 : i32
        %dma_start3A_1874 = arith.constant 0 : i32
        %dma_start3A_1875 = tpu.memref_slice %arg6[%dma_start3A_1872, %dma_start3A_1873, %dma_start3A_1874] : memref<4x320x64xf32, #tpu.memory_space<vmem>> -> memref<1x16x64xf32, #tpu.memory_space<vmem>>
        %dma_start3A_1876 = tpu.memref_squeeze %dma_start3A_1875 : memref<1x16x64xf32, #tpu.memory_space<vmem>> -> memref<16x64xf32, #tpu.memory_space<vmem>>
        %dma_start3A_1877 = arith.constant 0 : i32
        %dma_start3A_1878 = arith.constant 0 : i32
        %dma_start3A_1879 = tpu.memref_slice %arg2[%dma_start3A_1877, %dma_start3A_1878] : memref<1000000x64xf32, #tpu.memory_space<hbm>> -> memref<1000000x64xf32, #tpu.memory_space<hbm>>
        tpu.enqueue_indirect_dma source(%dma_start3A_1879 : memref<1000000x64xf32, #tpu.memory_space<hbm>>) target(%dma_start3A_1876 : memref<16x64xf32, #tpu.memory_space<vmem>>) offsets(%get3A_1871 : vector<16xi32>) semaphore(%arg7 : memref<!tpu.dma_semaphore, #tpu.memory_space<semaphore_mem>>)
        %mul3A_1880 = arith.constant 320 : i32
        %mul3A_1881 = arith.muli %add3A_1684, %mul3A_1880 : i32
        %add3A_1882 = arith.constant 208 : i32
        %add3A_1883 = arith.addi %mul3A_1881, %add3A_1882 : i32
        %get3A_1884 = arith.index_cast %add3A_1883 : i32 to index
        %get3A_1885 = tpu.vector_load %arg5[%get3A_1884] {strides = array<i32>} : memref<25600xi32, #tpu.memory_space<vmem>>, vector<16xi32>,
        %get3A_1886 = vector.shape_cast %get3A_1885 : vector<16xi32> to vector<16xi32>
        %dma_start3A_1887 = arith.constant 0 : i32
        %dma_start3A_1888 = arith.constant 208 : i32
        %dma_start3A_1889 = arith.constant 0 : i32
        %dma_start3A_1890 = tpu.memref_slice %arg6[%dma_start3A_1887, %dma_start3A_1888, %dma_start3A_1889] : memref<4x320x64xf32, #tpu.memory_space<vmem>> -> memref<1x16x64xf32, #tpu.memory_space<vmem>>
        %dma_start3A_1891 = tpu.memref_squeeze %dma_start3A_1890 : memref<1x16x64xf32, #tpu.memory_space<vmem>> -> memref<16x64xf32, #tpu.memory_space<vmem>>
        %dma_start3A_1892 = arith.constant 0 : i32
        %dma_start3A_1893 = arith.constant 0 : i32
        %dma_start3A_1894 = tpu.memref_slice %arg2[%dma_start3A_1892, %dma_start3A_1893] : memref<1000000x64xf32, #tpu.memory_space<hbm>> -> memref<1000000x64xf32, #tpu.memory_space<hbm>>
        tpu.enqueue_indirect_dma source(%dma_start3A_1894 : memref<1000000x64xf32, #tpu.memory_space<hbm>>) target(%dma_start3A_1891 : memref<16x64xf32, #tpu.memory_space<vmem>>) offsets(%get3A_1886 : vector<16xi32>) semaphore(%arg7 : memref<!tpu.dma_semaphore, #tpu.memory_space<semaphore_mem>>)
        %mul3A_1895 = arith.constant 320 : i32
        %mul3A_1896 = arith.muli %add3A_1684, %mul3A_1895 : i32
        %add3A_1897 = arith.constant 224 : i32
        %add3A_1898 = arith.addi %mul3A_1896, %add3A_1897 : i32
        %get3A_1899 = arith.index_cast %add3A_1898 : i32 to index
        %get3A_1900 = tpu.vector_load %arg5[%get3A_1899] {strides = array<i32>} : memref<25600xi32, #tpu.memory_space<vmem>>, vector<16xi32>,
        %get3A_1901 = vector.shape_cast %get3A_1900 : vector<16xi32> to vector<16xi32>
        %dma_start3A_1902 = arith.constant 0 : i32
        %dma_start3A_1903 = arith.constant 224 : i32
        %dma_start3A_1904 = arith.constant 0 : i32
        %dma_start3A_1905 = tpu.memref_slice %arg6[%dma_start3A_1902, %dma_start3A_1903, %dma_start3A_1904] : memref<4x320x64xf32, #tpu.memory_space<vmem>> -> memref<1x16x64xf32, #tpu.memory_space<vmem>>
        %dma_start3A_1906 = tpu.memref_squeeze %dma_start3A_1905 : memref<1x16x64xf32, #tpu.memory_space<vmem>> -> memref<16x64xf32, #tpu.memory_space<vmem>>
        %dma_start3A_1907 = arith.constant 0 : i32
        %dma_start3A_1908 = arith.constant 0 : i32
        %dma_start3A_1909 = tpu.memref_slice %arg2[%dma_start3A_1907, %dma_start3A_1908] : memref<1000000x64xf32, #tpu.memory_space<hbm>> -> memref<1000000x64xf32, #tpu.memory_space<hbm>>
        tpu.enqueue_indirect_dma source(%dma_start3A_1909 : memref<1000000x64xf32, #tpu.memory_space<hbm>>) target(%dma_start3A_1906 : memref<16x64xf32, #tpu.memory_space<vmem>>) offsets(%get3A_1901 : vector<16xi32>) semaphore(%arg7 : memref<!tpu.dma_semaphore, #tpu.memory_space<semaphore_mem>>)
        %mul3A_1910 = arith.constant 320 : i32
        %mul3A_1911 = arith.muli %add3A_1684, %mul3A_1910 : i32
        %add3A_1912 = arith.constant 240 : i32
        %add3A_1913 = arith.addi %mul3A_1911, %add3A_1912 : i32
        %get3A_1914 = arith.index_cast %add3A_1913 : i32 to index
        %get3A_1915 = tpu.vector_load %arg5[%get3A_1914] {strides = array<i32>} : memref<25600xi32, #tpu.memory_space<vmem>>, vector<16xi32>,
        %get3A_1916 = vector.shape_cast %get3A_1915 : vector<16xi32> to vector<16xi32>
        %dma_start3A_1917 = arith.constant 0 : i32
        %dma_start3A_1918 = arith.constant 240 : i32
        %dma_start3A_1919 = arith.constant 0 : i32
        %dma_start3A_1920 = tpu.memref_slice %arg6[%dma_start3A_1917, %dma_start3A_1918, %dma_start3A_1919] : memref<4x320x64xf32, #tpu.memory_space<vmem>> -> memref<1x16x64xf32, #tpu.memory_space<vmem>>
        %dma_start3A_1921 = tpu.memref_squeeze %dma_start3A_1920 : memref<1x16x64xf32, #tpu.memory_space<vmem>> -> memref<16x64xf32, #tpu.memory_space<vmem>>
        %dma_start3A_1922 = arith.constant 0 : i32
        %dma_start3A_1923 = arith.constant 0 : i32
        %dma_start3A_1924 = tpu.memref_slice %arg2[%dma_start3A_1922, %dma_start3A_1923] : memref<1000000x64xf32, #tpu.memory_space<hbm>> -> memref<1000000x64xf32, #tpu.memory_space<hbm>>
        tpu.enqueue_indirect_dma source(%dma_start3A_1924 : memref<1000000x64xf32, #tpu.memory_space<hbm>>) target(%dma_start3A_1921 : memref<16x64xf32, #tpu.memory_space<vmem>>) offsets(%get3A_1916 : vector<16xi32>) semaphore(%arg7 : memref<!tpu.dma_semaphore, #tpu.memory_space<semaphore_mem>>)
        %mul3A_1925 = arith.constant 320 : i32
        %mul3A_1926 = arith.muli %add3A_1684, %mul3A_1925 : i32
        %add3A_1927 = arith.constant 256 : i32
        %add3A_1928 = arith.addi %mul3A_1926, %add3A_1927 : i32
        %get3A_1929 = arith.index_cast %add3A_1928 : i32 to index
        %get3A_1930 = tpu.vector_load %arg5[%get3A_1929] {strides = array<i32>} : memref<25600xi32, #tpu.memory_space<vmem>>, vector<16xi32>,
        %get3A_1931 = vector.shape_cast %get3A_1930 : vector<16xi32> to vector<16xi32>
        %dma_start3A_1932 = arith.constant 0 : i32
        %dma_start3A_1933 = arith.constant 256 : i32
        %dma_start3A_1934 = arith.constant 0 : i32
        %dma_start3A_1935 = tpu.memref_slice %arg6[%dma_start3A_1932, %dma_start3A_1933, %dma_start3A_1934] : memref<4x320x64xf32, #tpu.memory_space<vmem>> -> memref<1x16x64xf32, #tpu.memory_space<vmem>>
        %dma_start3A_1936 = tpu.memref_squeeze %dma_start3A_1935 : memref<1x16x64xf32, #tpu.memory_space<vmem>> -> memref<16x64xf32, #tpu.memory_space<vmem>>
        %dma_start3A_1937 = arith.constant 0 : i32
        %dma_start3A_1938 = arith.constant 0 : i32
        %dma_start3A_1939 = tpu.memref_slice %arg2[%dma_start3A_1937, %dma_start3A_1938] : memref<1000000x64xf32, #tpu.memory_space<hbm>> -> memref<1000000x64xf32, #tpu.memory_space<hbm>>
        tpu.enqueue_indirect_dma source(%dma_start3A_1939 : memref<1000000x64xf32, #tpu.memory_space<hbm>>) target(%dma_start3A_1936 : memref<16x64xf32, #tpu.memory_space<vmem>>) offsets(%get3A_1931 : vector<16xi32>) semaphore(%arg7 : memref<!tpu.dma_semaphore, #tpu.memory_space<semaphore_mem>>)
        %mul3A_1940 = arith.constant 320 : i32
        %mul3A_1941 = arith.muli %add3A_1684, %mul3A_1940 : i32
        %add3A_1942 = arith.constant 272 : i32
        %add3A_1943 = arith.addi %mul3A_1941, %add3A_1942 : i32
        %get3A_1944 = arith.index_cast %add3A_1943 : i32 to index
        %get3A_1945 = tpu.vector_load %arg5[%get3A_1944] {strides = array<i32>} : memref<25600xi32, #tpu.memory_space<vmem>>, vector<16xi32>,
        %get3A_1946 = vector.shape_cast %get3A_1945 : vector<16xi32> to vector<16xi32>
        %dma_start3A_1947 = arith.constant 0 : i32
        %dma_start3A_1948 = arith.constant 272 : i32
        %dma_start3A_1949 = arith.constant 0 : i32
        %dma_start3A_1950 = tpu.memref_slice %arg6[%dma_start3A_1947, %dma_start3A_1948, %dma_start3A_1949] : memref<4x320x64xf32, #tpu.memory_space<vmem>> -> memref<1x16x64xf32, #tpu.memory_space<vmem>>
        %dma_start3A_1951 = tpu.memref_squeeze %dma_start3A_1950 : memref<1x16x64xf32, #tpu.memory_space<vmem>> -> memref<16x64xf32, #tpu.memory_space<vmem>>
        %dma_start3A_1952 = arith.constant 0 : i32
        %dma_start3A_1953 = arith.constant 0 : i32
        %dma_start3A_1954 = tpu.memref_slice %arg2[%dma_start3A_1952, %dma_start3A_1953] : memref<1000000x64xf32, #tpu.memory_space<hbm>> -> memref<1000000x64xf32, #tpu.memory_space<hbm>>
        tpu.enqueue_indirect_dma source(%dma_start3A_1954 : memref<1000000x64xf32, #tpu.memory_space<hbm>>) target(%dma_start3A_1951 : memref<16x64xf32, #tpu.memory_space<vmem>>) offsets(%get3A_1946 : vector<16xi32>) semaphore(%arg7 : memref<!tpu.dma_semaphore, #tpu.memory_space<semaphore_mem>>)
        %mul3A_1955 = arith.constant 320 : i32
        %mul3A_1956 = arith.muli %add3A_1684, %mul3A_1955 : i32
        %add3A_1957 = arith.constant 288 : i32
        %add3A_1958 = arith.addi %mul3A_1956, %add3A_1957 : i32
        %get3A_1959 = arith.index_cast %add3A_1958 : i32 to index
        %get3A_1960 = tpu.vector_load %arg5[%get3A_1959] {strides = array<i32>} : memref<25600xi32, #tpu.memory_space<vmem>>, vector<16xi32>,
        %get3A_1961 = vector.shape_cast %get3A_1960 : vector<16xi32> to vector<16xi32>
        %dma_start3A_1962 = arith.constant 0 : i32
        %dma_start3A_1963 = arith.constant 288 : i32
        %dma_start3A_1964 = arith.constant 0 : i32
        %dma_start3A_1965 = tpu.memref_slice %arg6[%dma_start3A_1962, %dma_start3A_1963, %dma_start3A_1964] : memref<4x320x64xf32, #tpu.memory_space<vmem>> -> memref<1x16x64xf32, #tpu.memory_space<vmem>>
        %dma_start3A_1966 = tpu.memref_squeeze %dma_start3A_1965 : memref<1x16x64xf32, #tpu.memory_space<vmem>> -> memref<16x64xf32, #tpu.memory_space<vmem>>
        %dma_start3A_1967 = arith.constant 0 : i32
        %dma_start3A_1968 = arith.constant 0 : i32
        %dma_start3A_1969 = tpu.memref_slice %arg2[%dma_start3A_1967, %dma_start3A_1968] : memref<1000000x64xf32, #tpu.memory_space<hbm>> -> memref<1000000x64xf32, #tpu.memory_space<hbm>>
        tpu.enqueue_indirect_dma source(%dma_start3A_1969 : memref<1000000x64xf32, #tpu.memory_space<hbm>>) target(%dma_start3A_1966 : memref<16x64xf32, #tpu.memory_space<vmem>>) offsets(%get3A_1961 : vector<16xi32>) semaphore(%arg7 : memref<!tpu.dma_semaphore, #tpu.memory_space<semaphore_mem>>)
        %mul3A_1970 = arith.constant 320 : i32
        %mul3A_1971 = arith.muli %add3A_1684, %mul3A_1970 : i32
        %add3A_1972 = arith.constant 304 : i32
        %add3A_1973 = arith.addi %mul3A_1971, %add3A_1972 : i32
        %get3A_1974 = arith.index_cast %add3A_1973 : i32 to index
        %get3A_1975 = tpu.vector_load %arg5[%get3A_1974] {strides = array<i32>} : memref<25600xi32, #tpu.memory_space<vmem>>, vector<16xi32>,
        %get3A_1976 = vector.shape_cast %get3A_1975 : vector<16xi32> to vector<16xi32>
        %dma_start3A_1977 = arith.constant 0 : i32
        %dma_start3A_1978 = arith.constant 304 : i32
        %dma_start3A_1979 = arith.constant 0 : i32
        %dma_start3A_1980 = tpu.memref_slice %arg6[%dma_start3A_1977, %dma_start3A_1978, %dma_start3A_1979] : memref<4x320x64xf32, #tpu.memory_space<vmem>> -> memref<1x16x64xf32, #tpu.memory_space<vmem>>
        %dma_start3A_1981 = tpu.memref_squeeze %dma_start3A_1980 : memref<1x16x64xf32, #tpu.memory_space<vmem>> -> memref<16x64xf32, #tpu.memory_space<vmem>>
        %dma_start3A_1982 = arith.constant 0 : i32
        %dma_start3A_1983 = arith.constant 0 : i32
        %dma_start3A_1984 = tpu.memref_slice %arg2[%dma_start3A_1982, %dma_start3A_1983] : memref<1000000x64xf32, #tpu.memory_space<hbm>> -> memref<1000000x64xf32, #tpu.memory_space<hbm>>
        tpu.enqueue_indirect_dma source(%dma_start3A_1984 : memref<1000000x64xf32, #tpu.memory_space<hbm>>) target(%dma_start3A_1981 : memref<16x64xf32, #tpu.memory_space<vmem>>) offsets(%get3A_1976 : vector<16xi32>) semaphore(%arg7 : memref<!tpu.dma_semaphore, #tpu.memory_space<semaphore_mem>>)
      } else {
      }
      %mul3A_1179 = arith.constant 4 : i32
      %mul3A_1180 = arith.muli %scan3A_678, %mul3A_1179 : i32
      %add3A_1181 = arith.constant 2 : i32
      %add3A_1182 = arith.addi %mul3A_1180, %add3A_1181 : i32
      %get3A_1183 = arith.constant 0 : index
      %get3A_1184 = tpu.vector_load %arg5[%get3A_1183] {strides = array<i32>} : memref<25600xi32, #tpu.memory_space<vmem>>, vector<16xi32>,
      %get3A_1185 = vector.shape_cast %get3A_1184 : vector<16xi32> to vector<16xi32>
      %dma_wait3A_1186 = arith.constant 2 : i32
      %dma_wait3A_1187 = arith.constant 0 : i32
      %dma_wait3A_1188 = arith.constant 0 : i32
      %dma_wait3A_1189 = tpu.memref_slice %arg6[%dma_wait3A_1186, %dma_wait3A_1187, %dma_wait3A_1188] : memref<4x320x64xf32, #tpu.memory_space<vmem>> -> memref<1x16x64xf32, #tpu.memory_space<vmem>>
      %dma_wait3A_1190 = tpu.memref_squeeze %dma_wait3A_1189 : memref<1x16x64xf32, #tpu.memory_space<vmem>> -> memref<16x64xf32, #tpu.memory_space<vmem>>
      %dma_wait3A_1191 = arith.constant 0 : i32
      %dma_wait3A_1192 = arith.constant 0 : i32
      %dma_wait3A_1193 = tpu.memref_slice %arg2[%dma_wait3A_1191, %dma_wait3A_1192] : memref<1000000x64xf32, #tpu.memory_space<hbm>> -> memref<1000000x64xf32, #tpu.memory_space<hbm>>
      tpu.wait_indirect_dma semaphore(%arg9 : memref<!tpu.dma_semaphore, #tpu.memory_space<semaphore_mem>>) src(%dma_wait3A_1193 : memref<1000000x64xf32, #tpu.memory_space<hbm>>) dst(%dma_wait3A_1190 : memref<16x64xf32, #tpu.memory_space<vmem>>)
      %get3A_1194 = arith.constant 16 : index
      %get3A_1195 = tpu.vector_load %arg5[%get3A_1194] {strides = array<i32>} : memref<25600xi32, #tpu.memory_space<vmem>>, vector<16xi32>,
      %get3A_1196 = vector.shape_cast %get3A_1195 : vector<16xi32> to vector<16xi32>
      %dma_wait3A_1197 = arith.constant 2 : i32
      %dma_wait3A_1198 = arith.constant 16 : i32
      %dma_wait3A_1199 = arith.constant 0 : i32
      %dma_wait3A_1200 = tpu.memref_slice %arg6[%dma_wait3A_1197, %dma_wait3A_1198, %dma_wait3A_1199] : memref<4x320x64xf32, #tpu.memory_space<vmem>> -> memref<1x16x64xf32, #tpu.memory_space<vmem>>
      %dma_wait3A_1201 = tpu.memref_squeeze %dma_wait3A_1200 : memref<1x16x64xf32, #tpu.memory_space<vmem>> -> memref<16x64xf32, #tpu.memory_space<vmem>>
      %dma_wait3A_1202 = arith.constant 0 : i32
      %dma_wait3A_1203 = arith.constant 0 : i32
      %dma_wait3A_1204 = tpu.memref_slice %arg2[%dma_wait3A_1202, %dma_wait3A_1203] : memref<1000000x64xf32, #tpu.memory_space<hbm>> -> memref<1000000x64xf32, #tpu.memory_space<hbm>>
      tpu.wait_indirect_dma semaphore(%arg9 : memref<!tpu.dma_semaphore, #tpu.memory_space<semaphore_mem>>) src(%dma_wait3A_1204 : memref<1000000x64xf32, #tpu.memory_space<hbm>>) dst(%dma_wait3A_1201 : memref<16x64xf32, #tpu.memory_space<vmem>>)
      %get3A_1205 = arith.constant 32 : index
      %get3A_1206 = tpu.vector_load %arg5[%get3A_1205] {strides = array<i32>} : memref<25600xi32, #tpu.memory_space<vmem>>, vector<16xi32>,
      %get3A_1207 = vector.shape_cast %get3A_1206 : vector<16xi32> to vector<16xi32>
      %dma_wait3A_1208 = arith.constant 2 : i32
      %dma_wait3A_1209 = arith.constant 32 : i32
      %dma_wait3A_1210 = arith.constant 0 : i32
      %dma_wait3A_1211 = tpu.memref_slice %arg6[%dma_wait3A_1208, %dma_wait3A_1209, %dma_wait3A_1210] : memref<4x320x64xf32, #tpu.memory_space<vmem>> -> memref<1x16x64xf32, #tpu.memory_space<vmem>>
      %dma_wait3A_1212 = tpu.memref_squeeze %dma_wait3A_1211 : memref<1x16x64xf32, #tpu.memory_space<vmem>> -> memref<16x64xf32, #tpu.memory_space<vmem>>
      %dma_wait3A_1213 = arith.constant 0 : i32
      %dma_wait3A_1214 = arith.constant 0 : i32
      %dma_wait3A_1215 = tpu.memref_slice %arg2[%dma_wait3A_1213, %dma_wait3A_1214] : memref<1000000x64xf32, #tpu.memory_space<hbm>> -> memref<1000000x64xf32, #tpu.memory_space<hbm>>
      tpu.wait_indirect_dma semaphore(%arg9 : memref<!tpu.dma_semaphore, #tpu.memory_space<semaphore_mem>>) src(%dma_wait3A_1215 : memref<1000000x64xf32, #tpu.memory_space<hbm>>) dst(%dma_wait3A_1212 : memref<16x64xf32, #tpu.memory_space<vmem>>)
      %get3A_1216 = arith.constant 48 : index
      %get3A_1217 = tpu.vector_load %arg5[%get3A_1216] {strides = array<i32>} : memref<25600xi32, #tpu.memory_space<vmem>>, vector<16xi32>,
      %get3A_1218 = vector.shape_cast %get3A_1217 : vector<16xi32> to vector<16xi32>
      %dma_wait3A_1219 = arith.constant 2 : i32
      %dma_wait3A_1220 = arith.constant 48 : i32
      %dma_wait3A_1221 = arith.constant 0 : i32
      %dma_wait3A_1222 = tpu.memref_slice %arg6[%dma_wait3A_1219, %dma_wait3A_1220, %dma_wait3A_1221] : memref<4x320x64xf32, #tpu.memory_space<vmem>> -> memref<1x16x64xf32, #tpu.memory_space<vmem>>
      %dma_wait3A_1223 = tpu.memref_squeeze %dma_wait3A_1222 : memref<1x16x64xf32, #tpu.memory_space<vmem>> -> memref<16x64xf32, #tpu.memory_space<vmem>>
      %dma_wait3A_1224 = arith.constant 0 : i32
      %dma_wait3A_1225 = arith.constant 0 : i32
      %dma_wait3A_1226 = tpu.memref_slice %arg2[%dma_wait3A_1224, %dma_wait3A_1225] : memref<1000000x64xf32, #tpu.memory_space<hbm>> -> memref<1000000x64xf32, #tpu.memory_space<hbm>>
      tpu.wait_indirect_dma semaphore(%arg9 : memref<!tpu.dma_semaphore, #tpu.memory_space<semaphore_mem>>) src(%dma_wait3A_1226 : memref<1000000x64xf32, #tpu.memory_space<hbm>>) dst(%dma_wait3A_1223 : memref<16x64xf32, #tpu.memory_space<vmem>>)
      %get3A_1227 = arith.constant 64 : index
      %get3A_1228 = tpu.vector_load %arg5[%get3A_1227] {strides = array<i32>} : memref<25600xi32, #tpu.memory_space<vmem>>, vector<16xi32>,
      %get3A_1229 = vector.shape_cast %get3A_1228 : vector<16xi32> to vector<16xi32>
      %dma_wait3A_1230 = arith.constant 2 : i32
      %dma_wait3A_1231 = arith.constant 64 : i32
      %dma_wait3A_1232 = arith.constant 0 : i32
      %dma_wait3A_1233 = tpu.memref_slice %arg6[%dma_wait3A_1230, %dma_wait3A_1231, %dma_wait3A_1232] : memref<4x320x64xf32, #tpu.memory_space<vmem>> -> memref<1x16x64xf32, #tpu.memory_space<vmem>>
      %dma_wait3A_1234 = tpu.memref_squeeze %dma_wait3A_1233 : memref<1x16x64xf32, #tpu.memory_space<vmem>> -> memref<16x64xf32, #tpu.memory_space<vmem>>
      %dma_wait3A_1235 = arith.constant 0 : i32
      %dma_wait3A_1236 = arith.constant 0 : i32
      %dma_wait3A_1237 = tpu.memref_slice %arg2[%dma_wait3A_1235, %dma_wait3A_1236] : memref<1000000x64xf32, #tpu.memory_space<hbm>> -> memref<1000000x64xf32, #tpu.memory_space<hbm>>
      tpu.wait_indirect_dma semaphore(%arg9 : memref<!tpu.dma_semaphore, #tpu.memory_space<semaphore_mem>>) src(%dma_wait3A_1237 : memref<1000000x64xf32, #tpu.memory_space<hbm>>) dst(%dma_wait3A_1234 : memref<16x64xf32, #tpu.memory_space<vmem>>)
      %get3A_1238 = arith.constant 80 : index
      %get3A_1239 = tpu.vector_load %arg5[%get3A_1238] {strides = array<i32>} : memref<25600xi32, #tpu.memory_space<vmem>>, vector<16xi32>,
      %get3A_1240 = vector.shape_cast %get3A_1239 : vector<16xi32> to vector<16xi32>
      %dma_wait3A_1241 = arith.constant 2 : i32
      %dma_wait3A_1242 = arith.constant 80 : i32
      %dma_wait3A_1243 = arith.constant 0 : i32
      %dma_wait3A_1244 = tpu.memref_slice %arg6[%dma_wait3A_1241, %dma_wait3A_1242, %dma_wait3A_1243] : memref<4x320x64xf32, #tpu.memory_space<vmem>> -> memref<1x16x64xf32, #tpu.memory_space<vmem>>
      %dma_wait3A_1245 = tpu.memref_squeeze %dma_wait3A_1244 : memref<1x16x64xf32, #tpu.memory_space<vmem>> -> memref<16x64xf32, #tpu.memory_space<vmem>>
      %dma_wait3A_1246 = arith.constant 0 : i32
      %dma_wait3A_1247 = arith.constant 0 : i32
      %dma_wait3A_1248 = tpu.memref_slice %arg2[%dma_wait3A_1246, %dma_wait3A_1247] : memref<1000000x64xf32, #tpu.memory_space<hbm>> -> memref<1000000x64xf32, #tpu.memory_space<hbm>>
      tpu.wait_indirect_dma semaphore(%arg9 : memref<!tpu.dma_semaphore, #tpu.memory_space<semaphore_mem>>) src(%dma_wait3A_1248 : memref<1000000x64xf32, #tpu.memory_space<hbm>>) dst(%dma_wait3A_1245 : memref<16x64xf32, #tpu.memory_space<vmem>>)
      %get3A_1249 = arith.constant 96 : index
      %get3A_1250 = tpu.vector_load %arg5[%get3A_1249] {strides = array<i32>} : memref<25600xi32, #tpu.memory_space<vmem>>, vector<16xi32>,
      %get3A_1251 = vector.shape_cast %get3A_1250 : vector<16xi32> to vector<16xi32>
      %dma_wait3A_1252 = arith.constant 2 : i32
      %dma_wait3A_1253 = arith.constant 96 : i32
      %dma_wait3A_1254 = arith.constant 0 : i32
      %dma_wait3A_1255 = tpu.memref_slice %arg6[%dma_wait3A_1252, %dma_wait3A_1253, %dma_wait3A_1254] : memref<4x320x64xf32, #tpu.memory_space<vmem>> -> memref<1x16x64xf32, #tpu.memory_space<vmem>>
      %dma_wait3A_1256 = tpu.memref_squeeze %dma_wait3A_1255 : memref<1x16x64xf32, #tpu.memory_space<vmem>> -> memref<16x64xf32, #tpu.memory_space<vmem>>
      %dma_wait3A_1257 = arith.constant 0 : i32
      %dma_wait3A_1258 = arith.constant 0 : i32
      %dma_wait3A_1259 = tpu.memref_slice %arg2[%dma_wait3A_1257, %dma_wait3A_1258] : memref<1000000x64xf32, #tpu.memory_space<hbm>> -> memref<1000000x64xf32, #tpu.memory_space<hbm>>
      tpu.wait_indirect_dma semaphore(%arg9 : memref<!tpu.dma_semaphore, #tpu.memory_space<semaphore_mem>>) src(%dma_wait3A_1259 : memref<1000000x64xf32, #tpu.memory_space<hbm>>) dst(%dma_wait3A_1256 : memref<16x64xf32, #tpu.memory_space<vmem>>)
      %get3A_1260 = arith.constant 112 : index
      %get3A_1261 = tpu.vector_load %arg5[%get3A_1260] {strides = array<i32>} : memref<25600xi32, #tpu.memory_space<vmem>>, vector<16xi32>,
      %get3A_1262 = vector.shape_cast %get3A_1261 : vector<16xi32> to vector<16xi32>
      %dma_wait3A_1263 = arith.constant 2 : i32
      %dma_wait3A_1264 = arith.constant 112 : i32
      %dma_wait3A_1265 = arith.constant 0 : i32
      %dma_wait3A_1266 = tpu.memref_slice %arg6[%dma_wait3A_1263, %dma_wait3A_1264, %dma_wait3A_1265] : memref<4x320x64xf32, #tpu.memory_space<vmem>> -> memref<1x16x64xf32, #tpu.memory_space<vmem>>
      %dma_wait3A_1267 = tpu.memref_squeeze %dma_wait3A_1266 : memref<1x16x64xf32, #tpu.memory_space<vmem>> -> memref<16x64xf32, #tpu.memory_space<vmem>>
      %dma_wait3A_1268 = arith.constant 0 : i32
      %dma_wait3A_1269 = arith.constant 0 : i32
      %dma_wait3A_1270 = tpu.memref_slice %arg2[%dma_wait3A_1268, %dma_wait3A_1269] : memref<1000000x64xf32, #tpu.memory_space<hbm>> -> memref<1000000x64xf32, #tpu.memory_space<hbm>>
      tpu.wait_indirect_dma semaphore(%arg9 : memref<!tpu.dma_semaphore, #tpu.memory_space<semaphore_mem>>) src(%dma_wait3A_1270 : memref<1000000x64xf32, #tpu.memory_space<hbm>>) dst(%dma_wait3A_1267 : memref<16x64xf32, #tpu.memory_space<vmem>>)
      %get3A_1271 = arith.constant 128 : index
      %get3A_1272 = tpu.vector_load %arg5[%get3A_1271] {strides = array<i32>} : memref<25600xi32, #tpu.memory_space<vmem>>, vector<16xi32>,
      %get3A_1273 = vector.shape_cast %get3A_1272 : vector<16xi32> to vector<16xi32>
      %dma_wait3A_1274 = arith.constant 2 : i32
      %dma_wait3A_1275 = arith.constant 128 : i32
      %dma_wait3A_1276 = arith.constant 0 : i32
      %dma_wait3A_1277 = tpu.memref_slice %arg6[%dma_wait3A_1274, %dma_wait3A_1275, %dma_wait3A_1276] : memref<4x320x64xf32, #tpu.memory_space<vmem>> -> memref<1x16x64xf32, #tpu.memory_space<vmem>>
      %dma_wait3A_1278 = tpu.memref_squeeze %dma_wait3A_1277 : memref<1x16x64xf32, #tpu.memory_space<vmem>> -> memref<16x64xf32, #tpu.memory_space<vmem>>
      %dma_wait3A_1279 = arith.constant 0 : i32
      %dma_wait3A_1280 = arith.constant 0 : i32
      %dma_wait3A_1281 = tpu.memref_slice %arg2[%dma_wait3A_1279, %dma_wait3A_1280] : memref<1000000x64xf32, #tpu.memory_space<hbm>> -> memref<1000000x64xf32, #tpu.memory_space<hbm>>
      tpu.wait_indirect_dma semaphore(%arg9 : memref<!tpu.dma_semaphore, #tpu.memory_space<semaphore_mem>>) src(%dma_wait3A_1281 : memref<1000000x64xf32, #tpu.memory_space<hbm>>) dst(%dma_wait3A_1278 : memref<16x64xf32, #tpu.memory_space<vmem>>)
      %get3A_1282 = arith.constant 144 : index
      %get3A_1283 = tpu.vector_load %arg5[%get3A_1282] {strides = array<i32>} : memref<25600xi32, #tpu.memory_space<vmem>>, vector<16xi32>,
      %get3A_1284 = vector.shape_cast %get3A_1283 : vector<16xi32> to vector<16xi32>
      %dma_wait3A_1285 = arith.constant 2 : i32
      %dma_wait3A_1286 = arith.constant 144 : i32
      %dma_wait3A_1287 = arith.constant 0 : i32
      %dma_wait3A_1288 = tpu.memref_slice %arg6[%dma_wait3A_1285, %dma_wait3A_1286, %dma_wait3A_1287] : memref<4x320x64xf32, #tpu.memory_space<vmem>> -> memref<1x16x64xf32, #tpu.memory_space<vmem>>
      %dma_wait3A_1289 = tpu.memref_squeeze %dma_wait3A_1288 : memref<1x16x64xf32, #tpu.memory_space<vmem>> -> memref<16x64xf32, #tpu.memory_space<vmem>>
      %dma_wait3A_1290 = arith.constant 0 : i32
      %dma_wait3A_1291 = arith.constant 0 : i32
      %dma_wait3A_1292 = tpu.memref_slice %arg2[%dma_wait3A_1290, %dma_wait3A_1291] : memref<1000000x64xf32, #tpu.memory_space<hbm>> -> memref<1000000x64xf32, #tpu.memory_space<hbm>>
      tpu.wait_indirect_dma semaphore(%arg9 : memref<!tpu.dma_semaphore, #tpu.memory_space<semaphore_mem>>) src(%dma_wait3A_1292 : memref<1000000x64xf32, #tpu.memory_space<hbm>>) dst(%dma_wait3A_1289 : memref<16x64xf32, #tpu.memory_space<vmem>>)
      %get3A_1293 = arith.constant 160 : index
      %get3A_1294 = tpu.vector_load %arg5[%get3A_1293] {strides = array<i32>} : memref<25600xi32, #tpu.memory_space<vmem>>, vector<16xi32>,
      %get3A_1295 = vector.shape_cast %get3A_1294 : vector<16xi32> to vector<16xi32>
      %dma_wait3A_1296 = arith.constant 2 : i32
      %dma_wait3A_1297 = arith.constant 160 : i32
      %dma_wait3A_1298 = arith.constant 0 : i32
      %dma_wait3A_1299 = tpu.memref_slice %arg6[%dma_wait3A_1296, %dma_wait3A_1297, %dma_wait3A_1298] : memref<4x320x64xf32, #tpu.memory_space<vmem>> -> memref<1x16x64xf32, #tpu.memory_space<vmem>>
      %dma_wait3A_1300 = tpu.memref_squeeze %dma_wait3A_1299 : memref<1x16x64xf32, #tpu.memory_space<vmem>> -> memref<16x64xf32, #tpu.memory_space<vmem>>
      %dma_wait3A_1301 = arith.constant 0 : i32
      %dma_wait3A_1302 = arith.constant 0 : i32
      %dma_wait3A_1303 = tpu.memref_slice %arg2[%dma_wait3A_1301, %dma_wait3A_1302] : memref<1000000x64xf32, #tpu.memory_space<hbm>> -> memref<1000000x64xf32, #tpu.memory_space<hbm>>
      tpu.wait_indirect_dma semaphore(%arg9 : memref<!tpu.dma_semaphore, #tpu.memory_space<semaphore_mem>>) src(%dma_wait3A_1303 : memref<1000000x64xf32, #tpu.memory_space<hbm>>) dst(%dma_wait3A_1300 : memref<16x64xf32, #tpu.memory_space<vmem>>)
      %get3A_1304 = arith.constant 176 : index
      %get3A_1305 = tpu.vector_load %arg5[%get3A_1304] {strides = array<i32>} : memref<25600xi32, #tpu.memory_space<vmem>>, vector<16xi32>,
      %get3A_1306 = vector.shape_cast %get3A_1305 : vector<16xi32> to vector<16xi32>
      %dma_wait3A_1307 = arith.constant 2 : i32
      %dma_wait3A_1308 = arith.constant 176 : i32
      %dma_wait3A_1309 = arith.constant 0 : i32
      %dma_wait3A_1310 = tpu.memref_slice %arg6[%dma_wait3A_1307, %dma_wait3A_1308, %dma_wait3A_1309] : memref<4x320x64xf32, #tpu.memory_space<vmem>> -> memref<1x16x64xf32, #tpu.memory_space<vmem>>
      %dma_wait3A_1311 = tpu.memref_squeeze %dma_wait3A_1310 : memref<1x16x64xf32, #tpu.memory_space<vmem>> -> memref<16x64xf32, #tpu.memory_space<vmem>>
      %dma_wait3A_1312 = arith.constant 0 : i32
      %dma_wait3A_1313 = arith.constant 0 : i32
      %dma_wait3A_1314 = tpu.memref_slice %arg2[%dma_wait3A_1312, %dma_wait3A_1313] : memref<1000000x64xf32, #tpu.memory_space<hbm>> -> memref<1000000x64xf32, #tpu.memory_space<hbm>>
      tpu.wait_indirect_dma semaphore(%arg9 : memref<!tpu.dma_semaphore, #tpu.memory_space<semaphore_mem>>) src(%dma_wait3A_1314 : memref<1000000x64xf32, #tpu.memory_space<hbm>>) dst(%dma_wait3A_1311 : memref<16x64xf32, #tpu.memory_space<vmem>>)
      %get3A_1315 = arith.constant 192 : index
      %get3A_1316 = tpu.vector_load %arg5[%get3A_1315] {strides = array<i32>} : memref<25600xi32, #tpu.memory_space<vmem>>, vector<16xi32>,
      %get3A_1317 = vector.shape_cast %get3A_1316 : vector<16xi32> to vector<16xi32>
      %dma_wait3A_1318 = arith.constant 2 : i32
      %dma_wait3A_1319 = arith.constant 192 : i32
      %dma_wait3A_1320 = arith.constant 0 : i32
      %dma_wait3A_1321 = tpu.memref_slice %arg6[%dma_wait3A_1318, %dma_wait3A_1319, %dma_wait3A_1320] : memref<4x320x64xf32, #tpu.memory_space<vmem>> -> memref<1x16x64xf32, #tpu.memory_space<vmem>>
      %dma_wait3A_1322 = tpu.memref_squeeze %dma_wait3A_1321 : memref<1x16x64xf32, #tpu.memory_space<vmem>> -> memref<16x64xf32, #tpu.memory_space<vmem>>
      %dma_wait3A_1323 = arith.constant 0 : i32
      %dma_wait3A_1324 = arith.constant 0 : i32
      %dma_wait3A_1325 = tpu.memref_slice %arg2[%dma_wait3A_1323, %dma_wait3A_1324] : memref<1000000x64xf32, #tpu.memory_space<hbm>> -> memref<1000000x64xf32, #tpu.memory_space<hbm>>
      tpu.wait_indirect_dma semaphore(%arg9 : memref<!tpu.dma_semaphore, #tpu.memory_space<semaphore_mem>>) src(%dma_wait3A_1325 : memref<1000000x64xf32, #tpu.memory_space<hbm>>) dst(%dma_wait3A_1322 : memref<16x64xf32, #tpu.memory_space<vmem>>)
      %get3A_1326 = arith.constant 208 : index
      %get3A_1327 = tpu.vector_load %arg5[%get3A_1326] {strides = array<i32>} : memref<25600xi32, #tpu.memory_space<vmem>>, vector<16xi32>,
      %get3A_1328 = vector.shape_cast %get3A_1327 : vector<16xi32> to vector<16xi32>
      %dma_wait3A_1329 = arith.constant 2 : i32
      %dma_wait3A_1330 = arith.constant 208 : i32
      %dma_wait3A_1331 = arith.constant 0 : i32
      %dma_wait3A_1332 = tpu.memref_slice %arg6[%dma_wait3A_1329, %dma_wait3A_1330, %dma_wait3A_1331] : memref<4x320x64xf32, #tpu.memory_space<vmem>> -> memref<1x16x64xf32, #tpu.memory_space<vmem>>
      %dma_wait3A_1333 = tpu.memref_squeeze %dma_wait3A_1332 : memref<1x16x64xf32, #tpu.memory_space<vmem>> -> memref<16x64xf32, #tpu.memory_space<vmem>>
      %dma_wait3A_1334 = arith.constant 0 : i32
      %dma_wait3A_1335 = arith.constant 0 : i32
      %dma_wait3A_1336 = tpu.memref_slice %arg2[%dma_wait3A_1334, %dma_wait3A_1335] : memref<1000000x64xf32, #tpu.memory_space<hbm>> -> memref<1000000x64xf32, #tpu.memory_space<hbm>>
      tpu.wait_indirect_dma semaphore(%arg9 : memref<!tpu.dma_semaphore, #tpu.memory_space<semaphore_mem>>) src(%dma_wait3A_1336 : memref<1000000x64xf32, #tpu.memory_space<hbm>>) dst(%dma_wait3A_1333 : memref<16x64xf32, #tpu.memory_space<vmem>>)
      %get3A_1337 = arith.constant 224 : index
      %get3A_1338 = tpu.vector_load %arg5[%get3A_1337] {strides = array<i32>} : memref<25600xi32, #tpu.memory_space<vmem>>, vector<16xi32>,
      %get3A_1339 = vector.shape_cast %get3A_1338 : vector<16xi32> to vector<16xi32>
      %dma_wait3A_1340 = arith.constant 2 : i32
      %dma_wait3A_1341 = arith.constant 224 : i32
      %dma_wait3A_1342 = arith.constant 0 : i32
      %dma_wait3A_1343 = tpu.memref_slice %arg6[%dma_wait3A_1340, %dma_wait3A_1341, %dma_wait3A_1342] : memref<4x320x64xf32, #tpu.memory_space<vmem>> -> memref<1x16x64xf32, #tpu.memory_space<vmem>>
      %dma_wait3A_1344 = tpu.memref_squeeze %dma_wait3A_1343 : memref<1x16x64xf32, #tpu.memory_space<vmem>> -> memref<16x64xf32, #tpu.memory_space<vmem>>
      %dma_wait3A_1345 = arith.constant 0 : i32
      %dma_wait3A_1346 = arith.constant 0 : i32
      %dma_wait3A_1347 = tpu.memref_slice %arg2[%dma_wait3A_1345, %dma_wait3A_1346] : memref<1000000x64xf32, #tpu.memory_space<hbm>> -> memref<1000000x64xf32, #tpu.memory_space<hbm>>
      tpu.wait_indirect_dma semaphore(%arg9 : memref<!tpu.dma_semaphore, #tpu.memory_space<semaphore_mem>>) src(%dma_wait3A_1347 : memref<1000000x64xf32, #tpu.memory_space<hbm>>) dst(%dma_wait3A_1344 : memref<16x64xf32, #tpu.memory_space<vmem>>)
      %get3A_1348 = arith.constant 240 : index
      %get3A_1349 = tpu.vector_load %arg5[%get3A_1348] {strides = array<i32>} : memref<25600xi32, #tpu.memory_space<vmem>>, vector<16xi32>,
      %get3A_1350 = vector.shape_cast %get3A_1349 : vector<16xi32> to vector<16xi32>
      %dma_wait3A_1351 = arith.constant 2 : i32
      %dma_wait3A_1352 = arith.constant 240 : i32
      %dma_wait3A_1353 = arith.constant 0 : i32
      %dma_wait3A_1354 = tpu.memref_slice %arg6[%dma_wait3A_1351, %dma_wait3A_1352, %dma_wait3A_1353] : memref<4x320x64xf32, #tpu.memory_space<vmem>> -> memref<1x16x64xf32, #tpu.memory_space<vmem>>
      %dma_wait3A_1355 = tpu.memref_squeeze %dma_wait3A_1354 : memref<1x16x64xf32, #tpu.memory_space<vmem>> -> memref<16x64xf32, #tpu.memory_space<vmem>>
      %dma_wait3A_1356 = arith.constant 0 : i32
      %dma_wait3A_1357 = arith.constant 0 : i32
      %dma_wait3A_1358 = tpu.memref_slice %arg2[%dma_wait3A_1356, %dma_wait3A_1357] : memref<1000000x64xf32, #tpu.memory_space<hbm>> -> memref<1000000x64xf32, #tpu.memory_space<hbm>>
      tpu.wait_indirect_dma semaphore(%arg9 : memref<!tpu.dma_semaphore, #tpu.memory_space<semaphore_mem>>) src(%dma_wait3A_1358 : memref<1000000x64xf32, #tpu.memory_space<hbm>>) dst(%dma_wait3A_1355 : memref<16x64xf32, #tpu.memory_space<vmem>>)
      %get3A_1359 = arith.constant 256 : index
      %get3A_1360 = tpu.vector_load %arg5[%get3A_1359] {strides = array<i32>} : memref<25600xi32, #tpu.memory_space<vmem>>, vector<16xi32>,
      %get3A_1361 = vector.shape_cast %get3A_1360 : vector<16xi32> to vector<16xi32>
      %dma_wait3A_1362 = arith.constant 2 : i32
      %dma_wait3A_1363 = arith.constant 256 : i32
      %dma_wait3A_1364 = arith.constant 0 : i32
      %dma_wait3A_1365 = tpu.memref_slice %arg6[%dma_wait3A_1362, %dma_wait3A_1363, %dma_wait3A_1364] : memref<4x320x64xf32, #tpu.memory_space<vmem>> -> memref<1x16x64xf32, #tpu.memory_space<vmem>>
      %dma_wait3A_1366 = tpu.memref_squeeze %dma_wait3A_1365 : memref<1x16x64xf32, #tpu.memory_space<vmem>> -> memref<16x64xf32, #tpu.memory_space<vmem>>
      %dma_wait3A_1367 = arith.constant 0 : i32
      %dma_wait3A_1368 = arith.constant 0 : i32
      %dma_wait3A_1369 = tpu.memref_slice %arg2[%dma_wait3A_1367, %dma_wait3A_1368] : memref<1000000x64xf32, #tpu.memory_space<hbm>> -> memref<1000000x64xf32, #tpu.memory_space<hbm>>
      tpu.wait_indirect_dma semaphore(%arg9 : memref<!tpu.dma_semaphore, #tpu.memory_space<semaphore_mem>>) src(%dma_wait3A_1369 : memref<1000000x64xf32, #tpu.memory_space<hbm>>) dst(%dma_wait3A_1366 : memref<16x64xf32, #tpu.memory_space<vmem>>)
      %get3A_1370 = arith.constant 272 : index
      %get3A_1371 = tpu.vector_load %arg5[%get3A_1370] {strides = array<i32>} : memref<25600xi32, #tpu.memory_space<vmem>>, vector<16xi32>,
      %get3A_1372 = vector.shape_cast %get3A_1371 : vector<16xi32> to vector<16xi32>
      %dma_wait3A_1373 = arith.constant 2 : i32
      %dma_wait3A_1374 = arith.constant 272 : i32
      %dma_wait3A_1375 = arith.constant 0 : i32
      %dma_wait3A_1376 = tpu.memref_slice %arg6[%dma_wait3A_1373, %dma_wait3A_1374, %dma_wait3A_1375] : memref<4x320x64xf32, #tpu.memory_space<vmem>> -> memref<1x16x64xf32, #tpu.memory_space<vmem>>
      %dma_wait3A_1377 = tpu.memref_squeeze %dma_wait3A_1376 : memref<1x16x64xf32, #tpu.memory_space<vmem>> -> memref<16x64xf32, #tpu.memory_space<vmem>>
      %dma_wait3A_1378 = arith.constant 0 : i32
      %dma_wait3A_1379 = arith.constant 0 : i32
      %dma_wait3A_1380 = tpu.memref_slice %arg2[%dma_wait3A_1378, %dma_wait3A_1379] : memref<1000000x64xf32, #tpu.memory_space<hbm>> -> memref<1000000x64xf32, #tpu.memory_space<hbm>>
      tpu.wait_indirect_dma semaphore(%arg9 : memref<!tpu.dma_semaphore, #tpu.memory_space<semaphore_mem>>) src(%dma_wait3A_1380 : memref<1000000x64xf32, #tpu.memory_space<hbm>>) dst(%dma_wait3A_1377 : memref<16x64xf32, #tpu.memory_space<vmem>>)
      %get3A_1381 = arith.constant 288 : index
      %get3A_1382 = tpu.vector_load %arg5[%get3A_1381] {strides = array<i32>} : memref<25600xi32, #tpu.memory_space<vmem>>, vector<16xi32>,
      %get3A_1383 = vector.shape_cast %get3A_1382 : vector<16xi32> to vector<16xi32>
      %dma_wait3A_1384 = arith.constant 2 : i32
      %dma_wait3A_1385 = arith.constant 288 : i32
      %dma_wait3A_1386 = arith.constant 0 : i32
      %dma_wait3A_1387 = tpu.memref_slice %arg6[%dma_wait3A_1384, %dma_wait3A_1385, %dma_wait3A_1386] : memref<4x320x64xf32, #tpu.memory_space<vmem>> -> memref<1x16x64xf32, #tpu.memory_space<vmem>>
      %dma_wait3A_1388 = tpu.memref_squeeze %dma_wait3A_1387 : memref<1x16x64xf32, #tpu.memory_space<vmem>> -> memref<16x64xf32, #tpu.memory_space<vmem>>
      %dma_wait3A_1389 = arith.constant 0 : i32
      %dma_wait3A_1390 = arith.constant 0 : i32
      %dma_wait3A_1391 = tpu.memref_slice %arg2[%dma_wait3A_1389, %dma_wait3A_1390] : memref<1000000x64xf32, #tpu.memory_space<hbm>> -> memref<1000000x64xf32, #tpu.memory_space<hbm>>
      tpu.wait_indirect_dma semaphore(%arg9 : memref<!tpu.dma_semaphore, #tpu.memory_space<semaphore_mem>>) src(%dma_wait3A_1391 : memref<1000000x64xf32, #tpu.memory_space<hbm>>) dst(%dma_wait3A_1388 : memref<16x64xf32, #tpu.memory_space<vmem>>)
      %get3A_1392 = arith.constant 304 : index
      %get3A_1393 = tpu.vector_load %arg5[%get3A_1392] {strides = array<i32>} : memref<25600xi32, #tpu.memory_space<vmem>>, vector<16xi32>,
      %get3A_1394 = vector.shape_cast %get3A_1393 : vector<16xi32> to vector<16xi32>
      %dma_wait3A_1395 = arith.constant 2 : i32
      %dma_wait3A_1396 = arith.constant 304 : i32
      %dma_wait3A_1397 = arith.constant 0 : i32
      %dma_wait3A_1398 = tpu.memref_slice %arg6[%dma_wait3A_1395, %dma_wait3A_1396, %dma_wait3A_1397] : memref<4x320x64xf32, #tpu.memory_space<vmem>> -> memref<1x16x64xf32, #tpu.memory_space<vmem>>
      %dma_wait3A_1399 = tpu.memref_squeeze %dma_wait3A_1398 : memref<1x16x64xf32, #tpu.memory_space<vmem>> -> memref<16x64xf32, #tpu.memory_space<vmem>>
      %dma_wait3A_1400 = arith.constant 0 : i32
      %dma_wait3A_1401 = arith.constant 0 : i32
      %dma_wait3A_1402 = tpu.memref_slice %arg2[%dma_wait3A_1400, %dma_wait3A_1401] : memref<1000000x64xf32, #tpu.memory_space<hbm>> -> memref<1000000x64xf32, #tpu.memory_space<hbm>>
      tpu.wait_indirect_dma semaphore(%arg9 : memref<!tpu.dma_semaphore, #tpu.memory_space<semaphore_mem>>) src(%dma_wait3A_1402 : memref<1000000x64xf32, #tpu.memory_space<hbm>>) dst(%dma_wait3A_1399 : memref<16x64xf32, #tpu.memory_space<vmem>>)
      %mul3A_1403 = arith.constant 320 : i32
      %mul3A_1404 = arith.muli %add3A_1182, %mul3A_1403 : i32
      %add3A_1405 = arith.addi %mul3A_2, %mul3A_1404 : i32
      %dma_start3A_1406 = arith.constant 2 : i32
      %dma_start3A_1407 = arith.constant 0 : i32
      %dma_start3A_1408 = arith.constant 0 : i32
      %dma_start3A_1409 = tpu.memref_slice %arg6[%dma_start3A_1406, %dma_start3A_1407, %dma_start3A_1408] : memref<4x320x64xf32, #tpu.memory_space<vmem>> -> memref<1x320x64xf32, #tpu.memory_space<vmem>>
      %dma_start3A_1410 = tpu.memref_squeeze %dma_start3A_1409 : memref<1x320x64xf32, #tpu.memory_space<vmem>> -> memref<320x64xf32, #tpu.memory_space<vmem>>
      %dma_start3A_1411 = arith.constant 0 : i32
      %dma_start3A_1412 = tpu.memref_slice %arg4[%add3A_1405, %dma_start3A_1411] : memref<819200x64xf32, #tpu.memory_space<hbm>> -> memref<320x64xf32, #tpu.memory_space<hbm>>
      %dma_start3A_1413 = arith.constant 0 : i32
      %dma_start3A_1414 = tpu.memref_slice %arg4[%add3A_1405, %dma_start3A_1413] : memref<819200x64xf32, #tpu.memory_space<hbm>> -> memref<320x64xf32, #tpu.memory_space<hbm>>
      %dma_start3A_1415 = arith.constant 0 : i32
      %dma_start3A_1416 = arith.constant 0 : i32
      %dma_start3A_1417 = tpu.memref_slice %arg6[%dma_start3A_1406, %dma_start3A_1415, %dma_start3A_1416] : memref<4x320x64xf32, #tpu.memory_space<vmem>> -> memref<1x320x64xf32, #tpu.memory_space<vmem>>
      %dma_start3A_1418 = tpu.memref_squeeze %dma_start3A_1417 : memref<1x320x64xf32, #tpu.memory_space<vmem>> -> memref<320x64xf32, #tpu.memory_space<vmem>>
      tpu.enqueue_dma source(%dma_start3A_1418 : memref<320x64xf32, #tpu.memory_space<vmem>>) target(%dma_start3A_1414 : memref<320x64xf32, #tpu.memory_space<hbm>>) target_semaphore(%arg13 : memref<!tpu.dma_semaphore, #tpu.memory_space<semaphore_mem>>)
      %ge3A_1419 = arith.constant 1 : i32
      %ge3A_1420 = arith.cmpi sge, %add3A_1182, %ge3A_1419 : i32
      %convert_element_type3A_1421 = arith.extui %ge3A_1420 : i1 to i32
      %cond3A_1422 = arith.constant 0 : i32
      %cond3A_1423 = arith.cmpi ne, %convert_element_type3A_1421, %cond3A_1422 : i32
      scf.if %cond3A_1423 {
        %dma_wait3A_1683 = arith.constant 1 : i32
        %dma_wait3A_1684 = arith.constant 0 : i32
        %dma_wait3A_1685 = arith.constant 0 : i32
        %dma_wait3A_1686 = tpu.memref_slice %arg6[%dma_wait3A_1683, %dma_wait3A_1684, %dma_wait3A_1685] : memref<4x320x64xf32, #tpu.memory_space<vmem>> -> memref<1x320x64xf32, #tpu.memory_space<vmem>>
        %dma_wait3A_1687 = tpu.memref_squeeze %dma_wait3A_1686 : memref<1x320x64xf32, #tpu.memory_space<vmem>> -> memref<320x64xf32, #tpu.memory_space<vmem>>
        %dma_wait3A_1688 = arith.constant 0 : i32
        %dma_wait3A_1689 = tpu.memref_slice %arg4[%mul3A_2, %dma_wait3A_1688] : memref<819200x64xf32, #tpu.memory_space<hbm>> -> memref<320x64xf32, #tpu.memory_space<hbm>>
        %dma_wait3A_1690 = arith.constant 0 : i32
        %dma_wait3A_1691 = tpu.memref_slice %arg4[%mul3A_2, %dma_wait3A_1690] : memref<819200x64xf32, #tpu.memory_space<hbm>> -> memref<320x64xf32, #tpu.memory_space<hbm>>
        %dma_wait3A_1692 = arith.constant 0 : i32
        %dma_wait3A_1693 = arith.constant 0 : i32
        %dma_wait3A_1694 = tpu.memref_slice %arg6[%dma_wait3A_1683, %dma_wait3A_1692, %dma_wait3A_1693] : memref<4x320x64xf32, #tpu.memory_space<vmem>> -> memref<1x320x64xf32, #tpu.memory_space<vmem>>
        %dma_wait3A_1695 = tpu.memref_squeeze %dma_wait3A_1694 : memref<1x320x64xf32, #tpu.memory_space<vmem>> -> memref<320x64xf32, #tpu.memory_space<vmem>>
        tpu.wait_dma2 semaphore(%arg12 : memref<!tpu.dma_semaphore, #tpu.memory_space<semaphore_mem>>) src(%dma_wait3A_1695 : memref<320x64xf32, #tpu.memory_space<vmem>>) dst(%dma_wait3A_1691 : memref<320x64xf32, #tpu.memory_space<hbm>>)
      } else {
      }
      %add3A_1424 = arith.constant 3 : i32
      %add3A_1425 = arith.addi %add3A_1182, %add3A_1424 : i32
      %lt3A_1426 = arith.constant 80 : i32
      %lt3A_1427 = arith.cmpi slt, %add3A_1425, %lt3A_1426 : i32
      %convert_element_type3A_1428 = arith.extui %lt3A_1427 : i1 to i32
      %cond3A_1429 = arith.constant 0 : i32
      %cond3A_1430 = arith.cmpi ne, %convert_element_type3A_1428, %cond3A_1429 : i32
      scf.if %cond3A_1430 {
        %add3A_1683 = arith.constant 3 : i32
        %add3A_1684 = arith.addi %add3A_1182, %add3A_1683 : i32
        %mul3A_1685 = arith.constant 320 : i32
        %mul3A_1686 = arith.muli %add3A_1684, %mul3A_1685 : i32
        %add3A_1687 = arith.constant 0 : i32
        %add3A_1688 = arith.addi %mul3A_1686, %add3A_1687 : i32
        %get3A_1689 = arith.index_cast %add3A_1688 : i32 to index
        %get3A_1690 = tpu.vector_load %arg5[%get3A_1689] {strides = array<i32>} : memref<25600xi32, #tpu.memory_space<vmem>>, vector<16xi32>,
        %get3A_1691 = vector.shape_cast %get3A_1690 : vector<16xi32> to vector<16xi32>
        %dma_start3A_1692 = arith.constant 1 : i32
        %dma_start3A_1693 = arith.constant 0 : i32
        %dma_start3A_1694 = arith.constant 0 : i32
        %dma_start3A_1695 = tpu.memref_slice %arg6[%dma_start3A_1692, %dma_start3A_1693, %dma_start3A_1694] : memref<4x320x64xf32, #tpu.memory_space<vmem>> -> memref<1x16x64xf32, #tpu.memory_space<vmem>>
        %dma_start3A_1696 = tpu.memref_squeeze %dma_start3A_1695 : memref<1x16x64xf32, #tpu.memory_space<vmem>> -> memref<16x64xf32, #tpu.memory_space<vmem>>
        %dma_start3A_1697 = arith.constant 0 : i32
        %dma_start3A_1698 = arith.constant 0 : i32
        %dma_start3A_1699 = tpu.memref_slice %arg2[%dma_start3A_1697, %dma_start3A_1698] : memref<1000000x64xf32, #tpu.memory_space<hbm>> -> memref<1000000x64xf32, #tpu.memory_space<hbm>>
        tpu.enqueue_indirect_dma source(%dma_start3A_1699 : memref<1000000x64xf32, #tpu.memory_space<hbm>>) target(%dma_start3A_1696 : memref<16x64xf32, #tpu.memory_space<vmem>>) offsets(%get3A_1691 : vector<16xi32>) semaphore(%arg8 : memref<!tpu.dma_semaphore, #tpu.memory_space<semaphore_mem>>)
        %mul3A_1700 = arith.constant 320 : i32
        %mul3A_1701 = arith.muli %add3A_1684, %mul3A_1700 : i32
        %add3A_1702 = arith.constant 16 : i32
        %add3A_1703 = arith.addi %mul3A_1701, %add3A_1702 : i32
        %get3A_1704 = arith.index_cast %add3A_1703 : i32 to index
        %get3A_1705 = tpu.vector_load %arg5[%get3A_1704] {strides = array<i32>} : memref<25600xi32, #tpu.memory_space<vmem>>, vector<16xi32>,
        %get3A_1706 = vector.shape_cast %get3A_1705 : vector<16xi32> to vector<16xi32>
        %dma_start3A_1707 = arith.constant 1 : i32
        %dma_start3A_1708 = arith.constant 16 : i32
        %dma_start3A_1709 = arith.constant 0 : i32
        %dma_start3A_1710 = tpu.memref_slice %arg6[%dma_start3A_1707, %dma_start3A_1708, %dma_start3A_1709] : memref<4x320x64xf32, #tpu.memory_space<vmem>> -> memref<1x16x64xf32, #tpu.memory_space<vmem>>
        %dma_start3A_1711 = tpu.memref_squeeze %dma_start3A_1710 : memref<1x16x64xf32, #tpu.memory_space<vmem>> -> memref<16x64xf32, #tpu.memory_space<vmem>>
        %dma_start3A_1712 = arith.constant 0 : i32
        %dma_start3A_1713 = arith.constant 0 : i32
        %dma_start3A_1714 = tpu.memref_slice %arg2[%dma_start3A_1712, %dma_start3A_1713] : memref<1000000x64xf32, #tpu.memory_space<hbm>> -> memref<1000000x64xf32, #tpu.memory_space<hbm>>
        tpu.enqueue_indirect_dma source(%dma_start3A_1714 : memref<1000000x64xf32, #tpu.memory_space<hbm>>) target(%dma_start3A_1711 : memref<16x64xf32, #tpu.memory_space<vmem>>) offsets(%get3A_1706 : vector<16xi32>) semaphore(%arg8 : memref<!tpu.dma_semaphore, #tpu.memory_space<semaphore_mem>>)
        %mul3A_1715 = arith.constant 320 : i32
        %mul3A_1716 = arith.muli %add3A_1684, %mul3A_1715 : i32
        %add3A_1717 = arith.constant 32 : i32
        %add3A_1718 = arith.addi %mul3A_1716, %add3A_1717 : i32
        %get3A_1719 = arith.index_cast %add3A_1718 : i32 to index
        %get3A_1720 = tpu.vector_load %arg5[%get3A_1719] {strides = array<i32>} : memref<25600xi32, #tpu.memory_space<vmem>>, vector<16xi32>,
        %get3A_1721 = vector.shape_cast %get3A_1720 : vector<16xi32> to vector<16xi32>
        %dma_start3A_1722 = arith.constant 1 : i32
        %dma_start3A_1723 = arith.constant 32 : i32
        %dma_start3A_1724 = arith.constant 0 : i32
        %dma_start3A_1725 = tpu.memref_slice %arg6[%dma_start3A_1722, %dma_start3A_1723, %dma_start3A_1724] : memref<4x320x64xf32, #tpu.memory_space<vmem>> -> memref<1x16x64xf32, #tpu.memory_space<vmem>>
        %dma_start3A_1726 = tpu.memref_squeeze %dma_start3A_1725 : memref<1x16x64xf32, #tpu.memory_space<vmem>> -> memref<16x64xf32, #tpu.memory_space<vmem>>
        %dma_start3A_1727 = arith.constant 0 : i32
        %dma_start3A_1728 = arith.constant 0 : i32
        %dma_start3A_1729 = tpu.memref_slice %arg2[%dma_start3A_1727, %dma_start3A_1728] : memref<1000000x64xf32, #tpu.memory_space<hbm>> -> memref<1000000x64xf32, #tpu.memory_space<hbm>>
        tpu.enqueue_indirect_dma source(%dma_start3A_1729 : memref<1000000x64xf32, #tpu.memory_space<hbm>>) target(%dma_start3A_1726 : memref<16x64xf32, #tpu.memory_space<vmem>>) offsets(%get3A_1721 : vector<16xi32>) semaphore(%arg8 : memref<!tpu.dma_semaphore, #tpu.memory_space<semaphore_mem>>)
        %mul3A_1730 = arith.constant 320 : i32
        %mul3A_1731 = arith.muli %add3A_1684, %mul3A_1730 : i32
        %add3A_1732 = arith.constant 48 : i32
        %add3A_1733 = arith.addi %mul3A_1731, %add3A_1732 : i32
        %get3A_1734 = arith.index_cast %add3A_1733 : i32 to index
        %get3A_1735 = tpu.vector_load %arg5[%get3A_1734] {strides = array<i32>} : memref<25600xi32, #tpu.memory_space<vmem>>, vector<16xi32>,
        %get3A_1736 = vector.shape_cast %get3A_1735 : vector<16xi32> to vector<16xi32>
        %dma_start3A_1737 = arith.constant 1 : i32
        %dma_start3A_1738 = arith.constant 48 : i32
        %dma_start3A_1739 = arith.constant 0 : i32
        %dma_start3A_1740 = tpu.memref_slice %arg6[%dma_start3A_1737, %dma_start3A_1738, %dma_start3A_1739] : memref<4x320x64xf32, #tpu.memory_space<vmem>> -> memref<1x16x64xf32, #tpu.memory_space<vmem>>
        %dma_start3A_1741 = tpu.memref_squeeze %dma_start3A_1740 : memref<1x16x64xf32, #tpu.memory_space<vmem>> -> memref<16x64xf32, #tpu.memory_space<vmem>>
        %dma_start3A_1742 = arith.constant 0 : i32
        %dma_start3A_1743 = arith.constant 0 : i32
        %dma_start3A_1744 = tpu.memref_slice %arg2[%dma_start3A_1742, %dma_start3A_1743] : memref<1000000x64xf32, #tpu.memory_space<hbm>> -> memref<1000000x64xf32, #tpu.memory_space<hbm>>
        tpu.enqueue_indirect_dma source(%dma_start3A_1744 : memref<1000000x64xf32, #tpu.memory_space<hbm>>) target(%dma_start3A_1741 : memref<16x64xf32, #tpu.memory_space<vmem>>) offsets(%get3A_1736 : vector<16xi32>) semaphore(%arg8 : memref<!tpu.dma_semaphore, #tpu.memory_space<semaphore_mem>>)
        %mul3A_1745 = arith.constant 320 : i32
        %mul3A_1746 = arith.muli %add3A_1684, %mul3A_1745 : i32
        %add3A_1747 = arith.constant 64 : i32
        %add3A_1748 = arith.addi %mul3A_1746, %add3A_1747 : i32
        %get3A_1749 = arith.index_cast %add3A_1748 : i32 to index
        %get3A_1750 = tpu.vector_load %arg5[%get3A_1749] {strides = array<i32>} : memref<25600xi32, #tpu.memory_space<vmem>>, vector<16xi32>,
        %get3A_1751 = vector.shape_cast %get3A_1750 : vector<16xi32> to vector<16xi32>
        %dma_start3A_1752 = arith.constant 1 : i32
        %dma_start3A_1753 = arith.constant 64 : i32
        %dma_start3A_1754 = arith.constant 0 : i32
        %dma_start3A_1755 = tpu.memref_slice %arg6[%dma_start3A_1752, %dma_start3A_1753, %dma_start3A_1754] : memref<4x320x64xf32, #tpu.memory_space<vmem>> -> memref<1x16x64xf32, #tpu.memory_space<vmem>>
        %dma_start3A_1756 = tpu.memref_squeeze %dma_start3A_1755 : memref<1x16x64xf32, #tpu.memory_space<vmem>> -> memref<16x64xf32, #tpu.memory_space<vmem>>
        %dma_start3A_1757 = arith.constant 0 : i32
        %dma_start3A_1758 = arith.constant 0 : i32
        %dma_start3A_1759 = tpu.memref_slice %arg2[%dma_start3A_1757, %dma_start3A_1758] : memref<1000000x64xf32, #tpu.memory_space<hbm>> -> memref<1000000x64xf32, #tpu.memory_space<hbm>>
        tpu.enqueue_indirect_dma source(%dma_start3A_1759 : memref<1000000x64xf32, #tpu.memory_space<hbm>>) target(%dma_start3A_1756 : memref<16x64xf32, #tpu.memory_space<vmem>>) offsets(%get3A_1751 : vector<16xi32>) semaphore(%arg8 : memref<!tpu.dma_semaphore, #tpu.memory_space<semaphore_mem>>)
        %mul3A_1760 = arith.constant 320 : i32
        %mul3A_1761 = arith.muli %add3A_1684, %mul3A_1760 : i32
        %add3A_1762 = arith.constant 80 : i32
        %add3A_1763 = arith.addi %mul3A_1761, %add3A_1762 : i32
        %get3A_1764 = arith.index_cast %add3A_1763 : i32 to index
        %get3A_1765 = tpu.vector_load %arg5[%get3A_1764] {strides = array<i32>} : memref<25600xi32, #tpu.memory_space<vmem>>, vector<16xi32>,
        %get3A_1766 = vector.shape_cast %get3A_1765 : vector<16xi32> to vector<16xi32>
        %dma_start3A_1767 = arith.constant 1 : i32
        %dma_start3A_1768 = arith.constant 80 : i32
        %dma_start3A_1769 = arith.constant 0 : i32
        %dma_start3A_1770 = tpu.memref_slice %arg6[%dma_start3A_1767, %dma_start3A_1768, %dma_start3A_1769] : memref<4x320x64xf32, #tpu.memory_space<vmem>> -> memref<1x16x64xf32, #tpu.memory_space<vmem>>
        %dma_start3A_1771 = tpu.memref_squeeze %dma_start3A_1770 : memref<1x16x64xf32, #tpu.memory_space<vmem>> -> memref<16x64xf32, #tpu.memory_space<vmem>>
        %dma_start3A_1772 = arith.constant 0 : i32
        %dma_start3A_1773 = arith.constant 0 : i32
        %dma_start3A_1774 = tpu.memref_slice %arg2[%dma_start3A_1772, %dma_start3A_1773] : memref<1000000x64xf32, #tpu.memory_space<hbm>> -> memref<1000000x64xf32, #tpu.memory_space<hbm>>
        tpu.enqueue_indirect_dma source(%dma_start3A_1774 : memref<1000000x64xf32, #tpu.memory_space<hbm>>) target(%dma_start3A_1771 : memref<16x64xf32, #tpu.memory_space<vmem>>) offsets(%get3A_1766 : vector<16xi32>) semaphore(%arg8 : memref<!tpu.dma_semaphore, #tpu.memory_space<semaphore_mem>>)
        %mul3A_1775 = arith.constant 320 : i32
        %mul3A_1776 = arith.muli %add3A_1684, %mul3A_1775 : i32
        %add3A_1777 = arith.constant 96 : i32
        %add3A_1778 = arith.addi %mul3A_1776, %add3A_1777 : i32
        %get3A_1779 = arith.index_cast %add3A_1778 : i32 to index
        %get3A_1780 = tpu.vector_load %arg5[%get3A_1779] {strides = array<i32>} : memref<25600xi32, #tpu.memory_space<vmem>>, vector<16xi32>,
        %get3A_1781 = vector.shape_cast %get3A_1780 : vector<16xi32> to vector<16xi32>
        %dma_start3A_1782 = arith.constant 1 : i32
        %dma_start3A_1783 = arith.constant 96 : i32
        %dma_start3A_1784 = arith.constant 0 : i32
        %dma_start3A_1785 = tpu.memref_slice %arg6[%dma_start3A_1782, %dma_start3A_1783, %dma_start3A_1784] : memref<4x320x64xf32, #tpu.memory_space<vmem>> -> memref<1x16x64xf32, #tpu.memory_space<vmem>>
        %dma_start3A_1786 = tpu.memref_squeeze %dma_start3A_1785 : memref<1x16x64xf32, #tpu.memory_space<vmem>> -> memref<16x64xf32, #tpu.memory_space<vmem>>
        %dma_start3A_1787 = arith.constant 0 : i32
        %dma_start3A_1788 = arith.constant 0 : i32
        %dma_start3A_1789 = tpu.memref_slice %arg2[%dma_start3A_1787, %dma_start3A_1788] : memref<1000000x64xf32, #tpu.memory_space<hbm>> -> memref<1000000x64xf32, #tpu.memory_space<hbm>>
        tpu.enqueue_indirect_dma source(%dma_start3A_1789 : memref<1000000x64xf32, #tpu.memory_space<hbm>>) target(%dma_start3A_1786 : memref<16x64xf32, #tpu.memory_space<vmem>>) offsets(%get3A_1781 : vector<16xi32>) semaphore(%arg8 : memref<!tpu.dma_semaphore, #tpu.memory_space<semaphore_mem>>)
        %mul3A_1790 = arith.constant 320 : i32
        %mul3A_1791 = arith.muli %add3A_1684, %mul3A_1790 : i32
        %add3A_1792 = arith.constant 112 : i32
        %add3A_1793 = arith.addi %mul3A_1791, %add3A_1792 : i32
        %get3A_1794 = arith.index_cast %add3A_1793 : i32 to index
        %get3A_1795 = tpu.vector_load %arg5[%get3A_1794] {strides = array<i32>} : memref<25600xi32, #tpu.memory_space<vmem>>, vector<16xi32>,
        %get3A_1796 = vector.shape_cast %get3A_1795 : vector<16xi32> to vector<16xi32>
        %dma_start3A_1797 = arith.constant 1 : i32
        %dma_start3A_1798 = arith.constant 112 : i32
        %dma_start3A_1799 = arith.constant 0 : i32
        %dma_start3A_1800 = tpu.memref_slice %arg6[%dma_start3A_1797, %dma_start3A_1798, %dma_start3A_1799] : memref<4x320x64xf32, #tpu.memory_space<vmem>> -> memref<1x16x64xf32, #tpu.memory_space<vmem>>
        %dma_start3A_1801 = tpu.memref_squeeze %dma_start3A_1800 : memref<1x16x64xf32, #tpu.memory_space<vmem>> -> memref<16x64xf32, #tpu.memory_space<vmem>>
        %dma_start3A_1802 = arith.constant 0 : i32
        %dma_start3A_1803 = arith.constant 0 : i32
        %dma_start3A_1804 = tpu.memref_slice %arg2[%dma_start3A_1802, %dma_start3A_1803] : memref<1000000x64xf32, #tpu.memory_space<hbm>> -> memref<1000000x64xf32, #tpu.memory_space<hbm>>
        tpu.enqueue_indirect_dma source(%dma_start3A_1804 : memref<1000000x64xf32, #tpu.memory_space<hbm>>) target(%dma_start3A_1801 : memref<16x64xf32, #tpu.memory_space<vmem>>) offsets(%get3A_1796 : vector<16xi32>) semaphore(%arg8 : memref<!tpu.dma_semaphore, #tpu.memory_space<semaphore_mem>>)
        %mul3A_1805 = arith.constant 320 : i32
        %mul3A_1806 = arith.muli %add3A_1684, %mul3A_1805 : i32
        %add3A_1807 = arith.constant 128 : i32
        %add3A_1808 = arith.addi %mul3A_1806, %add3A_1807 : i32
        %get3A_1809 = arith.index_cast %add3A_1808 : i32 to index
        %get3A_1810 = tpu.vector_load %arg5[%get3A_1809] {strides = array<i32>} : memref<25600xi32, #tpu.memory_space<vmem>>, vector<16xi32>,
        %get3A_1811 = vector.shape_cast %get3A_1810 : vector<16xi32> to vector<16xi32>
        %dma_start3A_1812 = arith.constant 1 : i32
        %dma_start3A_1813 = arith.constant 128 : i32
        %dma_start3A_1814 = arith.constant 0 : i32
        %dma_start3A_1815 = tpu.memref_slice %arg6[%dma_start3A_1812, %dma_start3A_1813, %dma_start3A_1814] : memref<4x320x64xf32, #tpu.memory_space<vmem>> -> memref<1x16x64xf32, #tpu.memory_space<vmem>>
        %dma_start3A_1816 = tpu.memref_squeeze %dma_start3A_1815 : memref<1x16x64xf32, #tpu.memory_space<vmem>> -> memref<16x64xf32, #tpu.memory_space<vmem>>
        %dma_start3A_1817 = arith.constant 0 : i32
        %dma_start3A_1818 = arith.constant 0 : i32
        %dma_start3A_1819 = tpu.memref_slice %arg2[%dma_start3A_1817, %dma_start3A_1818] : memref<1000000x64xf32, #tpu.memory_space<hbm>> -> memref<1000000x64xf32, #tpu.memory_space<hbm>>
        tpu.enqueue_indirect_dma source(%dma_start3A_1819 : memref<1000000x64xf32, #tpu.memory_space<hbm>>) target(%dma_start3A_1816 : memref<16x64xf32, #tpu.memory_space<vmem>>) offsets(%get3A_1811 : vector<16xi32>) semaphore(%arg8 : memref<!tpu.dma_semaphore, #tpu.memory_space<semaphore_mem>>)
        %mul3A_1820 = arith.constant 320 : i32
        %mul3A_1821 = arith.muli %add3A_1684, %mul3A_1820 : i32
        %add3A_1822 = arith.constant 144 : i32
        %add3A_1823 = arith.addi %mul3A_1821, %add3A_1822 : i32
        %get3A_1824 = arith.index_cast %add3A_1823 : i32 to index
        %get3A_1825 = tpu.vector_load %arg5[%get3A_1824] {strides = array<i32>} : memref<25600xi32, #tpu.memory_space<vmem>>, vector<16xi32>,
        %get3A_1826 = vector.shape_cast %get3A_1825 : vector<16xi32> to vector<16xi32>
        %dma_start3A_1827 = arith.constant 1 : i32
        %dma_start3A_1828 = arith.constant 144 : i32
        %dma_start3A_1829 = arith.constant 0 : i32
        %dma_start3A_1830 = tpu.memref_slice %arg6[%dma_start3A_1827, %dma_start3A_1828, %dma_start3A_1829] : memref<4x320x64xf32, #tpu.memory_space<vmem>> -> memref<1x16x64xf32, #tpu.memory_space<vmem>>
        %dma_start3A_1831 = tpu.memref_squeeze %dma_start3A_1830 : memref<1x16x64xf32, #tpu.memory_space<vmem>> -> memref<16x64xf32, #tpu.memory_space<vmem>>
        %dma_start3A_1832 = arith.constant 0 : i32
        %dma_start3A_1833 = arith.constant 0 : i32
        %dma_start3A_1834 = tpu.memref_slice %arg2[%dma_start3A_1832, %dma_start3A_1833] : memref<1000000x64xf32, #tpu.memory_space<hbm>> -> memref<1000000x64xf32, #tpu.memory_space<hbm>>
        tpu.enqueue_indirect_dma source(%dma_start3A_1834 : memref<1000000x64xf32, #tpu.memory_space<hbm>>) target(%dma_start3A_1831 : memref<16x64xf32, #tpu.memory_space<vmem>>) offsets(%get3A_1826 : vector<16xi32>) semaphore(%arg8 : memref<!tpu.dma_semaphore, #tpu.memory_space<semaphore_mem>>)
        %mul3A_1835 = arith.constant 320 : i32
        %mul3A_1836 = arith.muli %add3A_1684, %mul3A_1835 : i32
        %add3A_1837 = arith.constant 160 : i32
        %add3A_1838 = arith.addi %mul3A_1836, %add3A_1837 : i32
        %get3A_1839 = arith.index_cast %add3A_1838 : i32 to index
        %get3A_1840 = tpu.vector_load %arg5[%get3A_1839] {strides = array<i32>} : memref<25600xi32, #tpu.memory_space<vmem>>, vector<16xi32>,
        %get3A_1841 = vector.shape_cast %get3A_1840 : vector<16xi32> to vector<16xi32>
        %dma_start3A_1842 = arith.constant 1 : i32
        %dma_start3A_1843 = arith.constant 160 : i32
        %dma_start3A_1844 = arith.constant 0 : i32
        %dma_start3A_1845 = tpu.memref_slice %arg6[%dma_start3A_1842, %dma_start3A_1843, %dma_start3A_1844] : memref<4x320x64xf32, #tpu.memory_space<vmem>> -> memref<1x16x64xf32, #tpu.memory_space<vmem>>
        %dma_start3A_1846 = tpu.memref_squeeze %dma_start3A_1845 : memref<1x16x64xf32, #tpu.memory_space<vmem>> -> memref<16x64xf32, #tpu.memory_space<vmem>>
        %dma_start3A_1847 = arith.constant 0 : i32
        %dma_start3A_1848 = arith.constant 0 : i32
        %dma_start3A_1849 = tpu.memref_slice %arg2[%dma_start3A_1847, %dma_start3A_1848] : memref<1000000x64xf32, #tpu.memory_space<hbm>> -> memref<1000000x64xf32, #tpu.memory_space<hbm>>
        tpu.enqueue_indirect_dma source(%dma_start3A_1849 : memref<1000000x64xf32, #tpu.memory_space<hbm>>) target(%dma_start3A_1846 : memref<16x64xf32, #tpu.memory_space<vmem>>) offsets(%get3A_1841 : vector<16xi32>) semaphore(%arg8 : memref<!tpu.dma_semaphore, #tpu.memory_space<semaphore_mem>>)
        %mul3A_1850 = arith.constant 320 : i32
        %mul3A_1851 = arith.muli %add3A_1684, %mul3A_1850 : i32
        %add3A_1852 = arith.constant 176 : i32
        %add3A_1853 = arith.addi %mul3A_1851, %add3A_1852 : i32
        %get3A_1854 = arith.index_cast %add3A_1853 : i32 to index
        %get3A_1855 = tpu.vector_load %arg5[%get3A_1854] {strides = array<i32>} : memref<25600xi32, #tpu.memory_space<vmem>>, vector<16xi32>,
        %get3A_1856 = vector.shape_cast %get3A_1855 : vector<16xi32> to vector<16xi32>
        %dma_start3A_1857 = arith.constant 1 : i32
        %dma_start3A_1858 = arith.constant 176 : i32
        %dma_start3A_1859 = arith.constant 0 : i32
        %dma_start3A_1860 = tpu.memref_slice %arg6[%dma_start3A_1857, %dma_start3A_1858, %dma_start3A_1859] : memref<4x320x64xf32, #tpu.memory_space<vmem>> -> memref<1x16x64xf32, #tpu.memory_space<vmem>>
        %dma_start3A_1861 = tpu.memref_squeeze %dma_start3A_1860 : memref<1x16x64xf32, #tpu.memory_space<vmem>> -> memref<16x64xf32, #tpu.memory_space<vmem>>
        %dma_start3A_1862 = arith.constant 0 : i32
        %dma_start3A_1863 = arith.constant 0 : i32
        %dma_start3A_1864 = tpu.memref_slice %arg2[%dma_start3A_1862, %dma_start3A_1863] : memref<1000000x64xf32, #tpu.memory_space<hbm>> -> memref<1000000x64xf32, #tpu.memory_space<hbm>>
        tpu.enqueue_indirect_dma source(%dma_start3A_1864 : memref<1000000x64xf32, #tpu.memory_space<hbm>>) target(%dma_start3A_1861 : memref<16x64xf32, #tpu.memory_space<vmem>>) offsets(%get3A_1856 : vector<16xi32>) semaphore(%arg8 : memref<!tpu.dma_semaphore, #tpu.memory_space<semaphore_mem>>)
        %mul3A_1865 = arith.constant 320 : i32
        %mul3A_1866 = arith.muli %add3A_1684, %mul3A_1865 : i32
        %add3A_1867 = arith.constant 192 : i32
        %add3A_1868 = arith.addi %mul3A_1866, %add3A_1867 : i32
        %get3A_1869 = arith.index_cast %add3A_1868 : i32 to index
        %get3A_1870 = tpu.vector_load %arg5[%get3A_1869] {strides = array<i32>} : memref<25600xi32, #tpu.memory_space<vmem>>, vector<16xi32>,
        %get3A_1871 = vector.shape_cast %get3A_1870 : vector<16xi32> to vector<16xi32>
        %dma_start3A_1872 = arith.constant 1 : i32
        %dma_start3A_1873 = arith.constant 192 : i32
        %dma_start3A_1874 = arith.constant 0 : i32
        %dma_start3A_1875 = tpu.memref_slice %arg6[%dma_start3A_1872, %dma_start3A_1873, %dma_start3A_1874] : memref<4x320x64xf32, #tpu.memory_space<vmem>> -> memref<1x16x64xf32, #tpu.memory_space<vmem>>
        %dma_start3A_1876 = tpu.memref_squeeze %dma_start3A_1875 : memref<1x16x64xf32, #tpu.memory_space<vmem>> -> memref<16x64xf32, #tpu.memory_space<vmem>>
        %dma_start3A_1877 = arith.constant 0 : i32
        %dma_start3A_1878 = arith.constant 0 : i32
        %dma_start3A_1879 = tpu.memref_slice %arg2[%dma_start3A_1877, %dma_start3A_1878] : memref<1000000x64xf32, #tpu.memory_space<hbm>> -> memref<1000000x64xf32, #tpu.memory_space<hbm>>
        tpu.enqueue_indirect_dma source(%dma_start3A_1879 : memref<1000000x64xf32, #tpu.memory_space<hbm>>) target(%dma_start3A_1876 : memref<16x64xf32, #tpu.memory_space<vmem>>) offsets(%get3A_1871 : vector<16xi32>) semaphore(%arg8 : memref<!tpu.dma_semaphore, #tpu.memory_space<semaphore_mem>>)
        %mul3A_1880 = arith.constant 320 : i32
        %mul3A_1881 = arith.muli %add3A_1684, %mul3A_1880 : i32
        %add3A_1882 = arith.constant 208 : i32
        %add3A_1883 = arith.addi %mul3A_1881, %add3A_1882 : i32
        %get3A_1884 = arith.index_cast %add3A_1883 : i32 to index
        %get3A_1885 = tpu.vector_load %arg5[%get3A_1884] {strides = array<i32>} : memref<25600xi32, #tpu.memory_space<vmem>>, vector<16xi32>,
        %get3A_1886 = vector.shape_cast %get3A_1885 : vector<16xi32> to vector<16xi32>
        %dma_start3A_1887 = arith.constant 1 : i32
        %dma_start3A_1888 = arith.constant 208 : i32
        %dma_start3A_1889 = arith.constant 0 : i32
        %dma_start3A_1890 = tpu.memref_slice %arg6[%dma_start3A_1887, %dma_start3A_1888, %dma_start3A_1889] : memref<4x320x64xf32, #tpu.memory_space<vmem>> -> memref<1x16x64xf32, #tpu.memory_space<vmem>>
        %dma_start3A_1891 = tpu.memref_squeeze %dma_start3A_1890 : memref<1x16x64xf32, #tpu.memory_space<vmem>> -> memref<16x64xf32, #tpu.memory_space<vmem>>
        %dma_start3A_1892 = arith.constant 0 : i32
        %dma_start3A_1893 = arith.constant 0 : i32
        %dma_start3A_1894 = tpu.memref_slice %arg2[%dma_start3A_1892, %dma_start3A_1893] : memref<1000000x64xf32, #tpu.memory_space<hbm>> -> memref<1000000x64xf32, #tpu.memory_space<hbm>>
        tpu.enqueue_indirect_dma source(%dma_start3A_1894 : memref<1000000x64xf32, #tpu.memory_space<hbm>>) target(%dma_start3A_1891 : memref<16x64xf32, #tpu.memory_space<vmem>>) offsets(%get3A_1886 : vector<16xi32>) semaphore(%arg8 : memref<!tpu.dma_semaphore, #tpu.memory_space<semaphore_mem>>)
        %mul3A_1895 = arith.constant 320 : i32
        %mul3A_1896 = arith.muli %add3A_1684, %mul3A_1895 : i32
        %add3A_1897 = arith.constant 224 : i32
        %add3A_1898 = arith.addi %mul3A_1896, %add3A_1897 : i32
        %get3A_1899 = arith.index_cast %add3A_1898 : i32 to index
        %get3A_1900 = tpu.vector_load %arg5[%get3A_1899] {strides = array<i32>} : memref<25600xi32, #tpu.memory_space<vmem>>, vector<16xi32>,
        %get3A_1901 = vector.shape_cast %get3A_1900 : vector<16xi32> to vector<16xi32>
        %dma_start3A_1902 = arith.constant 1 : i32
        %dma_start3A_1903 = arith.constant 224 : i32
        %dma_start3A_1904 = arith.constant 0 : i32
        %dma_start3A_1905 = tpu.memref_slice %arg6[%dma_start3A_1902, %dma_start3A_1903, %dma_start3A_1904] : memref<4x320x64xf32, #tpu.memory_space<vmem>> -> memref<1x16x64xf32, #tpu.memory_space<vmem>>
        %dma_start3A_1906 = tpu.memref_squeeze %dma_start3A_1905 : memref<1x16x64xf32, #tpu.memory_space<vmem>> -> memref<16x64xf32, #tpu.memory_space<vmem>>
        %dma_start3A_1907 = arith.constant 0 : i32
        %dma_start3A_1908 = arith.constant 0 : i32
        %dma_start3A_1909 = tpu.memref_slice %arg2[%dma_start3A_1907, %dma_start3A_1908] : memref<1000000x64xf32, #tpu.memory_space<hbm>> -> memref<1000000x64xf32, #tpu.memory_space<hbm>>
        tpu.enqueue_indirect_dma source(%dma_start3A_1909 : memref<1000000x64xf32, #tpu.memory_space<hbm>>) target(%dma_start3A_1906 : memref<16x64xf32, #tpu.memory_space<vmem>>) offsets(%get3A_1901 : vector<16xi32>) semaphore(%arg8 : memref<!tpu.dma_semaphore, #tpu.memory_space<semaphore_mem>>)
        %mul3A_1910 = arith.constant 320 : i32
        %mul3A_1911 = arith.muli %add3A_1684, %mul3A_1910 : i32
        %add3A_1912 = arith.constant 240 : i32
        %add3A_1913 = arith.addi %mul3A_1911, %add3A_1912 : i32
        %get3A_1914 = arith.index_cast %add3A_1913 : i32 to index
        %get3A_1915 = tpu.vector_load %arg5[%get3A_1914] {strides = array<i32>} : memref<25600xi32, #tpu.memory_space<vmem>>, vector<16xi32>,
        %get3A_1916 = vector.shape_cast %get3A_1915 : vector<16xi32> to vector<16xi32>
        %dma_start3A_1917 = arith.constant 1 : i32
        %dma_start3A_1918 = arith.constant 240 : i32
        %dma_start3A_1919 = arith.constant 0 : i32
        %dma_start3A_1920 = tpu.memref_slice %arg6[%dma_start3A_1917, %dma_start3A_1918, %dma_start3A_1919] : memref<4x320x64xf32, #tpu.memory_space<vmem>> -> memref<1x16x64xf32, #tpu.memory_space<vmem>>
        %dma_start3A_1921 = tpu.memref_squeeze %dma_start3A_1920 : memref<1x16x64xf32, #tpu.memory_space<vmem>> -> memref<16x64xf32, #tpu.memory_space<vmem>>
        %dma_start3A_1922 = arith.constant 0 : i32
        %dma_start3A_1923 = arith.constant 0 : i32
        %dma_start3A_1924 = tpu.memref_slice %arg2[%dma_start3A_1922, %dma_start3A_1923] : memref<1000000x64xf32, #tpu.memory_space<hbm>> -> memref<1000000x64xf32, #tpu.memory_space<hbm>>
        tpu.enqueue_indirect_dma source(%dma_start3A_1924 : memref<1000000x64xf32, #tpu.memory_space<hbm>>) target(%dma_start3A_1921 : memref<16x64xf32, #tpu.memory_space<vmem>>) offsets(%get3A_1916 : vector<16xi32>) semaphore(%arg8 : memref<!tpu.dma_semaphore, #tpu.memory_space<semaphore_mem>>)
        %mul3A_1925 = arith.constant 320 : i32
        %mul3A_1926 = arith.muli %add3A_1684, %mul3A_1925 : i32
        %add3A_1927 = arith.constant 256 : i32
        %add3A_1928 = arith.addi %mul3A_1926, %add3A_1927 : i32
        %get3A_1929 = arith.index_cast %add3A_1928 : i32 to index
        %get3A_1930 = tpu.vector_load %arg5[%get3A_1929] {strides = array<i32>} : memref<25600xi32, #tpu.memory_space<vmem>>, vector<16xi32>,
        %get3A_1931 = vector.shape_cast %get3A_1930 : vector<16xi32> to vector<16xi32>
        %dma_start3A_1932 = arith.constant 1 : i32
        %dma_start3A_1933 = arith.constant 256 : i32
        %dma_start3A_1934 = arith.constant 0 : i32
        %dma_start3A_1935 = tpu.memref_slice %arg6[%dma_start3A_1932, %dma_start3A_1933, %dma_start3A_1934] : memref<4x320x64xf32, #tpu.memory_space<vmem>> -> memref<1x16x64xf32, #tpu.memory_space<vmem>>
        %dma_start3A_1936 = tpu.memref_squeeze %dma_start3A_1935 : memref<1x16x64xf32, #tpu.memory_space<vmem>> -> memref<16x64xf32, #tpu.memory_space<vmem>>
        %dma_start3A_1937 = arith.constant 0 : i32
        %dma_start3A_1938 = arith.constant 0 : i32
        %dma_start3A_1939 = tpu.memref_slice %arg2[%dma_start3A_1937, %dma_start3A_1938] : memref<1000000x64xf32, #tpu.memory_space<hbm>> -> memref<1000000x64xf32, #tpu.memory_space<hbm>>
        tpu.enqueue_indirect_dma source(%dma_start3A_1939 : memref<1000000x64xf32, #tpu.memory_space<hbm>>) target(%dma_start3A_1936 : memref<16x64xf32, #tpu.memory_space<vmem>>) offsets(%get3A_1931 : vector<16xi32>) semaphore(%arg8 : memref<!tpu.dma_semaphore, #tpu.memory_space<semaphore_mem>>)
        %mul3A_1940 = arith.constant 320 : i32
        %mul3A_1941 = arith.muli %add3A_1684, %mul3A_1940 : i32
        %add3A_1942 = arith.constant 272 : i32
        %add3A_1943 = arith.addi %mul3A_1941, %add3A_1942 : i32
        %get3A_1944 = arith.index_cast %add3A_1943 : i32 to index
        %get3A_1945 = tpu.vector_load %arg5[%get3A_1944] {strides = array<i32>} : memref<25600xi32, #tpu.memory_space<vmem>>, vector<16xi32>,
        %get3A_1946 = vector.shape_cast %get3A_1945 : vector<16xi32> to vector<16xi32>
        %dma_start3A_1947 = arith.constant 1 : i32
        %dma_start3A_1948 = arith.constant 272 : i32
        %dma_start3A_1949 = arith.constant 0 : i32
        %dma_start3A_1950 = tpu.memref_slice %arg6[%dma_start3A_1947, %dma_start3A_1948, %dma_start3A_1949] : memref<4x320x64xf32, #tpu.memory_space<vmem>> -> memref<1x16x64xf32, #tpu.memory_space<vmem>>
        %dma_start3A_1951 = tpu.memref_squeeze %dma_start3A_1950 : memref<1x16x64xf32, #tpu.memory_space<vmem>> -> memref<16x64xf32, #tpu.memory_space<vmem>>
        %dma_start3A_1952 = arith.constant 0 : i32
        %dma_start3A_1953 = arith.constant 0 : i32
        %dma_start3A_1954 = tpu.memref_slice %arg2[%dma_start3A_1952, %dma_start3A_1953] : memref<1000000x64xf32, #tpu.memory_space<hbm>> -> memref<1000000x64xf32, #tpu.memory_space<hbm>>
        tpu.enqueue_indirect_dma source(%dma_start3A_1954 : memref<1000000x64xf32, #tpu.memory_space<hbm>>) target(%dma_start3A_1951 : memref<16x64xf32, #tpu.memory_space<vmem>>) offsets(%get3A_1946 : vector<16xi32>) semaphore(%arg8 : memref<!tpu.dma_semaphore, #tpu.memory_space<semaphore_mem>>)
        %mul3A_1955 = arith.constant 320 : i32
        %mul3A_1956 = arith.muli %add3A_1684, %mul3A_1955 : i32
        %add3A_1957 = arith.constant 288 : i32
        %add3A_1958 = arith.addi %mul3A_1956, %add3A_1957 : i32
        %get3A_1959 = arith.index_cast %add3A_1958 : i32 to index
        %get3A_1960 = tpu.vector_load %arg5[%get3A_1959] {strides = array<i32>} : memref<25600xi32, #tpu.memory_space<vmem>>, vector<16xi32>,
        %get3A_1961 = vector.shape_cast %get3A_1960 : vector<16xi32> to vector<16xi32>
        %dma_start3A_1962 = arith.constant 1 : i32
        %dma_start3A_1963 = arith.constant 288 : i32
        %dma_start3A_1964 = arith.constant 0 : i32
        %dma_start3A_1965 = tpu.memref_slice %arg6[%dma_start3A_1962, %dma_start3A_1963, %dma_start3A_1964] : memref<4x320x64xf32, #tpu.memory_space<vmem>> -> memref<1x16x64xf32, #tpu.memory_space<vmem>>
        %dma_start3A_1966 = tpu.memref_squeeze %dma_start3A_1965 : memref<1x16x64xf32, #tpu.memory_space<vmem>> -> memref<16x64xf32, #tpu.memory_space<vmem>>
        %dma_start3A_1967 = arith.constant 0 : i32
        %dma_start3A_1968 = arith.constant 0 : i32
        %dma_start3A_1969 = tpu.memref_slice %arg2[%dma_start3A_1967, %dma_start3A_1968] : memref<1000000x64xf32, #tpu.memory_space<hbm>> -> memref<1000000x64xf32, #tpu.memory_space<hbm>>
        tpu.enqueue_indirect_dma source(%dma_start3A_1969 : memref<1000000x64xf32, #tpu.memory_space<hbm>>) target(%dma_start3A_1966 : memref<16x64xf32, #tpu.memory_space<vmem>>) offsets(%get3A_1961 : vector<16xi32>) semaphore(%arg8 : memref<!tpu.dma_semaphore, #tpu.memory_space<semaphore_mem>>)
        %mul3A_1970 = arith.constant 320 : i32
        %mul3A_1971 = arith.muli %add3A_1684, %mul3A_1970 : i32
        %add3A_1972 = arith.constant 304 : i32
        %add3A_1973 = arith.addi %mul3A_1971, %add3A_1972 : i32
        %get3A_1974 = arith.index_cast %add3A_1973 : i32 to index
        %get3A_1975 = tpu.vector_load %arg5[%get3A_1974] {strides = array<i32>} : memref<25600xi32, #tpu.memory_space<vmem>>, vector<16xi32>,
        %get3A_1976 = vector.shape_cast %get3A_1975 : vector<16xi32> to vector<16xi32>
        %dma_start3A_1977 = arith.constant 1 : i32
        %dma_start3A_1978 = arith.constant 304 : i32
        %dma_start3A_1979 = arith.constant 0 : i32
        %dma_start3A_1980 = tpu.memref_slice %arg6[%dma_start3A_1977, %dma_start3A_1978, %dma_start3A_1979] : memref<4x320x64xf32, #tpu.memory_space<vmem>> -> memref<1x16x64xf32, #tpu.memory_space<vmem>>
        %dma_start3A_1981 = tpu.memref_squeeze %dma_start3A_1980 : memref<1x16x64xf32, #tpu.memory_space<vmem>> -> memref<16x64xf32, #tpu.memory_space<vmem>>
        %dma_start3A_1982 = arith.constant 0 : i32
        %dma_start3A_1983 = arith.constant 0 : i32
        %dma_start3A_1984 = tpu.memref_slice %arg2[%dma_start3A_1982, %dma_start3A_1983] : memref<1000000x64xf32, #tpu.memory_space<hbm>> -> memref<1000000x64xf32, #tpu.memory_space<hbm>>
        tpu.enqueue_indirect_dma source(%dma_start3A_1984 : memref<1000000x64xf32, #tpu.memory_space<hbm>>) target(%dma_start3A_1981 : memref<16x64xf32, #tpu.memory_space<vmem>>) offsets(%get3A_1976 : vector<16xi32>) semaphore(%arg8 : memref<!tpu.dma_semaphore, #tpu.memory_space<semaphore_mem>>)
      } else {
      }
      %mul3A_1431 = arith.constant 4 : i32
      %mul3A_1432 = arith.muli %scan3A_678, %mul3A_1431 : i32
      %add3A_1433 = arith.constant 3 : i32
      %add3A_1434 = arith.addi %mul3A_1432, %add3A_1433 : i32
      %get3A_1435 = arith.constant 0 : index
      %get3A_1436 = tpu.vector_load %arg5[%get3A_1435] {strides = array<i32>} : memref<25600xi32, #tpu.memory_space<vmem>>, vector<16xi32>,
      %get3A_1437 = vector.shape_cast %get3A_1436 : vector<16xi32> to vector<16xi32>
      %dma_wait3A_1438 = arith.constant 3 : i32
      %dma_wait3A_1439 = arith.constant 0 : i32
      %dma_wait3A_1440 = arith.constant 0 : i32
      %dma_wait3A_1441 = tpu.memref_slice %arg6[%dma_wait3A_1438, %dma_wait3A_1439, %dma_wait3A_1440] : memref<4x320x64xf32, #tpu.memory_space<vmem>> -> memref<1x16x64xf32, #tpu.memory_space<vmem>>
      %dma_wait3A_1442 = tpu.memref_squeeze %dma_wait3A_1441 : memref<1x16x64xf32, #tpu.memory_space<vmem>> -> memref<16x64xf32, #tpu.memory_space<vmem>>
      %dma_wait3A_1443 = arith.constant 0 : i32
      %dma_wait3A_1444 = arith.constant 0 : i32
      %dma_wait3A_1445 = tpu.memref_slice %arg2[%dma_wait3A_1443, %dma_wait3A_1444] : memref<1000000x64xf32, #tpu.memory_space<hbm>> -> memref<1000000x64xf32, #tpu.memory_space<hbm>>
      tpu.wait_indirect_dma semaphore(%arg10 : memref<!tpu.dma_semaphore, #tpu.memory_space<semaphore_mem>>) src(%dma_wait3A_1445 : memref<1000000x64xf32, #tpu.memory_space<hbm>>) dst(%dma_wait3A_1442 : memref<16x64xf32, #tpu.memory_space<vmem>>)
      %get3A_1446 = arith.constant 16 : index
      %get3A_1447 = tpu.vector_load %arg5[%get3A_1446] {strides = array<i32>} : memref<25600xi32, #tpu.memory_space<vmem>>, vector<16xi32>,
      %get3A_1448 = vector.shape_cast %get3A_1447 : vector<16xi32> to vector<16xi32>
      %dma_wait3A_1449 = arith.constant 3 : i32
      %dma_wait3A_1450 = arith.constant 16 : i32
      %dma_wait3A_1451 = arith.constant 0 : i32
      %dma_wait3A_1452 = tpu.memref_slice %arg6[%dma_wait3A_1449, %dma_wait3A_1450, %dma_wait3A_1451] : memref<4x320x64xf32, #tpu.memory_space<vmem>> -> memref<1x16x64xf32, #tpu.memory_space<vmem>>
      %dma_wait3A_1453 = tpu.memref_squeeze %dma_wait3A_1452 : memref<1x16x64xf32, #tpu.memory_space<vmem>> -> memref<16x64xf32, #tpu.memory_space<vmem>>
      %dma_wait3A_1454 = arith.constant 0 : i32
      %dma_wait3A_1455 = arith.constant 0 : i32
      %dma_wait3A_1456 = tpu.memref_slice %arg2[%dma_wait3A_1454, %dma_wait3A_1455] : memref<1000000x64xf32, #tpu.memory_space<hbm>> -> memref<1000000x64xf32, #tpu.memory_space<hbm>>
      tpu.wait_indirect_dma semaphore(%arg10 : memref<!tpu.dma_semaphore, #tpu.memory_space<semaphore_mem>>) src(%dma_wait3A_1456 : memref<1000000x64xf32, #tpu.memory_space<hbm>>) dst(%dma_wait3A_1453 : memref<16x64xf32, #tpu.memory_space<vmem>>)
      %get3A_1457 = arith.constant 32 : index
      %get3A_1458 = tpu.vector_load %arg5[%get3A_1457] {strides = array<i32>} : memref<25600xi32, #tpu.memory_space<vmem>>, vector<16xi32>,
      %get3A_1459 = vector.shape_cast %get3A_1458 : vector<16xi32> to vector<16xi32>
      %dma_wait3A_1460 = arith.constant 3 : i32
      %dma_wait3A_1461 = arith.constant 32 : i32
      %dma_wait3A_1462 = arith.constant 0 : i32
      %dma_wait3A_1463 = tpu.memref_slice %arg6[%dma_wait3A_1460, %dma_wait3A_1461, %dma_wait3A_1462] : memref<4x320x64xf32, #tpu.memory_space<vmem>> -> memref<1x16x64xf32, #tpu.memory_space<vmem>>
      %dma_wait3A_1464 = tpu.memref_squeeze %dma_wait3A_1463 : memref<1x16x64xf32, #tpu.memory_space<vmem>> -> memref<16x64xf32, #tpu.memory_space<vmem>>
      %dma_wait3A_1465 = arith.constant 0 : i32
      %dma_wait3A_1466 = arith.constant 0 : i32
      %dma_wait3A_1467 = tpu.memref_slice %arg2[%dma_wait3A_1465, %dma_wait3A_1466] : memref<1000000x64xf32, #tpu.memory_space<hbm>> -> memref<1000000x64xf32, #tpu.memory_space<hbm>>
      tpu.wait_indirect_dma semaphore(%arg10 : memref<!tpu.dma_semaphore, #tpu.memory_space<semaphore_mem>>) src(%dma_wait3A_1467 : memref<1000000x64xf32, #tpu.memory_space<hbm>>) dst(%dma_wait3A_1464 : memref<16x64xf32, #tpu.memory_space<vmem>>)
      %get3A_1468 = arith.constant 48 : index
      %get3A_1469 = tpu.vector_load %arg5[%get3A_1468] {strides = array<i32>} : memref<25600xi32, #tpu.memory_space<vmem>>, vector<16xi32>,
      %get3A_1470 = vector.shape_cast %get3A_1469 : vector<16xi32> to vector<16xi32>
      %dma_wait3A_1471 = arith.constant 3 : i32
      %dma_wait3A_1472 = arith.constant 48 : i32
      %dma_wait3A_1473 = arith.constant 0 : i32
      %dma_wait3A_1474 = tpu.memref_slice %arg6[%dma_wait3A_1471, %dma_wait3A_1472, %dma_wait3A_1473] : memref<4x320x64xf32, #tpu.memory_space<vmem>> -> memref<1x16x64xf32, #tpu.memory_space<vmem>>
      %dma_wait3A_1475 = tpu.memref_squeeze %dma_wait3A_1474 : memref<1x16x64xf32, #tpu.memory_space<vmem>> -> memref<16x64xf32, #tpu.memory_space<vmem>>
      %dma_wait3A_1476 = arith.constant 0 : i32
      %dma_wait3A_1477 = arith.constant 0 : i32
      %dma_wait3A_1478 = tpu.memref_slice %arg2[%dma_wait3A_1476, %dma_wait3A_1477] : memref<1000000x64xf32, #tpu.memory_space<hbm>> -> memref<1000000x64xf32, #tpu.memory_space<hbm>>
      tpu.wait_indirect_dma semaphore(%arg10 : memref<!tpu.dma_semaphore, #tpu.memory_space<semaphore_mem>>) src(%dma_wait3A_1478 : memref<1000000x64xf32, #tpu.memory_space<hbm>>) dst(%dma_wait3A_1475 : memref<16x64xf32, #tpu.memory_space<vmem>>)
      %get3A_1479 = arith.constant 64 : index
      %get3A_1480 = tpu.vector_load %arg5[%get3A_1479] {strides = array<i32>} : memref<25600xi32, #tpu.memory_space<vmem>>, vector<16xi32>,
      %get3A_1481 = vector.shape_cast %get3A_1480 : vector<16xi32> to vector<16xi32>
      %dma_wait3A_1482 = arith.constant 3 : i32
      %dma_wait3A_1483 = arith.constant 64 : i32
      %dma_wait3A_1484 = arith.constant 0 : i32
      %dma_wait3A_1485 = tpu.memref_slice %arg6[%dma_wait3A_1482, %dma_wait3A_1483, %dma_wait3A_1484] : memref<4x320x64xf32, #tpu.memory_space<vmem>> -> memref<1x16x64xf32, #tpu.memory_space<vmem>>
      %dma_wait3A_1486 = tpu.memref_squeeze %dma_wait3A_1485 : memref<1x16x64xf32, #tpu.memory_space<vmem>> -> memref<16x64xf32, #tpu.memory_space<vmem>>
      %dma_wait3A_1487 = arith.constant 0 : i32
      %dma_wait3A_1488 = arith.constant 0 : i32
      %dma_wait3A_1489 = tpu.memref_slice %arg2[%dma_wait3A_1487, %dma_wait3A_1488] : memref<1000000x64xf32, #tpu.memory_space<hbm>> -> memref<1000000x64xf32, #tpu.memory_space<hbm>>
      tpu.wait_indirect_dma semaphore(%arg10 : memref<!tpu.dma_semaphore, #tpu.memory_space<semaphore_mem>>) src(%dma_wait3A_1489 : memref<1000000x64xf32, #tpu.memory_space<hbm>>) dst(%dma_wait3A_1486 : memref<16x64xf32, #tpu.memory_space<vmem>>)
      %get3A_1490 = arith.constant 80 : index
      %get3A_1491 = tpu.vector_load %arg5[%get3A_1490] {strides = array<i32>} : memref<25600xi32, #tpu.memory_space<vmem>>, vector<16xi32>,
      %get3A_1492 = vector.shape_cast %get3A_1491 : vector<16xi32> to vector<16xi32>
      %dma_wait3A_1493 = arith.constant 3 : i32
      %dma_wait3A_1494 = arith.constant 80 : i32
      %dma_wait3A_1495 = arith.constant 0 : i32
      %dma_wait3A_1496 = tpu.memref_slice %arg6[%dma_wait3A_1493, %dma_wait3A_1494, %dma_wait3A_1495] : memref<4x320x64xf32, #tpu.memory_space<vmem>> -> memref<1x16x64xf32, #tpu.memory_space<vmem>>
      %dma_wait3A_1497 = tpu.memref_squeeze %dma_wait3A_1496 : memref<1x16x64xf32, #tpu.memory_space<vmem>> -> memref<16x64xf32, #tpu.memory_space<vmem>>
      %dma_wait3A_1498 = arith.constant 0 : i32
      %dma_wait3A_1499 = arith.constant 0 : i32
      %dma_wait3A_1500 = tpu.memref_slice %arg2[%dma_wait3A_1498, %dma_wait3A_1499] : memref<1000000x64xf32, #tpu.memory_space<hbm>> -> memref<1000000x64xf32, #tpu.memory_space<hbm>>
      tpu.wait_indirect_dma semaphore(%arg10 : memref<!tpu.dma_semaphore, #tpu.memory_space<semaphore_mem>>) src(%dma_wait3A_1500 : memref<1000000x64xf32, #tpu.memory_space<hbm>>) dst(%dma_wait3A_1497 : memref<16x64xf32, #tpu.memory_space<vmem>>)
      %get3A_1501 = arith.constant 96 : index
      %get3A_1502 = tpu.vector_load %arg5[%get3A_1501] {strides = array<i32>} : memref<25600xi32, #tpu.memory_space<vmem>>, vector<16xi32>,
      %get3A_1503 = vector.shape_cast %get3A_1502 : vector<16xi32> to vector<16xi32>
      %dma_wait3A_1504 = arith.constant 3 : i32
      %dma_wait3A_1505 = arith.constant 96 : i32
      %dma_wait3A_1506 = arith.constant 0 : i32
      %dma_wait3A_1507 = tpu.memref_slice %arg6[%dma_wait3A_1504, %dma_wait3A_1505, %dma_wait3A_1506] : memref<4x320x64xf32, #tpu.memory_space<vmem>> -> memref<1x16x64xf32, #tpu.memory_space<vmem>>
      %dma_wait3A_1508 = tpu.memref_squeeze %dma_wait3A_1507 : memref<1x16x64xf32, #tpu.memory_space<vmem>> -> memref<16x64xf32, #tpu.memory_space<vmem>>
      %dma_wait3A_1509 = arith.constant 0 : i32
      %dma_wait3A_1510 = arith.constant 0 : i32
      %dma_wait3A_1511 = tpu.memref_slice %arg2[%dma_wait3A_1509, %dma_wait3A_1510] : memref<1000000x64xf32, #tpu.memory_space<hbm>> -> memref<1000000x64xf32, #tpu.memory_space<hbm>>
      tpu.wait_indirect_dma semaphore(%arg10 : memref<!tpu.dma_semaphore, #tpu.memory_space<semaphore_mem>>) src(%dma_wait3A_1511 : memref<1000000x64xf32, #tpu.memory_space<hbm>>) dst(%dma_wait3A_1508 : memref<16x64xf32, #tpu.memory_space<vmem>>)
      %get3A_1512 = arith.constant 112 : index
      %get3A_1513 = tpu.vector_load %arg5[%get3A_1512] {strides = array<i32>} : memref<25600xi32, #tpu.memory_space<vmem>>, vector<16xi32>,
      %get3A_1514 = vector.shape_cast %get3A_1513 : vector<16xi32> to vector<16xi32>
      %dma_wait3A_1515 = arith.constant 3 : i32
      %dma_wait3A_1516 = arith.constant 112 : i32
      %dma_wait3A_1517 = arith.constant 0 : i32
      %dma_wait3A_1518 = tpu.memref_slice %arg6[%dma_wait3A_1515, %dma_wait3A_1516, %dma_wait3A_1517] : memref<4x320x64xf32, #tpu.memory_space<vmem>> -> memref<1x16x64xf32, #tpu.memory_space<vmem>>
      %dma_wait3A_1519 = tpu.memref_squeeze %dma_wait3A_1518 : memref<1x16x64xf32, #tpu.memory_space<vmem>> -> memref<16x64xf32, #tpu.memory_space<vmem>>
      %dma_wait3A_1520 = arith.constant 0 : i32
      %dma_wait3A_1521 = arith.constant 0 : i32
      %dma_wait3A_1522 = tpu.memref_slice %arg2[%dma_wait3A_1520, %dma_wait3A_1521] : memref<1000000x64xf32, #tpu.memory_space<hbm>> -> memref<1000000x64xf32, #tpu.memory_space<hbm>>
      tpu.wait_indirect_dma semaphore(%arg10 : memref<!tpu.dma_semaphore, #tpu.memory_space<semaphore_mem>>) src(%dma_wait3A_1522 : memref<1000000x64xf32, #tpu.memory_space<hbm>>) dst(%dma_wait3A_1519 : memref<16x64xf32, #tpu.memory_space<vmem>>)
      %get3A_1523 = arith.constant 128 : index
      %get3A_1524 = tpu.vector_load %arg5[%get3A_1523] {strides = array<i32>} : memref<25600xi32, #tpu.memory_space<vmem>>, vector<16xi32>,
      %get3A_1525 = vector.shape_cast %get3A_1524 : vector<16xi32> to vector<16xi32>
      %dma_wait3A_1526 = arith.constant 3 : i32
      %dma_wait3A_1527 = arith.constant 128 : i32
      %dma_wait3A_1528 = arith.constant 0 : i32
      %dma_wait3A_1529 = tpu.memref_slice %arg6[%dma_wait3A_1526, %dma_wait3A_1527, %dma_wait3A_1528] : memref<4x320x64xf32, #tpu.memory_space<vmem>> -> memref<1x16x64xf32, #tpu.memory_space<vmem>>
      %dma_wait3A_1530 = tpu.memref_squeeze %dma_wait3A_1529 : memref<1x16x64xf32, #tpu.memory_space<vmem>> -> memref<16x64xf32, #tpu.memory_space<vmem>>
      %dma_wait3A_1531 = arith.constant 0 : i32
      %dma_wait3A_1532 = arith.constant 0 : i32
      %dma_wait3A_1533 = tpu.memref_slice %arg2[%dma_wait3A_1531, %dma_wait3A_1532] : memref<1000000x64xf32, #tpu.memory_space<hbm>> -> memref<1000000x64xf32, #tpu.memory_space<hbm>>
      tpu.wait_indirect_dma semaphore(%arg10 : memref<!tpu.dma_semaphore, #tpu.memory_space<semaphore_mem>>) src(%dma_wait3A_1533 : memref<1000000x64xf32, #tpu.memory_space<hbm>>) dst(%dma_wait3A_1530 : memref<16x64xf32, #tpu.memory_space<vmem>>)
      %get3A_1534 = arith.constant 144 : index
      %get3A_1535 = tpu.vector_load %arg5[%get3A_1534] {strides = array<i32>} : memref<25600xi32, #tpu.memory_space<vmem>>, vector<16xi32>,
      %get3A_1536 = vector.shape_cast %get3A_1535 : vector<16xi32> to vector<16xi32>
      %dma_wait3A_1537 = arith.constant 3 : i32
      %dma_wait3A_1538 = arith.constant 144 : i32
      %dma_wait3A_1539 = arith.constant 0 : i32
      %dma_wait3A_1540 = tpu.memref_slice %arg6[%dma_wait3A_1537, %dma_wait3A_1538, %dma_wait3A_1539] : memref<4x320x64xf32, #tpu.memory_space<vmem>> -> memref<1x16x64xf32, #tpu.memory_space<vmem>>
      %dma_wait3A_1541 = tpu.memref_squeeze %dma_wait3A_1540 : memref<1x16x64xf32, #tpu.memory_space<vmem>> -> memref<16x64xf32, #tpu.memory_space<vmem>>
      %dma_wait3A_1542 = arith.constant 0 : i32
      %dma_wait3A_1543 = arith.constant 0 : i32
      %dma_wait3A_1544 = tpu.memref_slice %arg2[%dma_wait3A_1542, %dma_wait3A_1543] : memref<1000000x64xf32, #tpu.memory_space<hbm>> -> memref<1000000x64xf32, #tpu.memory_space<hbm>>
      tpu.wait_indirect_dma semaphore(%arg10 : memref<!tpu.dma_semaphore, #tpu.memory_space<semaphore_mem>>) src(%dma_wait3A_1544 : memref<1000000x64xf32, #tpu.memory_space<hbm>>) dst(%dma_wait3A_1541 : memref<16x64xf32, #tpu.memory_space<vmem>>)
      %get3A_1545 = arith.constant 160 : index
      %get3A_1546 = tpu.vector_load %arg5[%get3A_1545] {strides = array<i32>} : memref<25600xi32, #tpu.memory_space<vmem>>, vector<16xi32>,
      %get3A_1547 = vector.shape_cast %get3A_1546 : vector<16xi32> to vector<16xi32>
      %dma_wait3A_1548 = arith.constant 3 : i32
      %dma_wait3A_1549 = arith.constant 160 : i32
      %dma_wait3A_1550 = arith.constant 0 : i32
      %dma_wait3A_1551 = tpu.memref_slice %arg6[%dma_wait3A_1548, %dma_wait3A_1549, %dma_wait3A_1550] : memref<4x320x64xf32, #tpu.memory_space<vmem>> -> memref<1x16x64xf32, #tpu.memory_space<vmem>>
      %dma_wait3A_1552 = tpu.memref_squeeze %dma_wait3A_1551 : memref<1x16x64xf32, #tpu.memory_space<vmem>> -> memref<16x64xf32, #tpu.memory_space<vmem>>
      %dma_wait3A_1553 = arith.constant 0 : i32
      %dma_wait3A_1554 = arith.constant 0 : i32
      %dma_wait3A_1555 = tpu.memref_slice %arg2[%dma_wait3A_1553, %dma_wait3A_1554] : memref<1000000x64xf32, #tpu.memory_space<hbm>> -> memref<1000000x64xf32, #tpu.memory_space<hbm>>
      tpu.wait_indirect_dma semaphore(%arg10 : memref<!tpu.dma_semaphore, #tpu.memory_space<semaphore_mem>>) src(%dma_wait3A_1555 : memref<1000000x64xf32, #tpu.memory_space<hbm>>) dst(%dma_wait3A_1552 : memref<16x64xf32, #tpu.memory_space<vmem>>)
      %get3A_1556 = arith.constant 176 : index
      %get3A_1557 = tpu.vector_load %arg5[%get3A_1556] {strides = array<i32>} : memref<25600xi32, #tpu.memory_space<vmem>>, vector<16xi32>,
      %get3A_1558 = vector.shape_cast %get3A_1557 : vector<16xi32> to vector<16xi32>
      %dma_wait3A_1559 = arith.constant 3 : i32
      %dma_wait3A_1560 = arith.constant 176 : i32
      %dma_wait3A_1561 = arith.constant 0 : i32
      %dma_wait3A_1562 = tpu.memref_slice %arg6[%dma_wait3A_1559, %dma_wait3A_1560, %dma_wait3A_1561] : memref<4x320x64xf32, #tpu.memory_space<vmem>> -> memref<1x16x64xf32, #tpu.memory_space<vmem>>
      %dma_wait3A_1563 = tpu.memref_squeeze %dma_wait3A_1562 : memref<1x16x64xf32, #tpu.memory_space<vmem>> -> memref<16x64xf32, #tpu.memory_space<vmem>>
      %dma_wait3A_1564 = arith.constant 0 : i32
      %dma_wait3A_1565 = arith.constant 0 : i32
      %dma_wait3A_1566 = tpu.memref_slice %arg2[%dma_wait3A_1564, %dma_wait3A_1565] : memref<1000000x64xf32, #tpu.memory_space<hbm>> -> memref<1000000x64xf32, #tpu.memory_space<hbm>>
      tpu.wait_indirect_dma semaphore(%arg10 : memref<!tpu.dma_semaphore, #tpu.memory_space<semaphore_mem>>) src(%dma_wait3A_1566 : memref<1000000x64xf32, #tpu.memory_space<hbm>>) dst(%dma_wait3A_1563 : memref<16x64xf32, #tpu.memory_space<vmem>>)
      %get3A_1567 = arith.constant 192 : index
      %get3A_1568 = tpu.vector_load %arg5[%get3A_1567] {strides = array<i32>} : memref<25600xi32, #tpu.memory_space<vmem>>, vector<16xi32>,
      %get3A_1569 = vector.shape_cast %get3A_1568 : vector<16xi32> to vector<16xi32>
      %dma_wait3A_1570 = arith.constant 3 : i32
      %dma_wait3A_1571 = arith.constant 192 : i32
      %dma_wait3A_1572 = arith.constant 0 : i32
      %dma_wait3A_1573 = tpu.memref_slice %arg6[%dma_wait3A_1570, %dma_wait3A_1571, %dma_wait3A_1572] : memref<4x320x64xf32, #tpu.memory_space<vmem>> -> memref<1x16x64xf32, #tpu.memory_space<vmem>>
      %dma_wait3A_1574 = tpu.memref_squeeze %dma_wait3A_1573 : memref<1x16x64xf32, #tpu.memory_space<vmem>> -> memref<16x64xf32, #tpu.memory_space<vmem>>
      %dma_wait3A_1575 = arith.constant 0 : i32
      %dma_wait3A_1576 = arith.constant 0 : i32
      %dma_wait3A_1577 = tpu.memref_slice %arg2[%dma_wait3A_1575, %dma_wait3A_1576] : memref<1000000x64xf32, #tpu.memory_space<hbm>> -> memref<1000000x64xf32, #tpu.memory_space<hbm>>
      tpu.wait_indirect_dma semaphore(%arg10 : memref<!tpu.dma_semaphore, #tpu.memory_space<semaphore_mem>>) src(%dma_wait3A_1577 : memref<1000000x64xf32, #tpu.memory_space<hbm>>) dst(%dma_wait3A_1574 : memref<16x64xf32, #tpu.memory_space<vmem>>)
      %get3A_1578 = arith.constant 208 : index
      %get3A_1579 = tpu.vector_load %arg5[%get3A_1578] {strides = array<i32>} : memref<25600xi32, #tpu.memory_space<vmem>>, vector<16xi32>,
      %get3A_1580 = vector.shape_cast %get3A_1579 : vector<16xi32> to vector<16xi32>
      %dma_wait3A_1581 = arith.constant 3 : i32
      %dma_wait3A_1582 = arith.constant 208 : i32
      %dma_wait3A_1583 = arith.constant 0 : i32
      %dma_wait3A_1584 = tpu.memref_slice %arg6[%dma_wait3A_1581, %dma_wait3A_1582, %dma_wait3A_1583] : memref<4x320x64xf32, #tpu.memory_space<vmem>> -> memref<1x16x64xf32, #tpu.memory_space<vmem>>
      %dma_wait3A_1585 = tpu.memref_squeeze %dma_wait3A_1584 : memref<1x16x64xf32, #tpu.memory_space<vmem>> -> memref<16x64xf32, #tpu.memory_space<vmem>>
      %dma_wait3A_1586 = arith.constant 0 : i32
      %dma_wait3A_1587 = arith.constant 0 : i32
      %dma_wait3A_1588 = tpu.memref_slice %arg2[%dma_wait3A_1586, %dma_wait3A_1587] : memref<1000000x64xf32, #tpu.memory_space<hbm>> -> memref<1000000x64xf32, #tpu.memory_space<hbm>>
      tpu.wait_indirect_dma semaphore(%arg10 : memref<!tpu.dma_semaphore, #tpu.memory_space<semaphore_mem>>) src(%dma_wait3A_1588 : memref<1000000x64xf32, #tpu.memory_space<hbm>>) dst(%dma_wait3A_1585 : memref<16x64xf32, #tpu.memory_space<vmem>>)
      %get3A_1589 = arith.constant 224 : index
      %get3A_1590 = tpu.vector_load %arg5[%get3A_1589] {strides = array<i32>} : memref<25600xi32, #tpu.memory_space<vmem>>, vector<16xi32>,
      %get3A_1591 = vector.shape_cast %get3A_1590 : vector<16xi32> to vector<16xi32>
      %dma_wait3A_1592 = arith.constant 3 : i32
      %dma_wait3A_1593 = arith.constant 224 : i32
      %dma_wait3A_1594 = arith.constant 0 : i32
      %dma_wait3A_1595 = tpu.memref_slice %arg6[%dma_wait3A_1592, %dma_wait3A_1593, %dma_wait3A_1594] : memref<4x320x64xf32, #tpu.memory_space<vmem>> -> memref<1x16x64xf32, #tpu.memory_space<vmem>>
      %dma_wait3A_1596 = tpu.memref_squeeze %dma_wait3A_1595 : memref<1x16x64xf32, #tpu.memory_space<vmem>> -> memref<16x64xf32, #tpu.memory_space<vmem>>
      %dma_wait3A_1597 = arith.constant 0 : i32
      %dma_wait3A_1598 = arith.constant 0 : i32
      %dma_wait3A_1599 = tpu.memref_slice %arg2[%dma_wait3A_1597, %dma_wait3A_1598] : memref<1000000x64xf32, #tpu.memory_space<hbm>> -> memref<1000000x64xf32, #tpu.memory_space<hbm>>
      tpu.wait_indirect_dma semaphore(%arg10 : memref<!tpu.dma_semaphore, #tpu.memory_space<semaphore_mem>>) src(%dma_wait3A_1599 : memref<1000000x64xf32, #tpu.memory_space<hbm>>) dst(%dma_wait3A_1596 : memref<16x64xf32, #tpu.memory_space<vmem>>)
      %get3A_1600 = arith.constant 240 : index
      %get3A_1601 = tpu.vector_load %arg5[%get3A_1600] {strides = array<i32>} : memref<25600xi32, #tpu.memory_space<vmem>>, vector<16xi32>,
      %get3A_1602 = vector.shape_cast %get3A_1601 : vector<16xi32> to vector<16xi32>
      %dma_wait3A_1603 = arith.constant 3 : i32
      %dma_wait3A_1604 = arith.constant 240 : i32
      %dma_wait3A_1605 = arith.constant 0 : i32
      %dma_wait3A_1606 = tpu.memref_slice %arg6[%dma_wait3A_1603, %dma_wait3A_1604, %dma_wait3A_1605] : memref<4x320x64xf32, #tpu.memory_space<vmem>> -> memref<1x16x64xf32, #tpu.memory_space<vmem>>
      %dma_wait3A_1607 = tpu.memref_squeeze %dma_wait3A_1606 : memref<1x16x64xf32, #tpu.memory_space<vmem>> -> memref<16x64xf32, #tpu.memory_space<vmem>>
      %dma_wait3A_1608 = arith.constant 0 : i32
      %dma_wait3A_1609 = arith.constant 0 : i32
      %dma_wait3A_1610 = tpu.memref_slice %arg2[%dma_wait3A_1608, %dma_wait3A_1609] : memref<1000000x64xf32, #tpu.memory_space<hbm>> -> memref<1000000x64xf32, #tpu.memory_space<hbm>>
      tpu.wait_indirect_dma semaphore(%arg10 : memref<!tpu.dma_semaphore, #tpu.memory_space<semaphore_mem>>) src(%dma_wait3A_1610 : memref<1000000x64xf32, #tpu.memory_space<hbm>>) dst(%dma_wait3A_1607 : memref<16x64xf32, #tpu.memory_space<vmem>>)
      %get3A_1611 = arith.constant 256 : index
      %get3A_1612 = tpu.vector_load %arg5[%get3A_1611] {strides = array<i32>} : memref<25600xi32, #tpu.memory_space<vmem>>, vector<16xi32>,
      %get3A_1613 = vector.shape_cast %get3A_1612 : vector<16xi32> to vector<16xi32>
      %dma_wait3A_1614 = arith.constant 3 : i32
      %dma_wait3A_1615 = arith.constant 256 : i32
      %dma_wait3A_1616 = arith.constant 0 : i32
      %dma_wait3A_1617 = tpu.memref_slice %arg6[%dma_wait3A_1614, %dma_wait3A_1615, %dma_wait3A_1616] : memref<4x320x64xf32, #tpu.memory_space<vmem>> -> memref<1x16x64xf32, #tpu.memory_space<vmem>>
      %dma_wait3A_1618 = tpu.memref_squeeze %dma_wait3A_1617 : memref<1x16x64xf32, #tpu.memory_space<vmem>> -> memref<16x64xf32, #tpu.memory_space<vmem>>
      %dma_wait3A_1619 = arith.constant 0 : i32
      %dma_wait3A_1620 = arith.constant 0 : i32
      %dma_wait3A_1621 = tpu.memref_slice %arg2[%dma_wait3A_1619, %dma_wait3A_1620] : memref<1000000x64xf32, #tpu.memory_space<hbm>> -> memref<1000000x64xf32, #tpu.memory_space<hbm>>
      tpu.wait_indirect_dma semaphore(%arg10 : memref<!tpu.dma_semaphore, #tpu.memory_space<semaphore_mem>>) src(%dma_wait3A_1621 : memref<1000000x64xf32, #tpu.memory_space<hbm>>) dst(%dma_wait3A_1618 : memref<16x64xf32, #tpu.memory_space<vmem>>)
      %get3A_1622 = arith.constant 272 : index
      %get3A_1623 = tpu.vector_load %arg5[%get3A_1622] {strides = array<i32>} : memref<25600xi32, #tpu.memory_space<vmem>>, vector<16xi32>,
      %get3A_1624 = vector.shape_cast %get3A_1623 : vector<16xi32> to vector<16xi32>
      %dma_wait3A_1625 = arith.constant 3 : i32
      %dma_wait3A_1626 = arith.constant 272 : i32
      %dma_wait3A_1627 = arith.constant 0 : i32
      %dma_wait3A_1628 = tpu.memref_slice %arg6[%dma_wait3A_1625, %dma_wait3A_1626, %dma_wait3A_1627] : memref<4x320x64xf32, #tpu.memory_space<vmem>> -> memref<1x16x64xf32, #tpu.memory_space<vmem>>
      %dma_wait3A_1629 = tpu.memref_squeeze %dma_wait3A_1628 : memref<1x16x64xf32, #tpu.memory_space<vmem>> -> memref<16x64xf32, #tpu.memory_space<vmem>>
      %dma_wait3A_1630 = arith.constant 0 : i32
      %dma_wait3A_1631 = arith.constant 0 : i32
      %dma_wait3A_1632 = tpu.memref_slice %arg2[%dma_wait3A_1630, %dma_wait3A_1631] : memref<1000000x64xf32, #tpu.memory_space<hbm>> -> memref<1000000x64xf32, #tpu.memory_space<hbm>>
      tpu.wait_indirect_dma semaphore(%arg10 : memref<!tpu.dma_semaphore, #tpu.memory_space<semaphore_mem>>) src(%dma_wait3A_1632 : memref<1000000x64xf32, #tpu.memory_space<hbm>>) dst(%dma_wait3A_1629 : memref<16x64xf32, #tpu.memory_space<vmem>>)
      %get3A_1633 = arith.constant 288 : index
      %get3A_1634 = tpu.vector_load %arg5[%get3A_1633] {strides = array<i32>} : memref<25600xi32, #tpu.memory_space<vmem>>, vector<16xi32>,
      %get3A_1635 = vector.shape_cast %get3A_1634 : vector<16xi32> to vector<16xi32>
      %dma_wait3A_1636 = arith.constant 3 : i32
      %dma_wait3A_1637 = arith.constant 288 : i32
      %dma_wait3A_1638 = arith.constant 0 : i32
      %dma_wait3A_1639 = tpu.memref_slice %arg6[%dma_wait3A_1636, %dma_wait3A_1637, %dma_wait3A_1638] : memref<4x320x64xf32, #tpu.memory_space<vmem>> -> memref<1x16x64xf32, #tpu.memory_space<vmem>>
      %dma_wait3A_1640 = tpu.memref_squeeze %dma_wait3A_1639 : memref<1x16x64xf32, #tpu.memory_space<vmem>> -> memref<16x64xf32, #tpu.memory_space<vmem>>
      %dma_wait3A_1641 = arith.constant 0 : i32
      %dma_wait3A_1642 = arith.constant 0 : i32
      %dma_wait3A_1643 = tpu.memref_slice %arg2[%dma_wait3A_1641, %dma_wait3A_1642] : memref<1000000x64xf32, #tpu.memory_space<hbm>> -> memref<1000000x64xf32, #tpu.memory_space<hbm>>
      tpu.wait_indirect_dma semaphore(%arg10 : memref<!tpu.dma_semaphore, #tpu.memory_space<semaphore_mem>>) src(%dma_wait3A_1643 : memref<1000000x64xf32, #tpu.memory_space<hbm>>) dst(%dma_wait3A_1640 : memref<16x64xf32, #tpu.memory_space<vmem>>)
      %get3A_1644 = arith.constant 304 : index
      %get3A_1645 = tpu.vector_load %arg5[%get3A_1644] {strides = array<i32>} : memref<25600xi32, #tpu.memory_space<vmem>>, vector<16xi32>,
      %get3A_1646 = vector.shape_cast %get3A_1645 : vector<16xi32> to vector<16xi32>
      %dma_wait3A_1647 = arith.constant 3 : i32
      %dma_wait3A_1648 = arith.constant 304 : i32
      %dma_wait3A_1649 = arith.constant 0 : i32
      %dma_wait3A_1650 = tpu.memref_slice %arg6[%dma_wait3A_1647, %dma_wait3A_1648, %dma_wait3A_1649] : memref<4x320x64xf32, #tpu.memory_space<vmem>> -> memref<1x16x64xf32, #tpu.memory_space<vmem>>
      %dma_wait3A_1651 = tpu.memref_squeeze %dma_wait3A_1650 : memref<1x16x64xf32, #tpu.memory_space<vmem>> -> memref<16x64xf32, #tpu.memory_space<vmem>>
      %dma_wait3A_1652 = arith.constant 0 : i32
      %dma_wait3A_1653 = arith.constant 0 : i32
      %dma_wait3A_1654 = tpu.memref_slice %arg2[%dma_wait3A_1652, %dma_wait3A_1653] : memref<1000000x64xf32, #tpu.memory_space<hbm>> -> memref<1000000x64xf32, #tpu.memory_space<hbm>>
      tpu.wait_indirect_dma semaphore(%arg10 : memref<!tpu.dma_semaphore, #tpu.memory_space<semaphore_mem>>) src(%dma_wait3A_1654 : memref<1000000x64xf32, #tpu.memory_space<hbm>>) dst(%dma_wait3A_1651 : memref<16x64xf32, #tpu.memory_space<vmem>>)
      %mul3A_1655 = arith.constant 320 : i32
      %mul3A_1656 = arith.muli %add3A_1434, %mul3A_1655 : i32
      %add3A_1657 = arith.addi %mul3A_2, %mul3A_1656 : i32
      %dma_start3A_1658 = arith.constant 3 : i32
      %dma_start3A_1659 = arith.constant 0 : i32
      %dma_start3A_1660 = arith.constant 0 : i32
      %dma_start3A_1661 = tpu.memref_slice %arg6[%dma_start3A_1658, %dma_start3A_1659, %dma_start3A_1660] : memref<4x320x64xf32, #tpu.memory_space<vmem>> -> memref<1x320x64xf32, #tpu.memory_space<vmem>>
      %dma_start3A_1662 = tpu.memref_squeeze %dma_start3A_1661 : memref<1x320x64xf32, #tpu.memory_space<vmem>> -> memref<320x64xf32, #tpu.memory_space<vmem>>
      %dma_start3A_1663 = arith.constant 0 : i32
      %dma_start3A_1664 = tpu.memref_slice %arg4[%add3A_1657, %dma_start3A_1663] : memref<819200x64xf32, #tpu.memory_space<hbm>> -> memref<320x64xf32, #tpu.memory_space<hbm>>
      %dma_start3A_1665 = arith.constant 0 : i32
      %dma_start3A_1666 = tpu.memref_slice %arg4[%add3A_1657, %dma_start3A_1665] : memref<819200x64xf32, #tpu.memory_space<hbm>> -> memref<320x64xf32, #tpu.memory_space<hbm>>
      %dma_start3A_1667 = arith.constant 0 : i32
      %dma_start3A_1668 = arith.constant 0 : i32
      %dma_start3A_1669 = tpu.memref_slice %arg6[%dma_start3A_1658, %dma_start3A_1667, %dma_start3A_1668] : memref<4x320x64xf32, #tpu.memory_space<vmem>> -> memref<1x320x64xf32, #tpu.memory_space<vmem>>
      %dma_start3A_1670 = tpu.memref_squeeze %dma_start3A_1669 : memref<1x320x64xf32, #tpu.memory_space<vmem>> -> memref<320x64xf32, #tpu.memory_space<vmem>>
      tpu.enqueue_dma source(%dma_start3A_1670 : memref<320x64xf32, #tpu.memory_space<vmem>>) target(%dma_start3A_1666 : memref<320x64xf32, #tpu.memory_space<hbm>>) target_semaphore(%arg14 : memref<!tpu.dma_semaphore, #tpu.memory_space<semaphore_mem>>)
      %ge3A_1671 = arith.constant 1 : i32
      %ge3A_1672 = arith.cmpi sge, %add3A_1434, %ge3A_1671 : i32
      %convert_element_type3A_1673 = arith.extui %ge3A_1672 : i1 to i32
      %cond3A_1674 = arith.constant 0 : i32
      %cond3A_1675 = arith.cmpi ne, %convert_element_type3A_1673, %cond3A_1674 : i32
      scf.if %cond3A_1675 {
        %dma_wait3A_1683 = arith.constant 2 : i32
        %dma_wait3A_1684 = arith.constant 0 : i32
        %dma_wait3A_1685 = arith.constant 0 : i32
        %dma_wait3A_1686 = tpu.memref_slice %arg6[%dma_wait3A_1683, %dma_wait3A_1684, %dma_wait3A_1685] : memref<4x320x64xf32, #tpu.memory_space<vmem>> -> memref<1x320x64xf32, #tpu.memory_space<vmem>>
        %dma_wait3A_1687 = tpu.memref_squeeze %dma_wait3A_1686 : memref<1x320x64xf32, #tpu.memory_space<vmem>> -> memref<320x64xf32, #tpu.memory_space<vmem>>
        %dma_wait3A_1688 = arith.constant 0 : i32
        %dma_wait3A_1689 = tpu.memref_slice %arg4[%mul3A_2, %dma_wait3A_1688] : memref<819200x64xf32, #tpu.memory_space<hbm>> -> memref<320x64xf32, #tpu.memory_space<hbm>>
        %dma_wait3A_1690 = arith.constant 0 : i32
        %dma_wait3A_1691 = tpu.memref_slice %arg4[%mul3A_2, %dma_wait3A_1690] : memref<819200x64xf32, #tpu.memory_space<hbm>> -> memref<320x64xf32, #tpu.memory_space<hbm>>
        %dma_wait3A_1692 = arith.constant 0 : i32
        %dma_wait3A_1693 = arith.constant 0 : i32
        %dma_wait3A_1694 = tpu.memref_slice %arg6[%dma_wait3A_1683, %dma_wait3A_1692, %dma_wait3A_1693] : memref<4x320x64xf32, #tpu.memory_space<vmem>> -> memref<1x320x64xf32, #tpu.memory_space<vmem>>
        %dma_wait3A_1695 = tpu.memref_squeeze %dma_wait3A_1694 : memref<1x320x64xf32, #tpu.memory_space<vmem>> -> memref<320x64xf32, #tpu.memory_space<vmem>>
        tpu.wait_dma2 semaphore(%arg13 : memref<!tpu.dma_semaphore, #tpu.memory_space<semaphore_mem>>) src(%dma_wait3A_1695 : memref<320x64xf32, #tpu.memory_space<vmem>>) dst(%dma_wait3A_1691 : memref<320x64xf32, #tpu.memory_space<hbm>>)
      } else {
      }
      %add3A_1676 = arith.constant 3 : i32
      %add3A_1677 = arith.addi %add3A_1434, %add3A_1676 : i32
      %lt3A_1678 = arith.constant 80 : i32
      %lt3A_1679 = arith.cmpi slt, %add3A_1677, %lt3A_1678 : i32
      %convert_element_type3A_1680 = arith.extui %lt3A_1679 : i1 to i32
      %cond3A_1681 = arith.constant 0 : i32
      %cond3A_1682 = arith.cmpi ne, %convert_element_type3A_1680, %cond3A_1681 : i32
      scf.if %cond3A_1682 {
        %add3A_1683 = arith.constant 3 : i32
        %add3A_1684 = arith.addi %add3A_1434, %add3A_1683 : i32
        %mul3A_1685 = arith.constant 320 : i32
        %mul3A_1686 = arith.muli %add3A_1684, %mul3A_1685 : i32
        %add3A_1687 = arith.constant 0 : i32
        %add3A_1688 = arith.addi %mul3A_1686, %add3A_1687 : i32
        %get3A_1689 = arith.index_cast %add3A_1688 : i32 to index
        %get3A_1690 = tpu.vector_load %arg5[%get3A_1689] {strides = array<i32>} : memref<25600xi32, #tpu.memory_space<vmem>>, vector<16xi32>,
        %get3A_1691 = vector.shape_cast %get3A_1690 : vector<16xi32> to vector<16xi32>
        %dma_start3A_1692 = arith.constant 2 : i32
        %dma_start3A_1693 = arith.constant 0 : i32
        %dma_start3A_1694 = arith.constant 0 : i32
        %dma_start3A_1695 = tpu.memref_slice %arg6[%dma_start3A_1692, %dma_start3A_1693, %dma_start3A_1694] : memref<4x320x64xf32, #tpu.memory_space<vmem>> -> memref<1x16x64xf32, #tpu.memory_space<vmem>>
        %dma_start3A_1696 = tpu.memref_squeeze %dma_start3A_1695 : memref<1x16x64xf32, #tpu.memory_space<vmem>> -> memref<16x64xf32, #tpu.memory_space<vmem>>
        %dma_start3A_1697 = arith.constant 0 : i32
        %dma_start3A_1698 = arith.constant 0 : i32
        %dma_start3A_1699 = tpu.memref_slice %arg2[%dma_start3A_1697, %dma_start3A_1698] : memref<1000000x64xf32, #tpu.memory_space<hbm>> -> memref<1000000x64xf32, #tpu.memory_space<hbm>>
        tpu.enqueue_indirect_dma source(%dma_start3A_1699 : memref<1000000x64xf32, #tpu.memory_space<hbm>>) target(%dma_start3A_1696 : memref<16x64xf32, #tpu.memory_space<vmem>>) offsets(%get3A_1691 : vector<16xi32>) semaphore(%arg9 : memref<!tpu.dma_semaphore, #tpu.memory_space<semaphore_mem>>)
        %mul3A_1700 = arith.constant 320 : i32
        %mul3A_1701 = arith.muli %add3A_1684, %mul3A_1700 : i32
        %add3A_1702 = arith.constant 16 : i32
        %add3A_1703 = arith.addi %mul3A_1701, %add3A_1702 : i32
        %get3A_1704 = arith.index_cast %add3A_1703 : i32 to index
        %get3A_1705 = tpu.vector_load %arg5[%get3A_1704] {strides = array<i32>} : memref<25600xi32, #tpu.memory_space<vmem>>, vector<16xi32>,
        %get3A_1706 = vector.shape_cast %get3A_1705 : vector<16xi32> to vector<16xi32>
        %dma_start3A_1707 = arith.constant 2 : i32
        %dma_start3A_1708 = arith.constant 16 : i32
        %dma_start3A_1709 = arith.constant 0 : i32
        %dma_start3A_1710 = tpu.memref_slice %arg6[%dma_start3A_1707, %dma_start3A_1708, %dma_start3A_1709] : memref<4x320x64xf32, #tpu.memory_space<vmem>> -> memref<1x16x64xf32, #tpu.memory_space<vmem>>
        %dma_start3A_1711 = tpu.memref_squeeze %dma_start3A_1710 : memref<1x16x64xf32, #tpu.memory_space<vmem>> -> memref<16x64xf32, #tpu.memory_space<vmem>>
        %dma_start3A_1712 = arith.constant 0 : i32
        %dma_start3A_1713 = arith.constant 0 : i32
        %dma_start3A_1714 = tpu.memref_slice %arg2[%dma_start3A_1712, %dma_start3A_1713] : memref<1000000x64xf32, #tpu.memory_space<hbm>> -> memref<1000000x64xf32, #tpu.memory_space<hbm>>
        tpu.enqueue_indirect_dma source(%dma_start3A_1714 : memref<1000000x64xf32, #tpu.memory_space<hbm>>) target(%dma_start3A_1711 : memref<16x64xf32, #tpu.memory_space<vmem>>) offsets(%get3A_1706 : vector<16xi32>) semaphore(%arg9 : memref<!tpu.dma_semaphore, #tpu.memory_space<semaphore_mem>>)
        %mul3A_1715 = arith.constant 320 : i32
        %mul3A_1716 = arith.muli %add3A_1684, %mul3A_1715 : i32
        %add3A_1717 = arith.constant 32 : i32
        %add3A_1718 = arith.addi %mul3A_1716, %add3A_1717 : i32
        %get3A_1719 = arith.index_cast %add3A_1718 : i32 to index
        %get3A_1720 = tpu.vector_load %arg5[%get3A_1719] {strides = array<i32>} : memref<25600xi32, #tpu.memory_space<vmem>>, vector<16xi32>,
        %get3A_1721 = vector.shape_cast %get3A_1720 : vector<16xi32> to vector<16xi32>
        %dma_start3A_1722 = arith.constant 2 : i32
        %dma_start3A_1723 = arith.constant 32 : i32
        %dma_start3A_1724 = arith.constant 0 : i32
        %dma_start3A_1725 = tpu.memref_slice %arg6[%dma_start3A_1722, %dma_start3A_1723, %dma_start3A_1724] : memref<4x320x64xf32, #tpu.memory_space<vmem>> -> memref<1x16x64xf32, #tpu.memory_space<vmem>>
        %dma_start3A_1726 = tpu.memref_squeeze %dma_start3A_1725 : memref<1x16x64xf32, #tpu.memory_space<vmem>> -> memref<16x64xf32, #tpu.memory_space<vmem>>
        %dma_start3A_1727 = arith.constant 0 : i32
        %dma_start3A_1728 = arith.constant 0 : i32
        %dma_start3A_1729 = tpu.memref_slice %arg2[%dma_start3A_1727, %dma_start3A_1728] : memref<1000000x64xf32, #tpu.memory_space<hbm>> -> memref<1000000x64xf32, #tpu.memory_space<hbm>>
        tpu.enqueue_indirect_dma source(%dma_start3A_1729 : memref<1000000x64xf32, #tpu.memory_space<hbm>>) target(%dma_start3A_1726 : memref<16x64xf32, #tpu.memory_space<vmem>>) offsets(%get3A_1721 : vector<16xi32>) semaphore(%arg9 : memref<!tpu.dma_semaphore, #tpu.memory_space<semaphore_mem>>)
        %mul3A_1730 = arith.constant 320 : i32
        %mul3A_1731 = arith.muli %add3A_1684, %mul3A_1730 : i32
        %add3A_1732 = arith.constant 48 : i32
        %add3A_1733 = arith.addi %mul3A_1731, %add3A_1732 : i32
        %get3A_1734 = arith.index_cast %add3A_1733 : i32 to index
        %get3A_1735 = tpu.vector_load %arg5[%get3A_1734] {strides = array<i32>} : memref<25600xi32, #tpu.memory_space<vmem>>, vector<16xi32>,
        %get3A_1736 = vector.shape_cast %get3A_1735 : vector<16xi32> to vector<16xi32>
        %dma_start3A_1737 = arith.constant 2 : i32
        %dma_start3A_1738 = arith.constant 48 : i32
        %dma_start3A_1739 = arith.constant 0 : i32
        %dma_start3A_1740 = tpu.memref_slice %arg6[%dma_start3A_1737, %dma_start3A_1738, %dma_start3A_1739] : memref<4x320x64xf32, #tpu.memory_space<vmem>> -> memref<1x16x64xf32, #tpu.memory_space<vmem>>
        %dma_start3A_1741 = tpu.memref_squeeze %dma_start3A_1740 : memref<1x16x64xf32, #tpu.memory_space<vmem>> -> memref<16x64xf32, #tpu.memory_space<vmem>>
        %dma_start3A_1742 = arith.constant 0 : i32
        %dma_start3A_1743 = arith.constant 0 : i32
        %dma_start3A_1744 = tpu.memref_slice %arg2[%dma_start3A_1742, %dma_start3A_1743] : memref<1000000x64xf32, #tpu.memory_space<hbm>> -> memref<1000000x64xf32, #tpu.memory_space<hbm>>
        tpu.enqueue_indirect_dma source(%dma_start3A_1744 : memref<1000000x64xf32, #tpu.memory_space<hbm>>) target(%dma_start3A_1741 : memref<16x64xf32, #tpu.memory_space<vmem>>) offsets(%get3A_1736 : vector<16xi32>) semaphore(%arg9 : memref<!tpu.dma_semaphore, #tpu.memory_space<semaphore_mem>>)
        %mul3A_1745 = arith.constant 320 : i32
        %mul3A_1746 = arith.muli %add3A_1684, %mul3A_1745 : i32
        %add3A_1747 = arith.constant 64 : i32
        %add3A_1748 = arith.addi %mul3A_1746, %add3A_1747 : i32
        %get3A_1749 = arith.index_cast %add3A_1748 : i32 to index
        %get3A_1750 = tpu.vector_load %arg5[%get3A_1749] {strides = array<i32>} : memref<25600xi32, #tpu.memory_space<vmem>>, vector<16xi32>,
        %get3A_1751 = vector.shape_cast %get3A_1750 : vector<16xi32> to vector<16xi32>
        %dma_start3A_1752 = arith.constant 2 : i32
        %dma_start3A_1753 = arith.constant 64 : i32
        %dma_start3A_1754 = arith.constant 0 : i32
        %dma_start3A_1755 = tpu.memref_slice %arg6[%dma_start3A_1752, %dma_start3A_1753, %dma_start3A_1754] : memref<4x320x64xf32, #tpu.memory_space<vmem>> -> memref<1x16x64xf32, #tpu.memory_space<vmem>>
        %dma_start3A_1756 = tpu.memref_squeeze %dma_start3A_1755 : memref<1x16x64xf32, #tpu.memory_space<vmem>> -> memref<16x64xf32, #tpu.memory_space<vmem>>
        %dma_start3A_1757 = arith.constant 0 : i32
        %dma_start3A_1758 = arith.constant 0 : i32
        %dma_start3A_1759 = tpu.memref_slice %arg2[%dma_start3A_1757, %dma_start3A_1758] : memref<1000000x64xf32, #tpu.memory_space<hbm>> -> memref<1000000x64xf32, #tpu.memory_space<hbm>>
        tpu.enqueue_indirect_dma source(%dma_start3A_1759 : memref<1000000x64xf32, #tpu.memory_space<hbm>>) target(%dma_start3A_1756 : memref<16x64xf32, #tpu.memory_space<vmem>>) offsets(%get3A_1751 : vector<16xi32>) semaphore(%arg9 : memref<!tpu.dma_semaphore, #tpu.memory_space<semaphore_mem>>)
        %mul3A_1760 = arith.constant 320 : i32
        %mul3A_1761 = arith.muli %add3A_1684, %mul3A_1760 : i32
        %add3A_1762 = arith.constant 80 : i32
        %add3A_1763 = arith.addi %mul3A_1761, %add3A_1762 : i32
        %get3A_1764 = arith.index_cast %add3A_1763 : i32 to index
        %get3A_1765 = tpu.vector_load %arg5[%get3A_1764] {strides = array<i32>} : memref<25600xi32, #tpu.memory_space<vmem>>, vector<16xi32>,
        %get3A_1766 = vector.shape_cast %get3A_1765 : vector<16xi32> to vector<16xi32>
        %dma_start3A_1767 = arith.constant 2 : i32
        %dma_start3A_1768 = arith.constant 80 : i32
        %dma_start3A_1769 = arith.constant 0 : i32
        %dma_start3A_1770 = tpu.memref_slice %arg6[%dma_start3A_1767, %dma_start3A_1768, %dma_start3A_1769] : memref<4x320x64xf32, #tpu.memory_space<vmem>> -> memref<1x16x64xf32, #tpu.memory_space<vmem>>
        %dma_start3A_1771 = tpu.memref_squeeze %dma_start3A_1770 : memref<1x16x64xf32, #tpu.memory_space<vmem>> -> memref<16x64xf32, #tpu.memory_space<vmem>>
        %dma_start3A_1772 = arith.constant 0 : i32
        %dma_start3A_1773 = arith.constant 0 : i32
        %dma_start3A_1774 = tpu.memref_slice %arg2[%dma_start3A_1772, %dma_start3A_1773] : memref<1000000x64xf32, #tpu.memory_space<hbm>> -> memref<1000000x64xf32, #tpu.memory_space<hbm>>
        tpu.enqueue_indirect_dma source(%dma_start3A_1774 : memref<1000000x64xf32, #tpu.memory_space<hbm>>) target(%dma_start3A_1771 : memref<16x64xf32, #tpu.memory_space<vmem>>) offsets(%get3A_1766 : vector<16xi32>) semaphore(%arg9 : memref<!tpu.dma_semaphore, #tpu.memory_space<semaphore_mem>>)
        %mul3A_1775 = arith.constant 320 : i32
        %mul3A_1776 = arith.muli %add3A_1684, %mul3A_1775 : i32
        %add3A_1777 = arith.constant 96 : i32
        %add3A_1778 = arith.addi %mul3A_1776, %add3A_1777 : i32
        %get3A_1779 = arith.index_cast %add3A_1778 : i32 to index
        %get3A_1780 = tpu.vector_load %arg5[%get3A_1779] {strides = array<i32>} : memref<25600xi32, #tpu.memory_space<vmem>>, vector<16xi32>,
        %get3A_1781 = vector.shape_cast %get3A_1780 : vector<16xi32> to vector<16xi32>
        %dma_start3A_1782 = arith.constant 2 : i32
        %dma_start3A_1783 = arith.constant 96 : i32
        %dma_start3A_1784 = arith.constant 0 : i32
        %dma_start3A_1785 = tpu.memref_slice %arg6[%dma_start3A_1782, %dma_start3A_1783, %dma_start3A_1784] : memref<4x320x64xf32, #tpu.memory_space<vmem>> -> memref<1x16x64xf32, #tpu.memory_space<vmem>>
        %dma_start3A_1786 = tpu.memref_squeeze %dma_start3A_1785 : memref<1x16x64xf32, #tpu.memory_space<vmem>> -> memref<16x64xf32, #tpu.memory_space<vmem>>
        %dma_start3A_1787 = arith.constant 0 : i32
        %dma_start3A_1788 = arith.constant 0 : i32
        %dma_start3A_1789 = tpu.memref_slice %arg2[%dma_start3A_1787, %dma_start3A_1788] : memref<1000000x64xf32, #tpu.memory_space<hbm>> -> memref<1000000x64xf32, #tpu.memory_space<hbm>>
        tpu.enqueue_indirect_dma source(%dma_start3A_1789 : memref<1000000x64xf32, #tpu.memory_space<hbm>>) target(%dma_start3A_1786 : memref<16x64xf32, #tpu.memory_space<vmem>>) offsets(%get3A_1781 : vector<16xi32>) semaphore(%arg9 : memref<!tpu.dma_semaphore, #tpu.memory_space<semaphore_mem>>)
        %mul3A_1790 = arith.constant 320 : i32
        %mul3A_1791 = arith.muli %add3A_1684, %mul3A_1790 : i32
        %add3A_1792 = arith.constant 112 : i32
        %add3A_1793 = arith.addi %mul3A_1791, %add3A_1792 : i32
        %get3A_1794 = arith.index_cast %add3A_1793 : i32 to index
        %get3A_1795 = tpu.vector_load %arg5[%get3A_1794] {strides = array<i32>} : memref<25600xi32, #tpu.memory_space<vmem>>, vector<16xi32>,
        %get3A_1796 = vector.shape_cast %get3A_1795 : vector<16xi32> to vector<16xi32>
        %dma_start3A_1797 = arith.constant 2 : i32
        %dma_start3A_1798 = arith.constant 112 : i32
        %dma_start3A_1799 = arith.constant 0 : i32
        %dma_start3A_1800 = tpu.memref_slice %arg6[%dma_start3A_1797, %dma_start3A_1798, %dma_start3A_1799] : memref<4x320x64xf32, #tpu.memory_space<vmem>> -> memref<1x16x64xf32, #tpu.memory_space<vmem>>
        %dma_start3A_1801 = tpu.memref_squeeze %dma_start3A_1800 : memref<1x16x64xf32, #tpu.memory_space<vmem>> -> memref<16x64xf32, #tpu.memory_space<vmem>>
        %dma_start3A_1802 = arith.constant 0 : i32
        %dma_start3A_1803 = arith.constant 0 : i32
        %dma_start3A_1804 = tpu.memref_slice %arg2[%dma_start3A_1802, %dma_start3A_1803] : memref<1000000x64xf32, #tpu.memory_space<hbm>> -> memref<1000000x64xf32, #tpu.memory_space<hbm>>
        tpu.enqueue_indirect_dma source(%dma_start3A_1804 : memref<1000000x64xf32, #tpu.memory_space<hbm>>) target(%dma_start3A_1801 : memref<16x64xf32, #tpu.memory_space<vmem>>) offsets(%get3A_1796 : vector<16xi32>) semaphore(%arg9 : memref<!tpu.dma_semaphore, #tpu.memory_space<semaphore_mem>>)
        %mul3A_1805 = arith.constant 320 : i32
        %mul3A_1806 = arith.muli %add3A_1684, %mul3A_1805 : i32
        %add3A_1807 = arith.constant 128 : i32
        %add3A_1808 = arith.addi %mul3A_1806, %add3A_1807 : i32
        %get3A_1809 = arith.index_cast %add3A_1808 : i32 to index
        %get3A_1810 = tpu.vector_load %arg5[%get3A_1809] {strides = array<i32>} : memref<25600xi32, #tpu.memory_space<vmem>>, vector<16xi32>,
        %get3A_1811 = vector.shape_cast %get3A_1810 : vector<16xi32> to vector<16xi32>
        %dma_start3A_1812 = arith.constant 2 : i32
        %dma_start3A_1813 = arith.constant 128 : i32
        %dma_start3A_1814 = arith.constant 0 : i32
        %dma_start3A_1815 = tpu.memref_slice %arg6[%dma_start3A_1812, %dma_start3A_1813, %dma_start3A_1814] : memref<4x320x64xf32, #tpu.memory_space<vmem>> -> memref<1x16x64xf32, #tpu.memory_space<vmem>>
        %dma_start3A_1816 = tpu.memref_squeeze %dma_start3A_1815 : memref<1x16x64xf32, #tpu.memory_space<vmem>> -> memref<16x64xf32, #tpu.memory_space<vmem>>
        %dma_start3A_1817 = arith.constant 0 : i32
        %dma_start3A_1818 = arith.constant 0 : i32
        %dma_start3A_1819 = tpu.memref_slice %arg2[%dma_start3A_1817, %dma_start3A_1818] : memref<1000000x64xf32, #tpu.memory_space<hbm>> -> memref<1000000x64xf32, #tpu.memory_space<hbm>>
        tpu.enqueue_indirect_dma source(%dma_start3A_1819 : memref<1000000x64xf32, #tpu.memory_space<hbm>>) target(%dma_start3A_1816 : memref<16x64xf32, #tpu.memory_space<vmem>>) offsets(%get3A_1811 : vector<16xi32>) semaphore(%arg9 : memref<!tpu.dma_semaphore, #tpu.memory_space<semaphore_mem>>)
        %mul3A_1820 = arith.constant 320 : i32
        %mul3A_1821 = arith.muli %add3A_1684, %mul3A_1820 : i32
        %add3A_1822 = arith.constant 144 : i32
        %add3A_1823 = arith.addi %mul3A_1821, %add3A_1822 : i32
        %get3A_1824 = arith.index_cast %add3A_1823 : i32 to index
        %get3A_1825 = tpu.vector_load %arg5[%get3A_1824] {strides = array<i32>} : memref<25600xi32, #tpu.memory_space<vmem>>, vector<16xi32>,
        %get3A_1826 = vector.shape_cast %get3A_1825 : vector<16xi32> to vector<16xi32>
        %dma_start3A_1827 = arith.constant 2 : i32
        %dma_start3A_1828 = arith.constant 144 : i32
        %dma_start3A_1829 = arith.constant 0 : i32
        %dma_start3A_1830 = tpu.memref_slice %arg6[%dma_start3A_1827, %dma_start3A_1828, %dma_start3A_1829] : memref<4x320x64xf32, #tpu.memory_space<vmem>> -> memref<1x16x64xf32, #tpu.memory_space<vmem>>
        %dma_start3A_1831 = tpu.memref_squeeze %dma_start3A_1830 : memref<1x16x64xf32, #tpu.memory_space<vmem>> -> memref<16x64xf32, #tpu.memory_space<vmem>>
        %dma_start3A_1832 = arith.constant 0 : i32
        %dma_start3A_1833 = arith.constant 0 : i32
        %dma_start3A_1834 = tpu.memref_slice %arg2[%dma_start3A_1832, %dma_start3A_1833] : memref<1000000x64xf32, #tpu.memory_space<hbm>> -> memref<1000000x64xf32, #tpu.memory_space<hbm>>
        tpu.enqueue_indirect_dma source(%dma_start3A_1834 : memref<1000000x64xf32, #tpu.memory_space<hbm>>) target(%dma_start3A_1831 : memref<16x64xf32, #tpu.memory_space<vmem>>) offsets(%get3A_1826 : vector<16xi32>) semaphore(%arg9 : memref<!tpu.dma_semaphore, #tpu.memory_space<semaphore_mem>>)
        %mul3A_1835 = arith.constant 320 : i32
        %mul3A_1836 = arith.muli %add3A_1684, %mul3A_1835 : i32
        %add3A_1837 = arith.constant 160 : i32
        %add3A_1838 = arith.addi %mul3A_1836, %add3A_1837 : i32
        %get3A_1839 = arith.index_cast %add3A_1838 : i32 to index
        %get3A_1840 = tpu.vector_load %arg5[%get3A_1839] {strides = array<i32>} : memref<25600xi32, #tpu.memory_space<vmem>>, vector<16xi32>,
        %get3A_1841 = vector.shape_cast %get3A_1840 : vector<16xi32> to vector<16xi32>
        %dma_start3A_1842 = arith.constant 2 : i32
        %dma_start3A_1843 = arith.constant 160 : i32
        %dma_start3A_1844 = arith.constant 0 : i32
        %dma_start3A_1845 = tpu.memref_slice %arg6[%dma_start3A_1842, %dma_start3A_1843, %dma_start3A_1844] : memref<4x320x64xf32, #tpu.memory_space<vmem>> -> memref<1x16x64xf32, #tpu.memory_space<vmem>>
        %dma_start3A_1846 = tpu.memref_squeeze %dma_start3A_1845 : memref<1x16x64xf32, #tpu.memory_space<vmem>> -> memref<16x64xf32, #tpu.memory_space<vmem>>
        %dma_start3A_1847 = arith.constant 0 : i32
        %dma_start3A_1848 = arith.constant 0 : i32
        %dma_start3A_1849 = tpu.memref_slice %arg2[%dma_start3A_1847, %dma_start3A_1848] : memref<1000000x64xf32, #tpu.memory_space<hbm>> -> memref<1000000x64xf32, #tpu.memory_space<hbm>>
        tpu.enqueue_indirect_dma source(%dma_start3A_1849 : memref<1000000x64xf32, #tpu.memory_space<hbm>>) target(%dma_start3A_1846 : memref<16x64xf32, #tpu.memory_space<vmem>>) offsets(%get3A_1841 : vector<16xi32>) semaphore(%arg9 : memref<!tpu.dma_semaphore, #tpu.memory_space<semaphore_mem>>)
        %mul3A_1850 = arith.constant 320 : i32
        %mul3A_1851 = arith.muli %add3A_1684, %mul3A_1850 : i32
        %add3A_1852 = arith.constant 176 : i32
        %add3A_1853 = arith.addi %mul3A_1851, %add3A_1852 : i32
        %get3A_1854 = arith.index_cast %add3A_1853 : i32 to index
        %get3A_1855 = tpu.vector_load %arg5[%get3A_1854] {strides = array<i32>} : memref<25600xi32, #tpu.memory_space<vmem>>, vector<16xi32>,
        %get3A_1856 = vector.shape_cast %get3A_1855 : vector<16xi32> to vector<16xi32>
        %dma_start3A_1857 = arith.constant 2 : i32
        %dma_start3A_1858 = arith.constant 176 : i32
        %dma_start3A_1859 = arith.constant 0 : i32
        %dma_start3A_1860 = tpu.memref_slice %arg6[%dma_start3A_1857, %dma_start3A_1858, %dma_start3A_1859] : memref<4x320x64xf32, #tpu.memory_space<vmem>> -> memref<1x16x64xf32, #tpu.memory_space<vmem>>
        %dma_start3A_1861 = tpu.memref_squeeze %dma_start3A_1860 : memref<1x16x64xf32, #tpu.memory_space<vmem>> -> memref<16x64xf32, #tpu.memory_space<vmem>>
        %dma_start3A_1862 = arith.constant 0 : i32
        %dma_start3A_1863 = arith.constant 0 : i32
        %dma_start3A_1864 = tpu.memref_slice %arg2[%dma_start3A_1862, %dma_start3A_1863] : memref<1000000x64xf32, #tpu.memory_space<hbm>> -> memref<1000000x64xf32, #tpu.memory_space<hbm>>
        tpu.enqueue_indirect_dma source(%dma_start3A_1864 : memref<1000000x64xf32, #tpu.memory_space<hbm>>) target(%dma_start3A_1861 : memref<16x64xf32, #tpu.memory_space<vmem>>) offsets(%get3A_1856 : vector<16xi32>) semaphore(%arg9 : memref<!tpu.dma_semaphore, #tpu.memory_space<semaphore_mem>>)
        %mul3A_1865 = arith.constant 320 : i32
        %mul3A_1866 = arith.muli %add3A_1684, %mul3A_1865 : i32
        %add3A_1867 = arith.constant 192 : i32
        %add3A_1868 = arith.addi %mul3A_1866, %add3A_1867 : i32
        %get3A_1869 = arith.index_cast %add3A_1868 : i32 to index
        %get3A_1870 = tpu.vector_load %arg5[%get3A_1869] {strides = array<i32>} : memref<25600xi32, #tpu.memory_space<vmem>>, vector<16xi32>,
        %get3A_1871 = vector.shape_cast %get3A_1870 : vector<16xi32> to vector<16xi32>
        %dma_start3A_1872 = arith.constant 2 : i32
        %dma_start3A_1873 = arith.constant 192 : i32
        %dma_start3A_1874 = arith.constant 0 : i32
        %dma_start3A_1875 = tpu.memref_slice %arg6[%dma_start3A_1872, %dma_start3A_1873, %dma_start3A_1874] : memref<4x320x64xf32, #tpu.memory_space<vmem>> -> memref<1x16x64xf32, #tpu.memory_space<vmem>>
        %dma_start3A_1876 = tpu.memref_squeeze %dma_start3A_1875 : memref<1x16x64xf32, #tpu.memory_space<vmem>> -> memref<16x64xf32, #tpu.memory_space<vmem>>
        %dma_start3A_1877 = arith.constant 0 : i32
        %dma_start3A_1878 = arith.constant 0 : i32
        %dma_start3A_1879 = tpu.memref_slice %arg2[%dma_start3A_1877, %dma_start3A_1878] : memref<1000000x64xf32, #tpu.memory_space<hbm>> -> memref<1000000x64xf32, #tpu.memory_space<hbm>>
        tpu.enqueue_indirect_dma source(%dma_start3A_1879 : memref<1000000x64xf32, #tpu.memory_space<hbm>>) target(%dma_start3A_1876 : memref<16x64xf32, #tpu.memory_space<vmem>>) offsets(%get3A_1871 : vector<16xi32>) semaphore(%arg9 : memref<!tpu.dma_semaphore, #tpu.memory_space<semaphore_mem>>)
        %mul3A_1880 = arith.constant 320 : i32
        %mul3A_1881 = arith.muli %add3A_1684, %mul3A_1880 : i32
        %add3A_1882 = arith.constant 208 : i32
        %add3A_1883 = arith.addi %mul3A_1881, %add3A_1882 : i32
        %get3A_1884 = arith.index_cast %add3A_1883 : i32 to index
        %get3A_1885 = tpu.vector_load %arg5[%get3A_1884] {strides = array<i32>} : memref<25600xi32, #tpu.memory_space<vmem>>, vector<16xi32>,
        %get3A_1886 = vector.shape_cast %get3A_1885 : vector<16xi32> to vector<16xi32>
        %dma_start3A_1887 = arith.constant 2 : i32
        %dma_start3A_1888 = arith.constant 208 : i32
        %dma_start3A_1889 = arith.constant 0 : i32
        %dma_start3A_1890 = tpu.memref_slice %arg6[%dma_start3A_1887, %dma_start3A_1888, %dma_start3A_1889] : memref<4x320x64xf32, #tpu.memory_space<vmem>> -> memref<1x16x64xf32, #tpu.memory_space<vmem>>
        %dma_start3A_1891 = tpu.memref_squeeze %dma_start3A_1890 : memref<1x16x64xf32, #tpu.memory_space<vmem>> -> memref<16x64xf32, #tpu.memory_space<vmem>>
        %dma_start3A_1892 = arith.constant 0 : i32
        %dma_start3A_1893 = arith.constant 0 : i32
        %dma_start3A_1894 = tpu.memref_slice %arg2[%dma_start3A_1892, %dma_start3A_1893] : memref<1000000x64xf32, #tpu.memory_space<hbm>> -> memref<1000000x64xf32, #tpu.memory_space<hbm>>
        tpu.enqueue_indirect_dma source(%dma_start3A_1894 : memref<1000000x64xf32, #tpu.memory_space<hbm>>) target(%dma_start3A_1891 : memref<16x64xf32, #tpu.memory_space<vmem>>) offsets(%get3A_1886 : vector<16xi32>) semaphore(%arg9 : memref<!tpu.dma_semaphore, #tpu.memory_space<semaphore_mem>>)
        %mul3A_1895 = arith.constant 320 : i32
        %mul3A_1896 = arith.muli %add3A_1684, %mul3A_1895 : i32
        %add3A_1897 = arith.constant 224 : i32
        %add3A_1898 = arith.addi %mul3A_1896, %add3A_1897 : i32
        %get3A_1899 = arith.index_cast %add3A_1898 : i32 to index
        %get3A_1900 = tpu.vector_load %arg5[%get3A_1899] {strides = array<i32>} : memref<25600xi32, #tpu.memory_space<vmem>>, vector<16xi32>,
        %get3A_1901 = vector.shape_cast %get3A_1900 : vector<16xi32> to vector<16xi32>
        %dma_start3A_1902 = arith.constant 2 : i32
        %dma_start3A_1903 = arith.constant 224 : i32
        %dma_start3A_1904 = arith.constant 0 : i32
        %dma_start3A_1905 = tpu.memref_slice %arg6[%dma_start3A_1902, %dma_start3A_1903, %dma_start3A_1904] : memref<4x320x64xf32, #tpu.memory_space<vmem>> -> memref<1x16x64xf32, #tpu.memory_space<vmem>>
        %dma_start3A_1906 = tpu.memref_squeeze %dma_start3A_1905 : memref<1x16x64xf32, #tpu.memory_space<vmem>> -> memref<16x64xf32, #tpu.memory_space<vmem>>
        %dma_start3A_1907 = arith.constant 0 : i32
        %dma_start3A_1908 = arith.constant 0 : i32
        %dma_start3A_1909 = tpu.memref_slice %arg2[%dma_start3A_1907, %dma_start3A_1908] : memref<1000000x64xf32, #tpu.memory_space<hbm>> -> memref<1000000x64xf32, #tpu.memory_space<hbm>>
        tpu.enqueue_indirect_dma source(%dma_start3A_1909 : memref<1000000x64xf32, #tpu.memory_space<hbm>>) target(%dma_start3A_1906 : memref<16x64xf32, #tpu.memory_space<vmem>>) offsets(%get3A_1901 : vector<16xi32>) semaphore(%arg9 : memref<!tpu.dma_semaphore, #tpu.memory_space<semaphore_mem>>)
        %mul3A_1910 = arith.constant 320 : i32
        %mul3A_1911 = arith.muli %add3A_1684, %mul3A_1910 : i32
        %add3A_1912 = arith.constant 240 : i32
        %add3A_1913 = arith.addi %mul3A_1911, %add3A_1912 : i32
        %get3A_1914 = arith.index_cast %add3A_1913 : i32 to index
        %get3A_1915 = tpu.vector_load %arg5[%get3A_1914] {strides = array<i32>} : memref<25600xi32, #tpu.memory_space<vmem>>, vector<16xi32>,
        %get3A_1916 = vector.shape_cast %get3A_1915 : vector<16xi32> to vector<16xi32>
        %dma_start3A_1917 = arith.constant 2 : i32
        %dma_start3A_1918 = arith.constant 240 : i32
        %dma_start3A_1919 = arith.constant 0 : i32
        %dma_start3A_1920 = tpu.memref_slice %arg6[%dma_start3A_1917, %dma_start3A_1918, %dma_start3A_1919] : memref<4x320x64xf32, #tpu.memory_space<vmem>> -> memref<1x16x64xf32, #tpu.memory_space<vmem>>
        %dma_start3A_1921 = tpu.memref_squeeze %dma_start3A_1920 : memref<1x16x64xf32, #tpu.memory_space<vmem>> -> memref<16x64xf32, #tpu.memory_space<vmem>>
        %dma_start3A_1922 = arith.constant 0 : i32
        %dma_start3A_1923 = arith.constant 0 : i32
        %dma_start3A_1924 = tpu.memref_slice %arg2[%dma_start3A_1922, %dma_start3A_1923] : memref<1000000x64xf32, #tpu.memory_space<hbm>> -> memref<1000000x64xf32, #tpu.memory_space<hbm>>
        tpu.enqueue_indirect_dma source(%dma_start3A_1924 : memref<1000000x64xf32, #tpu.memory_space<hbm>>) target(%dma_start3A_1921 : memref<16x64xf32, #tpu.memory_space<vmem>>) offsets(%get3A_1916 : vector<16xi32>) semaphore(%arg9 : memref<!tpu.dma_semaphore, #tpu.memory_space<semaphore_mem>>)
        %mul3A_1925 = arith.constant 320 : i32
        %mul3A_1926 = arith.muli %add3A_1684, %mul3A_1925 : i32
        %add3A_1927 = arith.constant 256 : i32
        %add3A_1928 = arith.addi %mul3A_1926, %add3A_1927 : i32
        %get3A_1929 = arith.index_cast %add3A_1928 : i32 to index
        %get3A_1930 = tpu.vector_load %arg5[%get3A_1929] {strides = array<i32>} : memref<25600xi32, #tpu.memory_space<vmem>>, vector<16xi32>,
        %get3A_1931 = vector.shape_cast %get3A_1930 : vector<16xi32> to vector<16xi32>
        %dma_start3A_1932 = arith.constant 2 : i32
        %dma_start3A_1933 = arith.constant 256 : i32
        %dma_start3A_1934 = arith.constant 0 : i32
        %dma_start3A_1935 = tpu.memref_slice %arg6[%dma_start3A_1932, %dma_start3A_1933, %dma_start3A_1934] : memref<4x320x64xf32, #tpu.memory_space<vmem>> -> memref<1x16x64xf32, #tpu.memory_space<vmem>>
        %dma_start3A_1936 = tpu.memref_squeeze %dma_start3A_1935 : memref<1x16x64xf32, #tpu.memory_space<vmem>> -> memref<16x64xf32, #tpu.memory_space<vmem>>
        %dma_start3A_1937 = arith.constant 0 : i32
        %dma_start3A_1938 = arith.constant 0 : i32
        %dma_start3A_1939 = tpu.memref_slice %arg2[%dma_start3A_1937, %dma_start3A_1938] : memref<1000000x64xf32, #tpu.memory_space<hbm>> -> memref<1000000x64xf32, #tpu.memory_space<hbm>>
        tpu.enqueue_indirect_dma source(%dma_start3A_1939 : memref<1000000x64xf32, #tpu.memory_space<hbm>>) target(%dma_start3A_1936 : memref<16x64xf32, #tpu.memory_space<vmem>>) offsets(%get3A_1931 : vector<16xi32>) semaphore(%arg9 : memref<!tpu.dma_semaphore, #tpu.memory_space<semaphore_mem>>)
        %mul3A_1940 = arith.constant 320 : i32
        %mul3A_1941 = arith.muli %add3A_1684, %mul3A_1940 : i32
        %add3A_1942 = arith.constant 272 : i32
        %add3A_1943 = arith.addi %mul3A_1941, %add3A_1942 : i32
        %get3A_1944 = arith.index_cast %add3A_1943 : i32 to index
        %get3A_1945 = tpu.vector_load %arg5[%get3A_1944] {strides = array<i32>} : memref<25600xi32, #tpu.memory_space<vmem>>, vector<16xi32>,
        %get3A_1946 = vector.shape_cast %get3A_1945 : vector<16xi32> to vector<16xi32>
        %dma_start3A_1947 = arith.constant 2 : i32
        %dma_start3A_1948 = arith.constant 272 : i32
        %dma_start3A_1949 = arith.constant 0 : i32
        %dma_start3A_1950 = tpu.memref_slice %arg6[%dma_start3A_1947, %dma_start3A_1948, %dma_start3A_1949] : memref<4x320x64xf32, #tpu.memory_space<vmem>> -> memref<1x16x64xf32, #tpu.memory_space<vmem>>
        %dma_start3A_1951 = tpu.memref_squeeze %dma_start3A_1950 : memref<1x16x64xf32, #tpu.memory_space<vmem>> -> memref<16x64xf32, #tpu.memory_space<vmem>>
        %dma_start3A_1952 = arith.constant 0 : i32
        %dma_start3A_1953 = arith.constant 0 : i32
        %dma_start3A_1954 = tpu.memref_slice %arg2[%dma_start3A_1952, %dma_start3A_1953] : memref<1000000x64xf32, #tpu.memory_space<hbm>> -> memref<1000000x64xf32, #tpu.memory_space<hbm>>
        tpu.enqueue_indirect_dma source(%dma_start3A_1954 : memref<1000000x64xf32, #tpu.memory_space<hbm>>) target(%dma_start3A_1951 : memref<16x64xf32, #tpu.memory_space<vmem>>) offsets(%get3A_1946 : vector<16xi32>) semaphore(%arg9 : memref<!tpu.dma_semaphore, #tpu.memory_space<semaphore_mem>>)
        %mul3A_1955 = arith.constant 320 : i32
        %mul3A_1956 = arith.muli %add3A_1684, %mul3A_1955 : i32
        %add3A_1957 = arith.constant 288 : i32
        %add3A_1958 = arith.addi %mul3A_1956, %add3A_1957 : i32
        %get3A_1959 = arith.index_cast %add3A_1958 : i32 to index
        %get3A_1960 = tpu.vector_load %arg5[%get3A_1959] {strides = array<i32>} : memref<25600xi32, #tpu.memory_space<vmem>>, vector<16xi32>,
        %get3A_1961 = vector.shape_cast %get3A_1960 : vector<16xi32> to vector<16xi32>
        %dma_start3A_1962 = arith.constant 2 : i32
        %dma_start3A_1963 = arith.constant 288 : i32
        %dma_start3A_1964 = arith.constant 0 : i32
        %dma_start3A_1965 = tpu.memref_slice %arg6[%dma_start3A_1962, %dma_start3A_1963, %dma_start3A_1964] : memref<4x320x64xf32, #tpu.memory_space<vmem>> -> memref<1x16x64xf32, #tpu.memory_space<vmem>>
        %dma_start3A_1966 = tpu.memref_squeeze %dma_start3A_1965 : memref<1x16x64xf32, #tpu.memory_space<vmem>> -> memref<16x64xf32, #tpu.memory_space<vmem>>
        %dma_start3A_1967 = arith.constant 0 : i32
        %dma_start3A_1968 = arith.constant 0 : i32
        %dma_start3A_1969 = tpu.memref_slice %arg2[%dma_start3A_1967, %dma_start3A_1968] : memref<1000000x64xf32, #tpu.memory_space<hbm>> -> memref<1000000x64xf32, #tpu.memory_space<hbm>>
        tpu.enqueue_indirect_dma source(%dma_start3A_1969 : memref<1000000x64xf32, #tpu.memory_space<hbm>>) target(%dma_start3A_1966 : memref<16x64xf32, #tpu.memory_space<vmem>>) offsets(%get3A_1961 : vector<16xi32>) semaphore(%arg9 : memref<!tpu.dma_semaphore, #tpu.memory_space<semaphore_mem>>)
        %mul3A_1970 = arith.constant 320 : i32
        %mul3A_1971 = arith.muli %add3A_1684, %mul3A_1970 : i32
        %add3A_1972 = arith.constant 304 : i32
        %add3A_1973 = arith.addi %mul3A_1971, %add3A_1972 : i32
        %get3A_1974 = arith.index_cast %add3A_1973 : i32 to index
        %get3A_1975 = tpu.vector_load %arg5[%get3A_1974] {strides = array<i32>} : memref<25600xi32, #tpu.memory_space<vmem>>, vector<16xi32>,
        %get3A_1976 = vector.shape_cast %get3A_1975 : vector<16xi32> to vector<16xi32>
        %dma_start3A_1977 = arith.constant 2 : i32
        %dma_start3A_1978 = arith.constant 304 : i32
        %dma_start3A_1979 = arith.constant 0 : i32
        %dma_start3A_1980 = tpu.memref_slice %arg6[%dma_start3A_1977, %dma_start3A_1978, %dma_start3A_1979] : memref<4x320x64xf32, #tpu.memory_space<vmem>> -> memref<1x16x64xf32, #tpu.memory_space<vmem>>
        %dma_start3A_1981 = tpu.memref_squeeze %dma_start3A_1980 : memref<1x16x64xf32, #tpu.memory_space<vmem>> -> memref<16x64xf32, #tpu.memory_space<vmem>>
        %dma_start3A_1982 = arith.constant 0 : i32
        %dma_start3A_1983 = arith.constant 0 : i32
        %dma_start3A_1984 = tpu.memref_slice %arg2[%dma_start3A_1982, %dma_start3A_1983] : memref<1000000x64xf32, #tpu.memory_space<hbm>> -> memref<1000000x64xf32, #tpu.memory_space<hbm>>
        tpu.enqueue_indirect_dma source(%dma_start3A_1984 : memref<1000000x64xf32, #tpu.memory_space<hbm>>) target(%dma_start3A_1981 : memref<16x64xf32, #tpu.memory_space<vmem>>) offsets(%get3A_1976 : vector<16xi32>) semaphore(%arg9 : memref<!tpu.dma_semaphore, #tpu.memory_space<semaphore_mem>>)
      } else {
      }
    }
    %scan3A_665 = arith.constant 20 : i32
    %dma_wait3A = arith.constant 3 : i32
    %dma_wait3A_666 = arith.constant 0 : i32
    %dma_wait3A_667 = arith.constant 0 : i32
    %dma_wait3A_668 = tpu.memref_slice %arg6[%dma_wait3A, %dma_wait3A_666, %dma_wait3A_667] : memref<4x320x64xf32, #tpu.memory_space<vmem>> -> memref<1x320x64xf32, #tpu.memory_space<vmem>>
    %dma_wait3A_669 = tpu.memref_squeeze %dma_wait3A_668 : memref<1x320x64xf32, #tpu.memory_space<vmem>> -> memref<320x64xf32, #tpu.memory_space<vmem>>
    %dma_wait3A_670 = arith.constant 0 : i32
    %dma_wait3A_671 = tpu.memref_slice %arg4[%mul3A_2, %dma_wait3A_670] : memref<819200x64xf32, #tpu.memory_space<hbm>> -> memref<320x64xf32, #tpu.memory_space<hbm>>
    %dma_wait3A_672 = arith.constant 0 : i32
    %dma_wait3A_673 = tpu.memref_slice %arg4[%mul3A_2, %dma_wait3A_672] : memref<819200x64xf32, #tpu.memory_space<hbm>> -> memref<320x64xf32, #tpu.memory_space<hbm>>
    %dma_wait3A_674 = arith.constant 0 : i32
    %dma_wait3A_675 = arith.constant 0 : i32
    %dma_wait3A_676 = tpu.memref_slice %arg6[%dma_wait3A, %dma_wait3A_674, %dma_wait3A_675] : memref<4x320x64xf32, #tpu.memory_space<vmem>> -> memref<1x320x64xf32, #tpu.memory_space<vmem>>
    %dma_wait3A_677 = tpu.memref_squeeze %dma_wait3A_676 : memref<1x320x64xf32, #tpu.memory_space<vmem>> -> memref<320x64xf32, #tpu.memory_space<vmem>>
    tpu.wait_dma2 semaphore(%arg14 : memref<!tpu.dma_semaphore, #tpu.memory_space<semaphore_mem>>) src(%dma_wait3A_677 : memref<320x64xf32, #tpu.memory_space<vmem>>) dst(%dma_wait3A_673 : memref<320x64xf32, #tpu.memory_space<hbm>>)
    return
  }
}

</mosaic_0001>

<sc_bundles>
// kernel: kernel.3.cloned.1.call-start
scs
__scs_entry_jumppad:
0x0: {  	(pc) =	sbr.rel $0x88, $3  }
0x1: {  	(tag) =	ssettag $0x0;
	lr =	simm.s32 $0x1  }
0x2: {  	[smem:$0x3F9F] =	sst lr;
	_ =	strace $0xD0000000  }
0x3: {  	_ = 	snop  }
0x4: {  	_ = 	snop  }
0x5: {  	_ = 	snop  }
0x6: {  	_ = 	snop  }
0x7: {  	_ = 	snop  }
__scs_overlays_trampoline_lowered:
0x8: {  	[smem:$0x3FAE] =	sst s0  }
0x9: {  	[smem:$0x3FAF] =	sst s1  }
0xa: {  	[smem:$0x3FB0] =	sst s2  }
0xb: {  	[smem:$0x3FB1] =	sst s3  }
0xc: {  	[smem:$0x3FB2] =	sst s4  }
0xd: {  	[smem:$0x3FB3] =	sst s5  }
0xe: {  	[smem:$0x3FB4] =	sst s6  }
0xf: {  	[smem:$0x3FB5] =	sst s7  }
0x10: {  	[smem:$0x3FB6] =	sst s8  }
0x11: {  	[smem:$0x3FB7] =	sst s9;
	s0 =	simm.s32 @!p0 $0x0  }
0x12: {  	s1 =	sld [smem:$0x3F9D];
	s0 =	simm.s32 @p0 $0x1  }
0x13: {  	[smem:$0x3FB8] =	sst s0;
	s0 =	simm.s32 @!p1 $0x0  }
0x14: {  	s2 =	sld [smem:$0x3F9C];
	s0 =	simm.s32 @p1 $0x1  }
0x15: {  	[smem:$0x3FB9] =	sst s0;
	s0 =	simm.s32 @!p2 $0x0  }
0x16: {  	s3 =	sld [smem:$0x3FDB];
	s0 =	simm.s32 @p2 $0x1  }
0x17: {  	s4 =	simm.s32 $0x1BF5;
	[smem:$0x3FBB] =	sst s0  }
0x18: {  	s0 =	sld [smem:$0x3F9E];
	_ =	swait.ge [sflag:s4], $0x0  }
0x19: {  	s7 =	sld [smem:$0x3F9F]  }
0x1a: {  	s8 =	sadd.s32 $0xFFFFE003, lr  }
0x1b: {  	s9 =	sadd.s32 $0xFFFFFEF7, lr;
	s5 =	simm.s32 $0xFFFFFFFF;
	p2 =	slt.u32 s8, $0xFFFFF086  }
0x1c: {  	p1 =	slt.u32 s9, $0xF7A;
	s5 =	simm.s32 @!p2 $0x0  }
0x1d: {  	s5 =	simm.s32 @p1 $0x1;
	p0 =	seq.s32 s7, s2  }
0x1e: {  	s7 =	smul.u32 @!p0 $0xF7A, s2;
	p2 =	seq.s32 @!p0 s5, $0x0  }
0x1f: {  	s9 =	smul.u32 $0xF7A, s1;
	s8 =	simm.s32 @!p0 $0x1BF5;
	p2 =	por !p2, p0  }
0x20: {  	[sflag:s8] =	ssyncset.s32 @!p0 $0xFFFFF086;
	s6 =	sadd.s32 @!p0 s3, s7;
	s7 =	simm.s32 @!p0 $0x108  }
0x21: {  	s3 =	sadd.s32 s3, s9;
	s6 =	sadd.s32 @!p0 $0x88, s6;
	s7 =	simm.s32 @p2 $0x1082  }
0x22: {  	[simem:s7], [sflag:s8] =	dma.local @!p0 [hbm:s6], $0xF7A  }
0x23: {  	s9 =	sor.u32 $0xD0000000, s2;
	s6 =	simm.s32 $0x108;
	_ =	swait.ge @!p0 [sflag:s8], $0x0  }
0x24: {  	s3 =	sadd.s32 $0x88, s3;
	s6 =	simm.s32 @!p1 $0x1082;
	[sflag:s4] =	ssyncset.s32 $0xFFFFF086  }
0x25: {  	[simem:s6], [sflag:s4] =	dma.local [hbm:s3], $0xF7A  }
0x26: {  	[smem:$0x3F9F] =	sst s1;
	(tag) =	ssettag s2;
	_ =	strace s9  }
0x27: {  	s1 =	sld [smem:$0x3FAF]  }
0x28: {  	s2 =	sld [smem:$0x3FB0]  }
0x29: {  	s4 =	sld [smem:$0x3FB2]  }
0x2a: {  	p0 =	seq.s32 s5, $0x0;
	s5 =	sld [smem:$0x3FB3]  }
0x2b: {  	s6 =	sld [smem:$0x3FB4]  }
0x2c: {  	s7 =	sld [smem:$0x3FB5]  }
0x2d: {  	s3 =	simm.s32 $0x108;
	s8 =	sld [smem:$0x3FB6]  }
0x2e: {  	s3 =	simm.s32 @!p0 $0x1082;
	s9 =	sld [smem:$0x3FB7]  }
0x2f: {  	lr =	sadd.s32 s0, s3;
	s0 =	sld [smem:$0x3FAE]  }
0x30: {  	s3 =	sld [smem:$0x3FB1]  }
0x31: {  	[smem:$0x3FBA] =	sst s10  }
0x32: {  	s10 =	sld [smem:$0x3FB8];
	_ =	sdelay $0x3  }
0x33: {  	p0 =	seq.s32 s10, $0x1;
	s10 =	sld [smem:$0x3FBA];
	_ =	sdelay $0x3  }
0x34: {  	[smem:$0x3FBA] =	sst s10  }
0x35: {  	s10 =	sld [smem:$0x3FB9];
	_ =	sdelay $0x3  }
0x36: {  	p1 =	seq.s32 s10, $0x1;
	s10 =	sld [smem:$0x3FBA];
	_ =	sdelay $0x3  }
0x37: {  	[smem:$0x3FBA] =	sst s10  }
0x38: {  	s10 =	sld [smem:$0x3FBB]  }
0x39: {  	_ = 	snop;
	(pc) =	sbr.ind lr, $3  }
0x3a: {  	_ = 	snop  }
0x3b: {  	_ = 	snop  }
0x3c: {  	p2 =	seq.s32 s10, $0x1;
	s10 =	sld [smem:$0x3FBA]  }
0x3d: {  	_ =	shalt  }
0x3e: {  	_ =	shalt  }
0x3f: {  	_ =	shalt  }
0x40: {  	_ =	shalt  }
0x41: {  	_ =	shalt  }
0x42: {  	_ =	shalt  }
0x43: {  	_ =	shalt  }
0x44: {  	_ =	shalt  }
0x45: {  	_ =	shalt  }
0x46: {  	_ =	shalt  }
0x47: {  	_ =	shalt  }
0x48: {  	_ =	shalt  }
0x49: {  	_ =	shalt  }
0x4a: {  	_ =	shalt  }
0x4b: {  	_ =	shalt  }
0x4c: {  	_ =	shalt  }
0x4d: {  	_ =	shalt  }
0x4e: {  	_ =	shalt  }
0x4f: {  	_ =	shalt  }
0x50: {  	_ =	shalt  }
0x51: {  	_ =	shalt  }
0x52: {  	_ =	shalt  }
0x53: {  	_ =	shalt  }
0x54: {  	_ =	shalt  }
0x55: {  	_ =	shalt  }
0x56: {  	_ =	shalt  }
0x57: {  	_ =	shalt  }
0x58: {  	_ =	shalt  }
0x59: {  	_ =	shalt  }
0x5a: {  	_ =	shalt  }
0x5b: {  	_ =	shalt  }
0x5c: {  	_ =	shalt  }
0x5d: {  	_ =	shalt  }
0x5e: {  	_ =	shalt  }
0x5f: {  	_ =	shalt  }
0x60: {  	_ =	shalt  }
0x61: {  	_ =	shalt  }
0x62: {  	_ =	shalt  }
0x63: {  	_ =	shalt  }
0x64: {  	_ =	shalt  }
0x65: {  	_ =	shalt  }
0x66: {  	_ =	shalt  }
0x67: {  	_ =	shalt  }
0x68: {  	_ =	shalt  }
0x69: {  	_ =	shalt  }
0x6a: {  	_ =	shalt  }
0x6b: {  	_ =	shalt  }
0x6c: {  	_ =	shalt  }
0x6d: {  	_ =	shalt  }
0x6e: {  	_ =	shalt  }
0x6f: {  	_ =	shalt  }
0x70: {  	_ =	shalt  }
0x71: {  	_ =	shalt  }
0x72: {  	_ =	shalt  }
0x73: {  	_ =	shalt  }
0x74: {  	_ =	shalt  }
0x75: {  	_ =	shalt  }
0x76: {  	_ =	shalt  }
0x77: {  	_ =	shalt  }
0x78: {  	_ =	shalt  }
0x79: {  	_ =	shalt  }
0x7a: {  	_ =	shalt  }
0x7b: {  	_ =	shalt  }
0x7c: {  	_ =	shalt  }
0x7d: {  	_ =	shalt  }
0x7e: {  	_ =	shalt  }
0x7f: {  	_ =	shalt  }
0x80: {  	_ =	shalt  }
0x81: {  	_ =	shalt  }
0x82: {  	_ =	shalt  }
0x83: {  	_ =	shalt  }
0x84: {  	_ =	shalt  }
0x85: {  	_ =	shalt  }
0x86: {  	_ =	shalt  }
0x87: {  	_ =	shalt  }
.Lfunc_end0:
.L_simem_size_0:
called_computation.1_lowered:
.L_overlay_start_0:
0x88: {  	s2 =	sld [smem:$0x3FD9]  }
0x89: {  	s3 =	sld [smem:$0x3FFE];
	_ =	sdelay $0x1  }
0x8a: {  	s1 =	srdreg.scid  }
0x8b: {  	s0 =	sand.u32 $0x1, s1  }
0x8c: {  	s17 =	sshll.u32 s0, $0xA;
	s2 =	sadd.s32 s3, s2  }
0x8d: {  	s2 =	sadd.s32 s2, s17  }
0x8e: {  	[smem:$0x3FC6] =	sst s2  }
0x8f: {  	_ = 	snop  }
0x90: {  	s2 =	sld [smem:$0x3FD0];
	(tm) =	ssettm $0x1  }
0x91: {  	s18 =	sld [smem:$0x3FFB];
	_ =	sdelay $0x3  }
0x92: {  	_ =	strace s18  }
0x93: {  	s3 =	sld [smem:$0x3FFC];
	_ =	sdelay $0x3  }
0x94: {  	_ =	strace s3  }
0x95: {  	s3 =	sld [smem:$0x3FFD];
	_ =	sdelay $0x3  }
0x96: {  	_ =	strace s3  }
0x97: {  	_ =	strace $0x8FFFFFFF  }
0x98: {  	s19 =	sld [smem:$0x3FDB];
	_ =	sdelay $0x1  }
0x99: {  	s4 =	simm.s32 $_scs_section_size  }
0x9a: {  	s5 =	simm.s32 $_size__tile_overlayer_lowered;
	s6 =	simm.s32 $_tile_overlayer_lowered  }
0x9b: {  	s22 =	simm.s32 $0x1BFF;
	s21 =	sshll.u32 s6, $0x1;
	s3 =	sadd.s32 s4, s19  }
0x9c: {  	s7 =	simm.s32 $0x0;
	s20 =	sshll.u32 s5, $0x1;
	s5 =	sadd.s32 s21, s3  }
0x9d: {  	[timem:s7], [sflag:s22] =	dma.local [hbm:s5], s20  }
0x9e: {  	_ =	swait.ge [sflag:s22], s20  }
0x9f: {  	s4 =	ssub.s32 $0x0, s20;
	[sflag:s22] =	ssyncset.done $0x0  }
0xa0: {  	[sflag:s22] =	ssyncadd.s32 s4;
	_ =	sdelay $0x1  }
0xa1: {  	s23 =	simm.s32 $0x1B8B  }
0xa2: {  	_ =	swait.ge [sflag:s23], $0x1  }
0xa3: {  	[sflag:s23] =	ssyncset.done $0x0  }
0xa4: {  	s25 =	simm.s32 $0x1B8E;
	s24 =	sld [smem:$0x3FFE];
	[sflag:s23] =	ssyncadd.s32 $0xFFFFFFFF  }
0xa5: {  	s26 =	simm.s32 $execute0_lowered;
	[smem:$0x3FD2] =	sst s25  }
0xa6: {  	s5 =	sshll.u32 s26, $0x1;
	_ =	strace $0x80000046;
	[dreg:$0x1] =	wrdreg $0xFFFFFFFF  }
0xa7: {  	s28 =	simm.s32 $_size_execute0_lowered;
	s3 =	sadd.s32 s3, s5;
	[dreg:$0x0] =	wrdreg $0x0  }
0xa8: {  	s5 =	sshll.u32 s28, $0x1;
	[dreg:$0x2] =	wrdreg s3  }
0xa9: {  	[dreg:$0x3] =	wrdreg s5  }
0xaa: {  	[dreg:$0x4] =	wrdreg $0xC0  }
0xab: {  	_ =	task [dreg:s7], $0x5FFFF  }
0xac: {  	[dreg:$0x1] =	wrdreg $0xFFFFFFFF  }
0xad: {  	[dreg:$0x0] =	wrdreg $0x60  }
0xae: {  	[dreg:$0x2] =	wrdreg s24  }
0xaf: {  	[dreg:$0x3] =	wrdreg s2  }
0xb0: {  	[dreg:$0x4] =	wrdreg $0x9  }
0xb1: {  	_ =	task.clear_ibuf [dreg:s7], $0x5FFFF;
	_ =	strace $0x90000046  }
0xb2: {  	s29 =	simm.s32 $0x9;
	_ =	strace $0x80000048  }
0xb3: {  	_ =	swait.ge [sflag:s29], $0x1  }
0xb4: {  	[sflag:s29] =	ssyncadd.s32 $0xFFFFFFFF  }
0xb5: {  	_ =	strace $0x90000048  }
0xb6: {  	_ =	sfence  }
0xb7: {  	s30 =	sld [smem:$0x0];
	_ =	sdelay $0x2  }
0xb8: {  	s31 =	sshll.u32 s1, $0xD;
	s1 =	sshrl.u32 s1, $0x2  }
0xb9: {  	s3 =	sand.u32 $0x4000, s31;
	s1 =	sadd.s32 s1, s30  }
0xba: {  	s0 =	sor.u32 s3, s0;
	s1 =	sshll.u32 s1, $0x11  }
0xbb: {  	s0 =	sor.u32 s1, s0  }
0xbc: {  	s0 =	sadd.s32 $0x8F2B, s0  }
0xbd: {  	[sflag:s0] =	ssyncadd.remote.s32 $0x1  }
0xbe: {  	_ =	sfence.sel $0xFFFF  }
0xbf: {  	[dreg:$0x0] =	wrdreg $0xFFFFFFFF;
	(pc) =	sbr.abs _section_cstart, $3  }
0xc0: {  	[dreg:$0x1] =	wrdreg $0xFFFFFFFF  }
0xc1: {  	_ =	task.clear_ibuf [dreg:s7], $0x2FFFF;
	_ =	strace $0x9FFFFFFF  }
0xc2: {  	(tm) =	ssettm $0x7FFFFFFF  }
0xc3: {  	_ =	shalt  }
tec
execute0_lowered:
.L_overlay_start_1:
0x0: {  	(tag) =	ssettag $0x1  }
0x1: {  	s0 =	rddreg [dreg:$0x0]  }
0x2: {  	s1 =	rddreg [dreg:$0x1]  }
0x3: {  	s3 =	srdreg.scid;
	s9 =	stileid.u32;
	s2 =	simm.s32 $0x0  }
0x4: {  	s31 =	simm.s32 $0x10400;
	s15 =	simm.s32 $0x17400;
	s16 =	simm.s32 $0x17800  }
0x5: {  	s17 =	simm.s32 $0x17C00;
	s18 =	simm.s32 $0x18000;
	s19 =	simm.s32 $0x18400  }
0x6: {  	s20 =	simm.s32 $0x18800;
	s21 =	simm.s32 $0x18C00;
	s28 =	simm.s32 $0x2  }
0x7: {  	s29 =	simm.s32 $0x5;
	s30 =	simm.s32 $0x3;
	s10 =	simm.s32 $0x6  }
0x8: {  	s11 =	simm.s32 $0x4;
	s13 =	simm.s32 $0x0;
	s6 =	smul.u32 $0xC800, s9  }
0x9: {  	s4 =	sand.u32 $0x1, s3;
	s22 =	sshll.u32 s9, $0x1;
	s9 =	smul.u32 $0x64000, s9  }
0xa: {  	[smem:$0x7FF] =	sst s2;
	s3 =	sor.u32 s4, s22;
	s8 =	smul.u32 $0x6400, s4  }
0xb: {  	_ =	strace $0x80000047;
	s7 =	ssub.s32 $0x2, s4;
	s4 =	smul.u32 $0x32000, s4  }
0xc: {  	s22 =	simm.s32 $0x19000;
	s5 =	smul.u32 $0x6400, s3;
	s3 =	sadd.s32 $0xF42E00, s0  }
0xd: {  	s23 =	sshrl.u32 s7, $0x1;
	s24 =	sadd.s32 s9, s1;
	s6 =	sadd.s32 s8, s6  }
0xe: {  	s5 =	sshrl.u32 s5, $0x3;
	s25 =	sshll.u32 s6, $0x3;
	s6 =	sadd.s32 s4, s24  }
0xf: {  	s4 =	simm.s32 $0x1;
	s24 =	simm.s32 $0x19800;
	s0 =	sadd.s32 s5, s0  }
.Ltmp0:
0x10: {  	s5 =	ssub.s32 s7, s23;
	s26 =	sadd.s32 s25, s1;
	(pc) =	sbr.rel .LBB2_1-.Ltmp0, $4  }
0x11: {  	s23 =	simm.s32 $0x19400;
	s25 =	simm.s32 $0x19C00;
	s1 =	simm.s32 $0x7  }
0x12: {  	s0 =	sadd.s32 $0xA00, s0;
	s5 =	smax.u32 s5, $0x1;
	s7 =	sadd.s32 $0xA00, s26  }
0x13: {  	s8 =	sadd.s32 $0x1400, s26;
	s9 =	sadd.s32 $0x1E00, s26;
	[dreg:$0x3] =	wrdreg s0  }
0x14: {  	vm0 =	vmmov $0xffff;
	s26 =	simm.s32 $0x1A000;
	[dreg:$0x4] =	wrdreg s5;
	s5 =	simm.s32 $0x15400  }
.LBB2_4:
0x15: {  	s12 =	simm.s32 $0x8  }
0x16: {  	_ =	swait.ge [sflag:s12], $0x5000  }
0x17: {  	s13 =	rddreg [dreg:$0x5]  }
0x18: {  	s0 =	rddreg [dreg:$0x4];
	s13 =	sadd.s32 $0x1, s13  }
0x19: {  	p0 =	sne.s32 s13, s0  }
.Ltmp1:
0x1a: {  	_ = 	snop;
	(pc) =	sbr.rel @!p0 .LBB2_5-.Ltmp1, $3  }
0x1b: {  	_ =	sdelay $0x1  }
0x1c: {  	[sflag:s12] =	ssyncset.done $0x0  }
0x1d: {  	[sflag:s12] =	ssyncadd.s32 $0xFFFFB000  }
.LBB2_1:
0x1e: {  	[dreg:$0x5] =	wrdreg s13  }
0x1f: {  	s0 =	rddreg [dreg:$0x3];
	s12 =	simm.s32 $0x9  }
0x20: {  	[tilespmem:s2], [sflag:$0x9] =	stream.linear.gather [hbm4b:s0+s2], $0x6400, $0x38;
	[tilespmem:$0x1A400] =	vst v63  }
0x21: {  	_ =	swait.ge [sflag:s12], $0x6400  }
0x22: {  	[sflag:s12] =	ssyncset.done $0x0  }
0x23: {  	[sflag:s12] =	ssyncadd.s32 $0xFFFF9C00  }
0x24: {  	v0 =	vld [tilespmem:$0x0];
	_ =	sdelay $0x6  }
0x25: {  	s13 =	simm.s32 $0x6400  }
0x26: {  	[tilespmem:s13], [sflag:$0x1] =	stream.indirect_vreg.gather [hbm4b:s3+s2], $0x40, v0, vm0, $0xb8;
	[tilespmem:$0x1A400] =	vst v63  }
0x27: {  	v0 =	vld [tilespmem:$0x10];
	_ =	sdelay $0x6  }
0x28: {  	s14 =	simm.s32 $0x6800  }
0x29: {  	[tilespmem:s14], [sflag:$0x1] =	stream.indirect_vreg.gather [hbm4b:s3+s2], $0x40, v0, vm0, $0xb8;
	[tilespmem:$0x1A400] =	vst v63  }
0x2a: {  	v0 =	vld [tilespmem:$0x20];
	_ =	sdelay $0x6  }
0x2b: {  	s12 =	simm.s32 $0x6C00  }
0x2c: {  	[tilespmem:s12], [sflag:$0x1] =	stream.indirect_vreg.gather [hbm4b:s3+s2], $0x40, v0, vm0, $0xb8;
	[tilespmem:$0x1A400] =	vst v63  }
0x2d: {  	v0 =	vld [tilespmem:$0x30];
	_ =	sdelay $0x6  }
0x2e: {  	s13 =	simm.s32 $0x7000  }
0x2f: {  	[tilespmem:s13], [sflag:$0x1] =	stream.indirect_vreg.gather [hbm4b:s3+s2], $0x40, v0, vm0, $0xb8;
	[tilespmem:$0x1A400] =	vst v63  }
0x30: {  	v0 =	vld [tilespmem:$0x40];
	_ =	sdelay $0x6  }
0x31: {  	s14 =	simm.s32 $0x7400  }
0x32: {  	[tilespmem:s14], [sflag:$0x1] =	stream.indirect_vreg.gather [hbm4b:s3+s2], $0x40, v0, vm0, $0xb8;
	[tilespmem:$0x1A400] =	vst v63  }
0x33: {  	v0 =	vld [tilespmem:$0x50];
	_ =	sdelay $0x6  }
0x34: {  	s12 =	simm.s32 $0x7800  }
0x35: {  	[tilespmem:s12], [sflag:$0x1] =	stream.indirect_vreg.gather [hbm4b:s3+s2], $0x40, v0, vm0, $0xb8;
	[tilespmem:$0x1A400] =	vst v63  }
0x36: {  	v0 =	vld [tilespmem:$0x60];
	_ =	sdelay $0x6  }
0x37: {  	s13 =	simm.s32 $0x7C00  }
0x38: {  	[tilespmem:s13], [sflag:$0x1] =	stream.indirect_vreg.gather [hbm4b:s3+s2], $0x40, v0, vm0, $0xb8;
	[tilespmem:$0x1A400] =	vst v63  }
0x39: {  	v0 =	vld [tilespmem:$0x70];
	_ =	sdelay $0x6  }
0x3a: {  	s14 =	simm.s32 $0x8000  }
0x3b: {  	[tilespmem:s14], [sflag:$0x1] =	stream.indirect_vreg.gather [hbm4b:s3+s2], $0x40, v0, vm0, $0xb8;
	[tilespmem:$0x1A400] =	vst v63  }
0x3c: {  	v0 =	vld [tilespmem:$0x80];
	_ =	sdelay $0x6  }
0x3d: {  	s12 =	simm.s32 $0x8400  }
0x3e: {  	[tilespmem:s12], [sflag:$0x1] =	stream.indirect_vreg.gather [hbm4b:s3+s2], $0x40, v0, vm0, $0xb8;
	[tilespmem:$0x1A400] =	vst v63  }
0x3f: {  	v0 =	vld [tilespmem:$0x90];
	_ =	sdelay $0x6  }
0x40: {  	s13 =	simm.s32 $0x8800  }
0x41: {  	[tilespmem:s13], [sflag:$0x1] =	stream.indirect_vreg.gather [hbm4b:s3+s2], $0x40, v0, vm0, $0xb8;
	[tilespmem:$0x1A400] =	vst v63  }
0x42: {  	v0 =	vld [tilespmem:$0xA0];
	_ =	sdelay $0x6  }
0x43: {  	s14 =	simm.s32 $0x8C00  }
0x44: {  	[tilespmem:s14], [sflag:$0x1] =	stream.indirect_vreg.gather [hbm4b:s3+s2], $0x40, v0, vm0, $0xb8;
	[tilespmem:$0x1A400] =	vst v63  }
0x45: {  	v0 =	vld [tilespmem:$0xB0];
	_ =	sdelay $0x6  }
0x46: {  	s12 =	simm.s32 $0x9000  }
0x47: {  	[tilespmem:s12], [sflag:$0x1] =	stream.indirect_vreg.gather [hbm4b:s3+s2], $0x40, v0, vm0, $0xb8;
	[tilespmem:$0x1A400] =	vst v63  }
0x48: {  	v0 =	vld [tilespmem:$0xC0];
	_ =	sdelay $0x6  }
0x49: {  	s13 =	simm.s32 $0x9400  }
0x4a: {  	[tilespmem:s13], [sflag:$0x1] =	stream.indirect_vreg.gather [hbm4b:s3+s2], $0x40, v0, vm0, $0xb8;
	[tilespmem:$0x1A400] =	vst v63  }
0x4b: {  	v0 =	vld [tilespmem:$0xD0];
	_ =	sdelay $0x6  }
0x4c: {  	s14 =	simm.s32 $0x9800  }
0x4d: {  	[tilespmem:s14], [sflag:$0x1] =	stream.indirect_vreg.gather [hbm4b:s3+s2], $0x40, v0, vm0, $0xb8;
	[tilespmem:$0x1A400] =	vst v63  }
0x4e: {  	v0 =	vld [tilespmem:$0xE0];
	_ =	sdelay $0x6  }
0x4f: {  	s12 =	simm.s32 $0x9C00  }
0x50: {  	[tilespmem:s12], [sflag:$0x1] =	stream.indirect_vreg.gather [hbm4b:s3+s2], $0x40, v0, vm0, $0xb8;
	[tilespmem:$0x1A400] =	vst v63  }
0x51: {  	v0 =	vld [tilespmem:$0xF0];
	_ =	sdelay $0x6  }
0x52: {  	s13 =	simm.s32 $0xA000  }
0x53: {  	[tilespmem:s13], [sflag:$0x1] =	stream.indirect_vreg.gather [hbm4b:s3+s2], $0x40, v0, vm0, $0xb8;
	[tilespmem:$0x1A400] =	vst v63  }
0x54: {  	v0 =	vld [tilespmem:$0x100];
	_ =	sdelay $0x6  }
0x55: {  	s14 =	simm.s32 $0xA400  }
0x56: {  	[tilespmem:s14], [sflag:$0x1] =	stream.indirect_vreg.gather [hbm4b:s3+s2], $0x40, v0, vm0, $0xb8;
	[tilespmem:$0x1A400] =	vst v63  }
0x57: {  	v0 =	vld [tilespmem:$0x110];
	_ =	sdelay $0x6  }
0x58: {  	s12 =	simm.s32 $0xA800  }
0x59: {  	[tilespmem:s12], [sflag:$0x1] =	stream.indirect_vreg.gather [hbm4b:s3+s2], $0x40, v0, vm0, $0xb8;
	[tilespmem:$0x1A400] =	vst v63  }
0x5a: {  	v0 =	vld [tilespmem:$0x120];
	_ =	sdelay $0x6  }
0x5b: {  	s13 =	simm.s32 $0xAC00  }
0x5c: {  	[tilespmem:s13], [sflag:$0x1] =	stream.indirect_vreg.gather [hbm4b:s3+s2], $0x40, v0, vm0, $0xb8;
	[tilespmem:$0x1A400] =	vst v63  }
0x5d: {  	v0 =	vld [tilespmem:$0x130];
	_ =	sdelay $0x6  }
0x5e: {  	s14 =	simm.s32 $0xB000  }
0x5f: {  	[tilespmem:s14], [sflag:$0x1] =	stream.indirect_vreg.gather [hbm4b:s3+s2], $0x40, v0, vm0, $0xb8;
	[tilespmem:$0x1A400] =	vst v63  }
0x60: {  	v0 =	vld [tilespmem:$0x140];
	_ =	sdelay $0x6  }
0x61: {  	s12 =	simm.s32 $0xB400  }
0x62: {  	[tilespmem:s12], [sflag:$0x2] =	stream.indirect_vreg.gather [hbm4b:s3+s2], $0x40, v0, vm0, $0xb8;
	[tilespmem:$0x1A400] =	vst v63  }
0x63: {  	v0 =	vld [tilespmem:$0x150];
	_ =	sdelay $0x6  }
0x64: {  	s13 =	simm.s32 $0xB800  }
0x65: {  	[tilespmem:s13], [sflag:$0x2] =	stream.indirect_vreg.gather [hbm4b:s3+s2], $0x40, v0, vm0, $0xb8;
	[tilespmem:$0x1A400] =	vst v63  }
0x66: {  	v0 =	vld [tilespmem:$0x160];
	_ =	sdelay $0x6  }
0x67: {  	s14 =	simm.s32 $0xBC00  }
0x68: {  	[tilespmem:s14], [sflag:$0x2] =	stream.indirect_vreg.gather [hbm4b:s3+s2], $0x40, v0, vm0, $0xb8;
	[tilespmem:$0x1A400] =	vst v63  }
0x69: {  	v0 =	vld [tilespmem:$0x170];
	_ =	sdelay $0x6  }
0x6a: {  	s12 =	simm.s32 $0xC000  }
0x6b: {  	[tilespmem:s12], [sflag:$0x2] =	stream.indirect_vreg.gather [hbm4b:s3+s2], $0x40, v0, vm0, $0xb8;
	[tilespmem:$0x1A400] =	vst v63  }
0x6c: {  	v0 =	vld [tilespmem:$0x180];
	_ =	sdelay $0x6  }
0x6d: {  	s13 =	simm.s32 $0xC400  }
0x6e: {  	[tilespmem:s13], [sflag:$0x2] =	stream.indirect_vreg.gather [hbm4b:s3+s2], $0x40, v0, vm0, $0xb8;
	[tilespmem:$0x1A400] =	vst v63  }
0x6f: {  	v0 =	vld [tilespmem:$0x190];
	_ =	sdelay $0x6  }
0x70: {  	s14 =	simm.s32 $0xC800  }
0x71: {  	[tilespmem:s14], [sflag:$0x2] =	stream.indirect_vreg.gather [hbm4b:s3+s2], $0x40, v0, vm0, $0xb8;
	[tilespmem:$0x1A400] =	vst v63  }
0x72: {  	v0 =	vld [tilespmem:$0x1A0];
	_ =	sdelay $0x6  }
0x73: {  	s12 =	simm.s32 $0xCC00  }
0x74: {  	[tilespmem:s12], [sflag:$0x2] =	stream.indirect_vreg.gather [hbm4b:s3+s2], $0x40, v0, vm0, $0xb8;
	[tilespmem:$0x1A400] =	vst v63  }
0x75: {  	v0 =	vld [tilespmem:$0x1B0];
	_ =	sdelay $0x6  }
0x76: {  	s13 =	simm.s32 $0xD000  }
0x77: {  	[tilespmem:s13], [sflag:$0x2] =	stream.indirect_vreg.gather [hbm4b:s3+s2], $0x40, v0, vm0, $0xb8;
	[tilespmem:$0x1A400] =	vst v63  }
0x78: {  	v0 =	vld [tilespmem:$0x1C0];
	_ =	sdelay $0x6  }
0x79: {  	s14 =	simm.s32 $0xD400  }
0x7a: {  	[tilespmem:s14], [sflag:$0x2] =	stream.indirect_vreg.gather [hbm4b:s3+s2], $0x40, v0, vm0, $0xb8;
	[tilespmem:$0x1A400] =	vst v63  }
0x7b: {  	v0 =	vld [tilespmem:$0x1D0];
	_ =	sdelay $0x6  }
0x7c: {  	s12 =	simm.s32 $0xD800  }
0x7d: {  	[tilespmem:s12], [sflag:$0x2] =	stream.indirect_vreg.gather [hbm4b:s3+s2], $0x40, v0, vm0, $0xb8;
	[tilespmem:$0x1A400] =	vst v63  }
0x7e: {  	v0 =	vld [tilespmem:$0x1E0];
	_ =	sdelay $0x6  }
0x7f: {  	s13 =	simm.s32 $0xDC00  }
0x80: {  	[tilespmem:s13], [sflag:$0x2] =	stream.indirect_vreg.gather [hbm4b:s3+s2], $0x40, v0, vm0, $0xb8;
	[tilespmem:$0x1A400] =	vst v63  }
0x81: {  	v0 =	vld [tilespmem:$0x1F0];
	_ =	sdelay $0x6  }
0x82: {  	s14 =	simm.s32 $0xE000  }
0x83: {  	[tilespmem:s14], [sflag:$0x2] =	stream.indirect_vreg.gather [hbm4b:s3+s2], $0x40, v0, vm0, $0xb8;
	[tilespmem:$0x1A400] =	vst v63  }
0x84: {  	v0 =	vld [tilespmem:$0x200];
	_ =	sdelay $0x6  }
0x85: {  	s12 =	simm.s32 $0xE400  }
0x86: {  	[tilespmem:s12], [sflag:$0x2] =	stream.indirect_vreg.gather [hbm4b:s3+s2], $0x40, v0, vm0, $0xb8;
	[tilespmem:$0x1A400] =	vst v63  }
0x87: {  	v0 =	vld [tilespmem:$0x210];
	_ =	sdelay $0x6  }
0x88: {  	s13 =	simm.s32 $0xE800  }
0x89: {  	[tilespmem:s13], [sflag:$0x2] =	stream.indirect_vreg.gather [hbm4b:s3+s2], $0x40, v0, vm0, $0xb8;
	[tilespmem:$0x1A400] =	vst v63  }
0x8a: {  	v0 =	vld [tilespmem:$0x220];
	_ =	sdelay $0x6  }
0x8b: {  	s14 =	simm.s32 $0xEC00  }
0x8c: {  	[tilespmem:s14], [sflag:$0x2] =	stream.indirect_vreg.gather [hbm4b:s3+s2], $0x40, v0, vm0, $0xb8;
	[tilespmem:$0x1A400] =	vst v63  }
0x8d: {  	v0 =	vld [tilespmem:$0x230];
	_ =	sdelay $0x6  }
0x8e: {  	s12 =	simm.s32 $0xF000  }
0x8f: {  	[tilespmem:s12], [sflag:$0x2] =	stream.indirect_vreg.gather [hbm4b:s3+s2], $0x40, v0, vm0, $0xb8;
	[tilespmem:$0x1A400] =	vst v63  }
0x90: {  	v0 =	vld [tilespmem:$0x240];
	_ =	sdelay $0x6  }
0x91: {  	s13 =	simm.s32 $0xF400  }
0x92: {  	[tilespmem:s13], [sflag:$0x2] =	stream.indirect_vreg.gather [hbm4b:s3+s2], $0x40, v0, vm0, $0xb8;
	[tilespmem:$0x1A400] =	vst v63  }
0x93: {  	v0 =	vld [tilespmem:$0x250];
	_ =	sdelay $0x6  }
0x94: {  	s14 =	simm.s32 $0xF800  }
0x95: {  	[tilespmem:s14], [sflag:$0x2] =	stream.indirect_vreg.gather [hbm4b:s3+s2], $0x40, v0, vm0, $0xb8;
	[tilespmem:$0x1A400] =	vst v63  }
0x96: {  	v0 =	vld [tilespmem:$0x260];
	_ =	sdelay $0x6  }
0x97: {  	s12 =	simm.s32 $0xFC00  }
0x98: {  	[tilespmem:s12], [sflag:$0x2] =	stream.indirect_vreg.gather [hbm4b:s3+s2], $0x40, v0, vm0, $0xb8;
	[tilespmem:$0x1A400] =	vst v63  }
0x99: {  	v0 =	vld [tilespmem:$0x270];
	_ =	sdelay $0x6  }
0x9a: {  	s13 =	simm.s32 $0x10000  }
0x9b: {  	[tilespmem:s13], [sflag:$0x2] =	stream.indirect_vreg.gather [hbm4b:s3+s2], $0x40, v0, vm0, $0xb8;
	[tilespmem:$0x1A400] =	vst v63  }
0x9c: {  	v0 =	vld [tilespmem:$0x280];
	_ =	sdelay $0x7  }
0x9d: {  	[tilespmem:s31], [sflag:$0x3] =	stream.indirect_vreg.gather [hbm4b:s3+s2], $0x40, v0, vm0, $0xb8;
	[tilespmem:$0x1A400] =	vst v63  }
0x9e: {  	v0 =	vld [tilespmem:$0x290];
	_ =	sdelay $0x6  }
0x9f: {  	s14 =	simm.s32 $0x10800  }
0xa0: {  	[tilespmem:s14], [sflag:$0x3] =	stream.indirect_vreg.gather [hbm4b:s3+s2], $0x40, v0, vm0, $0xb8;
	[tilespmem:$0x1A400] =	vst v63  }
0xa1: {  	v0 =	vld [tilespmem:$0x2A0];
	_ =	sdelay $0x6  }
0xa2: {  	s12 =	simm.s32 $0x10C00  }
0xa3: {  	[tilespmem:s12], [sflag:$0x3] =	stream.indirect_vreg.gather [hbm4b:s3+s2], $0x40, v0, vm0, $0xb8;
	[tilespmem:$0x1A400] =	vst v63  }
0xa4: {  	v0 =	vld [tilespmem:$0x2B0];
	_ =	sdelay $0x6  }
0xa5: {  	s13 =	simm.s32 $0x11000  }
0xa6: {  	[tilespmem:s13], [sflag:$0x3] =	stream.indirect_vreg.gather [hbm4b:s3+s2], $0x40, v0, vm0, $0xb8;
	[tilespmem:$0x1A400] =	vst v63  }
0xa7: {  	v0 =	vld [tilespmem:$0x2C0];
	_ =	sdelay $0x6  }
0xa8: {  	s14 =	simm.s32 $0x11400  }
0xa9: {  	[tilespmem:s14], [sflag:$0x3] =	stream.indirect_vreg.gather [hbm4b:s3+s2], $0x40, v0, vm0, $0xb8;
	[tilespmem:$0x1A400] =	vst v63  }
0xaa: {  	v0 =	vld [tilespmem:$0x2D0];
	_ =	sdelay $0x6  }
0xab: {  	s12 =	simm.s32 $0x11800  }
0xac: {  	[tilespmem:s12], [sflag:$0x3] =	stream.indirect_vreg.gather [hbm4b:s3+s2], $0x40, v0, vm0, $0xb8;
	[tilespmem:$0x1A400] =	vst v63  }
0xad: {  	v0 =	vld [tilespmem:$0x2E0];
	_ =	sdelay $0x6  }
0xae: {  	s13 =	simm.s32 $0x11C00  }
0xaf: {  	[tilespmem:s13], [sflag:$0x3] =	stream.indirect_vreg.gather [hbm4b:s3+s2], $0x40, v0, vm0, $0xb8;
	[tilespmem:$0x1A400] =	vst v63  }
0xb0: {  	v0 =	vld [tilespmem:$0x2F0];
	_ =	sdelay $0x6  }
0xb1: {  	s14 =	simm.s32 $0x12000  }
0xb2: {  	[tilespmem:s14], [sflag:$0x3] =	stream.indirect_vreg.gather [hbm4b:s3+s2], $0x40, v0, vm0, $0xb8;
	[tilespmem:$0x1A400] =	vst v63  }
0xb3: {  	v0 =	vld [tilespmem:$0x300];
	_ =	sdelay $0x6  }
0xb4: {  	s12 =	simm.s32 $0x12400  }
0xb5: {  	[tilespmem:s12], [sflag:$0x3] =	stream.indirect_vreg.gather [hbm4b:s3+s2], $0x40, v0, vm0, $0xb8;
	[tilespmem:$0x1A400] =	vst v63  }
0xb6: {  	v0 =	vld [tilespmem:$0x310];
	_ =	sdelay $0x6  }
0xb7: {  	s13 =	simm.s32 $0x12800  }
0xb8: {  	[tilespmem:s13], [sflag:$0x3] =	stream.indirect_vreg.gather [hbm4b:s3+s2], $0x40, v0, vm0, $0xb8;
	[tilespmem:$0x1A400] =	vst v63  }
0xb9: {  	v0 =	vld [tilespmem:$0x320];
	_ =	sdelay $0x6  }
0xba: {  	s14 =	simm.s32 $0x12C00  }
0xbb: {  	[tilespmem:s14], [sflag:$0x3] =	stream.indirect_vreg.gather [hbm4b:s3+s2], $0x40, v0, vm0, $0xb8;
	[tilespmem:$0x1A400] =	vst v63  }
0xbc: {  	v0 =	vld [tilespmem:$0x330];
	_ =	sdelay $0x6  }
0xbd: {  	s12 =	simm.s32 $0x13000  }
0xbe: {  	[tilespmem:s12], [sflag:$0x3] =	stream.indirect_vreg.gather [hbm4b:s3+s2], $0x40, v0, vm0, $0xb8;
	[tilespmem:$0x1A400] =	vst v63  }
0xbf: {  	v0 =	vld [tilespmem:$0x340];
	_ =	sdelay $0x6  }
0xc0: {  	s13 =	simm.s32 $0x13400  }
0xc1: {  	[tilespmem:s13], [sflag:$0x3] =	stream.indirect_vreg.gather [hbm4b:s3+s2], $0x40, v0, vm0, $0xb8;
	[tilespmem:$0x1A400] =	vst v63  }
0xc2: {  	v0 =	vld [tilespmem:$0x350];
	_ =	sdelay $0x6  }
0xc3: {  	s14 =	simm.s32 $0x13800  }
0xc4: {  	[tilespmem:s14], [sflag:$0x3] =	stream.indirect_vreg.gather [hbm4b:s3+s2], $0x40, v0, vm0, $0xb8;
	[tilespmem:$0x1A400] =	vst v63  }
0xc5: {  	v0 =	vld [tilespmem:$0x360];
	_ =	sdelay $0x6  }
0xc6: {  	s12 =	simm.s32 $0x13C00  }
0xc7: {  	[tilespmem:s12], [sflag:$0x3] =	stream.indirect_vreg.gather [hbm4b:s3+s2], $0x40, v0, vm0, $0xb8;
	[tilespmem:$0x1A400] =	vst v63  }
0xc8: {  	v0 =	vld [tilespmem:$0x370];
	_ =	sdelay $0x6  }
0xc9: {  	s13 =	simm.s32 $0x14000  }
0xca: {  	[tilespmem:s13], [sflag:$0x3] =	stream.indirect_vreg.gather [hbm4b:s3+s2], $0x40, v0, vm0, $0xb8;
	[tilespmem:$0x1A400] =	vst v63  }
0xcb: {  	v0 =	vld [tilespmem:$0x380];
	_ =	sdelay $0x6  }
0xcc: {  	s14 =	simm.s32 $0x14400  }
0xcd: {  	[tilespmem:s14], [sflag:$0x3] =	stream.indirect_vreg.gather [hbm4b:s3+s2], $0x40, v0, vm0, $0xb8;
	[tilespmem:$0x1A400] =	vst v63  }
0xce: {  	v0 =	vld [tilespmem:$0x390];
	_ =	sdelay $0x6  }
0xcf: {  	s12 =	simm.s32 $0x14800  }
0xd0: {  	[tilespmem:s12], [sflag:$0x3] =	stream.indirect_vreg.gather [hbm4b:s3+s2], $0x40, v0, vm0, $0xb8;
	[tilespmem:$0x1A400] =	vst v63  }
0xd1: {  	v0 =	vld [tilespmem:$0x3A0];
	_ =	sdelay $0x6  }
0xd2: {  	s13 =	simm.s32 $0x14C00  }
0xd3: {  	[tilespmem:s13], [sflag:$0x3] =	stream.indirect_vreg.gather [hbm4b:s3+s2], $0x40, v0, vm0, $0xb8;
	[tilespmem:$0x1A400] =	vst v63  }
0xd4: {  	v0 =	vld [tilespmem:$0x3B0];
	_ =	sdelay $0x6  }
0xd5: {  	s0 =	simm.s32 $0x460;
	s14 =	simm.s32 $0x15000;
	s12 =	simm.s32 $0x0  }
0xd6: {  	[tilespmem:s14], [sflag:$0x3] =	stream.indirect_vreg.gather [hbm4b:s3+s2], $0x40, v0, vm0, $0xb8;
	[tilespmem:$0x1A400] =	vst v63  }
.LBB2_2:
0xd7: {  	_ =	swait.ge [sflag:s4], $0x400  }
0xd8: {  	[sflag:s4] =	ssyncset.done $0x0  }
0xd9: {  	[sflag:s4] =	ssyncadd.s32 $0xFFFFFC00  }
0xda: {  	_ =	swait.ge [sflag:s4], $0x400  }
0xdb: {  	[sflag:s4] =	ssyncset.done $0x0  }
0xdc: {  	[sflag:s4] =	ssyncadd.s32 $0xFFFFFC00  }
0xdd: {  	_ =	swait.ge [sflag:s4], $0x400  }
0xde: {  	[sflag:s4] =	ssyncset.done $0x0  }
0xdf: {  	[sflag:s4] =	ssyncadd.s32 $0xFFFFFC00  }
0xe0: {  	_ =	swait.ge [sflag:s4], $0x400  }
0xe1: {  	[sflag:s4] =	ssyncset.done $0x0  }
0xe2: {  	[sflag:s4] =	ssyncadd.s32 $0xFFFFFC00  }
0xe3: {  	_ =	swait.ge [sflag:s4], $0x400  }
0xe4: {  	[sflag:s4] =	ssyncset.done $0x0  }
0xe5: {  	[sflag:s4] =	ssyncadd.s32 $0xFFFFFC00  }
0xe6: {  	_ =	swait.ge [sflag:s4], $0x400  }
0xe7: {  	[sflag:s4] =	ssyncset.done $0x0  }
0xe8: {  	[sflag:s4] =	ssyncadd.s32 $0xFFFFFC00  }
0xe9: {  	_ =	swait.ge [sflag:s4], $0x400  }
0xea: {  	[sflag:s4] =	ssyncset.done $0x0  }
0xeb: {  	[sflag:s4] =	ssyncadd.s32 $0xFFFFFC00  }
0xec: {  	_ =	swait.ge [sflag:s4], $0x400  }
0xed: {  	[sflag:s4] =	ssyncset.done $0x0  }
0xee: {  	[sflag:s4] =	ssyncadd.s32 $0xFFFFFC00  }
0xef: {  	_ =	swait.ge [sflag:s4], $0x400  }
0xf0: {  	[sflag:s4] =	ssyncset.done $0x0  }
0xf1: {  	[sflag:s4] =	ssyncadd.s32 $0xFFFFFC00  }
0xf2: {  	_ =	swait.ge [sflag:s4], $0x400  }
0xf3: {  	[sflag:s4] =	ssyncset.done $0x0  }
0xf4: {  	[sflag:s4] =	ssyncadd.s32 $0xFFFFFC00  }
0xf5: {  	_ =	swait.ge [sflag:s4], $0x400  }
0xf6: {  	[sflag:s4] =	ssyncset.done $0x0  }
0xf7: {  	[sflag:s4] =	ssyncadd.s32 $0xFFFFFC00  }
0xf8: {  	_ =	swait.ge [sflag:s4], $0x400  }
0xf9: {  	[sflag:s4] =	ssyncset.done $0x0  }
0xfa: {  	[sflag:s4] =	ssyncadd.s32 $0xFFFFFC00  }
0xfb: {  	_ =	swait.ge [sflag:s4], $0x400  }
0xfc: {  	[sflag:s4] =	ssyncset.done $0x0  }
0xfd: {  	[sflag:s4] =	ssyncadd.s32 $0xFFFFFC00  }
0xfe: {  	_ =	swait.ge [sflag:s4], $0x400  }
0xff: {  	[sflag:s4] =	ssyncset.done $0x0  }
0x100: {  	[sflag:s4] =	ssyncadd.s32 $0xFFFFFC00  }
0x101: {  	_ =	swait.ge [sflag:s4], $0x400  }
0x102: {  	[sflag:s4] =	ssyncset.done $0x0  }
0x103: {  	[sflag:s4] =	ssyncadd.s32 $0xFFFFFC00  }
0x104: {  	_ =	swait.ge [sflag:s4], $0x400  }
0x105: {  	[sflag:s4] =	ssyncset.done $0x0  }
0x106: {  	[sflag:s4] =	ssyncadd.s32 $0xFFFFFC00  }
0x107: {  	_ =	swait.ge [sflag:s4], $0x400  }
0x108: {  	[sflag:s4] =	ssyncset.done $0x0  }
0x109: {  	[sflag:s4] =	ssyncadd.s32 $0xFFFFFC00  }
0x10a: {  	_ =	swait.ge [sflag:s4], $0x400  }
0x10b: {  	[sflag:s4] =	ssyncset.done $0x0  }
0x10c: {  	[sflag:s4] =	ssyncadd.s32 $0xFFFFFC00  }
0x10d: {  	_ =	swait.ge [sflag:s4], $0x400  }
0x10e: {  	[sflag:s4] =	ssyncset.done $0x0  }
0x10f: {  	[sflag:s4] =	ssyncadd.s32 $0xFFFFFC00  }
0x110: {  	_ =	swait.ge [sflag:s4], $0x400  }
0x111: {  	s13 =	sadd.s32 s12, s6;
	[sflag:s4] =	ssyncset.done $0x0  }
0x112: {  	s14 =	simm.s32 $0x6400;
	p0 =	seq.s32 s12, $0x0;
	[sflag:s4] =	ssyncadd.s32 $0xFFFFFC00  }
0x113: {  	[hbm4b:s13+s2] =	stream.linear.scatter [tilespmem:s14], [sflag:$0x5], $0x5000, $0x38;
	[tilespmem:$0x1A400] =	vst v63  }
0x114: {  	s13 =	simm.s32 @!p0 $0x8  }
0x115: {  	_ =	swait.ge @!p0 [sflag:s13], $0x5000  }
0x116: {  	[sflag:s13] =	ssyncset.done @!p0 $0x0  }
0x117: {  	[sflag:s13] =	ssyncadd.s32 @!p0 $0xFFFFB000  }
0x118: {  	v0 =	vld [tilespmem:s0+$0xFFFFFF60];
	_ =	sdelay $0x7  }
0x119: {  	[tilespmem:s5], [sflag:$0x4] =	stream.indirect_vreg.gather [hbm4b:s3+s2], $0x40, v0, vm0, $0xb8;
	[tilespmem:$0x1A400] =	vst v63  }
0x11a: {  	v0 =	vld [tilespmem:s0+$0xFFFFFF70];
	_ =	sdelay $0x6  }
0x11b: {  	s14 =	simm.s32 $0x15800  }
0x11c: {  	[tilespmem:s14], [sflag:$0x4] =	stream.indirect_vreg.gather [hbm4b:s3+s2], $0x40, v0, vm0, $0xb8;
	[tilespmem:$0x1A400] =	vst v63  }
0x11d: {  	v0 =	vld [tilespmem:s0+$0xFFFFFF80];
	_ =	sdelay $0x6  }
0x11e: {  	s14 =	simm.s32 $0x15C00  }
0x11f: {  	[tilespmem:s14], [sflag:$0x4] =	stream.indirect_vreg.gather [hbm4b:s3+s2], $0x40, v0, vm0, $0xb8;
	[tilespmem:$0x1A400] =	vst v63  }
0x120: {  	v0 =	vld [tilespmem:s0+$0xFFFFFF90];
	_ =	sdelay $0x6  }
0x121: {  	s14 =	simm.s32 $0x16000  }
0x122: {  	[tilespmem:s14], [sflag:$0x4] =	stream.indirect_vreg.gather [hbm4b:s3+s2], $0x40, v0, vm0, $0xb8;
	[tilespmem:$0x1A400] =	vst v63  }
0x123: {  	v0 =	vld [tilespmem:s0+$0xFFFFFFA0];
	_ =	sdelay $0x6  }
0x124: {  	s14 =	simm.s32 $0x16400  }
0x125: {  	[tilespmem:s14], [sflag:$0x4] =	stream.indirect_vreg.gather [hbm4b:s3+s2], $0x40, v0, vm0, $0xb8;
	[tilespmem:$0x1A400] =	vst v63  }
0x126: {  	v0 =	vld [tilespmem:s0+$0xFFFFFFB0];
	_ =	sdelay $0x6  }
0x127: {  	s14 =	simm.s32 $0x16800  }
0x128: {  	[tilespmem:s14], [sflag:$0x4] =	stream.indirect_vreg.gather [hbm4b:s3+s2], $0x40, v0, vm0, $0xb8;
	[tilespmem:$0x1A400] =	vst v63  }
0x129: {  	v0 =	vld [tilespmem:s0+$0xFFFFFFC0];
	_ =	sdelay $0x6  }
0x12a: {  	s14 =	simm.s32 $0x16C00  }
0x12b: {  	[tilespmem:s14], [sflag:$0x4] =	stream.indirect_vreg.gather [hbm4b:s3+s2], $0x40, v0, vm0, $0xb8;
	[tilespmem:$0x1A400] =	vst v63  }
0x12c: {  	v0 =	vld [tilespmem:s0+$0xFFFFFFD0];
	_ =	sdelay $0x6  }
0x12d: {  	s14 =	simm.s32 $0x17000  }
0x12e: {  	[tilespmem:s14], [sflag:$0x4] =	stream.indirect_vreg.gather [hbm4b:s3+s2], $0x40, v0, vm0, $0xb8;
	[tilespmem:$0x1A400] =	vst v63  }
0x12f: {  	v0 =	vld [tilespmem:s0+$0xFFFFFFE0];
	_ =	sdelay $0x7  }
0x130: {  	[tilespmem:s15], [sflag:$0x4] =	stream.indirect_vreg.gather [hbm4b:s3+s2], $0x40, v0, vm0, $0xb8;
	[tilespmem:$0x1A400] =	vst v63  }
0x131: {  	v0 =	vld [tilespmem:s0+$0xFFFFFFF0];
	_ =	sdelay $0x7  }
0x132: {  	[tilespmem:s16], [sflag:$0x4] =	stream.indirect_vreg.gather [hbm4b:s3+s2], $0x40, v0, vm0, $0xb8;
	[tilespmem:$0x1A400] =	vst v63  }
0x133: {  	v0 =	vld [tilespmem:s0+$0x0];
	_ =	sdelay $0x7  }
0x134: {  	[tilespmem:s17], [sflag:$0x4] =	stream.indirect_vreg.gather [hbm4b:s3+s2], $0x40, v0, vm0, $0xb8;
	[tilespmem:$0x1A400] =	vst v63  }
0x135: {  	v0 =	vld [tilespmem:s0+$0x10];
	_ =	sdelay $0x7  }
0x136: {  	[tilespmem:s18], [sflag:$0x4] =	stream.indirect_vreg.gather [hbm4b:s3+s2], $0x40, v0, vm0, $0xb8;
	[tilespmem:$0x1A400] =	vst v63  }
0x137: {  	v0 =	vld [tilespmem:s0+$0x20];
	_ =	sdelay $0x7  }
0x138: {  	[tilespmem:s19], [sflag:$0x4] =	stream.indirect_vreg.gather [hbm4b:s3+s2], $0x40, v0, vm0, $0xb8;
	[tilespmem:$0x1A400] =	vst v63  }
0x139: {  	v0 =	vld [tilespmem:s0+$0x30];
	_ =	sdelay $0x7  }
0x13a: {  	[tilespmem:s20], [sflag:$0x4] =	stream.indirect_vreg.gather [hbm4b:s3+s2], $0x40, v0, vm0, $0xb8;
	[tilespmem:$0x1A400] =	vst v63  }
0x13b: {  	v0 =	vld [tilespmem:s0+$0x40];
	_ =	sdelay $0x7  }
0x13c: {  	[tilespmem:s21], [sflag:$0x4] =	stream.indirect_vreg.gather [hbm4b:s3+s2], $0x40, v0, vm0, $0xb8;
	[tilespmem:$0x1A400] =	vst v63  }
0x13d: {  	v0 =	vld [tilespmem:s0+$0x50];
	_ =	sdelay $0x7  }
0x13e: {  	[tilespmem:s22], [sflag:$0x4] =	stream.indirect_vreg.gather [hbm4b:s3+s2], $0x40, v0, vm0, $0xb8;
	[tilespmem:$0x1A400] =	vst v63  }
0x13f: {  	v0 =	vld [tilespmem:s0+$0x60];
	_ =	sdelay $0x7  }
0x140: {  	[tilespmem:s23], [sflag:$0x4] =	stream.indirect_vreg.gather [hbm4b:s3+s2], $0x40, v0, vm0, $0xb8;
	[tilespmem:$0x1A400] =	vst v63  }
0x141: {  	v0 =	vld [tilespmem:s0+$0x70];
	_ =	sdelay $0x7  }
0x142: {  	[tilespmem:s24], [sflag:$0x4] =	stream.indirect_vreg.gather [hbm4b:s3+s2], $0x40, v0, vm0, $0xb8;
	[tilespmem:$0x1A400] =	vst v63  }
0x143: {  	v0 =	vld [tilespmem:s0+$0x80];
	_ =	sdelay $0x7  }
0x144: {  	[tilespmem:s25], [sflag:$0x4] =	stream.indirect_vreg.gather [hbm4b:s3+s2], $0x40, v0, vm0, $0xb8;
	[tilespmem:$0x1A400] =	vst v63  }
0x145: {  	v0 =	vld [tilespmem:s0+$0x90];
	_ =	sdelay $0x7  }
0x146: {  	[tilespmem:s26], [sflag:$0x4] =	stream.indirect_vreg.gather [hbm4b:s3+s2], $0x40, v0, vm0, $0xb8;
	[tilespmem:$0x1A400] =	vst v63  }
0x147: {  	_ =	swait.ge [sflag:s28], $0x400  }
0x148: {  	[sflag:s28] =	ssyncset.done $0x0  }
0x149: {  	[sflag:s28] =	ssyncadd.s32 $0xFFFFFC00  }
0x14a: {  	_ =	swait.ge [sflag:s28], $0x400  }
0x14b: {  	[sflag:s28] =	ssyncset.done $0x0  }
0x14c: {  	[sflag:s28] =	ssyncadd.s32 $0xFFFFFC00  }
0x14d: {  	_ =	swait.ge [sflag:s28], $0x400  }
0x14e: {  	[sflag:s28] =	ssyncset.done $0x0  }
0x14f: {  	[sflag:s28] =	ssyncadd.s32 $0xFFFFFC00  }
0x150: {  	_ =	swait.ge [sflag:s28], $0x400  }
0x151: {  	[sflag:s28] =	ssyncset.done $0x0  }
0x152: {  	[sflag:s28] =	ssyncadd.s32 $0xFFFFFC00  }
0x153: {  	_ =	swait.ge [sflag:s28], $0x400  }
0x154: {  	[sflag:s28] =	ssyncset.done $0x0  }
0x155: {  	[sflag:s28] =	ssyncadd.s32 $0xFFFFFC00  }
0x156: {  	_ =	swait.ge [sflag:s28], $0x400  }
0x157: {  	[sflag:s28] =	ssyncset.done $0x0  }
0x158: {  	[sflag:s28] =	ssyncadd.s32 $0xFFFFFC00  }
0x159: {  	_ =	swait.ge [sflag:s28], $0x400  }
0x15a: {  	[sflag:s28] =	ssyncset.done $0x0  }
0x15b: {  	[sflag:s28] =	ssyncadd.s32 $0xFFFFFC00  }
0x15c: {  	_ =	swait.ge [sflag:s28], $0x400  }
0x15d: {  	[sflag:s28] =	ssyncset.done $0x0  }
0x15e: {  	[sflag:s28] =	ssyncadd.s32 $0xFFFFFC00  }
0x15f: {  	_ =	swait.ge [sflag:s28], $0x400  }
0x160: {  	[sflag:s28] =	ssyncset.done $0x0  }
0x161: {  	[sflag:s28] =	ssyncadd.s32 $0xFFFFFC00  }
0x162: {  	_ =	swait.ge [sflag:s28], $0x400  }
0x163: {  	[sflag:s28] =	ssyncset.done $0x0  }
0x164: {  	[sflag:s28] =	ssyncadd.s32 $0xFFFFFC00  }
0x165: {  	_ =	swait.ge [sflag:s28], $0x400  }
0x166: {  	[sflag:s28] =	ssyncset.done $0x0  }
0x167: {  	[sflag:s28] =	ssyncadd.s32 $0xFFFFFC00  }
0x168: {  	_ =	swait.ge [sflag:s28], $0x400  }
0x169: {  	[sflag:s28] =	ssyncset.done $0x0  }
0x16a: {  	[sflag:s28] =	ssyncadd.s32 $0xFFFFFC00  }
0x16b: {  	_ =	swait.ge [sflag:s28], $0x400  }
0x16c: {  	[sflag:s28] =	ssyncset.done $0x0  }
0x16d: {  	[sflag:s28] =	ssyncadd.s32 $0xFFFFFC00  }
0x16e: {  	_ =	swait.ge [sflag:s28], $0x400  }
0x16f: {  	[sflag:s28] =	ssyncset.done $0x0  }
0x170: {  	[sflag:s28] =	ssyncadd.s32 $0xFFFFFC00  }
0x171: {  	_ =	swait.ge [sflag:s28], $0x400  }
0x172: {  	[sflag:s28] =	ssyncset.done $0x0  }
0x173: {  	[sflag:s28] =	ssyncadd.s32 $0xFFFFFC00  }
0x174: {  	_ =	swait.ge [sflag:s28], $0x400  }
0x175: {  	[sflag:s28] =	ssyncset.done $0x0  }
0x176: {  	[sflag:s28] =	ssyncadd.s32 $0xFFFFFC00  }
0x177: {  	_ =	swait.ge [sflag:s28], $0x400  }
0x178: {  	[sflag:s28] =	ssyncset.done $0x0  }
0x179: {  	[sflag:s28] =	ssyncadd.s32 $0xFFFFFC00  }
0x17a: {  	_ =	swait.ge [sflag:s28], $0x400  }
0x17b: {  	[sflag:s28] =	ssyncset.done $0x0  }
0x17c: {  	[sflag:s28] =	ssyncadd.s32 $0xFFFFFC00  }
0x17d: {  	_ =	swait.ge [sflag:s28], $0x400  }
0x17e: {  	[sflag:s28] =	ssyncset.done $0x0  }
0x17f: {  	[sflag:s28] =	ssyncadd.s32 $0xFFFFFC00  }
0x180: {  	_ =	swait.ge [sflag:s28], $0x400  }
0x181: {  	[sflag:s28] =	ssyncset.done $0x0  }
0x182: {  	s13 =	sadd.s32 s12, s7;
	s14 =	simm.s32 $0xB400;
	[sflag:s28] =	ssyncadd.s32 $0xFFFFFC00  }
0x183: {  	[hbm4b:s13+s2] =	stream.linear.scatter [tilespmem:s14], [sflag:$0x6], $0x5000, $0x38;
	[tilespmem:$0x1A400] =	vst v63  }
0x184: {  	_ =	swait.ge [sflag:s29], $0x5000  }
0x185: {  	[sflag:s29] =	ssyncset.done $0x0  }
0x186: {  	p0 =	seq.s32 s12, $0x2F800;
	[sflag:s29] =	ssyncadd.s32 $0xFFFFB000  }
0x187: {  	v0 =	vld @!p0 [tilespmem:s0+$0xA0];
	_ =	sdelay $0x6  }
0x188: {  	vm1 =	vmmov @!p0 $0xffff;
	s13 =	simm.s32 @!p0 $0x0;
	s14 =	simm.s32 @!p0 $0x6400  }
0x189: {  	[tilespmem:s14], [sflag:$0x1] =	stream.indirect_vreg.gather @!p0 [hbm4b:s3+s13], $0x40, v0, vm1, $0xb8;
	[tilespmem:$0x1A400] =	vst v63  }
0x18a: {  	v0 =	vld @!p0 [tilespmem:s0+$0xB0];
	_ =	sdelay $0x6  }
0x18b: {  	s14 =	simm.s32 @!p0 $0x6800  }
0x18c: {  	[tilespmem:s14], [sflag:$0x1] =	stream.indirect_vreg.gather @!p0 [hbm4b:s3+s13], $0x40, v0, vm1, $0xb8;
	[tilespmem:$0x1A400] =	vst v63  }
0x18d: {  	v0 =	vld @!p0 [tilespmem:s0+$0xC0];
	_ =	sdelay $0x6  }
0x18e: {  	s14 =	simm.s32 @!p0 $0x6C00  }
0x18f: {  	[tilespmem:s14], [sflag:$0x1] =	stream.indirect_vreg.gather @!p0 [hbm4b:s3+s13], $0x40, v0, vm1, $0xb8;
	[tilespmem:$0x1A400] =	vst v63  }
0x190: {  	v0 =	vld @!p0 [tilespmem:s0+$0xD0];
	_ =	sdelay $0x6  }
0x191: {  	s14 =	simm.s32 @!p0 $0x7000  }
0x192: {  	[tilespmem:s14], [sflag:$0x1] =	stream.indirect_vreg.gather @!p0 [hbm4b:s3+s13], $0x40, v0, vm1, $0xb8;
	[tilespmem:$0x1A400] =	vst v63  }
0x193: {  	v0 =	vld @!p0 [tilespmem:s0+$0xE0];
	_ =	sdelay $0x6  }
0x194: {  	s14 =	simm.s32 @!p0 $0x7400  }
0x195: {  	[tilespmem:s14], [sflag:$0x1] =	stream.indirect_vreg.gather @!p0 [hbm4b:s3+s13], $0x40, v0, vm1, $0xb8;
	[tilespmem:$0x1A400] =	vst v63  }
0x196: {  	v0 =	vld @!p0 [tilespmem:s0+$0xF0];
	_ =	sdelay $0x6  }
0x197: {  	s14 =	simm.s32 @!p0 $0x7800  }
0x198: {  	[tilespmem:s14], [sflag:$0x1] =	stream.indirect_vreg.gather @!p0 [hbm4b:s3+s13], $0x40, v0, vm1, $0xb8;
	[tilespmem:$0x1A400] =	vst v63  }
0x199: {  	v0 =	vld @!p0 [tilespmem:s0+$0x100];
	_ =	sdelay $0x6  }
0x19a: {  	s14 =	simm.s32 @!p0 $0x7C00  }
0x19b: {  	[tilespmem:s14], [sflag:$0x1] =	stream.indirect_vreg.gather @!p0 [hbm4b:s3+s13], $0x40, v0, vm1, $0xb8;
	[tilespmem:$0x1A400] =	vst v63  }
0x19c: {  	v0 =	vld @!p0 [tilespmem:s0+$0x110];
	_ =	sdelay $0x6  }
0x19d: {  	s14 =	simm.s32 @!p0 $0x8000  }
0x19e: {  	[tilespmem:s14], [sflag:$0x1] =	stream.indirect_vreg.gather @!p0 [hbm4b:s3+s13], $0x40, v0, vm1, $0xb8;
	[tilespmem:$0x1A400] =	vst v63  }
0x19f: {  	v0 =	vld @!p0 [tilespmem:s0+$0x120];
	_ =	sdelay $0x6  }
0x1a0: {  	s14 =	simm.s32 @!p0 $0x8400  }
0x1a1: {  	[tilespmem:s14], [sflag:$0x1] =	stream.indirect_vreg.gather @!p0 [hbm4b:s3+s13], $0x40, v0, vm1, $0xb8;
	[tilespmem:$0x1A400] =	vst v63  }
0x1a2: {  	v0 =	vld @!p0 [tilespmem:s0+$0x130];
	_ =	sdelay $0x6  }
0x1a3: {  	s14 =	simm.s32 @!p0 $0x8800  }
0x1a4: {  	[tilespmem:s14], [sflag:$0x1] =	stream.indirect_vreg.gather @!p0 [hbm4b:s3+s13], $0x40, v0, vm1, $0xb8;
	[tilespmem:$0x1A400] =	vst v63  }
0x1a5: {  	v0 =	vld @!p0 [tilespmem:s0+$0x140];
	_ =	sdelay $0x6  }
0x1a6: {  	s14 =	simm.s32 @!p0 $0x8C00  }
0x1a7: {  	[tilespmem:s14], [sflag:$0x1] =	stream.indirect_vreg.gather @!p0 [hbm4b:s3+s13], $0x40, v0, vm1, $0xb8;
	[tilespmem:$0x1A400] =	vst v63  }
0x1a8: {  	v0 =	vld @!p0 [tilespmem:s0+$0x150];
	_ =	sdelay $0x6  }
0x1a9: {  	s14 =	simm.s32 @!p0 $0x9000  }
0x1aa: {  	[tilespmem:s14], [sflag:$0x1] =	stream.indirect_vreg.gather @!p0 [hbm4b:s3+s13], $0x40, v0, vm1, $0xb8;
	[tilespmem:$0x1A400] =	vst v63  }
0x1ab: {  	v0 =	vld @!p0 [tilespmem:s0+$0x160];
	_ =	sdelay $0x6  }
0x1ac: {  	s14 =	simm.s32 @!p0 $0x9400  }
0x1ad: {  	[tilespmem:s14], [sflag:$0x1] =	stream.indirect_vreg.gather @!p0 [hbm4b:s3+s13], $0x40, v0, vm1, $0xb8;
	[tilespmem:$0x1A400] =	vst v63  }
0x1ae: {  	v0 =	vld @!p0 [tilespmem:s0+$0x170];
	_ =	sdelay $0x6  }
0x1af: {  	s14 =	simm.s32 @!p0 $0x9800  }
0x1b0: {  	[tilespmem:s14], [sflag:$0x1] =	stream.indirect_vreg.gather @!p0 [hbm4b:s3+s13], $0x40, v0, vm1, $0xb8;
	[tilespmem:$0x1A400] =	vst v63  }
0x1b1: {  	v0 =	vld @!p0 [tilespmem:s0+$0x180];
	_ =	sdelay $0x6  }
0x1b2: {  	s14 =	simm.s32 @!p0 $0x9C00  }
0x1b3: {  	[tilespmem:s14], [sflag:$0x1] =	stream.indirect_vreg.gather @!p0 [hbm4b:s3+s13], $0x40, v0, vm1, $0xb8;
	[tilespmem:$0x1A400] =	vst v63  }
0x1b4: {  	v0 =	vld @!p0 [tilespmem:s0+$0x190];
	_ =	sdelay $0x6  }
0x1b5: {  	s14 =	simm.s32 @!p0 $0xA000  }
0x1b6: {  	[tilespmem:s14], [sflag:$0x1] =	stream.indirect_vreg.gather @!p0 [hbm4b:s3+s13], $0x40, v0, vm1, $0xb8;
	[tilespmem:$0x1A400] =	vst v63  }
0x1b7: {  	v0 =	vld @!p0 [tilespmem:s0+$0x1A0];
	_ =	sdelay $0x6  }
0x1b8: {  	s14 =	simm.s32 @!p0 $0xA400  }
0x1b9: {  	[tilespmem:s14], [sflag:$0x1] =	stream.indirect_vreg.gather @!p0 [hbm4b:s3+s13], $0x40, v0, vm1, $0xb8;
	[tilespmem:$0x1A400] =	vst v63  }
0x1ba: {  	v0 =	vld @!p0 [tilespmem:s0+$0x1B0];
	_ =	sdelay $0x6  }
0x1bb: {  	s14 =	simm.s32 @!p0 $0xA800  }
0x1bc: {  	[tilespmem:s14], [sflag:$0x1] =	stream.indirect_vreg.gather @!p0 [hbm4b:s3+s13], $0x40, v0, vm1, $0xb8;
	[tilespmem:$0x1A400] =	vst v63  }
0x1bd: {  	v0 =	vld @!p0 [tilespmem:s0+$0x1C0];
	_ =	sdelay $0x6  }
0x1be: {  	s14 =	simm.s32 @!p0 $0xAC00  }
0x1bf: {  	[tilespmem:s14], [sflag:$0x1] =	stream.indirect_vreg.gather @!p0 [hbm4b:s3+s13], $0x40, v0, vm1, $0xb8;
	[tilespmem:$0x1A400] =	vst v63  }
0x1c0: {  	v0 =	vld @!p0 [tilespmem:s0+$0x1D0];
	_ =	sdelay $0x6  }
0x1c1: {  	s14 =	simm.s32 @!p0 $0xB000  }
0x1c2: {  	[tilespmem:s14], [sflag:$0x1] =	stream.indirect_vreg.gather @!p0 [hbm4b:s3+s13], $0x40, v0, vm1, $0xb8;
	[tilespmem:$0x1A400] =	vst v63  }
0x1c3: {  	_ =	swait.ge [sflag:s30], $0x400  }
0x1c4: {  	[sflag:s30] =	ssyncset.done $0x0  }
0x1c5: {  	[sflag:s30] =	ssyncadd.s32 $0xFFFFFC00  }
0x1c6: {  	_ =	swait.ge [sflag:s30], $0x400  }
0x1c7: {  	[sflag:s30] =	ssyncset.done $0x0  }
0x1c8: {  	[sflag:s30] =	ssyncadd.s32 $0xFFFFFC00  }
0x1c9: {  	_ =	swait.ge [sflag:s30], $0x400  }
0x1ca: {  	[sflag:s30] =	ssyncset.done $0x0  }
0x1cb: {  	[sflag:s30] =	ssyncadd.s32 $0xFFFFFC00  }
0x1cc: {  	_ =	swait.ge [sflag:s30], $0x400  }
0x1cd: {  	[sflag:s30] =	ssyncset.done $0x0  }
0x1ce: {  	[sflag:s30] =	ssyncadd.s32 $0xFFFFFC00  }
0x1cf: {  	_ =	swait.ge [sflag:s30], $0x400  }
0x1d0: {  	[sflag:s30] =	ssyncset.done $0x0  }
0x1d1: {  	[sflag:s30] =	ssyncadd.s32 $0xFFFFFC00  }
0x1d2: {  	_ =	swait.ge [sflag:s30], $0x400  }
0x1d3: {  	[sflag:s30] =	ssyncset.done $0x0  }
0x1d4: {  	[sflag:s30] =	ssyncadd.s32 $0xFFFFFC00  }
0x1d5: {  	_ =	swait.ge [sflag:s30], $0x400  }
0x1d6: {  	[sflag:s30] =	ssyncset.done $0x0  }
0x1d7: {  	[sflag:s30] =	ssyncadd.s32 $0xFFFFFC00  }
0x1d8: {  	_ =	swait.ge [sflag:s30], $0x400  }
0x1d9: {  	[sflag:s30] =	ssyncset.done $0x0  }
0x1da: {  	[sflag:s30] =	ssyncadd.s32 $0xFFFFFC00  }
0x1db: {  	_ =	swait.ge [sflag:s30], $0x400  }
0x1dc: {  	[sflag:s30] =	ssyncset.done $0x0  }
0x1dd: {  	[sflag:s30] =	ssyncadd.s32 $0xFFFFFC00  }
0x1de: {  	_ =	swait.ge [sflag:s30], $0x400  }
0x1df: {  	[sflag:s30] =	ssyncset.done $0x0  }
0x1e0: {  	[sflag:s30] =	ssyncadd.s32 $0xFFFFFC00  }
0x1e1: {  	_ =	swait.ge [sflag:s30], $0x400  }
0x1e2: {  	[sflag:s30] =	ssyncset.done $0x0  }
0x1e3: {  	[sflag:s30] =	ssyncadd.s32 $0xFFFFFC00  }
0x1e4: {  	_ =	swait.ge [sflag:s30], $0x400  }
0x1e5: {  	[sflag:s30] =	ssyncset.done $0x0  }
0x1e6: {  	[sflag:s30] =	ssyncadd.s32 $0xFFFFFC00  }
0x1e7: {  	_ =	swait.ge [sflag:s30], $0x400  }
0x1e8: {  	[sflag:s30] =	ssyncset.done $0x0  }
0x1e9: {  	[sflag:s30] =	ssyncadd.s32 $0xFFFFFC00  }
0x1ea: {  	_ =	swait.ge [sflag:s30], $0x400  }
0x1eb: {  	[sflag:s30] =	ssyncset.done $0x0  }
0x1ec: {  	[sflag:s30] =	ssyncadd.s32 $0xFFFFFC00  }
0x1ed: {  	_ =	swait.ge [sflag:s30], $0x400  }
0x1ee: {  	[sflag:s30] =	ssyncset.done $0x0  }
0x1ef: {  	[sflag:s30] =	ssyncadd.s32 $0xFFFFFC00  }
0x1f0: {  	_ =	swait.ge [sflag:s30], $0x400  }
0x1f1: {  	[sflag:s30] =	ssyncset.done $0x0  }
0x1f2: {  	[sflag:s30] =	ssyncadd.s32 $0xFFFFFC00  }
0x1f3: {  	_ =	swait.ge [sflag:s30], $0x400  }
0x1f4: {  	[sflag:s30] =	ssyncset.done $0x0  }
0x1f5: {  	[sflag:s30] =	ssyncadd.s32 $0xFFFFFC00  }
0x1f6: {  	_ =	swait.ge [sflag:s30], $0x400  }
0x1f7: {  	[sflag:s30] =	ssyncset.done $0x0  }
0x1f8: {  	[sflag:s30] =	ssyncadd.s32 $0xFFFFFC00  }
0x1f9: {  	_ =	swait.ge [sflag:s30], $0x400  }
0x1fa: {  	[sflag:s30] =	ssyncset.done $0x0  }
0x1fb: {  	[sflag:s30] =	ssyncadd.s32 $0xFFFFFC00  }
0x1fc: {  	_ =	swait.ge [sflag:s30], $0x400  }
0x1fd: {  	[sflag:s30] =	ssyncset.done $0x0  }
0x1fe: {  	s14 =	sadd.s32 s12, s8;
	[sflag:s30] =	ssyncadd.s32 $0xFFFFFC00  }
0x1ff: {  	[hbm4b:s14+s2] =	stream.linear.scatter [tilespmem:s31], [sflag:$0x7], $0x5000, $0x38;
	[tilespmem:$0x1A400] =	vst v63  }
0x200: {  	_ =	swait.ge [sflag:s10], $0x5000  }
0x201: {  	[sflag:s10] =	ssyncset.done $0x0  }
0x202: {  	[sflag:s10] =	ssyncadd.s32 $0xFFFFB000  }
0x203: {  	v0 =	vld @!p0 [tilespmem:s0+$0x1E0];
	_ =	sdelay $0x6  }
0x204: {  	s14 =	simm.s32 @!p0 $0xB400  }
0x205: {  	[tilespmem:s14], [sflag:$0x2] =	stream.indirect_vreg.gather @!p0 [hbm4b:s3+s13], $0x40, v0, vm1, $0xb8;
	[tilespmem:$0x1A400] =	vst v63  }
0x206: {  	v0 =	vld @!p0 [tilespmem:s0+$0x1F0];
	_ =	sdelay $0x6  }
0x207: {  	s14 =	simm.s32 @!p0 $0xB800  }
0x208: {  	[tilespmem:s14], [sflag:$0x2] =	stream.indirect_vreg.gather @!p0 [hbm4b:s3+s13], $0x40, v0, vm1, $0xb8;
	[tilespmem:$0x1A400] =	vst v63  }
0x209: {  	v0 =	vld @!p0 [tilespmem:s0+$0x200];
	_ =	sdelay $0x6  }
0x20a: {  	s14 =	simm.s32 @!p0 $0xBC00  }
0x20b: {  	[tilespmem:s14], [sflag:$0x2] =	stream.indirect_vreg.gather @!p0 [hbm4b:s3+s13], $0x40, v0, vm1, $0xb8;
	[tilespmem:$0x1A400] =	vst v63  }
0x20c: {  	v0 =	vld @!p0 [tilespmem:s0+$0x210];
	_ =	sdelay $0x6  }
0x20d: {  	s14 =	simm.s32 @!p0 $0xC000  }
0x20e: {  	[tilespmem:s14], [sflag:$0x2] =	stream.indirect_vreg.gather @!p0 [hbm4b:s3+s13], $0x40, v0, vm1, $0xb8;
	[tilespmem:$0x1A400] =	vst v63  }
0x20f: {  	v0 =	vld @!p0 [tilespmem:s0+$0x220];
	_ =	sdelay $0x6  }
0x210: {  	s14 =	simm.s32 @!p0 $0xC400  }
0x211: {  	[tilespmem:s14], [sflag:$0x2] =	stream.indirect_vreg.gather @!p0 [hbm4b:s3+s13], $0x40, v0, vm1, $0xb8;
	[tilespmem:$0x1A400] =	vst v63  }
0x212: {  	v0 =	vld @!p0 [tilespmem:s0+$0x230];
	_ =	sdelay $0x6  }
0x213: {  	s14 =	simm.s32 @!p0 $0xC800  }
0x214: {  	[tilespmem:s14], [sflag:$0x2] =	stream.indirect_vreg.gather @!p0 [hbm4b:s3+s13], $0x40, v0, vm1, $0xb8;
	[tilespmem:$0x1A400] =	vst v63  }
0x215: {  	v0 =	vld @!p0 [tilespmem:s0+$0x240];
	_ =	sdelay $0x6  }
0x216: {  	s14 =	simm.s32 @!p0 $0xCC00  }
0x217: {  	[tilespmem:s14], [sflag:$0x2] =	stream.indirect_vreg.gather @!p0 [hbm4b:s3+s13], $0x40, v0, vm1, $0xb8;
	[tilespmem:$0x1A400] =	vst v63  }
0x218: {  	v0 =	vld @!p0 [tilespmem:s0+$0x250];
	_ =	sdelay $0x6  }
0x219: {  	s14 =	simm.s32 @!p0 $0xD000  }
0x21a: {  	[tilespmem:s14], [sflag:$0x2] =	stream.indirect_vreg.gather @!p0 [hbm4b:s3+s13], $0x40, v0, vm1, $0xb8;
	[tilespmem:$0x1A400] =	vst v63  }
0x21b: {  	v0 =	vld @!p0 [tilespmem:s0+$0x260];
	_ =	sdelay $0x6  }
0x21c: {  	s14 =	simm.s32 @!p0 $0xD400  }
0x21d: {  	[tilespmem:s14], [sflag:$0x2] =	stream.indirect_vreg.gather @!p0 [hbm4b:s3+s13], $0x40, v0, vm1, $0xb8;
	[tilespmem:$0x1A400] =	vst v63  }
0x21e: {  	v0 =	vld @!p0 [tilespmem:s0+$0x270];
	_ =	sdelay $0x6  }
0x21f: {  	s14 =	simm.s32 @!p0 $0xD800  }
0x220: {  	[tilespmem:s14], [sflag:$0x2] =	stream.indirect_vreg.gather @!p0 [hbm4b:s3+s13], $0x40, v0, vm1, $0xb8;
	[tilespmem:$0x1A400] =	vst v63  }
0x221: {  	v0 =	vld @!p0 [tilespmem:s0+$0x280];
	_ =	sdelay $0x6  }
0x222: {  	s14 =	simm.s32 @!p0 $0xDC00  }
0x223: {  	[tilespmem:s14], [sflag:$0x2] =	stream.indirect_vreg.gather @!p0 [hbm4b:s3+s13], $0x40, v0, vm1, $0xb8;
	[tilespmem:$0x1A400] =	vst v63  }
0x224: {  	v0 =	vld @!p0 [tilespmem:s0+$0x290];
	_ =	sdelay $0x6  }
0x225: {  	s14 =	simm.s32 @!p0 $0xE000  }
0x226: {  	[tilespmem:s14], [sflag:$0x2] =	stream.indirect_vreg.gather @!p0 [hbm4b:s3+s13], $0x40, v0, vm1, $0xb8;
	[tilespmem:$0x1A400] =	vst v63  }
0x227: {  	v0 =	vld @!p0 [tilespmem:s0+$0x2A0];
	_ =	sdelay $0x6  }
0x228: {  	s14 =	simm.s32 @!p0 $0xE400  }
0x229: {  	[tilespmem:s14], [sflag:$0x2] =	stream.indirect_vreg.gather @!p0 [hbm4b:s3+s13], $0x40, v0, vm1, $0xb8;
	[tilespmem:$0x1A400] =	vst v63  }
0x22a: {  	v0 =	vld @!p0 [tilespmem:s0+$0x2B0];
	_ =	sdelay $0x6  }
0x22b: {  	s14 =	simm.s32 @!p0 $0xE800  }
0x22c: {  	[tilespmem:s14], [sflag:$0x2] =	stream.indirect_vreg.gather @!p0 [hbm4b:s3+s13], $0x40, v0, vm1, $0xb8;
	[tilespmem:$0x1A400] =	vst v63  }
0x22d: {  	v0 =	vld @!p0 [tilespmem:s0+$0x2C0];
	_ =	sdelay $0x6  }
0x22e: {  	s14 =	simm.s32 @!p0 $0xEC00  }
0x22f: {  	[tilespmem:s14], [sflag:$0x2] =	stream.indirect_vreg.gather @!p0 [hbm4b:s3+s13], $0x40, v0, vm1, $0xb8;
	[tilespmem:$0x1A400] =	vst v63  }
0x230: {  	v0 =	vld @!p0 [tilespmem:s0+$0x2D0];
	_ =	sdelay $0x6  }
0x231: {  	s14 =	simm.s32 @!p0 $0xF000  }
0x232: {  	[tilespmem:s14], [sflag:$0x2] =	stream.indirect_vreg.gather @!p0 [hbm4b:s3+s13], $0x40, v0, vm1, $0xb8;
	[tilespmem:$0x1A400] =	vst v63  }
0x233: {  	v0 =	vld @!p0 [tilespmem:s0+$0x2E0];
	_ =	sdelay $0x6  }
0x234: {  	s14 =	simm.s32 @!p0 $0xF400  }
0x235: {  	[tilespmem:s14], [sflag:$0x2] =	stream.indirect_vreg.gather @!p0 [hbm4b:s3+s13], $0x40, v0, vm1, $0xb8;
	[tilespmem:$0x1A400] =	vst v63  }
0x236: {  	v0 =	vld @!p0 [tilespmem:s0+$0x2F0];
	_ =	sdelay $0x6  }
0x237: {  	s14 =	simm.s32 @!p0 $0xF800  }
0x238: {  	[tilespmem:s14], [sflag:$0x2] =	stream.indirect_vreg.gather @!p0 [hbm4b:s3+s13], $0x40, v0, vm1, $0xb8;
	[tilespmem:$0x1A400] =	vst v63  }
0x239: {  	v0 =	vld @!p0 [tilespmem:s0+$0x300];
	_ =	sdelay $0x6  }
0x23a: {  	s14 =	simm.s32 @!p0 $0xFC00  }
0x23b: {  	[tilespmem:s14], [sflag:$0x2] =	stream.indirect_vreg.gather @!p0 [hbm4b:s3+s13], $0x40, v0, vm1, $0xb8;
	[tilespmem:$0x1A400] =	vst v63  }
0x23c: {  	v0 =	vld @!p0 [tilespmem:s0+$0x310];
	_ =	sdelay $0x6  }
0x23d: {  	s14 =	simm.s32 @!p0 $0x10000  }
0x23e: {  	[tilespmem:s14], [sflag:$0x2] =	stream.indirect_vreg.gather @!p0 [hbm4b:s3+s13], $0x40, v0, vm1, $0xb8;
	[tilespmem:$0x1A400] =	vst v63  }
0x23f: {  	_ =	swait.ge [sflag:s11], $0x400  }
0x240: {  	[sflag:s11] =	ssyncset.done $0x0  }
0x241: {  	[sflag:s11] =	ssyncadd.s32 $0xFFFFFC00  }
0x242: {  	_ =	swait.ge [sflag:s11], $0x400  }
0x243: {  	[sflag:s11] =	ssyncset.done $0x0  }
0x244: {  	[sflag:s11] =	ssyncadd.s32 $0xFFFFFC00  }
0x245: {  	_ =	swait.ge [sflag:s11], $0x400  }
0x246: {  	[sflag:s11] =	ssyncset.done $0x0  }
0x247: {  	[sflag:s11] =	ssyncadd.s32 $0xFFFFFC00  }
0x248: {  	_ =	swait.ge [sflag:s11], $0x400  }
0x249: {  	[sflag:s11] =	ssyncset.done $0x0  }
0x24a: {  	[sflag:s11] =	ssyncadd.s32 $0xFFFFFC00  }
0x24b: {  	_ =	swait.ge [sflag:s11], $0x400  }
0x24c: {  	[sflag:s11] =	ssyncset.done $0x0  }
0x24d: {  	[sflag:s11] =	ssyncadd.s32 $0xFFFFFC00  }
0x24e: {  	_ =	swait.ge [sflag:s11], $0x400  }
0x24f: {  	[sflag:s11] =	ssyncset.done $0x0  }
0x250: {  	[sflag:s11] =	ssyncadd.s32 $0xFFFFFC00  }
0x251: {  	_ =	swait.ge [sflag:s11], $0x400  }
0x252: {  	[sflag:s11] =	ssyncset.done $0x0  }
0x253: {  	[sflag:s11] =	ssyncadd.s32 $0xFFFFFC00  }
0x254: {  	_ =	swait.ge [sflag:s11], $0x400  }
0x255: {  	[sflag:s11] =	ssyncset.done $0x0  }
0x256: {  	[sflag:s11] =	ssyncadd.s32 $0xFFFFFC00  }
0x257: {  	_ =	swait.ge [sflag:s11], $0x400  }
0x258: {  	[sflag:s11] =	ssyncset.done $0x0  }
0x259: {  	[sflag:s11] =	ssyncadd.s32 $0xFFFFFC00  }
0x25a: {  	_ =	swait.ge [sflag:s11], $0x400  }
0x25b: {  	[sflag:s11] =	ssyncset.done $0x0  }
0x25c: {  	[sflag:s11] =	ssyncadd.s32 $0xFFFFFC00  }
0x25d: {  	_ =	swait.ge [sflag:s11], $0x400  }
0x25e: {  	[sflag:s11] =	ssyncset.done $0x0  }
0x25f: {  	[sflag:s11] =	ssyncadd.s32 $0xFFFFFC00  }
0x260: {  	_ =	swait.ge [sflag:s11], $0x400  }
0x261: {  	[sflag:s11] =	ssyncset.done $0x0  }
0x262: {  	[sflag:s11] =	ssyncadd.s32 $0xFFFFFC00  }
0x263: {  	_ =	swait.ge [sflag:s11], $0x400  }
0x264: {  	[sflag:s11] =	ssyncset.done $0x0  }
0x265: {  	[sflag:s11] =	ssyncadd.s32 $0xFFFFFC00  }
0x266: {  	_ =	swait.ge [sflag:s11], $0x400  }
0x267: {  	[sflag:s11] =	ssyncset.done $0x0  }
0x268: {  	[sflag:s11] =	ssyncadd.s32 $0xFFFFFC00  }
0x269: {  	_ =	swait.ge [sflag:s11], $0x400  }
0x26a: {  	[sflag:s11] =	ssyncset.done $0x0  }
0x26b: {  	[sflag:s11] =	ssyncadd.s32 $0xFFFFFC00  }
0x26c: {  	_ =	swait.ge [sflag:s11], $0x400  }
0x26d: {  	[sflag:s11] =	ssyncset.done $0x0  }
0x26e: {  	[sflag:s11] =	ssyncadd.s32 $0xFFFFFC00  }
0x26f: {  	_ =	swait.ge [sflag:s11], $0x400  }
0x270: {  	[sflag:s11] =	ssyncset.done $0x0  }
0x271: {  	[sflag:s11] =	ssyncadd.s32 $0xFFFFFC00  }
0x272: {  	_ =	swait.ge [sflag:s11], $0x400  }
0x273: {  	[sflag:s11] =	ssyncset.done $0x0  }
0x274: {  	[sflag:s11] =	ssyncadd.s32 $0xFFFFFC00  }
0x275: {  	_ =	swait.ge [sflag:s11], $0x400  }
0x276: {  	[sflag:s11] =	ssyncset.done $0x0  }
0x277: {  	[sflag:s11] =	ssyncadd.s32 $0xFFFFFC00  }
0x278: {  	_ =	swait.ge [sflag:s11], $0x400  }
0x279: {  	[sflag:s11] =	ssyncset.done $0x0  }
.Ltmp2:
0x27a: {  	s14 =	sadd.s32 s12, s9;
	[sflag:s11] =	ssyncadd.s32 $0xFFFFFC00;
	(pc) =	sbr.rel @p0 .LBB2_4-.Ltmp2, $4  }
0x27b: {  	[hbm4b:s14+s2] =	stream.linear.scatter [tilespmem:s5], [sflag:$0x8], $0x5000, $0x38;
	[tilespmem:$0x1A400] =	vst v63  }
0x27c: {  	_ =	swait.ge [sflag:s1], $0x5000  }
0x27d: {  	[sflag:s1] =	ssyncset.done $0x0  }
0x27e: {  	[sflag:s1] =	ssyncadd.s32 $0xFFFFB000  }
0x27f: {  	v0 =	vld [tilespmem:s0+$0x320];
	_ =	sdelay $0x7  }
0x280: {  	[tilespmem:s31], [sflag:$0x3] =	stream.indirect_vreg.gather [hbm4b:s3+s2], $0x40, v0, vm0, $0xb8;
	[tilespmem:$0x1A400] =	vst v63  }
0x281: {  	v0 =	vld [tilespmem:s0+$0x330];
	_ =	sdelay $0x6  }
0x282: {  	s13 =	simm.s32 $0x10800  }
0x283: {  	[tilespmem:s13], [sflag:$0x3] =	stream.indirect_vreg.gather [hbm4b:s3+s2], $0x40, v0, vm0, $0xb8;
	[tilespmem:$0x1A400] =	vst v63  }
0x284: {  	v0 =	vld [tilespmem:s0+$0x340];
	_ =	sdelay $0x6  }
0x285: {  	s14 =	simm.s32 $0x10C00  }
0x286: {  	[tilespmem:s14], [sflag:$0x3] =	stream.indirect_vreg.gather [hbm4b:s3+s2], $0x40, v0, vm0, $0xb8;
	[tilespmem:$0x1A400] =	vst v63  }
0x287: {  	v0 =	vld [tilespmem:s0+$0x350];
	_ =	sdelay $0x6  }
0x288: {  	s14 =	simm.s32 $0x11000  }
0x289: {  	[tilespmem:s14], [sflag:$0x3] =	stream.indirect_vreg.gather [hbm4b:s3+s2], $0x40, v0, vm0, $0xb8;
	[tilespmem:$0x1A400] =	vst v63  }
0x28a: {  	v0 =	vld [tilespmem:s0+$0x360];
	_ =	sdelay $0x6  }
0x28b: {  	s14 =	simm.s32 $0x11400  }
0x28c: {  	[tilespmem:s14], [sflag:$0x3] =	stream.indirect_vreg.gather [hbm4b:s3+s2], $0x40, v0, vm0, $0xb8;
	[tilespmem:$0x1A400] =	vst v63  }
0x28d: {  	v0 =	vld [tilespmem:s0+$0x370];
	_ =	sdelay $0x6  }
0x28e: {  	s14 =	simm.s32 $0x11800  }
0x28f: {  	[tilespmem:s14], [sflag:$0x3] =	stream.indirect_vreg.gather [hbm4b:s3+s2], $0x40, v0, vm0, $0xb8;
	[tilespmem:$0x1A400] =	vst v63  }
0x290: {  	v0 =	vld [tilespmem:s0+$0x380];
	_ =	sdelay $0x6  }
0x291: {  	s14 =	simm.s32 $0x11C00  }
0x292: {  	[tilespmem:s14], [sflag:$0x3] =	stream.indirect_vreg.gather [hbm4b:s3+s2], $0x40, v0, vm0, $0xb8;
	[tilespmem:$0x1A400] =	vst v63  }
0x293: {  	v0 =	vld [tilespmem:s0+$0x390];
	_ =	sdelay $0x6  }
0x294: {  	s14 =	simm.s32 $0x12000  }
0x295: {  	[tilespmem:s14], [sflag:$0x3] =	stream.indirect_vreg.gather [hbm4b:s3+s2], $0x40, v0, vm0, $0xb8;
	[tilespmem:$0x1A400] =	vst v63  }
0x296: {  	v0 =	vld [tilespmem:s0+$0x3A0];
	_ =	sdelay $0x6  }
0x297: {  	s14 =	simm.s32 $0x12400  }
0x298: {  	[tilespmem:s14], [sflag:$0x3] =	stream.indirect_vreg.gather [hbm4b:s3+s2], $0x40, v0, vm0, $0xb8;
	[tilespmem:$0x1A400] =	vst v63  }
0x299: {  	v0 =	vld [tilespmem:s0+$0x3B0];
	_ =	sdelay $0x6  }
0x29a: {  	s14 =	simm.s32 $0x12800  }
0x29b: {  	[tilespmem:s14], [sflag:$0x3] =	stream.indirect_vreg.gather [hbm4b:s3+s2], $0x40, v0, vm0, $0xb8;
	[tilespmem:$0x1A400] =	vst v63  }
0x29c: {  	v0 =	vld [tilespmem:s0+$0x3C0];
	_ =	sdelay $0x6  }
0x29d: {  	s14 =	simm.s32 $0x12C00  }
0x29e: {  	[tilespmem:s14], [sflag:$0x3] =	stream.indirect_vreg.gather [hbm4b:s3+s2], $0x40, v0, vm0, $0xb8;
	[tilespmem:$0x1A400] =	vst v63  }
0x29f: {  	v0 =	vld [tilespmem:s0+$0x3D0];
	_ =	sdelay $0x6  }
0x2a0: {  	s14 =	simm.s32 $0x13000  }
0x2a1: {  	[tilespmem:s14], [sflag:$0x3] =	stream.indirect_vreg.gather [hbm4b:s3+s2], $0x40, v0, vm0, $0xb8;
	[tilespmem:$0x1A400] =	vst v63  }
0x2a2: {  	v0 =	vld [tilespmem:s0+$0x3E0];
	_ =	sdelay $0x6  }
0x2a3: {  	s14 =	simm.s32 $0x13400  }
0x2a4: {  	[tilespmem:s14], [sflag:$0x3] =	stream.indirect_vreg.gather [hbm4b:s3+s2], $0x40, v0, vm0, $0xb8;
	[tilespmem:$0x1A400] =	vst v63  }
0x2a5: {  	v0 =	vld [tilespmem:s0+$0x3F0];
	_ =	sdelay $0x6  }
0x2a6: {  	s14 =	simm.s32 $0x13800  }
0x2a7: {  	[tilespmem:s14], [sflag:$0x3] =	stream.indirect_vreg.gather [hbm4b:s3+s2], $0x40, v0, vm0, $0xb8;
	[tilespmem:$0x1A400] =	vst v63  }
0x2a8: {  	v0 =	vld [tilespmem:s0+$0x400];
	_ =	sdelay $0x6  }
0x2a9: {  	s14 =	simm.s32 $0x13C00  }
0x2aa: {  	[tilespmem:s14], [sflag:$0x3] =	stream.indirect_vreg.gather [hbm4b:s3+s2], $0x40, v0, vm0, $0xb8;
	[tilespmem:$0x1A400] =	vst v63  }
0x2ab: {  	v0 =	vld [tilespmem:s0+$0x410];
	_ =	sdelay $0x6  }
0x2ac: {  	s14 =	simm.s32 $0x14000  }
0x2ad: {  	[tilespmem:s14], [sflag:$0x3] =	stream.indirect_vreg.gather [hbm4b:s3+s2], $0x40, v0, vm0, $0xb8;
	[tilespmem:$0x1A400] =	vst v63  }
0x2ae: {  	v0 =	vld [tilespmem:s0+$0x420];
	_ =	sdelay $0x6  }
0x2af: {  	s14 =	simm.s32 $0x14400  }
0x2b0: {  	[tilespmem:s14], [sflag:$0x3] =	stream.indirect_vreg.gather [hbm4b:s3+s2], $0x40, v0, vm0, $0xb8;
	[tilespmem:$0x1A400] =	vst v63  }
0x2b1: {  	v0 =	vld [tilespmem:s0+$0x430];
	_ =	sdelay $0x6  }
0x2b2: {  	s14 =	simm.s32 $0x14800  }
0x2b3: {  	[tilespmem:s14], [sflag:$0x3] =	stream.indirect_vreg.gather [hbm4b:s3+s2], $0x40, v0, vm0, $0xb8;
	[tilespmem:$0x1A400] =	vst v63  }
0x2b4: {  	v0 =	vld [tilespmem:s0+$0x440];
	_ =	sdelay $0x6  }
0x2b5: {  	s14 =	simm.s32 $0x14C00  }
0x2b6: {  	[tilespmem:s14], [sflag:$0x3] =	stream.indirect_vreg.gather [hbm4b:s3+s2], $0x40, v0, vm0, $0xb8;
	[tilespmem:$0x1A400] =	vst v63  }
0x2b7: {  	v0 =	vld [tilespmem:s0+$0x450];
	_ =	sdelay $0x3  }
.Ltmp3:
0x2b8: {  	_ = 	snop;
	(pc) =	sbr.rel .LBB2_2-.Ltmp3, $3  }
0x2b9: {  	_ =	sdelay $0x1  }
0x2ba: {  	s12 =	sadd.s32 $0x2800, s12;
	s14 =	simm.s32 $0x15000;
	s0 =	sadd.s32 $0x500, s0  }
0x2bb: {  	[tilespmem:s14], [sflag:$0x3] =	stream.indirect_vreg.gather [hbm4b:s3+s2], $0x40, v0, vm0, $0xb8;
	[tilespmem:$0x1A400] =	vst v63  }
.LBB2_5:
0x2bc: {  	_ =	sfence.sel $0x180000  }
0x2bd: {  	[bflag:$0x0] =	sbarrier.arrive $0xFFFF  }
0x2be: {  	_ =	strace $0x90000047  }
0x2bf: {  	s0 =	stileid.u32;
	[bflag:$0x2] =	sbarrier.arrive $0xFFFF  }
0x2c0: {  	p0 =	sne.s32 s0, $0x0;
	s0 =	rddreg [dreg:$0x2]  }
0x2c1: {  	s0 =	sadd.s32 @!p0 $0x100000, s0  }
0x2c2: {  	[sflag:s0] =	ssyncadd.tile.s32 @!p0 $0x1;
	_ =	shalt  }
.Lfunc_end2:
_tile_overlayer_lowered:
.L_overlay_start_2:
0x2c3: {  	(tag) =	ssettag $0x2  }
0x2c4: {  	s0 =	rddreg [dreg:$0x0];
	s2 =	stileid.u32  }
0x2c5: {  	s1 =	rddreg [dreg:$0x1];
	p0 =	sne.s32 s2, $0x0  }
0x2c6: {  	s3 =	rddreg [dreg:$0x2];
	[bflag:$0x3] =	sbarrier.arrive $0xFFFF;
	s2 =	simm.s32 @!p0 $0x1C09  }
0x2c7: {  	[timem:s3], [sflag:s2] =	dma.local @!p0 [hbm:s0], s1  }
0x2c8: {  	s0 =	simm.s32 @!p0 $0x9  }
0x2c9: {  	_ =	swait.ge @!p0 [sflag:s0], s1  }
0x2ca: {  	s1 =	ssub.s32 @!p0 $0x0, s1;
	[sflag:s0] =	ssyncset.done @!p0 $0x0  }
0x2cb: {  	[sflag:s0] =	ssyncadd.s32 @!p0 s1  }
0x2cc: {  	[bflag:$0x3] =	sbarrier.arrive $0xFFFF  }
0x2cd: {  	_ =	shalt  }

// kernel: sparse-core-data-format-call.cloned.1.call-start
scs
called_computation_lowered:
.L_overlay_start_0:
0x0: {  	s2 =	sld [smem:$0x3FD9]  }
0x1: {  	s3 =	sld [smem:$0x3FFE];
	_ =	sdelay $0x1  }
0x2: {  	s1 =	srdreg.scid  }
0x3: {  	s0 =	sand.u32 $0x1, s1  }
0x4: {  	s18 =	sshll.u32 s0, $0xA;
	s2 =	sadd.s32 s3, s2  }
0x5: {  	s2 =	sadd.s32 s2, s18  }
0x6: {  	[smem:$0x3FC6] =	sst s2  }
0x7: {  	_ = 	snop  }
0x8: {  	s2 =	sld [smem:$0x3FD0];
	(tm) =	ssettm $0x1  }
0x9: {  	s19 =	sld [smem:$0x3FFB];
	_ =	sdelay $0x3  }
0xa: {  	_ =	strace s19  }
0xb: {  	s3 =	sld [smem:$0x3FFC];
	_ =	sdelay $0x3  }
0xc: {  	_ =	strace s3  }
0xd: {  	s3 =	sld [smem:$0x3FFD];
	_ =	sdelay $0x3  }
0xe: {  	_ =	strace s3  }
0xf: {  	_ =	strace $0x8FFFFFFF  }
0x10: {  	s20 =	sld [smem:$0x3FDB];
	_ =	sdelay $0x1  }
0x11: {  	s4 =	simm.s32 $_scs_section_size  }
0x12: {  	s5 =	simm.s32 $_size__tile_overlayer_lowered;
	s6 =	simm.s32 $_tile_overlayer_lowered  }
0x13: {  	s23 =	simm.s32 $0x1BFF;
	s22 =	sshll.u32 s6, $0x1;
	s3 =	sadd.s32 s4, s20  }
0x14: {  	s7 =	simm.s32 $0x0;
	s21 =	sshll.u32 s5, $0x1;
	s5 =	sadd.s32 s22, s3  }
0x15: {  	[timem:s7], [sflag:s23] =	dma.local [hbm:s5], s21  }
0x16: {  	_ =	swait.ge [sflag:s23], s21  }
0x17: {  	s4 =	ssub.s32 $0x0, s21;
	[sflag:s23] =	ssyncset.done $0x0  }
0x18: {  	[sflag:s23] =	ssyncadd.s32 s4;
	_ =	sdelay $0x1  }
0x19: {  	s24 =	simm.s32 $0x1B8B  }
0x1a: {  	_ =	swait.ge [sflag:s24], $0x1  }
0x1b: {  	[sflag:s24] =	ssyncset.done $0x0  }
0x1c: {  	s26 =	simm.s32 $0x1B8E;
	s25 =	sld [smem:$0x3FFE];
	[sflag:s24] =	ssyncadd.s32 $0xFFFFFFFF  }
0x1d: {  	s27 =	simm.s32 $execute0_lowered;
	[smem:$0x3FD2] =	sst s26  }
0x1e: {  	s5 =	sshll.u32 s27, $0x1;
	_ =	strace $0x80000049;
	[dreg:$0x1] =	wrdreg $0xFFFFFFFF  }
0x1f: {  	s28 =	simm.s32 $_size_execute0_lowered;
	s3 =	sadd.s32 s3, s5;
	[dreg:$0x0] =	wrdreg $0x0  }
0x20: {  	s5 =	sshll.u32 s28, $0x1;
	[dreg:$0x2] =	wrdreg s3  }
0x21: {  	[dreg:$0x3] =	wrdreg s5  }
0x22: {  	[dreg:$0x4] =	wrdreg $0xC0  }
0x23: {  	_ =	task [dreg:s7], $0x5FFFF  }
0x24: {  	[dreg:$0x1] =	wrdreg $0xFFFFFFFF  }
0x25: {  	[dreg:$0x0] =	wrdreg $0x60  }
0x26: {  	[dreg:$0x2] =	wrdreg s25  }
0x27: {  	[dreg:$0x3] =	wrdreg s2  }
0x28: {  	[dreg:$0x4] =	wrdreg $0x9  }
0x29: {  	_ =	task.clear_ibuf [dreg:s7], $0x5FFFF;
	_ =	strace $0x90000049  }
0x2a: {  	s29 =	simm.s32 $0x9;
	_ =	strace $0x8000004B  }
0x2b: {  	_ =	swait.ge [sflag:s29], $0x1  }
0x2c: {  	[sflag:s29] =	ssyncadd.s32 $0xFFFFFFFF  }
0x2d: {  	_ =	strace $0x9000004B  }
0x2e: {  	_ =	sfence  }
0x2f: {  	s30 =	sld [smem:$0x0];
	_ =	sdelay $0x2  }
0x30: {  	s31 =	sshll.u32 s1, $0xD;
	s1 =	sshrl.u32 s1, $0x2  }
0x31: {  	s3 =	sand.u32 $0x4000, s31;
	s1 =	sadd.s32 s1, s30  }
0x32: {  	s0 =	sor.u32 s3, s0;
	s1 =	sshll.u32 s1, $0x11  }
0x33: {  	s0 =	sor.u32 s1, s0  }
0x34: {  	s0 =	sadd.s32 $0x8F2B, s0  }
0x35: {  	[sflag:s0] =	ssyncadd.remote.s32 $0x1  }
0x36: {  	_ =	sfence.sel $0xFFFF  }
0x37: {  	[dreg:$0x0] =	wrdreg $0xFFFFFFFF;
	(pc) =	sbr.abs _section_cstart, $3  }
0x38: {  	[dreg:$0x1] =	wrdreg $0xFFFFFFFF  }
0x39: {  	_ =	task.clear_ibuf [dreg:s7], $0x2FFFF;
	_ =	strace $0x9FFFFFFF  }
0x3a: {  	(tm) =	ssettm $0x7FFFFFFF  }
0x3b: {  	_ =	shalt  }
tec
execute0_lowered:
.L_overlay_start_1:
0x0: {  	(tag) =	ssettag $0x1  }
0x1: {  	s0 =	srdreg.scid  }
0x2: {  	s1 =	sshll.u32 s0, $0x4  }
0x3: {  	s0 =	stileid.u32;
	s1 =	sand.u32 $0x10, s1  }
0x4: {  	s1 =	sor.u32 s0, s1  }
0x5: {  	s6 =	rddreg [dreg:$0x0];
	s4 =	simm.s32 $0x1;
	s2 =	sshll.u32 s1, $0x7  }
0x6: {  	s7 =	simm.s32 $0x2;
	s12 =	simm.s32 $0x0;
	s1 =	ssub.s32 $0x1000, s2  }
0x7: {  	s8 =	simm.s32 $0x8000;
	s13 =	simm.s32 $0x0;
	s3 =	sand.u32 $0xF80, s1  }
0x8: {  	s9 =	simm.s32 $0x0;
	s5 =	sshrl.u32 s1, $0xC;
	p0 =	sne.s32 s3, $0x0  }
.Ltmp0:
0x9: {  	s1 =	rddreg [dreg:$0x2];
	s4 =	simm.s32 @!p0 $0x0;
	(pc) =	sbr.rel .LBB1_1-.Ltmp0, $4  }
0xa: {  	s11 =	simm.s32 $0x0;
	s3 =	rddreg [dreg:$0x1];
	s5 =	sadd.s32 s4, s5  }
0xb: {  	_ =	strace $0x8000004A;
	s4 =	simm.s32 $0x1;
	s5 =	smul.u32 $0xC8, s5  }
0xc: {  	s6 =	sadd.s32 $0xA00, s6;
	s10 =	smov.u32 s2;
	[sflag:s4] =	ssyncpa.u1 $0x0  }
0xd: {  	p0 =	por $0x0, $0x0;
	[sflag:s7] =	ssyncpa.u1 $0x0;
	s7 =	sor.u32 $0x1, s5  }
.LBB1_4:
0xe: {  	s16 =	sshll.u32 s13, $0x3;
	s17 =	sand.u32 $0x78, s13  }
0xf: {  	s30 =	sand.u32 $0x7E00, s13;
	s12 =	sshll.u32 s12, $0xF;
	s16 =	sand.u32 $0xC00, s16  }
0x10: {  	[tilespmem:s15+$0x810 ss:$0x81] =	vst.msk $0xffff, v2;
	s31 =	sand.u32 $0x7, s13;
	s16 =	sor.u32 s17, s16;
	s17 =	sadd.s32 s3, s30  }
0x11: {  	[tilespmem:s15+$0x1020 ss:$0x81] =	vst.msk $0xffff, v0;
	s13 =	sshll.u32 s31, $0x12;
	s12 =	sadd.s32 s12, s17;
	s16 =	sshrl.u32 s16, $0x3  }
0x12: {  	[tilespmem:s15+$0x0 ss:$0x81] =	vst.msk $0xffff, v1;
	s13 =	sor.u32 $0x400, s13;
	s12 =	sadd.s32 s16, s12  }
0x13: {  	[hbm4b:s12+s13] =	stream.strided.scatter [tilespmem:s14], [sflag:$0x2], $0x2000, s8, s13, $0x20;
	[tilespmem:$0x8080] =	vst v63  }
.LBB1_5:
0x14: {  	s14 =	sadd.s32 $0x1, s9  }
0x15: {  	s12 =	sadd.s32 $0x1000, s10;
	s16 =	smov.u32 s10;
	p2 =	sgt.s32 s14, $0xC7  }
0x16: {  	s16 =	smov.u32 @p2 s12  }
0x17: {  	s14 =	simm.s32 @p2 $0x0;
	p2 =	sgt.s32 s16, $0xFFF  }
0x18: {  	s16 =	smov.u32 @p2 s2;
	p2 =	sne.s32 s11, s7  }
.Ltmp1:
0x19: {  	p1 =	slt.u32 s11, $0x2;
	(pc) =	sbr.rel @!p2 .LBB1_6-.Ltmp1, $4  }
0x1a: {  	s15 =	simm.s32 @!p1 $0x2  }
0x1b: {  	s13 =	smov.u32 s10;
	p0 =	por !p0, !p0;
	_ =	swait.ge @!p1 [sflag:s15], $0x2000  }
0x1c: {  	s12 =	smov.u32 s9;
	[sflag:s15] =	ssyncset.done @!p1 $0x0;
	s9 =	smov.u32 s14  }
0x1d: {  	s11 =	sadd.s32 $0x1, s11;
	[sflag:s15] =	ssyncadd.s32 @!p1 $0xFFFFE000;
	s10 =	smov.u32 s16  }
.LBB1_1:
0x1e: {  	p1 =	sge.u32 s11, s5  }
0x1f: {  	s14 =	sand.u32 @!p1 $0x1FFFFFF, s9  }
0x20: {  	s15 =	smulhi.u32 @!p1 $0x147AE15, s14;
	_ =	sdelay $0x1  }
0x21: {  	s15 =	smul.u32 @!p1 $0xC8, s15  }
0x22: {  	s16 =	sxor.u32 @!p1 $0xFFFFFFFF, s11;
	s17 =	smul.u32 @!p1 $0xC80, s10  }
0x23: {  	s31 =	sadd.s32 $0xFFFFFFFF, s11;
	s16 =	sshll.u32 @!p1 s16, $0xD;
	s14 =	ssub.s32 @!p1 s14, s15  }
0x24: {  	s15 =	sand.u32 @!p1 $0x2000, s16;
	s16 =	sadd.s32 @!p1 s6, s17;
	s14 =	sshll.u32 @!p1 s14, $0x4  }
0x25: {  	s17 =	simm.s32 @!p1 $0x6400;
	s14 =	sadd.s32 @!p1 s14, s16;
	s16 =	simm.s32 @!p1 $0x40  }
0x26: {  	[tilespmem:s15], [sflag:$0x1] =	stream.strided.gather @!p1 [hbm4b:s14+s16], $0x2000, s17, s16, $0x38;
	[tilespmem:$0x8080] =	vst v63  }
0x27: {  	p1 =	sge.u32 s31, s5  }
.Ltmp2:
0x28: {  	_ = 	snop;
	(pc) =	sbr.rel @p1 .LBB1_5-.Ltmp2, $1  }
0x29: {  	_ =	sdelay $0x3  }
0x2a: {  	s14 =	simm.s32 $0x1  }
0x2b: {  	_ =	swait.ge [sflag:s4], $0x2000;
	s14 =	simm.s32 @!p0 $0x0  }
0x2c: {  	[sflag:s4] =	ssyncset.done $0x0;
	s15 =	sshll.u32 s14, $0xD  }
0x2d: {  	[sflag:s4] =	ssyncadd.s32 $0xFFFFE000;
	s18 =	sor.u32 $0x20, s15  }
0x2e: {  	s14 =	smul.u32 $0x8100, s14;
	v3 =	vld [tilespmem:s18+$0x10]  }
0x2f: {  	s30 =	sand.u32 $0x1, s11;
	v2 =	vld [tilespmem:s18+$0xFFFFFFF0]  }
0x30: {  	s15 =	smul.u32 $0x8100, s30;
	s14 =	sshrl.u32 s14, $0x2;
	v0 =	vld [tilespmem:s18+$0x0]  }
0x31: {  	v1 =	vld [tilespmem:s18+$0xFFFFFFE0];
	s16 =	sor.u32 $0x4000, s14  }
0x32: {  	s31 =	sshrl.u32 s15, $0x2;
	s15 =	sadd.s32 $0x0, s16  }
0x33: {  	s17 =	simm.s32 $0x4;
	s18 =	sadd.s32 $0x40, s18;
	s14 =	sor.u32 $0x4000, s31;
	[tilespmem:s15+$0x1830 ss:$0x81] =	vst.msk $0xffff, v3  }
.LBB1_3:
0x34: {  	v3 =	vld [tilespmem:s18+$0x10];
	p1 =	sne.s32 s17, $0x1FC;
	[tilespmem:s15+$0x810 ss:$0x81] =	vst.msk $0xffff, v2;
	s19 =	smov.u32 s17;
	s17 =	sadd.s32 $0x4, s17  }
.Ltmp3:
0x35: {  	v2 =	vld [tilespmem:s18+$0xFFFFFFF0];
	[tilespmem:s15+$0x1020 ss:$0x81] =	vst.msk $0xffff, v0;
	(pc) =	sbr.rel @p1 .LBB1_3-.Ltmp3, $4  }
0x36: {  	v0 =	vld [tilespmem:s18+$0x0];
	[tilespmem:s15+$0x0 ss:$0x81] =	vst.msk $0xffff, v1  }
0x37: {  	s15 =	sshra.s32 s19, $0x2;
	v1 =	vld [tilespmem:s18+$0xFFFFFFE0]  }
0x38: {  	s15 =	sadd.s32 s15, s16  }
0x39: {  	s18 =	sadd.s32 $0x40, s18;
	[tilespmem:s15+$0x1830 ss:$0x81] =	vst.msk $0xffff, v3  }
.Ltmp4:
0x3a: {  	_ = 	snop;
	(pc) =	sbr.rel .LBB1_4-.Ltmp4, $1  }
0x3b: {  	_ =	sdelay $0x3  }
.LBB1_6:
0x3c: {  	_ =	sfence.sel $0x180000  }
0x3d: {  	s2 =	simm.s32 $0x1;
	[bflag:$0x0] =	sbarrier.arrive $0xFFFF  }
0x3e: {  	s31 =	simm.s32 $0x2;
	[sflag:s2] =	ssyncpa.u1 $0x1  }
0x3f: {  	[sflag:s31] =	ssyncpa.u1 $0x1  }
0x40: {  	p0 =	sne.s32 s0, $0x0;
	_ =	strace $0x9000004A  }
0x41: {  	s0 =	sadd.s32 @!p0 $0x100000, s1;
	[bflag:$0x2] =	sbarrier.arrive $0xFFFF  }
0x42: {  	[sflag:s0] =	ssyncadd.tile.s32 @!p0 $0x1;
	_ =	shalt  }
.Lfunc_end1:
_tile_overlayer_lowered:
.L_overlay_start_2:
0x43: {  	(tag) =	ssettag $0x2  }
0x44: {  	s0 =	rddreg [dreg:$0x0];
	s2 =	stileid.u32  }
0x45: {  	s1 =	rddreg [dreg:$0x1];
	p0 =	sne.s32 s2, $0x0  }
0x46: {  	s3 =	rddreg [dreg:$0x2];
	[bflag:$0x3] =	sbarrier.arrive $0xFFFF;
	s2 =	simm.s32 @!p0 $0x1C01  }
0x47: {  	[timem:s3], [sflag:s2] =	dma.local @!p0 [hbm:s0], s1  }
0x48: {  	s0 =	simm.s32 @!p0 $0x1  }
0x49: {  	_ =	swait.ge @!p0 [sflag:s0], s1  }
0x4a: {  	s1 =	ssub.s32 @!p0 $0x0, s1;
	[sflag:s0] =	ssyncset.done @!p0 $0x0  }
0x4b: {  	[sflag:s0] =	ssyncadd.s32 @!p0 s1  }
0x4c: {  	[bflag:$0x3] =	sbarrier.arrive $0xFFFF  }
0x4d: {  	_ =	shalt  }

</sc_bundles>
